<compile_context>
chip_gen: v7x
topology: tpu7x:2x2x1
jax: 0.10.2.dev20260603
libtpu: 0.0.44.dev20260713+nightly
codegen_flags: <defaults>
</compile_context>

<pallas_src>
import functools

import jax
import jax.numpy as jnp
from jax import lax
from jax.experimental import pallas as pl
from jax.experimental.pallas import tpu as pltpu
from jax.experimental.pallas import tpu_sc as plsc

F32 = jnp.float32
I32 = jnp.int32

G = 10
NP = 1000
N = G * NP
EPG = 16000
E = G * EPG
D = 128
NL = 3

EPG_PAD = 16384
E_PAD = 163840

_sc_params = pltpu.CompilerParams(needs_layout_passes=False)


def _tables_body(bond_ref, w_ref, b_ref, conv_ref, wtbl_ref, tbl_ref):
    cc = lax.broadcasted_iota(I32, (128, 1), 0)
    i5 = lax.broadcasted_iota(I32, (128, 5), 1)
    oh0 = (cc // 25 == i5).astype(F32)
    oh1 = ((cc // 5) % 5 == i5).astype(F32)
    oh2 = (cc % 5 == i5).astype(F32)
    dot = functools.partial(jnp.dot, preferred_element_type=F32,
                            precision=lax.Precision.HIGHEST)
    tbl3 = dot(oh0, bond_ref[0]) + dot(oh1, bond_ref[1]) + dot(oh2, bond_ref[2])
    logits = dot(tbl3, w_ref[...]) + b_ref[0]
    wtbl_ref[...] = jax.nn.sigmoid(logits)
    for l in range(NL):
        tbl_ref[l] = (dot(oh0, conv_ref[l, 0]) + dot(oh1, conv_ref[l, 1])
                      + dot(oh2, conv_ref[l, 2]))


_k_tables = pl.pallas_call(
    _tables_body,
    out_shape=[jax.ShapeDtypeStruct((128, 1), F32),
               jax.ShapeDtypeStruct((NL, 128, 128), F32)],
)


def _enc_body(x_ref, emb_ref, nf_ref):
    xv = x_ref[...]
    i10 = lax.broadcasted_iota(I32, (NP, 10), 1)
    acc = jnp.zeros((NP, D), F32)
    for f in range(9):
        oh = (xv[:, f:f + 1] == i10).astype(F32)
        acc = acc + jnp.dot(oh, emb_ref[f], preferred_element_type=F32,
                            precision=lax.Precision.HIGHEST)
    nf_ref[...] = acc


_k_enc = pl.pallas_call(
    _enc_body,
    grid=(G,),
    in_specs=[pl.BlockSpec((NP, 9), lambda g: (g, 0)),
              pl.BlockSpec((9, 10, D), lambda g: (0, 0, 0))],
    out_specs=pl.BlockSpec((NP, D), lambda g: (g, 0)),
    out_shape=jax.ShapeDtypeStruct((N, D), F32),
)


def _rows_body(code_ref, sub_ref, keep_ref, wtbl_ref, rows_ref):
    ii = lax.broadcasted_iota(I32, (128, 128), 0)
    jj = lax.broadcasted_iota(I32, (128, 128), 1)
    codes = code_ref[0]
    ohc = (jnp.broadcast_to(codes, (128, 128)) == ii).astype(F32)
    w_row = jnp.dot(wtbl_ref[...], ohc, preferred_element_type=F32,
                    precision=lax.Precision.HIGHEST)
    wk = w_row * keep_ref[0]
    diagwk = (ii == jj).astype(F32) * jnp.broadcast_to(wk, (128, 128))
    p = (jnp.broadcast_to(sub_ref[0], (128, 128)) == ii).astype(F32)
    rows_ref[...] = lax.dot_general(
        diagwk, p, (((1,), (1,)), ((), ())), preferred_element_type=F32,
        precision=lax.Precision.HIGHEST)


_k_rows = pl.pallas_call(
    _rows_body,
    grid=(G * EPG_PAD // 128,),
    in_specs=[pl.BlockSpec((1, 1, 128), lambda g: (g, 0, 0)),
              pl.BlockSpec((1, 1, 128), lambda g: (g, 0, 0)),
              pl.BlockSpec((1, 1, 128), lambda g: (g, 0, 0)),
              pl.BlockSpec((1, 128), lambda g: (0, 0))],
    out_specs=pl.BlockSpec((128, 128), lambda g: (g, 0)),
    out_shape=jax.ShapeDtypeStruct((G * EPG_PAD, 128), F32),
)


ADJ_ROWS = 7936


def _sc_adj_body(rowi_hbm, rows128_hbm, zer_hbm, adj_hbm, adj_sh, rowi_v,
                 rows_v):
    cid = lax.axis_index("c")
    sid = lax.axis_index("s")
    for gi in range(G // 2):
        g = cid * (G // 2) + gi
        pltpu.sync_copy(zer_hbm, adj_sh.at[pl.ds(sid * 496, 496)])
        plsc.subcore_barrier()
        tbase = g * EPG_PAD + sid * 1024

        def _chunk(ch, carry):
            base = tbase + ch * 128
            pltpu.sync_copy(rowi_hbm.at[pl.ds(base, 128)], rowi_v)
            pltpu.sync_copy(rows128_hbm.at[pl.ds(base, 128)], rows_v)
            pltpu.sync_copy(rows_v, adj_sh.at[rowi_v], add=True)
            return carry

        lax.fori_loop(0, 8, _chunk, 0)
        plsc.subcore_barrier()
        pltpu.sync_copy(adj_sh.at[pl.ds(sid * 496, 496)],
                        adj_hbm.at[g, pl.ds(sid * 496, 496)])
        plsc.subcore_barrier()


def _deg_body(adj_ref, rs_ref, cs_ref):
    adj = adj_ref[0]
    ii = lax.broadcasted_iota(I32, (NP, NP), 0)
    jj = lax.broadcasted_iota(I32, (NP, NP), 1)
    adj = adj + (ii == jj).astype(F32)
    rs_ref[0] = jnp.sum(adj, axis=1, keepdims=True)
    cs_ref[0] = jnp.sum(adj, axis=0, keepdims=True)


_k_deg = pl.pallas_call(
    _deg_body,
    grid=(G,),
    in_specs=[pl.BlockSpec((1, NP, NP), lambda g: (g, 0, 0))],
    out_specs=[pl.BlockSpec((1, NP, 1), lambda g: (g, 0, 0)),
               pl.BlockSpec((1, 1, NP), lambda g: (g, 0, 0))],
    out_shape=[jax.ShapeDtypeStruct((G, NP, 1), F32),
               jax.ShapeDtypeStruct((G, 1, NP), F32)],
)


def _stage1_body(adj_ref, nf_ref, rr_ref, rc_ref, y_ref):
    adj = adj_ref[0]
    ii = lax.broadcasted_iota(I32, (NP, NP), 0)
    jj = lax.broadcasted_iota(I32, (NP, NP), 1)
    adj = adj + (ii == jj).astype(F32)
    a = rr_ref[0] * adj * rc_ref[0]
    xp = nf_ref[...]
    y = xp
    for _ in range(3):
        xp = jnp.dot(a.astype(jnp.bfloat16), xp.astype(jnp.bfloat16),
                     preferred_element_type=F32)
        y = y + xp
    y_ref[...] = y


_k_stage1 = pl.pallas_call(
    _stage1_body,
    grid=(G,),
    in_specs=[pl.BlockSpec((1, NP, NP), lambda g: (g, 0, 0)),
              pl.BlockSpec((NP, D), lambda g: (g, 0)),
              pl.BlockSpec((1, NP, 1), lambda g: (g, 0, 0)),
              pl.BlockSpec((1, 1, NP), lambda g: (g, 0, 0))],
    out_specs=pl.BlockSpec((NP, D), lambda g: (g, 0)),
    out_shape=jax.ShapeDtypeStruct((N, D), F32),
)


AGG_ROWS = 10112


def _sc_edge_body(h_hbm, tbl_hbm, src_hbm, dst_hbm, code_hbm, zer_hbm,
                  agg_hbm, agg_sh, src_v, dst_v, code_v, hrows, erows,
                  sem1, sem2):
    cid = lax.axis_index("c")
    sid = lax.axis_index("s")
    pltpu.sync_copy(zer_hbm, agg_sh.at[pl.ds(sid * 632, 632)])
    plsc.subcore_barrier()
    ebase = (cid * 16 + sid) * 5120

    def _chunk(ch, carry):
        base = ebase + ch * 128
        pltpu.sync_copy(src_hbm.at[pl.ds(base, 128)], src_v)
        pltpu.sync_copy(dst_hbm.at[pl.ds(base, 128)], dst_v)
        pltpu.sync_copy(code_hbm.at[pl.ds(base, 128)], code_v)
        pltpu.async_copy(h_hbm.at[src_v], hrows, sem1).wait()
        pltpu.async_copy(tbl_hbm.at[code_v], erows, sem2).wait()

        def _edge(e, c2):
            mfac = jnp.where(base + e < E, 1.0, 0.0).astype(F32)
            for c in range(8):
                hseg = hrows[e, pl.ds(c * 16, 16)]
                eseg = erows[e, pl.ds(c * 16, 16)]
                hrows[e, pl.ds(c * 16, 16)] = jnp.maximum(hseg + eseg, 0.0) * mfac
            return c2

        lax.fori_loop(0, 128, _edge, 0)
        pltpu.sync_copy(hrows, agg_sh.at[dst_v], add=True)
        return carry

    lax.fori_loop(0, 40, _chunk, 0)
    plsc.subcore_barrier()
    pltpu.sync_copy(agg_sh.at[pl.ds(sid * 632, 632)],
                    agg_hbm.at[cid, pl.ds(sid * 632, 632)])


@functools.cache
def _sc_kernels():
    mesh = plsc.VectorSubcoreMesh(core_axis_name="c", subcore_axis_name="s")
    sc_adj = pl.kernel(
        _sc_adj_body,
        out_type=jax.ShapeDtypeStruct((G, ADJ_ROWS, 128), F32),
        mesh=mesh,
        compiler_params=_sc_params,
        scratch_types=[
            pltpu.VMEM_SHARED((ADJ_ROWS, 128), F32),
            pltpu.VMEM((128,), I32),
            pltpu.VMEM((128, 128), F32),
        ],
    )
    sc_edge = pl.kernel(
        _sc_edge_body,
        out_type=jax.ShapeDtypeStruct((2, AGG_ROWS, D), F32),
        mesh=mesh,
        compiler_params=_sc_params,
        scratch_types=[
            pltpu.VMEM_SHARED((AGG_ROWS, D), F32),
            pltpu.VMEM((128,), I32),
            pltpu.VMEM((128,), I32),
            pltpu.VMEM((128,), I32),
            pltpu.VMEM((128, D), F32),
            pltpu.VMEM((128, D), F32),
            pltpu.SemaphoreType.DMA,
            pltpu.SemaphoreType.DMA,
        ],
    )
    return sc_adj, sc_edge


def _layer_body(last, h_ref, a0_ref, a1_ref, eps_ref, w1_ref, b1_ref, g1_ref,
                bb1_ref, w2_ref, b2_ref, g2_ref, bb2_ref, vn_ref, vw1_ref,
                vb1_ref, vw2_ref, vb2_ref, hn_ref, hi_ref, vnn_ref):
    h_in = h_ref[...]
    z0 = (1.0 + eps_ref[0, 0]) * h_in + a0_ref[...] + a1_ref[...]
    z = jnp.dot(z0.astype(jnp.bfloat16), w1_ref[...].astype(jnp.bfloat16),
                preferred_element_type=F32) + b1_ref[...]
    m = jnp.mean(z, axis=0, keepdims=True)
    v = jnp.mean((z - m) ** 2, axis=0, keepdims=True)
    z = (z - m) / jnp.sqrt(v + 1e-5) * g1_ref[...] + bb1_ref[...]
    z = jnp.maximum(z, 0.0)
    z2 = jnp.dot(z.astype(jnp.bfloat16), w2_ref[...].astype(jnp.bfloat16),
                 preferred_element_type=F32) + b2_ref[...]
    m2 = jnp.mean(z2, axis=0, keepdims=True)
    v2 = jnp.mean((z2 - m2) ** 2, axis=0, keepdims=True)
    hn = (z2 - m2) / jnp.sqrt(v2 + 1e-5) * g2_ref[...] + bb2_ref[...]
    hn_ref[...] = hn
    if last:
        hi_ref[...] = hn
        vnn_ref[...] = vn_ref[...]
    else:
        hact = jnp.maximum(hn, 0.0)
        pooled = jnp.sum(h_in.reshape(G, NP, D), axis=1)
        vtmp = pooled + vn_ref[...]
        t = jnp.maximum(
            jnp.dot(vtmp.astype(jnp.bfloat16),
                    vw1_ref[...].astype(jnp.bfloat16),
                    preferred_element_type=F32)
            + vb1_ref[...], 0.0)
        vnn = jnp.maximum(
            jnp.dot(t.astype(jnp.bfloat16),
                    vw2_ref[...].astype(jnp.bfloat16),
                    preferred_element_type=F32)
            + vb2_ref[...], 0.0)
        vnn_ref[...] = vnn
        hi_ref[...] = (hact.reshape(G, NP, D) + vnn[:, None, :]).reshape(N, D)


_k_layer = [
    pl.pallas_call(
        functools.partial(_layer_body, l == NL - 1),
        out_shape=[jax.ShapeDtypeStruct((N, D), F32),
                   jax.ShapeDtypeStruct((N, D), F32),
                   jax.ShapeDtypeStruct((G, D), F32)],
    )
    for l in range(NL)
]


def kernel(order, x, edge_index, edge_attr, batch, atom_emb, bond_emb_top,
           edge_lin_W, edge_lin_b, vn_emb, conv_bond_emb, conv_eps, conv_W1,
           conv_b1, conv_bn1_g, conv_bn1_b, conv_W2, conv_b2, bn_g, bn_b,
           vn_W1, vn_b1, vn_W2, vn_b2):
    src = edge_index[0].astype(I32)
    dst = edge_index[1].astype(I32)
    ea = edge_attr.astype(I32)
    code = ea[:, 0] * 25 + ea[:, 1] * 5 + ea[:, 2]

    lin = (src % NP) * NP + (dst % NP)
    cell = (src // NP) * (NP * NP) + lin
    sort_idx = jnp.argsort(cell)
    sorted_cell = cell[sort_idx]
    first = jnp.concatenate(
        [jnp.ones((1,), bool), sorted_cell[1:] != sorted_cell[:-1]])
    keep = first[jnp.argsort(sort_idx)].astype(F32)

    def pad_pg(a):
        a2 = a.reshape(G, EPG)
        a2 = jnp.pad(a2, ((0, 0), (0, EPG_PAD - EPG)))
        return a2.reshape(G * EPG_PAD)

    rowi_p = pad_pg(lin // 128)
    sub_p = pad_pg(lin % 128).reshape(-1, 1, 128)
    code_p = pad_pg(code).reshape(-1, 1, 128)
    keep_p = pad_pg(keep).reshape(-1, 1, 128)

    wtbl2, tblpad = _k_tables(bond_emb_top, edge_lin_W, edge_lin_b,
                              conv_bond_emb)
    nf = _k_enc(x.astype(I32), atom_emb)

    sc_adj, sc_edge = _sc_kernels()
    rows128 = _k_rows(code_p, sub_p, keep_p, wtbl2.reshape(1, 128))
    zer1 = jnp.zeros((496, 128), F32)
    adj = sc_adj(rowi_p, rows128, zer1)
    adj = adj.reshape(G, ADJ_ROWS * 128)[:, :NP * NP].reshape(G, NP, NP)
    rowsum, colsum = _k_deg(adj)
    rr = jnp.power(colsum, -0.5).reshape(G, NP, 1)
    rc = jnp.power(rowsum, -0.5).reshape(G, 1, NP)
    ysum = _k_stage1(adj, nf, rr, rc)
    h_in = ysum * (1.0 / (order + 1.0)) + vn_emb[0][None, :]

    src_r = jnp.pad(src, (0, E_PAD - E))
    dst_r = jnp.pad(dst, (0, E_PAD - E))
    code_r = jnp.pad(code, (0, E_PAD - E))
    zer2 = jnp.zeros((632, D), F32)
    vn = jnp.broadcast_to(vn_emb[0], (G, D))

    h_new = None
    for l in range(NL):
        aggp = sc_edge(h_in, tblpad[l], src_r, dst_r, code_r, zer2)
        lv = min(l, NL - 2)
        h_new, h_in, vn = _k_layer[l](
            h_in, aggp[0, :N], aggp[1, :N], conv_eps[l].reshape(1, 1),
            conv_W1[l], conv_b1[l].reshape(1, -1),
            conv_bn1_g[l].reshape(1, -1), conv_bn1_b[l].reshape(1, -1),
            conv_W2[l], conv_b2[l].reshape(1, -1),
            bn_g[l].reshape(1, -1), bn_b[l].reshape(1, -1),
            vn, vn_W1[lv], vn_b1[lv].reshape(1, -1),
            vn_W2[lv], vn_b2[lv].reshape(1, -1))
    return h_new

# --- scband reference (transcript-rebuilt; emitter-appended) ---
"""Pipeline reference for scband-gnn-node-virtualnode-45621142618641 (READ-ONLY COPY).

The authoritative reference and input builder live on the scoring server;
editing this copy changes nothing except your own understanding.
"""

import jax, jax.numpy as jnp
import numpy as np

NUM_GRAPHS = 10
NODES_PER = 1000
N = NUM_GRAPHS * NODES_PER
EPG = 16000
E = NUM_GRAPHS * EPG
D = 128
AF = 9
AV = 10
BF = 3
BV = 5
L = 3
ORDER = 3


def _encode(emb, feats):
    out = jnp.zeros((feats.shape[0], emb.shape[-1]), dtype=emb.dtype)
    for f in range(emb.shape[0]):
        out = out + emb[f][feats[:, f]]
    return out


def _bn(z, g, b):
    m = jnp.mean(z, axis=0)
    v = jnp.var(z, axis=0)
    return (z - m) / jnp.sqrt(v + 1e-5) * g + b


def setup_inputs(seed: int = 0):
    key = jax.random.key(seed)
    ks = jax.random.split(key, 16)
    x = jax.random.randint(ks[0], (N, AF), 0, AV)
    gid = jnp.repeat(jnp.arange(NUM_GRAPHS), EPG)
    src = jax.random.randint(ks[1], (E,), 0, NODES_PER) + gid * NODES_PER
    dst = jax.random.randint(ks[2], (E,), 0, NODES_PER) + gid * NODES_PER
    edge_index = jnp.stack([src, dst])
    edge_attr = jax.random.randint(ks[3], (E, BF), 0, BV)
    batch = jnp.repeat(jnp.arange(NUM_GRAPHS), NODES_PER)
    s = 0.05
    return {
        'order': ORDER,
        'x': x,
        'edge_index': edge_index,
        'edge_attr': edge_attr,
        'batch': batch,
        'atom_emb': jax.random.normal(ks[4], (AF, AV, D)) * s,
        'bond_emb_top': jax.random.normal(ks[5], (BF, BV, D)) * s,
        'edge_lin_W': jax.random.normal(ks[6], (D, 1)) * s,
        'edge_lin_b': jnp.zeros((1,)),
        'vn_emb': jnp.zeros((1, D)),
        'conv_bond_emb': jax.random.normal(ks[7], (L, BF, BV, D)) * s,
        'conv_eps': jnp.zeros((L,)),
        'conv_W1': jax.random.normal(ks[8], (L, D, 2 * D)) * s,
        'conv_b1': jnp.zeros((L, 2 * D)),
        'conv_bn1_g': jnp.ones((L, 2 * D)),
        'conv_bn1_b': jnp.zeros((L, 2 * D)),
        'conv_W2': jax.random.normal(ks[9], (L, 2 * D, D)) * s,
        'conv_b2': jnp.zeros((L, D)),
        'bn_g': jnp.ones((L, D)),
        'bn_b': jnp.zeros((L, D)),
        'vn_W1': jax.random.normal(ks[10], (L - 1, D, 2 * D)) * s,
        'vn_b1': jnp.zeros((L - 1, 2 * D)),
        'vn_W2': jax.random.normal(ks[11], (L - 1, 2 * D, D)) * s,
        'vn_b2': jnp.zeros((L - 1, D)),
    }


def _forward(x, edge_index, edge_attr, batch, order, atom_emb, bond_emb_top, edge_lin_W, edge_lin_b, vn_emb, conv_bond_emb, conv_eps, conv_W1, conv_b1, conv_bn1_g, conv_bn1_b, conv_W2, conv_b2, bn_g, bn_b, vn_W1, vn_b1, vn_W2, vn_b2):
    feats = []
    eye = jnp.eye(NODES_PER)
    for i in range(NUM_GRAPHS):
        xs = x[i * NODES_PER:(i + 1) * NODES_PER]
        nf = _encode(atom_emb, xs)
        es = edge_index[:, i * EPG:(i + 1) * EPG] - i * NODES_PER
        ea = edge_attr[i * EPG:(i + 1) * EPG]
        ee = _encode(bond_emb_top, ea)
        w = jax.nn.sigmoid((ee @ edge_lin_W + edge_lin_b).reshape(-1))
        adj = jnp.zeros((NODES_PER, NODES_PER)).at[es[0], es[1]].set(w)
        adj = adj + eye
        r_col = jnp.power(jnp.sum(adj, axis=1), -0.5)
        r_row = jnp.power(jnp.sum(adj, axis=0), -0.5)
        A = r_row[:, None] * adj * r_col[None, :]
        xp = nf
        y = nf
        for _ in range(ORDER):
            xp = jax.lax.stop_gradient(A @ xp)
            y = y + xp
        feats.append(jax.lax.stop_gradient(y / (order + 1.0)))
    h = jnp.concatenate(feats, axis=0)
    vn = vn_emb[jnp.zeros((NUM_GRAPHS,), dtype=jnp.int32)]
    for layer in range(L):
        h_in = h + vn[batch]
        ee = _encode(conv_bond_emb[layer], edge_attr)
        msg = jax.nn.relu(h_in[edge_index[0]] + ee)
        agg = jnp.zeros((N, D)).at[edge_index[1]].add(msg)
        z = (1.0 + conv_eps[layer]) * h_in + agg
        z = z @ conv_W1[layer] + conv_b1[layer]
        z = jax.nn.relu(_bn(z, conv_bn1_g[layer], conv_bn1_b[layer]))
        z = z @ conv_W2[layer] + conv_b2[layer]
        h_new = _bn(z, bn_g[layer], bn_b[layer])
        if layer < L - 1:
            h_new = jax.nn.relu(h_new)
            pooled = jax.ops.segment_sum(h_in, batch, num_segments=NUM_GRAPHS)
            vtmp = pooled + vn
            t = jax.nn.relu(vtmp @ vn_W1[layer] + vn_b1[layer])
            vn = jax.nn.relu(t @ vn_W2[layer] + vn_b2[layer])
        h = h_new
    return h


def reference(order, x, edge_index, edge_attr, batch, atom_emb, bond_emb_top, edge_lin_W, edge_lin_b, vn_emb, conv_bond_emb, conv_eps, conv_W1, conv_b1, conv_bn1_g, conv_bn1_b, conv_W2, conv_b2, bn_g, bn_b, vn_W1, vn_b1, vn_W2, vn_b2):
    return _forward(x=x, edge_index=edge_index, edge_attr=edge_attr, batch=batch, order=order, atom_emb=atom_emb, bond_emb_top=bond_emb_top, edge_lin_W=edge_lin_W, edge_lin_b=edge_lin_b, vn_emb=vn_emb, conv_bond_emb=conv_bond_emb, conv_eps=conv_eps, conv_W1=conv_W1, conv_b1=conv_b1, conv_bn1_g=conv_bn1_g, conv_bn1_b=conv_bn1_b, conv_W2=conv_W2, conv_b2=conv_b2, bn_g=bn_g, bn_b=bn_b, vn_W1=vn_W1, vn_b1=vn_b1, vn_W2=vn_W2, vn_b2=vn_b2)

if __name__ == "__main__":
    import jax
    _d = setup_inputs()
    print(jax.jit(kernel)(*tuple(_d.values())))

</pallas_src>

<mosaic_0001>
#map = affine_map<(d0, d1) -> (0)>
#map1 = affine_map<(d0, d1) -> (0, 0)>
#map2 = affine_map<(d0, d1) -> (0, 0, 0)>
module attributes {stable_mosaic.version = 14 : i64} {
  func.func @_sc_adj_body(%arg0: i32, %arg1: i32, %arg2: memref<163840xi32, #tpu.memory_space<hbm>>, %arg3: memref<163840x128xf32, #tpu.memory_space<hbm>>, %arg4: memref<496x128xf32, #tpu.memory_space<hbm>>, %arg5: memref<10x7936x128xf32, #tpu.memory_space<hbm>>, %arg6: memref<7936x128xf32, #tpu.memory_space<vmem_shared>>, %arg7: memref<128xi32, #tpu.memory_space<vmem>>, %arg8: memref<128x128xf32, #tpu.memory_space<vmem>>) attributes {dimension_semantics = [#tpu.dimension_semantics<core_parallel>, #tpu.dimension_semantics<subcore_parallel>], iteration_bounds = array<i64: 2, 16>, scalar_prefetch = 0 : i64, scratch_operands = 3 : i64, tpu.core_type = #tpu.core_type<sc_vector_subcore>, window_params = [{transform_indices = #map}, {transform_indices = #map1}, {transform_indices = #map1}, {transform_indices = #map2}]} {
    %mul3A = arith.constant 5 : i32
    %mul3A_0 = arith.muli %arg0, %mul3A : i32
    %add3A = arith.constant 0 : i32
    %add3A_1 = arith.addi %mul3A_0, %add3A : i32
    %mul3A_2 = arith.constant 496 : i32
    %mul3A_3 = arith.muli %arg1, %mul3A_2 : i32
    "tpu.region"() ({
      %run_scoped3A = tpu.sem_alloc : memref<!tpu.dma_semaphore, #tpu.memory_space<semaphore_mem>>
      %dma_start3A = arith.constant 0 : i32
      %dma_start3A_116 = tpu.memref_slice %arg6[%mul3A_3, %dma_start3A] : memref<7936x128xf32, #tpu.memory_space<vmem_shared>> -> memref<496x128xf32, #tpu.memory_space<vmem_shared>>
      tpu.enqueue_dma source(%arg4 : memref<496x128xf32, #tpu.memory_space<hbm>>) target(%dma_start3A_116 : memref<496x128xf32, #tpu.memory_space<vmem_shared>>) target_semaphore(%run_scoped3A : memref<!tpu.dma_semaphore, #tpu.memory_space<semaphore_mem>>)
      %dma_wait3A = arith.constant 0 : i32
      %dma_wait3A_117 = tpu.memref_slice %arg6[%mul3A_3, %dma_wait3A] : memref<7936x128xf32, #tpu.memory_space<vmem_shared>> -> memref<496x128xf32, #tpu.memory_space<vmem_shared>>
      tpu.wait_dma2 semaphore(%run_scoped3A : memref<!tpu.dma_semaphore, #tpu.memory_space<semaphore_mem>>) src(%arg4 : memref<496x128xf32, #tpu.memory_space<hbm>>) dst(%dma_wait3A_117 : memref<496x128xf32, #tpu.memory_space<vmem_shared>>)
      tpu.yield
    }) : () -> ()
    %barrier3A = arith.constant 0 : index
    tpu.barrier barrier_id(%barrier3A)
    %mul3A_4 = arith.constant 16384 : i32
    %mul3A_5 = arith.muli %add3A_1, %mul3A_4 : i32
    %mul3A_6 = arith.constant 1024 : i32
    %mul3A_7 = arith.muli %arg1, %mul3A_6 : i32
    %add3A_8 = arith.addi %mul3A_5, %mul3A_7 : i32
    %scan3A = arith.constant 0 : i32
    %scan3A_9 = arith.constant 0 : i32
    %scan3A_10 = arith.constant 8 : i32
    %scan3A_11 = arith.addi %scan3A_9, %scan3A_10 : i32
    %scan3A_12 = arith.constant 1 : i32
    scf.for %scan3A_116 = %scan3A_9 to %scan3A_11 step %scan3A_12  : i32 {
      %mul3A_117 = arith.constant 128 : i32
      %mul3A_118 = arith.muli %scan3A_116, %mul3A_117 : i32
      %add3A_119 = arith.addi %add3A_8, %mul3A_118 : i32
      "tpu.region"() ({
        %run_scoped3A = tpu.sem_alloc : memref<!tpu.dma_semaphore, #tpu.memory_space<semaphore_mem>>
        %dma_start3A = tpu.memref_slice %arg2[%add3A_119] : memref<163840xi32, #tpu.memory_space<hbm>> -> memref<128xi32, #tpu.memory_space<hbm>>
        %dma_start3A_120 = tpu.memref_slice %arg2[%add3A_119] : memref<163840xi32, #tpu.memory_space<hbm>> -> memref<128xi32, #tpu.memory_space<hbm>>
        tpu.enqueue_dma source(%dma_start3A_120 : memref<128xi32, #tpu.memory_space<hbm>>) target(%arg7 : memref<128xi32, #tpu.memory_space<vmem>>) target_semaphore(%run_scoped3A : memref<!tpu.dma_semaphore, #tpu.memory_space<semaphore_mem>>)
        %dma_wait3A = tpu.memref_slice %arg2[%add3A_119] : memref<163840xi32, #tpu.memory_space<hbm>> -> memref<128xi32, #tpu.memory_space<hbm>>
        %dma_wait3A_121 = tpu.memref_slice %arg2[%add3A_119] : memref<163840xi32, #tpu.memory_space<hbm>> -> memref<128xi32, #tpu.memory_space<hbm>>
        tpu.wait_dma2 semaphore(%run_scoped3A : memref<!tpu.dma_semaphore, #tpu.memory_space<semaphore_mem>>) src(%dma_wait3A_121 : memref<128xi32, #tpu.memory_space<hbm>>) dst(%arg7 : memref<128xi32, #tpu.memory_space<vmem>>)
        tpu.yield
      }) : () -> ()
      "tpu.region"() ({
        %run_scoped3A = tpu.sem_alloc : memref<!tpu.dma_semaphore, #tpu.memory_space<semaphore_mem>>
        %dma_start3A = arith.constant 0 : i32
        %dma_start3A_120 = tpu.memref_slice %arg3[%add3A_119, %dma_start3A] : memref<163840x128xf32, #tpu.memory_space<hbm>> -> memref<128x128xf32, #tpu.memory_space<hbm>>
        %dma_start3A_121 = arith.constant 0 : i32
        %dma_start3A_122 = tpu.memref_slice %arg3[%add3A_119, %dma_start3A_121] : memref<163840x128xf32, #tpu.memory_space<hbm>> -> memref<128x128xf32, #tpu.memory_space<hbm>>
        tpu.enqueue_dma source(%dma_start3A_122 : memref<128x128xf32, #tpu.memory_space<hbm>>) target(%arg8 : memref<128x128xf32, #tpu.memory_space<vmem>>) target_semaphore(%run_scoped3A : memref<!tpu.dma_semaphore, #tpu.memory_space<semaphore_mem>>)
        %dma_wait3A = arith.constant 0 : i32
        %dma_wait3A_123 = tpu.memref_slice %arg3[%add3A_119, %dma_wait3A] : memref<163840x128xf32, #tpu.memory_space<hbm>> -> memref<128x128xf32, #tpu.memory_space<hbm>>
        %dma_wait3A_124 = arith.constant 0 : i32
        %dma_wait3A_125 = tpu.memref_slice %arg3[%add3A_119, %dma_wait3A_124] : memref<163840x128xf32, #tpu.memory_space<hbm>> -> memref<128x128xf32, #tpu.memory_space<hbm>>
        tpu.wait_dma2 semaphore(%run_scoped3A : memref<!tpu.dma_semaphore, #tpu.memory_space<semaphore_mem>>) src(%dma_wait3A_125 : memref<128x128xf32, #tpu.memory_space<hbm>>) dst(%arg8 : memref<128x128xf32, #tpu.memory_space<vmem>>)
        tpu.yield
      }) : () -> ()
      "tpu.region"() ({
        %run_scoped3A = tpu.sem_alloc : memref<!tpu.dma_semaphore, #tpu.memory_space<semaphore_mem>>
        %dma_start3A = arith.constant 0 : i32
        %dma_start3A_120 = arith.constant 0 : i32
        %dma_start3A_121 = tpu.memref_slice %arg6[%dma_start3A, %dma_start3A_120] : memref<7936x128xf32, #tpu.memory_space<vmem_shared>> -> memref<7936x128xf32, #tpu.memory_space<vmem_shared>>
        tpu.enqueue_indirect_dma source(%arg8 : memref<128x128xf32, #tpu.memory_space<vmem>>) target(%dma_start3A_121 : memref<7936x128xf32, #tpu.memory_space<vmem_shared>>) offsets(%arg7 : memref<128xi32, #tpu.memory_space<vmem>>) semaphore(%run_scoped3A : memref<!tpu.dma_semaphore, #tpu.memory_space<semaphore_mem>>) {add = true}
        %dma_wait3A = arith.constant 0 : i32
        %dma_wait3A_122 = arith.constant 0 : i32
        %dma_wait3A_123 = tpu.memref_slice %arg6[%dma_wait3A, %dma_wait3A_122] : memref<7936x128xf32, #tpu.memory_space<vmem_shared>> -> memref<7936x128xf32, #tpu.memory_space<vmem_shared>>
        tpu.wait_indirect_dma semaphore(%run_scoped3A : memref<!tpu.dma_semaphore, #tpu.memory_space<semaphore_mem>>) src(%arg8 : memref<128x128xf32, #tpu.memory_space<vmem>>) dst(%dma_wait3A_123 : memref<7936x128xf32, #tpu.memory_space<vmem_shared>>)
        tpu.yield
      }) : () -> ()
    }
    %scan3A_13 = arith.constant 8 : i32
    %barrier3A_14 = arith.constant 0 : index
    tpu.barrier barrier_id(%barrier3A_14)
    %mul3A_15 = arith.constant 496 : i32
    %mul3A_16 = arith.muli %arg1, %mul3A_15 : i32
    %mul3A_17 = arith.constant 496 : i32
    %mul3A_18 = arith.muli %arg1, %mul3A_17 : i32
    "tpu.region"() ({
      %run_scoped3A = tpu.sem_alloc : memref<!tpu.dma_semaphore, #tpu.memory_space<semaphore_mem>>
      %dma_start3A = arith.constant 0 : i32
      %dma_start3A_116 = tpu.memref_slice %arg5[%add3A_1, %mul3A_18, %dma_start3A] : memref<10x7936x128xf32, #tpu.memory_space<hbm>> -> memref<1x496x128xf32, #tpu.memory_space<hbm>>
      %dma_start3A_117 = tpu.memref_squeeze %dma_start3A_116 : memref<1x496x128xf32, #tpu.memory_space<hbm>> -> memref<496x128xf32, #tpu.memory_space<hbm>>
      %dma_start3A_118 = arith.constant 0 : i32
      %dma_start3A_119 = tpu.memref_slice %arg6[%mul3A_16, %dma_start3A_118] : memref<7936x128xf32, #tpu.memory_space<vmem_shared>> -> memref<496x128xf32, #tpu.memory_space<vmem_shared>>
      tpu.enqueue_dma source(%dma_start3A_119 : memref<496x128xf32, #tpu.memory_space<vmem_shared>>) target(%dma_start3A_117 : memref<496x128xf32, #tpu.memory_space<hbm>>) target_semaphore(%run_scoped3A : memref<!tpu.dma_semaphore, #tpu.memory_space<semaphore_mem>>)
      %dma_wait3A = arith.constant 0 : i32
      %dma_wait3A_120 = tpu.memref_slice %arg5[%add3A_1, %mul3A_18, %dma_wait3A] : memref<10x7936x128xf32, #tpu.memory_space<hbm>> -> memref<1x496x128xf32, #tpu.memory_space<hbm>>
      %dma_wait3A_121 = tpu.memref_squeeze %dma_wait3A_120 : memref<1x496x128xf32, #tpu.memory_space<hbm>> -> memref<496x128xf32, #tpu.memory_space<hbm>>
      %dma_wait3A_122 = arith.constant 0 : i32
      %dma_wait3A_123 = tpu.memref_slice %arg6[%mul3A_16, %dma_wait3A_122] : memref<7936x128xf32, #tpu.memory_space<vmem_shared>> -> memref<496x128xf32, #tpu.memory_space<vmem_shared>>
      tpu.wait_dma2 semaphore(%run_scoped3A : memref<!tpu.dma_semaphore, #tpu.memory_space<semaphore_mem>>) src(%dma_wait3A_123 : memref<496x128xf32, #tpu.memory_space<vmem_shared>>) dst(%dma_wait3A_121 : memref<496x128xf32, #tpu.memory_space<hbm>>)
      tpu.yield
    }) : () -> ()
    %barrier3A_19 = arith.constant 0 : index
    tpu.barrier barrier_id(%barrier3A_19)
    %mul3A_20 = arith.constant 5 : i32
    %mul3A_21 = arith.muli %arg0, %mul3A_20 : i32
    %add3A_22 = arith.constant 1 : i32
    %add3A_23 = arith.addi %mul3A_21, %add3A_22 : i32
    %mul3A_24 = arith.constant 496 : i32
    %mul3A_25 = arith.muli %arg1, %mul3A_24 : i32
    "tpu.region"() ({
      %run_scoped3A = tpu.sem_alloc : memref<!tpu.dma_semaphore, #tpu.memory_space<semaphore_mem>>
      %dma_start3A = arith.constant 0 : i32
      %dma_start3A_116 = tpu.memref_slice %arg6[%mul3A_25, %dma_start3A] : memref<7936x128xf32, #tpu.memory_space<vmem_shared>> -> memref<496x128xf32, #tpu.memory_space<vmem_shared>>
      tpu.enqueue_dma source(%arg4 : memref<496x128xf32, #tpu.memory_space<hbm>>) target(%dma_start3A_116 : memref<496x128xf32, #tpu.memory_space<vmem_shared>>) target_semaphore(%run_scoped3A : memref<!tpu.dma_semaphore, #tpu.memory_space<semaphore_mem>>)
      %dma_wait3A = arith.constant 0 : i32
      %dma_wait3A_117 = tpu.memref_slice %arg6[%mul3A_25, %dma_wait3A] : memref<7936x128xf32, #tpu.memory_space<vmem_shared>> -> memref<496x128xf32, #tpu.memory_space<vmem_shared>>
      tpu.wait_dma2 semaphore(%run_scoped3A : memref<!tpu.dma_semaphore, #tpu.memory_space<semaphore_mem>>) src(%arg4 : memref<496x128xf32, #tpu.memory_space<hbm>>) dst(%dma_wait3A_117 : memref<496x128xf32, #tpu.memory_space<vmem_shared>>)
      tpu.yield
    }) : () -> ()
    %barrier3A_26 = arith.constant 0 : index
    tpu.barrier barrier_id(%barrier3A_26)
    %mul3A_27 = arith.constant 16384 : i32
    %mul3A_28 = arith.muli %add3A_23, %mul3A_27 : i32
    %mul3A_29 = arith.constant 1024 : i32
    %mul3A_30 = arith.muli %arg1, %mul3A_29 : i32
    %add3A_31 = arith.addi %mul3A_28, %mul3A_30 : i32
    %scan3A_32 = arith.constant 0 : i32
    %scan3A_33 = arith.constant 0 : i32
    %scan3A_34 = arith.constant 8 : i32
    %scan3A_35 = arith.addi %scan3A_33, %scan3A_34 : i32
    %scan3A_36 = arith.constant 1 : i32
    scf.for %scan3A_116 = %scan3A_33 to %scan3A_35 step %scan3A_36  : i32 {
      %mul3A_117 = arith.constant 128 : i32
      %mul3A_118 = arith.muli %scan3A_116, %mul3A_117 : i32
      %add3A_119 = arith.addi %add3A_31, %mul3A_118 : i32
      "tpu.region"() ({
        %run_scoped3A = tpu.sem_alloc : memref<!tpu.dma_semaphore, #tpu.memory_space<semaphore_mem>>
        %dma_start3A = tpu.memref_slice %arg2[%add3A_119] : memref<163840xi32, #tpu.memory_space<hbm>> -> memref<128xi32, #tpu.memory_space<hbm>>
        %dma_start3A_120 = tpu.memref_slice %arg2[%add3A_119] : memref<163840xi32, #tpu.memory_space<hbm>> -> memref<128xi32, #tpu.memory_space<hbm>>
        tpu.enqueue_dma source(%dma_start3A_120 : memref<128xi32, #tpu.memory_space<hbm>>) target(%arg7 : memref<128xi32, #tpu.memory_space<vmem>>) target_semaphore(%run_scoped3A : memref<!tpu.dma_semaphore, #tpu.memory_space<semaphore_mem>>)
        %dma_wait3A = tpu.memref_slice %arg2[%add3A_119] : memref<163840xi32, #tpu.memory_space<hbm>> -> memref<128xi32, #tpu.memory_space<hbm>>
        %dma_wait3A_121 = tpu.memref_slice %arg2[%add3A_119] : memref<163840xi32, #tpu.memory_space<hbm>> -> memref<128xi32, #tpu.memory_space<hbm>>
        tpu.wait_dma2 semaphore(%run_scoped3A : memref<!tpu.dma_semaphore, #tpu.memory_space<semaphore_mem>>) src(%dma_wait3A_121 : memref<128xi32, #tpu.memory_space<hbm>>) dst(%arg7 : memref<128xi32, #tpu.memory_space<vmem>>)
        tpu.yield
      }) : () -> ()
      "tpu.region"() ({
        %run_scoped3A = tpu.sem_alloc : memref<!tpu.dma_semaphore, #tpu.memory_space<semaphore_mem>>
        %dma_start3A = arith.constant 0 : i32
        %dma_start3A_120 = tpu.memref_slice %arg3[%add3A_119, %dma_start3A] : memref<163840x128xf32, #tpu.memory_space<hbm>> -> memref<128x128xf32, #tpu.memory_space<hbm>>
        %dma_start3A_121 = arith.constant 0 : i32
        %dma_start3A_122 = tpu.memref_slice %arg3[%add3A_119, %dma_start3A_121] : memref<163840x128xf32, #tpu.memory_space<hbm>> -> memref<128x128xf32, #tpu.memory_space<hbm>>
        tpu.enqueue_dma source(%dma_start3A_122 : memref<128x128xf32, #tpu.memory_space<hbm>>) target(%arg8 : memref<128x128xf32, #tpu.memory_space<vmem>>) target_semaphore(%run_scoped3A : memref<!tpu.dma_semaphore, #tpu.memory_space<semaphore_mem>>)
        %dma_wait3A = arith.constant 0 : i32
        %dma_wait3A_123 = tpu.memref_slice %arg3[%add3A_119, %dma_wait3A] : memref<163840x128xf32, #tpu.memory_space<hbm>> -> memref<128x128xf32, #tpu.memory_space<hbm>>
        %dma_wait3A_124 = arith.constant 0 : i32
        %dma_wait3A_125 = tpu.memref_slice %arg3[%add3A_119, %dma_wait3A_124] : memref<163840x128xf32, #tpu.memory_space<hbm>> -> memref<128x128xf32, #tpu.memory_space<hbm>>
        tpu.wait_dma2 semaphore(%run_scoped3A : memref<!tpu.dma_semaphore, #tpu.memory_space<semaphore_mem>>) src(%dma_wait3A_125 : memref<128x128xf32, #tpu.memory_space<hbm>>) dst(%arg8 : memref<128x128xf32, #tpu.memory_space<vmem>>)
        tpu.yield
      }) : () -> ()
      "tpu.region"() ({
        %run_scoped3A = tpu.sem_alloc : memref<!tpu.dma_semaphore, #tpu.memory_space<semaphore_mem>>
        %dma_start3A = arith.constant 0 : i32
        %dma_start3A_120 = arith.constant 0 : i32
        %dma_start3A_121 = tpu.memref_slice %arg6[%dma_start3A, %dma_start3A_120] : memref<7936x128xf32, #tpu.memory_space<vmem_shared>> -> memref<7936x128xf32, #tpu.memory_space<vmem_shared>>
        tpu.enqueue_indirect_dma source(%arg8 : memref<128x128xf32, #tpu.memory_space<vmem>>) target(%dma_start3A_121 : memref<7936x128xf32, #tpu.memory_space<vmem_shared>>) offsets(%arg7 : memref<128xi32, #tpu.memory_space<vmem>>) semaphore(%run_scoped3A : memref<!tpu.dma_semaphore, #tpu.memory_space<semaphore_mem>>) {add = true}
        %dma_wait3A = arith.constant 0 : i32
        %dma_wait3A_122 = arith.constant 0 : i32
        %dma_wait3A_123 = tpu.memref_slice %arg6[%dma_wait3A, %dma_wait3A_122] : memref<7936x128xf32, #tpu.memory_space<vmem_shared>> -> memref<7936x128xf32, #tpu.memory_space<vmem_shared>>
        tpu.wait_indirect_dma semaphore(%run_scoped3A : memref<!tpu.dma_semaphore, #tpu.memory_space<semaphore_mem>>) src(%arg8 : memref<128x128xf32, #tpu.memory_space<vmem>>) dst(%dma_wait3A_123 : memref<7936x128xf32, #tpu.memory_space<vmem_shared>>)
        tpu.yield
      }) : () -> ()
    }
    %scan3A_37 = arith.constant 8 : i32
    %barrier3A_38 = arith.constant 0 : index
    tpu.barrier barrier_id(%barrier3A_38)
    %mul3A_39 = arith.constant 496 : i32
    %mul3A_40 = arith.muli %arg1, %mul3A_39 : i32
    %mul3A_41 = arith.constant 496 : i32
    %mul3A_42 = arith.muli %arg1, %mul3A_41 : i32
    "tpu.region"() ({
      %run_scoped3A = tpu.sem_alloc : memref<!tpu.dma_semaphore, #tpu.memory_space<semaphore_mem>>
      %dma_start3A = arith.constant 0 : i32
      %dma_start3A_116 = tpu.memref_slice %arg5[%add3A_23, %mul3A_42, %dma_start3A] : memref<10x7936x128xf32, #tpu.memory_space<hbm>> -> memref<1x496x128xf32, #tpu.memory_space<hbm>>
      %dma_start3A_117 = tpu.memref_squeeze %dma_start3A_116 : memref<1x496x128xf32, #tpu.memory_space<hbm>> -> memref<496x128xf32, #tpu.memory_space<hbm>>
      %dma_start3A_118 = arith.constant 0 : i32
      %dma_start3A_119 = tpu.memref_slice %arg6[%mul3A_40, %dma_start3A_118] : memref<7936x128xf32, #tpu.memory_space<vmem_shared>> -> memref<496x128xf32, #tpu.memory_space<vmem_shared>>
      tpu.enqueue_dma source(%dma_start3A_119 : memref<496x128xf32, #tpu.memory_space<vmem_shared>>) target(%dma_start3A_117 : memref<496x128xf32, #tpu.memory_space<hbm>>) target_semaphore(%run_scoped3A : memref<!tpu.dma_semaphore, #tpu.memory_space<semaphore_mem>>)
      %dma_wait3A = arith.constant 0 : i32
      %dma_wait3A_120 = tpu.memref_slice %arg5[%add3A_23, %mul3A_42, %dma_wait3A] : memref<10x7936x128xf32, #tpu.memory_space<hbm>> -> memref<1x496x128xf32, #tpu.memory_space<hbm>>
      %dma_wait3A_121 = tpu.memref_squeeze %dma_wait3A_120 : memref<1x496x128xf32, #tpu.memory_space<hbm>> -> memref<496x128xf32, #tpu.memory_space<hbm>>
      %dma_wait3A_122 = arith.constant 0 : i32
      %dma_wait3A_123 = tpu.memref_slice %arg6[%mul3A_40, %dma_wait3A_122] : memref<7936x128xf32, #tpu.memory_space<vmem_shared>> -> memref<496x128xf32, #tpu.memory_space<vmem_shared>>
      tpu.wait_dma2 semaphore(%run_scoped3A : memref<!tpu.dma_semaphore, #tpu.memory_space<semaphore_mem>>) src(%dma_wait3A_123 : memref<496x128xf32, #tpu.memory_space<vmem_shared>>) dst(%dma_wait3A_121 : memref<496x128xf32, #tpu.memory_space<hbm>>)
      tpu.yield
    }) : () -> ()
    %barrier3A_43 = arith.constant 0 : index
    tpu.barrier barrier_id(%barrier3A_43)
    %mul3A_44 = arith.constant 5 : i32
    %mul3A_45 = arith.muli %arg0, %mul3A_44 : i32
    %add3A_46 = arith.constant 2 : i32
    %add3A_47 = arith.addi %mul3A_45, %add3A_46 : i32
    %mul3A_48 = arith.constant 496 : i32
    %mul3A_49 = arith.muli %arg1, %mul3A_48 : i32
    "tpu.region"() ({
      %run_scoped3A = tpu.sem_alloc : memref<!tpu.dma_semaphore, #tpu.memory_space<semaphore_mem>>
      %dma_start3A = arith.constant 0 : i32
      %dma_start3A_116 = tpu.memref_slice %arg6[%mul3A_49, %dma_start3A] : memref<7936x128xf32, #tpu.memory_space<vmem_shared>> -> memref<496x128xf32, #tpu.memory_space<vmem_shared>>
      tpu.enqueue_dma source(%arg4 : memref<496x128xf32, #tpu.memory_space<hbm>>) target(%dma_start3A_116 : memref<496x128xf32, #tpu.memory_space<vmem_shared>>) target_semaphore(%run_scoped3A : memref<!tpu.dma_semaphore, #tpu.memory_space<semaphore_mem>>)
      %dma_wait3A = arith.constant 0 : i32
      %dma_wait3A_117 = tpu.memref_slice %arg6[%mul3A_49, %dma_wait3A] : memref<7936x128xf32, #tpu.memory_space<vmem_shared>> -> memref<496x128xf32, #tpu.memory_space<vmem_shared>>
      tpu.wait_dma2 semaphore(%run_scoped3A : memref<!tpu.dma_semaphore, #tpu.memory_space<semaphore_mem>>) src(%arg4 : memref<496x128xf32, #tpu.memory_space<hbm>>) dst(%dma_wait3A_117 : memref<496x128xf32, #tpu.memory_space<vmem_shared>>)
      tpu.yield
    }) : () -> ()
    %barrier3A_50 = arith.constant 0 : index
    tpu.barrier barrier_id(%barrier3A_50)
    %mul3A_51 = arith.constant 16384 : i32
    %mul3A_52 = arith.muli %add3A_47, %mul3A_51 : i32
    %mul3A_53 = arith.constant 1024 : i32
    %mul3A_54 = arith.muli %arg1, %mul3A_53 : i32
    %add3A_55 = arith.addi %mul3A_52, %mul3A_54 : i32
    %scan3A_56 = arith.constant 0 : i32
    %scan3A_57 = arith.constant 0 : i32
    %scan3A_58 = arith.constant 8 : i32
    %scan3A_59 = arith.addi %scan3A_57, %scan3A_58 : i32
    %scan3A_60 = arith.constant 1 : i32
    scf.for %scan3A_116 = %scan3A_57 to %scan3A_59 step %scan3A_60  : i32 {
      %mul3A_117 = arith.constant 128 : i32
      %mul3A_118 = arith.muli %scan3A_116, %mul3A_117 : i32
      %add3A_119 = arith.addi %add3A_55, %mul3A_118 : i32
      "tpu.region"() ({
        %run_scoped3A = tpu.sem_alloc : memref<!tpu.dma_semaphore, #tpu.memory_space<semaphore_mem>>
        %dma_start3A = tpu.memref_slice %arg2[%add3A_119] : memref<163840xi32, #tpu.memory_space<hbm>> -> memref<128xi32, #tpu.memory_space<hbm>>
        %dma_start3A_120 = tpu.memref_slice %arg2[%add3A_119] : memref<163840xi32, #tpu.memory_space<hbm>> -> memref<128xi32, #tpu.memory_space<hbm>>
        tpu.enqueue_dma source(%dma_start3A_120 : memref<128xi32, #tpu.memory_space<hbm>>) target(%arg7 : memref<128xi32, #tpu.memory_space<vmem>>) target_semaphore(%run_scoped3A : memref<!tpu.dma_semaphore, #tpu.memory_space<semaphore_mem>>)
        %dma_wait3A = tpu.memref_slice %arg2[%add3A_119] : memref<163840xi32, #tpu.memory_space<hbm>> -> memref<128xi32, #tpu.memory_space<hbm>>
        %dma_wait3A_121 = tpu.memref_slice %arg2[%add3A_119] : memref<163840xi32, #tpu.memory_space<hbm>> -> memref<128xi32, #tpu.memory_space<hbm>>
        tpu.wait_dma2 semaphore(%run_scoped3A : memref<!tpu.dma_semaphore, #tpu.memory_space<semaphore_mem>>) src(%dma_wait3A_121 : memref<128xi32, #tpu.memory_space<hbm>>) dst(%arg7 : memref<128xi32, #tpu.memory_space<vmem>>)
        tpu.yield
      }) : () -> ()
      "tpu.region"() ({
        %run_scoped3A = tpu.sem_alloc : memref<!tpu.dma_semaphore, #tpu.memory_space<semaphore_mem>>
        %dma_start3A = arith.constant 0 : i32
        %dma_start3A_120 = tpu.memref_slice %arg3[%add3A_119, %dma_start3A] : memref<163840x128xf32, #tpu.memory_space<hbm>> -> memref<128x128xf32, #tpu.memory_space<hbm>>
        %dma_start3A_121 = arith.constant 0 : i32
        %dma_start3A_122 = tpu.memref_slice %arg3[%add3A_119, %dma_start3A_121] : memref<163840x128xf32, #tpu.memory_space<hbm>> -> memref<128x128xf32, #tpu.memory_space<hbm>>
        tpu.enqueue_dma source(%dma_start3A_122 : memref<128x128xf32, #tpu.memory_space<hbm>>) target(%arg8 : memref<128x128xf32, #tpu.memory_space<vmem>>) target_semaphore(%run_scoped3A : memref<!tpu.dma_semaphore, #tpu.memory_space<semaphore_mem>>)
        %dma_wait3A = arith.constant 0 : i32
        %dma_wait3A_123 = tpu.memref_slice %arg3[%add3A_119, %dma_wait3A] : memref<163840x128xf32, #tpu.memory_space<hbm>> -> memref<128x128xf32, #tpu.memory_space<hbm>>
        %dma_wait3A_124 = arith.constant 0 : i32
        %dma_wait3A_125 = tpu.memref_slice %arg3[%add3A_119, %dma_wait3A_124] : memref<163840x128xf32, #tpu.memory_space<hbm>> -> memref<128x128xf32, #tpu.memory_space<hbm>>
        tpu.wait_dma2 semaphore(%run_scoped3A : memref<!tpu.dma_semaphore, #tpu.memory_space<semaphore_mem>>) src(%dma_wait3A_125 : memref<128x128xf32, #tpu.memory_space<hbm>>) dst(%arg8 : memref<128x128xf32, #tpu.memory_space<vmem>>)
        tpu.yield
      }) : () -> ()
      "tpu.region"() ({
        %run_scoped3A = tpu.sem_alloc : memref<!tpu.dma_semaphore, #tpu.memory_space<semaphore_mem>>
        %dma_start3A = arith.constant 0 : i32
        %dma_start3A_120 = arith.constant 0 : i32
        %dma_start3A_121 = tpu.memref_slice %arg6[%dma_start3A, %dma_start3A_120] : memref<7936x128xf32, #tpu.memory_space<vmem_shared>> -> memref<7936x128xf32, #tpu.memory_space<vmem_shared>>
        tpu.enqueue_indirect_dma source(%arg8 : memref<128x128xf32, #tpu.memory_space<vmem>>) target(%dma_start3A_121 : memref<7936x128xf32, #tpu.memory_space<vmem_shared>>) offsets(%arg7 : memref<128xi32, #tpu.memory_space<vmem>>) semaphore(%run_scoped3A : memref<!tpu.dma_semaphore, #tpu.memory_space<semaphore_mem>>) {add = true}
        %dma_wait3A = arith.constant 0 : i32
        %dma_wait3A_122 = arith.constant 0 : i32
        %dma_wait3A_123 = tpu.memref_slice %arg6[%dma_wait3A, %dma_wait3A_122] : memref<7936x128xf32, #tpu.memory_space<vmem_shared>> -> memref<7936x128xf32, #tpu.memory_space<vmem_shared>>
        tpu.wait_indirect_dma semaphore(%run_scoped3A : memref<!tpu.dma_semaphore, #tpu.memory_space<semaphore_mem>>) src(%arg8 : memref<128x128xf32, #tpu.memory_space<vmem>>) dst(%dma_wait3A_123 : memref<7936x128xf32, #tpu.memory_space<vmem_shared>>)
        tpu.yield
      }) : () -> ()
    }
    %scan3A_61 = arith.constant 8 : i32
    %barrier3A_62 = arith.constant 0 : index
    tpu.barrier barrier_id(%barrier3A_62)
    %mul3A_63 = arith.constant 496 : i32
    %mul3A_64 = arith.muli %arg1, %mul3A_63 : i32
    %mul3A_65 = arith.constant 496 : i32
    %mul3A_66 = arith.muli %arg1, %mul3A_65 : i32
    "tpu.region"() ({
      %run_scoped3A = tpu.sem_alloc : memref<!tpu.dma_semaphore, #tpu.memory_space<semaphore_mem>>
      %dma_start3A = arith.constant 0 : i32
      %dma_start3A_116 = tpu.memref_slice %arg5[%add3A_47, %mul3A_66, %dma_start3A] : memref<10x7936x128xf32, #tpu.memory_space<hbm>> -> memref<1x496x128xf32, #tpu.memory_space<hbm>>
      %dma_start3A_117 = tpu.memref_squeeze %dma_start3A_116 : memref<1x496x128xf32, #tpu.memory_space<hbm>> -> memref<496x128xf32, #tpu.memory_space<hbm>>
      %dma_start3A_118 = arith.constant 0 : i32
      %dma_start3A_119 = tpu.memref_slice %arg6[%mul3A_64, %dma_start3A_118] : memref<7936x128xf32, #tpu.memory_space<vmem_shared>> -> memref<496x128xf32, #tpu.memory_space<vmem_shared>>
      tpu.enqueue_dma source(%dma_start3A_119 : memref<496x128xf32, #tpu.memory_space<vmem_shared>>) target(%dma_start3A_117 : memref<496x128xf32, #tpu.memory_space<hbm>>) target_semaphore(%run_scoped3A : memref<!tpu.dma_semaphore, #tpu.memory_space<semaphore_mem>>)
      %dma_wait3A = arith.constant 0 : i32
      %dma_wait3A_120 = tpu.memref_slice %arg5[%add3A_47, %mul3A_66, %dma_wait3A] : memref<10x7936x128xf32, #tpu.memory_space<hbm>> -> memref<1x496x128xf32, #tpu.memory_space<hbm>>
      %dma_wait3A_121 = tpu.memref_squeeze %dma_wait3A_120 : memref<1x496x128xf32, #tpu.memory_space<hbm>> -> memref<496x128xf32, #tpu.memory_space<hbm>>
      %dma_wait3A_122 = arith.constant 0 : i32
      %dma_wait3A_123 = tpu.memref_slice %arg6[%mul3A_64, %dma_wait3A_122] : memref<7936x128xf32, #tpu.memory_space<vmem_shared>> -> memref<496x128xf32, #tpu.memory_space<vmem_shared>>
      tpu.wait_dma2 semaphore(%run_scoped3A : memref<!tpu.dma_semaphore, #tpu.memory_space<semaphore_mem>>) src(%dma_wait3A_123 : memref<496x128xf32, #tpu.memory_space<vmem_shared>>) dst(%dma_wait3A_121 : memref<496x128xf32, #tpu.memory_space<hbm>>)
      tpu.yield
    }) : () -> ()
    %barrier3A_67 = arith.constant 0 : index
    tpu.barrier barrier_id(%barrier3A_67)
    %mul3A_68 = arith.constant 5 : i32
    %mul3A_69 = arith.muli %arg0, %mul3A_68 : i32
    %add3A_70 = arith.constant 3 : i32
    %add3A_71 = arith.addi %mul3A_69, %add3A_70 : i32
    %mul3A_72 = arith.constant 496 : i32
    %mul3A_73 = arith.muli %arg1, %mul3A_72 : i32
    "tpu.region"() ({
      %run_scoped3A = tpu.sem_alloc : memref<!tpu.dma_semaphore, #tpu.memory_space<semaphore_mem>>
      %dma_start3A = arith.constant 0 : i32
      %dma_start3A_116 = tpu.memref_slice %arg6[%mul3A_73, %dma_start3A] : memref<7936x128xf32, #tpu.memory_space<vmem_shared>> -> memref<496x128xf32, #tpu.memory_space<vmem_shared>>
      tpu.enqueue_dma source(%arg4 : memref<496x128xf32, #tpu.memory_space<hbm>>) target(%dma_start3A_116 : memref<496x128xf32, #tpu.memory_space<vmem_shared>>) target_semaphore(%run_scoped3A : memref<!tpu.dma_semaphore, #tpu.memory_space<semaphore_mem>>)
      %dma_wait3A = arith.constant 0 : i32
      %dma_wait3A_117 = tpu.memref_slice %arg6[%mul3A_73, %dma_wait3A] : memref<7936x128xf32, #tpu.memory_space<vmem_shared>> -> memref<496x128xf32, #tpu.memory_space<vmem_shared>>
      tpu.wait_dma2 semaphore(%run_scoped3A : memref<!tpu.dma_semaphore, #tpu.memory_space<semaphore_mem>>) src(%arg4 : memref<496x128xf32, #tpu.memory_space<hbm>>) dst(%dma_wait3A_117 : memref<496x128xf32, #tpu.memory_space<vmem_shared>>)
      tpu.yield
    }) : () -> ()
    %barrier3A_74 = arith.constant 0 : index
    tpu.barrier barrier_id(%barrier3A_74)
    %mul3A_75 = arith.constant 16384 : i32
    %mul3A_76 = arith.muli %add3A_71, %mul3A_75 : i32
    %mul3A_77 = arith.constant 1024 : i32
    %mul3A_78 = arith.muli %arg1, %mul3A_77 : i32
    %add3A_79 = arith.addi %mul3A_76, %mul3A_78 : i32
    %scan3A_80 = arith.constant 0 : i32
    %scan3A_81 = arith.constant 0 : i32
    %scan3A_82 = arith.constant 8 : i32
    %scan3A_83 = arith.addi %scan3A_81, %scan3A_82 : i32
    %scan3A_84 = arith.constant 1 : i32
    scf.for %scan3A_116 = %scan3A_81 to %scan3A_83 step %scan3A_84  : i32 {
      %mul3A_117 = arith.constant 128 : i32
      %mul3A_118 = arith.muli %scan3A_116, %mul3A_117 : i32
      %add3A_119 = arith.addi %add3A_79, %mul3A_118 : i32
      "tpu.region"() ({
        %run_scoped3A = tpu.sem_alloc : memref<!tpu.dma_semaphore, #tpu.memory_space<semaphore_mem>>
        %dma_start3A = tpu.memref_slice %arg2[%add3A_119] : memref<163840xi32, #tpu.memory_space<hbm>> -> memref<128xi32, #tpu.memory_space<hbm>>
        %dma_start3A_120 = tpu.memref_slice %arg2[%add3A_119] : memref<163840xi32, #tpu.memory_space<hbm>> -> memref<128xi32, #tpu.memory_space<hbm>>
        tpu.enqueue_dma source(%dma_start3A_120 : memref<128xi32, #tpu.memory_space<hbm>>) target(%arg7 : memref<128xi32, #tpu.memory_space<vmem>>) target_semaphore(%run_scoped3A : memref<!tpu.dma_semaphore, #tpu.memory_space<semaphore_mem>>)
        %dma_wait3A = tpu.memref_slice %arg2[%add3A_119] : memref<163840xi32, #tpu.memory_space<hbm>> -> memref<128xi32, #tpu.memory_space<hbm>>
        %dma_wait3A_121 = tpu.memref_slice %arg2[%add3A_119] : memref<163840xi32, #tpu.memory_space<hbm>> -> memref<128xi32, #tpu.memory_space<hbm>>
        tpu.wait_dma2 semaphore(%run_scoped3A : memref<!tpu.dma_semaphore, #tpu.memory_space<semaphore_mem>>) src(%dma_wait3A_121 : memref<128xi32, #tpu.memory_space<hbm>>) dst(%arg7 : memref<128xi32, #tpu.memory_space<vmem>>)
        tpu.yield
      }) : () -> ()
      "tpu.region"() ({
        %run_scoped3A = tpu.sem_alloc : memref<!tpu.dma_semaphore, #tpu.memory_space<semaphore_mem>>
        %dma_start3A = arith.constant 0 : i32
        %dma_start3A_120 = tpu.memref_slice %arg3[%add3A_119, %dma_start3A] : memref<163840x128xf32, #tpu.memory_space<hbm>> -> memref<128x128xf32, #tpu.memory_space<hbm>>
        %dma_start3A_121 = arith.constant 0 : i32
        %dma_start3A_122 = tpu.memref_slice %arg3[%add3A_119, %dma_start3A_121] : memref<163840x128xf32, #tpu.memory_space<hbm>> -> memref<128x128xf32, #tpu.memory_space<hbm>>
        tpu.enqueue_dma source(%dma_start3A_122 : memref<128x128xf32, #tpu.memory_space<hbm>>) target(%arg8 : memref<128x128xf32, #tpu.memory_space<vmem>>) target_semaphore(%run_scoped3A : memref<!tpu.dma_semaphore, #tpu.memory_space<semaphore_mem>>)
        %dma_wait3A = arith.constant 0 : i32
        %dma_wait3A_123 = tpu.memref_slice %arg3[%add3A_119, %dma_wait3A] : memref<163840x128xf32, #tpu.memory_space<hbm>> -> memref<128x128xf32, #tpu.memory_space<hbm>>
        %dma_wait3A_124 = arith.constant 0 : i32
        %dma_wait3A_125 = tpu.memref_slice %arg3[%add3A_119, %dma_wait3A_124] : memref<163840x128xf32, #tpu.memory_space<hbm>> -> memref<128x128xf32, #tpu.memory_space<hbm>>
        tpu.wait_dma2 semaphore(%run_scoped3A : memref<!tpu.dma_semaphore, #tpu.memory_space<semaphore_mem>>) src(%dma_wait3A_125 : memref<128x128xf32, #tpu.memory_space<hbm>>) dst(%arg8 : memref<128x128xf32, #tpu.memory_space<vmem>>)
        tpu.yield
      }) : () -> ()
      "tpu.region"() ({
        %run_scoped3A = tpu.sem_alloc : memref<!tpu.dma_semaphore, #tpu.memory_space<semaphore_mem>>
        %dma_start3A = arith.constant 0 : i32
        %dma_start3A_120 = arith.constant 0 : i32
        %dma_start3A_121 = tpu.memref_slice %arg6[%dma_start3A, %dma_start3A_120] : memref<7936x128xf32, #tpu.memory_space<vmem_shared>> -> memref<7936x128xf32, #tpu.memory_space<vmem_shared>>
        tpu.enqueue_indirect_dma source(%arg8 : memref<128x128xf32, #tpu.memory_space<vmem>>) target(%dma_start3A_121 : memref<7936x128xf32, #tpu.memory_space<vmem_shared>>) offsets(%arg7 : memref<128xi32, #tpu.memory_space<vmem>>) semaphore(%run_scoped3A : memref<!tpu.dma_semaphore, #tpu.memory_space<semaphore_mem>>) {add = true}
        %dma_wait3A = arith.constant 0 : i32
        %dma_wait3A_122 = arith.constant 0 : i32
        %dma_wait3A_123 = tpu.memref_slice %arg6[%dma_wait3A, %dma_wait3A_122] : memref<7936x128xf32, #tpu.memory_space<vmem_shared>> -> memref<7936x128xf32, #tpu.memory_space<vmem_shared>>
        tpu.wait_indirect_dma semaphore(%run_scoped3A : memref<!tpu.dma_semaphore, #tpu.memory_space<semaphore_mem>>) src(%arg8 : memref<128x128xf32, #tpu.memory_space<vmem>>) dst(%dma_wait3A_123 : memref<7936x128xf32, #tpu.memory_space<vmem_shared>>)
        tpu.yield
      }) : () -> ()
    }
    %scan3A_85 = arith.constant 8 : i32
    %barrier3A_86 = arith.constant 0 : index
    tpu.barrier barrier_id(%barrier3A_86)
    %mul3A_87 = arith.constant 496 : i32
    %mul3A_88 = arith.muli %arg1, %mul3A_87 : i32
    %mul3A_89 = arith.constant 496 : i32
    %mul3A_90 = arith.muli %arg1, %mul3A_89 : i32
    "tpu.region"() ({
      %run_scoped3A = tpu.sem_alloc : memref<!tpu.dma_semaphore, #tpu.memory_space<semaphore_mem>>
      %dma_start3A = arith.constant 0 : i32
      %dma_start3A_116 = tpu.memref_slice %arg5[%add3A_71, %mul3A_90, %dma_start3A] : memref<10x7936x128xf32, #tpu.memory_space<hbm>> -> memref<1x496x128xf32, #tpu.memory_space<hbm>>
      %dma_start3A_117 = tpu.memref_squeeze %dma_start3A_116 : memref<1x496x128xf32, #tpu.memory_space<hbm>> -> memref<496x128xf32, #tpu.memory_space<hbm>>
      %dma_start3A_118 = arith.constant 0 : i32
      %dma_start3A_119 = tpu.memref_slice %arg6[%mul3A_88, %dma_start3A_118] : memref<7936x128xf32, #tpu.memory_space<vmem_shared>> -> memref<496x128xf32, #tpu.memory_space<vmem_shared>>
      tpu.enqueue_dma source(%dma_start3A_119 : memref<496x128xf32, #tpu.memory_space<vmem_shared>>) target(%dma_start3A_117 : memref<496x128xf32, #tpu.memory_space<hbm>>) target_semaphore(%run_scoped3A : memref<!tpu.dma_semaphore, #tpu.memory_space<semaphore_mem>>)
      %dma_wait3A = arith.constant 0 : i32
      %dma_wait3A_120 = tpu.memref_slice %arg5[%add3A_71, %mul3A_90, %dma_wait3A] : memref<10x7936x128xf32, #tpu.memory_space<hbm>> -> memref<1x496x128xf32, #tpu.memory_space<hbm>>
      %dma_wait3A_121 = tpu.memref_squeeze %dma_wait3A_120 : memref<1x496x128xf32, #tpu.memory_space<hbm>> -> memref<496x128xf32, #tpu.memory_space<hbm>>
      %dma_wait3A_122 = arith.constant 0 : i32
      %dma_wait3A_123 = tpu.memref_slice %arg6[%mul3A_88, %dma_wait3A_122] : memref<7936x128xf32, #tpu.memory_space<vmem_shared>> -> memref<496x128xf32, #tpu.memory_space<vmem_shared>>
      tpu.wait_dma2 semaphore(%run_scoped3A : memref<!tpu.dma_semaphore, #tpu.memory_space<semaphore_mem>>) src(%dma_wait3A_123 : memref<496x128xf32, #tpu.memory_space<vmem_shared>>) dst(%dma_wait3A_121 : memref<496x128xf32, #tpu.memory_space<hbm>>)
      tpu.yield
    }) : () -> ()
    %barrier3A_91 = arith.constant 0 : index
    tpu.barrier barrier_id(%barrier3A_91)
    %mul3A_92 = arith.constant 5 : i32
    %mul3A_93 = arith.muli %arg0, %mul3A_92 : i32
    %add3A_94 = arith.constant 4 : i32
    %add3A_95 = arith.addi %mul3A_93, %add3A_94 : i32
    %mul3A_96 = arith.constant 496 : i32
    %mul3A_97 = arith.muli %arg1, %mul3A_96 : i32
    "tpu.region"() ({
      %run_scoped3A = tpu.sem_alloc : memref<!tpu.dma_semaphore, #tpu.memory_space<semaphore_mem>>
      %dma_start3A = arith.constant 0 : i32
      %dma_start3A_116 = tpu.memref_slice %arg6[%mul3A_97, %dma_start3A] : memref<7936x128xf32, #tpu.memory_space<vmem_shared>> -> memref<496x128xf32, #tpu.memory_space<vmem_shared>>
      tpu.enqueue_dma source(%arg4 : memref<496x128xf32, #tpu.memory_space<hbm>>) target(%dma_start3A_116 : memref<496x128xf32, #tpu.memory_space<vmem_shared>>) target_semaphore(%run_scoped3A : memref<!tpu.dma_semaphore, #tpu.memory_space<semaphore_mem>>)
      %dma_wait3A = arith.constant 0 : i32
      %dma_wait3A_117 = tpu.memref_slice %arg6[%mul3A_97, %dma_wait3A] : memref<7936x128xf32, #tpu.memory_space<vmem_shared>> -> memref<496x128xf32, #tpu.memory_space<vmem_shared>>
      tpu.wait_dma2 semaphore(%run_scoped3A : memref<!tpu.dma_semaphore, #tpu.memory_space<semaphore_mem>>) src(%arg4 : memref<496x128xf32, #tpu.memory_space<hbm>>) dst(%dma_wait3A_117 : memref<496x128xf32, #tpu.memory_space<vmem_shared>>)
      tpu.yield
    }) : () -> ()
    %barrier3A_98 = arith.constant 0 : index
    tpu.barrier barrier_id(%barrier3A_98)
    %mul3A_99 = arith.constant 16384 : i32
    %mul3A_100 = arith.muli %add3A_95, %mul3A_99 : i32
    %mul3A_101 = arith.constant 1024 : i32
    %mul3A_102 = arith.muli %arg1, %mul3A_101 : i32
    %add3A_103 = arith.addi %mul3A_100, %mul3A_102 : i32
    %scan3A_104 = arith.constant 0 : i32
    %scan3A_105 = arith.constant 0 : i32
    %scan3A_106 = arith.constant 8 : i32
    %scan3A_107 = arith.addi %scan3A_105, %scan3A_106 : i32
    %scan3A_108 = arith.constant 1 : i32
    scf.for %scan3A_116 = %scan3A_105 to %scan3A_107 step %scan3A_108  : i32 {
      %mul3A_117 = arith.constant 128 : i32
      %mul3A_118 = arith.muli %scan3A_116, %mul3A_117 : i32
      %add3A_119 = arith.addi %add3A_103, %mul3A_118 : i32
      "tpu.region"() ({
        %run_scoped3A = tpu.sem_alloc : memref<!tpu.dma_semaphore, #tpu.memory_space<semaphore_mem>>
        %dma_start3A = tpu.memref_slice %arg2[%add3A_119] : memref<163840xi32, #tpu.memory_space<hbm>> -> memref<128xi32, #tpu.memory_space<hbm>>
        %dma_start3A_120 = tpu.memref_slice %arg2[%add3A_119] : memref<163840xi32, #tpu.memory_space<hbm>> -> memref<128xi32, #tpu.memory_space<hbm>>
        tpu.enqueue_dma source(%dma_start3A_120 : memref<128xi32, #tpu.memory_space<hbm>>) target(%arg7 : memref<128xi32, #tpu.memory_space<vmem>>) target_semaphore(%run_scoped3A : memref<!tpu.dma_semaphore, #tpu.memory_space<semaphore_mem>>)
        %dma_wait3A = tpu.memref_slice %arg2[%add3A_119] : memref<163840xi32, #tpu.memory_space<hbm>> -> memref<128xi32, #tpu.memory_space<hbm>>
        %dma_wait3A_121 = tpu.memref_slice %arg2[%add3A_119] : memref<163840xi32, #tpu.memory_space<hbm>> -> memref<128xi32, #tpu.memory_space<hbm>>
        tpu.wait_dma2 semaphore(%run_scoped3A : memref<!tpu.dma_semaphore, #tpu.memory_space<semaphore_mem>>) src(%dma_wait3A_121 : memref<128xi32, #tpu.memory_space<hbm>>) dst(%arg7 : memref<128xi32, #tpu.memory_space<vmem>>)
        tpu.yield
      }) : () -> ()
      "tpu.region"() ({
        %run_scoped3A = tpu.sem_alloc : memref<!tpu.dma_semaphore, #tpu.memory_space<semaphore_mem>>
        %dma_start3A = arith.constant 0 : i32
        %dma_start3A_120 = tpu.memref_slice %arg3[%add3A_119, %dma_start3A] : memref<163840x128xf32, #tpu.memory_space<hbm>> -> memref<128x128xf32, #tpu.memory_space<hbm>>
        %dma_start3A_121 = arith.constant 0 : i32
        %dma_start3A_122 = tpu.memref_slice %arg3[%add3A_119, %dma_start3A_121] : memref<163840x128xf32, #tpu.memory_space<hbm>> -> memref<128x128xf32, #tpu.memory_space<hbm>>
        tpu.enqueue_dma source(%dma_start3A_122 : memref<128x128xf32, #tpu.memory_space<hbm>>) target(%arg8 : memref<128x128xf32, #tpu.memory_space<vmem>>) target_semaphore(%run_scoped3A : memref<!tpu.dma_semaphore, #tpu.memory_space<semaphore_mem>>)
        %dma_wait3A = arith.constant 0 : i32
        %dma_wait3A_123 = tpu.memref_slice %arg3[%add3A_119, %dma_wait3A] : memref<163840x128xf32, #tpu.memory_space<hbm>> -> memref<128x128xf32, #tpu.memory_space<hbm>>
        %dma_wait3A_124 = arith.constant 0 : i32
        %dma_wait3A_125 = tpu.memref_slice %arg3[%add3A_119, %dma_wait3A_124] : memref<163840x128xf32, #tpu.memory_space<hbm>> -> memref<128x128xf32, #tpu.memory_space<hbm>>
        tpu.wait_dma2 semaphore(%run_scoped3A : memref<!tpu.dma_semaphore, #tpu.memory_space<semaphore_mem>>) src(%dma_wait3A_125 : memref<128x128xf32, #tpu.memory_space<hbm>>) dst(%arg8 : memref<128x128xf32, #tpu.memory_space<vmem>>)
        tpu.yield
      }) : () -> ()
      "tpu.region"() ({
        %run_scoped3A = tpu.sem_alloc : memref<!tpu.dma_semaphore, #tpu.memory_space<semaphore_mem>>
        %dma_start3A = arith.constant 0 : i32
        %dma_start3A_120 = arith.constant 0 : i32
        %dma_start3A_121 = tpu.memref_slice %arg6[%dma_start3A, %dma_start3A_120] : memref<7936x128xf32, #tpu.memory_space<vmem_shared>> -> memref<7936x128xf32, #tpu.memory_space<vmem_shared>>
        tpu.enqueue_indirect_dma source(%arg8 : memref<128x128xf32, #tpu.memory_space<vmem>>) target(%dma_start3A_121 : memref<7936x128xf32, #tpu.memory_space<vmem_shared>>) offsets(%arg7 : memref<128xi32, #tpu.memory_space<vmem>>) semaphore(%run_scoped3A : memref<!tpu.dma_semaphore, #tpu.memory_space<semaphore_mem>>) {add = true}
        %dma_wait3A = arith.constant 0 : i32
        %dma_wait3A_122 = arith.constant 0 : i32
        %dma_wait3A_123 = tpu.memref_slice %arg6[%dma_wait3A, %dma_wait3A_122] : memref<7936x128xf32, #tpu.memory_space<vmem_shared>> -> memref<7936x128xf32, #tpu.memory_space<vmem_shared>>
        tpu.wait_indirect_dma semaphore(%run_scoped3A : memref<!tpu.dma_semaphore, #tpu.memory_space<semaphore_mem>>) src(%arg8 : memref<128x128xf32, #tpu.memory_space<vmem>>) dst(%dma_wait3A_123 : memref<7936x128xf32, #tpu.memory_space<vmem_shared>>)
        tpu.yield
      }) : () -> ()
    }
    %scan3A_109 = arith.constant 8 : i32
    %barrier3A_110 = arith.constant 0 : index
    tpu.barrier barrier_id(%barrier3A_110)
    %mul3A_111 = arith.constant 496 : i32
    %mul3A_112 = arith.muli %arg1, %mul3A_111 : i32
    %mul3A_113 = arith.constant 496 : i32
    %mul3A_114 = arith.muli %arg1, %mul3A_113 : i32
    "tpu.region"() ({
      %run_scoped3A = tpu.sem_alloc : memref<!tpu.dma_semaphore, #tpu.memory_space<semaphore_mem>>
      %dma_start3A = arith.constant 0 : i32
      %dma_start3A_116 = tpu.memref_slice %arg5[%add3A_95, %mul3A_114, %dma_start3A] : memref<10x7936x128xf32, #tpu.memory_space<hbm>> -> memref<1x496x128xf32, #tpu.memory_space<hbm>>
      %dma_start3A_117 = tpu.memref_squeeze %dma_start3A_116 : memref<1x496x128xf32, #tpu.memory_space<hbm>> -> memref<496x128xf32, #tpu.memory_space<hbm>>
      %dma_start3A_118 = arith.constant 0 : i32
      %dma_start3A_119 = tpu.memref_slice %arg6[%mul3A_112, %dma_start3A_118] : memref<7936x128xf32, #tpu.memory_space<vmem_shared>> -> memref<496x128xf32, #tpu.memory_space<vmem_shared>>
      tpu.enqueue_dma source(%dma_start3A_119 : memref<496x128xf32, #tpu.memory_space<vmem_shared>>) target(%dma_start3A_117 : memref<496x128xf32, #tpu.memory_space<hbm>>) target_semaphore(%run_scoped3A : memref<!tpu.dma_semaphore, #tpu.memory_space<semaphore_mem>>)
      %dma_wait3A = arith.constant 0 : i32
      %dma_wait3A_120 = tpu.memref_slice %arg5[%add3A_95, %mul3A_114, %dma_wait3A] : memref<10x7936x128xf32, #tpu.memory_space<hbm>> -> memref<1x496x128xf32, #tpu.memory_space<hbm>>
      %dma_wait3A_121 = tpu.memref_squeeze %dma_wait3A_120 : memref<1x496x128xf32, #tpu.memory_space<hbm>> -> memref<496x128xf32, #tpu.memory_space<hbm>>
      %dma_wait3A_122 = arith.constant 0 : i32
      %dma_wait3A_123 = tpu.memref_slice %arg6[%mul3A_112, %dma_wait3A_122] : memref<7936x128xf32, #tpu.memory_space<vmem_shared>> -> memref<496x128xf32, #tpu.memory_space<vmem_shared>>
      tpu.wait_dma2 semaphore(%run_scoped3A : memref<!tpu.dma_semaphore, #tpu.memory_space<semaphore_mem>>) src(%dma_wait3A_123 : memref<496x128xf32, #tpu.memory_space<vmem_shared>>) dst(%dma_wait3A_121 : memref<496x128xf32, #tpu.memory_space<hbm>>)
      tpu.yield
    }) : () -> ()
    %barrier3A_115 = arith.constant 0 : index
    tpu.barrier barrier_id(%barrier3A_115)
    return
  }
}

#map = affine_map<(d0, d1) -> (0, 0)>
#map1 = affine_map<(d0, d1) -> (0)>
#map2 = affine_map<(d0, d1) -> (0, 0, 0)>
module attributes {stable_mosaic.version = 14 : i64} {
  func.func @_sc_edge_body(%arg0: i32, %arg1: i32, %arg2: memref<10000x128xf32, #tpu.memory_space<hbm>>, %arg3: memref<128x128xf32, #tpu.memory_space<hbm>>, %arg4: memref<163840xi32, #tpu.memory_space<hbm>>, %arg5: memref<163840xi32, #tpu.memory_space<hbm>>, %arg6: memref<163840xi32, #tpu.memory_space<hbm>>, %arg7: memref<632x128xf32, #tpu.memory_space<hbm>>, %arg8: memref<2x10112x128xf32, #tpu.memory_space<hbm>>, %arg9: memref<10112x128xf32, #tpu.memory_space<vmem_shared>>, %arg10: memref<128xi32, #tpu.memory_space<vmem>>, %arg11: memref<128xi32, #tpu.memory_space<vmem>>, %arg12: memref<128xi32, #tpu.memory_space<vmem>>, %arg13: memref<128x128xf32, #tpu.memory_space<vmem>>, %arg14: memref<128x128xf32, #tpu.memory_space<vmem>>, %arg15: memref<!tpu.dma_semaphore, #tpu.memory_space<semaphore_mem>>, %arg16: memref<!tpu.dma_semaphore, #tpu.memory_space<semaphore_mem>>) attributes {dimension_semantics = [#tpu.dimension_semantics<core_parallel>, #tpu.dimension_semantics<subcore_parallel>], iteration_bounds = array<i64: 2, 16>, scalar_prefetch = 0 : i64, scratch_operands = 8 : i64, tpu.core_type = #tpu.core_type<sc_vector_subcore>, window_params = [{transform_indices = #map}, {transform_indices = #map}, {transform_indices = #map1}, {transform_indices = #map1}, {transform_indices = #map1}, {transform_indices = #map}, {transform_indices = #map2}]} {
    %mul3A = arith.constant 632 : i32
    %mul3A_0 = arith.muli %arg1, %mul3A : i32
    "tpu.region"() ({
      %run_scoped3A = tpu.sem_alloc : memref<!tpu.dma_semaphore, #tpu.memory_space<semaphore_mem>>
      %dma_start3A = arith.constant 0 : i32
      %dma_start3A_15 = tpu.memref_slice %arg9[%mul3A_0, %dma_start3A] : memref<10112x128xf32, #tpu.memory_space<vmem_shared>> -> memref<632x128xf32, #tpu.memory_space<vmem_shared>>
      tpu.enqueue_dma source(%arg7 : memref<632x128xf32, #tpu.memory_space<hbm>>) target(%dma_start3A_15 : memref<632x128xf32, #tpu.memory_space<vmem_shared>>) target_semaphore(%run_scoped3A : memref<!tpu.dma_semaphore, #tpu.memory_space<semaphore_mem>>)
      %dma_wait3A = arith.constant 0 : i32
      %dma_wait3A_16 = tpu.memref_slice %arg9[%mul3A_0, %dma_wait3A] : memref<10112x128xf32, #tpu.memory_space<vmem_shared>> -> memref<632x128xf32, #tpu.memory_space<vmem_shared>>
      tpu.wait_dma2 semaphore(%run_scoped3A : memref<!tpu.dma_semaphore, #tpu.memory_space<semaphore_mem>>) src(%arg7 : memref<632x128xf32, #tpu.memory_space<hbm>>) dst(%dma_wait3A_16 : memref<632x128xf32, #tpu.memory_space<vmem_shared>>)
      tpu.yield
    }) : () -> ()
    %barrier3A = arith.constant 0 : index
    tpu.barrier barrier_id(%barrier3A)
    %mul3A_1 = arith.constant 16 : i32
    %mul3A_2 = arith.muli %arg0, %mul3A_1 : i32
    %add3A = arith.addi %mul3A_2, %arg1 : i32
    %mul3A_3 = arith.constant 5120 : i32
    %mul3A_4 = arith.muli %add3A, %mul3A_3 : i32
    %scan3A = arith.constant 0 : i32
    %scan3A_5 = arith.constant 0 : i32
    %scan3A_6 = arith.constant 40 : i32
    %scan3A_7 = arith.addi %scan3A_5, %scan3A_6 : i32
    %scan3A_8 = arith.constant 1 : i32
    scf.for %scan3A_15 = %scan3A_5 to %scan3A_7 step %scan3A_8  : i32 {
      %mul3A_16 = arith.constant 128 : i32
      %mul3A_17 = arith.muli %scan3A_15, %mul3A_16 : i32
      %add3A_18 = arith.addi %mul3A_4, %mul3A_17 : i32
      "tpu.region"() ({
        %run_scoped3A = tpu.sem_alloc : memref<!tpu.dma_semaphore, #tpu.memory_space<semaphore_mem>>
        %dma_start3A_35 = tpu.memref_slice %arg4[%add3A_18] : memref<163840xi32, #tpu.memory_space<hbm>> -> memref<128xi32, #tpu.memory_space<hbm>>
        %dma_start3A_36 = tpu.memref_slice %arg4[%add3A_18] : memref<163840xi32, #tpu.memory_space<hbm>> -> memref<128xi32, #tpu.memory_space<hbm>>
        tpu.enqueue_dma source(%dma_start3A_36 : memref<128xi32, #tpu.memory_space<hbm>>) target(%arg10 : memref<128xi32, #tpu.memory_space<vmem>>) target_semaphore(%run_scoped3A : memref<!tpu.dma_semaphore, #tpu.memory_space<semaphore_mem>>)
        %dma_wait3A_37 = tpu.memref_slice %arg4[%add3A_18] : memref<163840xi32, #tpu.memory_space<hbm>> -> memref<128xi32, #tpu.memory_space<hbm>>
        %dma_wait3A_38 = tpu.memref_slice %arg4[%add3A_18] : memref<163840xi32, #tpu.memory_space<hbm>> -> memref<128xi32, #tpu.memory_space<hbm>>
        tpu.wait_dma2 semaphore(%run_scoped3A : memref<!tpu.dma_semaphore, #tpu.memory_space<semaphore_mem>>) src(%dma_wait3A_38 : memref<128xi32, #tpu.memory_space<hbm>>) dst(%arg10 : memref<128xi32, #tpu.memory_space<vmem>>)
        tpu.yield
      }) : () -> ()
      "tpu.region"() ({
        %run_scoped3A = tpu.sem_alloc : memref<!tpu.dma_semaphore, #tpu.memory_space<semaphore_mem>>
        %dma_start3A_35 = tpu.memref_slice %arg5[%add3A_18] : memref<163840xi32, #tpu.memory_space<hbm>> -> memref<128xi32, #tpu.memory_space<hbm>>
        %dma_start3A_36 = tpu.memref_slice %arg5[%add3A_18] : memref<163840xi32, #tpu.memory_space<hbm>> -> memref<128xi32, #tpu.memory_space<hbm>>
        tpu.enqueue_dma source(%dma_start3A_36 : memref<128xi32, #tpu.memory_space<hbm>>) target(%arg11 : memref<128xi32, #tpu.memory_space<vmem>>) target_semaphore(%run_scoped3A : memref<!tpu.dma_semaphore, #tpu.memory_space<semaphore_mem>>)
        %dma_wait3A_37 = tpu.memref_slice %arg5[%add3A_18] : memref<163840xi32, #tpu.memory_space<hbm>> -> memref<128xi32, #tpu.memory_space<hbm>>
        %dma_wait3A_38 = tpu.memref_slice %arg5[%add3A_18] : memref<163840xi32, #tpu.memory_space<hbm>> -> memref<128xi32, #tpu.memory_space<hbm>>
        tpu.wait_dma2 semaphore(%run_scoped3A : memref<!tpu.dma_semaphore, #tpu.memory_space<semaphore_mem>>) src(%dma_wait3A_38 : memref<128xi32, #tpu.memory_space<hbm>>) dst(%arg11 : memref<128xi32, #tpu.memory_space<vmem>>)
        tpu.yield
      }) : () -> ()
      "tpu.region"() ({
        %run_scoped3A = tpu.sem_alloc : memref<!tpu.dma_semaphore, #tpu.memory_space<semaphore_mem>>
        %dma_start3A_35 = tpu.memref_slice %arg6[%add3A_18] : memref<163840xi32, #tpu.memory_space<hbm>> -> memref<128xi32, #tpu.memory_space<hbm>>
        %dma_start3A_36 = tpu.memref_slice %arg6[%add3A_18] : memref<163840xi32, #tpu.memory_space<hbm>> -> memref<128xi32, #tpu.memory_space<hbm>>
        tpu.enqueue_dma source(%dma_start3A_36 : memref<128xi32, #tpu.memory_space<hbm>>) target(%arg12 : memref<128xi32, #tpu.memory_space<vmem>>) target_semaphore(%run_scoped3A : memref<!tpu.dma_semaphore, #tpu.memory_space<semaphore_mem>>)
        %dma_wait3A_37 = tpu.memref_slice %arg6[%add3A_18] : memref<163840xi32, #tpu.memory_space<hbm>> -> memref<128xi32, #tpu.memory_space<hbm>>
        %dma_wait3A_38 = tpu.memref_slice %arg6[%add3A_18] : memref<163840xi32, #tpu.memory_space<hbm>> -> memref<128xi32, #tpu.memory_space<hbm>>
        tpu.wait_dma2 semaphore(%run_scoped3A : memref<!tpu.dma_semaphore, #tpu.memory_space<semaphore_mem>>) src(%dma_wait3A_38 : memref<128xi32, #tpu.memory_space<hbm>>) dst(%arg12 : memref<128xi32, #tpu.memory_space<vmem>>)
        tpu.yield
      }) : () -> ()
      %dma_start3A = arith.constant 0 : i32
      %dma_start3A_19 = arith.constant 0 : i32
      %dma_start3A_20 = tpu.memref_slice %arg2[%dma_start3A, %dma_start3A_19] : memref<10000x128xf32, #tpu.memory_space<hbm>> -> memref<10000x128xf32, #tpu.memory_space<hbm>>
      tpu.enqueue_indirect_dma source(%dma_start3A_20 : memref<10000x128xf32, #tpu.memory_space<hbm>>) target(%arg13 : memref<128x128xf32, #tpu.memory_space<vmem>>) offsets(%arg10 : memref<128xi32, #tpu.memory_space<vmem>>) semaphore(%arg15 : memref<!tpu.dma_semaphore, #tpu.memory_space<semaphore_mem>>)
      %dma_wait3A = arith.constant 0 : i32
      %dma_wait3A_21 = arith.constant 0 : i32
      %dma_wait3A_22 = tpu.memref_slice %arg2[%dma_wait3A, %dma_wait3A_21] : memref<10000x128xf32, #tpu.memory_space<hbm>> -> memref<10000x128xf32, #tpu.memory_space<hbm>>
      tpu.wait_indirect_dma semaphore(%arg15 : memref<!tpu.dma_semaphore, #tpu.memory_space<semaphore_mem>>) src(%dma_wait3A_22 : memref<10000x128xf32, #tpu.memory_space<hbm>>) dst(%arg13 : memref<128x128xf32, #tpu.memory_space<vmem>>)
      %dma_start3A_23 = arith.constant 0 : i32
      %dma_start3A_24 = arith.constant 0 : i32
      %dma_start3A_25 = tpu.memref_slice %arg3[%dma_start3A_23, %dma_start3A_24] : memref<128x128xf32, #tpu.memory_space<hbm>> -> memref<128x128xf32, #tpu.memory_space<hbm>>
      tpu.enqueue_indirect_dma source(%dma_start3A_25 : memref<128x128xf32, #tpu.memory_space<hbm>>) target(%arg14 : memref<128x128xf32, #tpu.memory_space<vmem>>) offsets(%arg12 : memref<128xi32, #tpu.memory_space<vmem>>) semaphore(%arg16 : memref<!tpu.dma_semaphore, #tpu.memory_space<semaphore_mem>>)
      %dma_wait3A_26 = arith.constant 0 : i32
      %dma_wait3A_27 = arith.constant 0 : i32
      %dma_wait3A_28 = tpu.memref_slice %arg3[%dma_wait3A_26, %dma_wait3A_27] : memref<128x128xf32, #tpu.memory_space<hbm>> -> memref<128x128xf32, #tpu.memory_space<hbm>>
      tpu.wait_indirect_dma semaphore(%arg16 : memref<!tpu.dma_semaphore, #tpu.memory_space<semaphore_mem>>) src(%dma_wait3A_28 : memref<128x128xf32, #tpu.memory_space<hbm>>) dst(%arg14 : memref<128x128xf32, #tpu.memory_space<vmem>>)
      %scan3A_29 = arith.constant 0 : i32
      %scan3A_30 = arith.constant 0 : i32
      %scan3A_31 = arith.constant 128 : i32
      %scan3A_32 = arith.addi %scan3A_30, %scan3A_31 : i32
      %scan3A_33 = arith.constant 1 : i32
      scf.for %scan3A_35 = %scan3A_30 to %scan3A_32 step %scan3A_33  : i32 {
        %add3A_36 = arith.addi %add3A_18, %scan3A_35 : i32
        %lt3A = arith.constant 160000 : i32
        %lt3A_37 = arith.cmpi slt, %add3A_36, %lt3A : i32
        %jit3A = arith.constant 1.000000e+00 : f32
        %jit3A_38 = arith.constant 0.000000e+00 : f32
        %select_n3A = arith.select %lt3A_37, %jit3A, %jit3A_38 : f32
        %get3A = arith.index_cast %scan3A_35 : i32 to index
        %get3A_39 = arith.constant 0 : index
        %get3A_40 = tpu.vector_load %arg13[%get3A, %get3A_39] {strides = array<i32>} : memref<128x128xf32, #tpu.memory_space<vmem>>, vector<16xf32>,
        %get3A_41 = arith.index_cast %scan3A_35 : i32 to index
        %get3A_42 = arith.constant 0 : index
        %get3A_43 = tpu.vector_load %arg14[%get3A_41, %get3A_42] {strides = array<i32>} : memref<128x128xf32, #tpu.memory_space<vmem>>, vector<16xf32>,
        %add3A_44 = arith.addf %get3A_40, %get3A_43 : vector<16xf32>
        %max3A = arith.constant 0.000000e+00 : f32
        %max3A_45 = vector.broadcast %max3A : f32 to vector<16xf32>
        %max3A_46 = arith.maximumf %add3A_44, %max3A_45 : vector<16xf32>
        %mul3A_47 = vector.broadcast %select_n3A : f32 to vector<16xf32>
        %mul3A_48 = arith.mulf %max3A_46, %mul3A_47 : vector<16xf32>
        %swap3A = arith.index_cast %scan3A_35 : i32 to index
        %swap3A_49 = arith.constant 0 : index
        %swap3A_50 = tpu.vector_load %arg13[%swap3A, %swap3A_49] {strides = array<i32>} : memref<128x128xf32, #tpu.memory_space<vmem>>, vector<16xf32>,
        tpu.vector_store %arg13[%swap3A, %swap3A_49], %mul3A_48 {strides = array<i32>} : memref<128x128xf32, #tpu.memory_space<vmem>>, vector<16xf32>,
        %get3A_51 = arith.index_cast %scan3A_35 : i32 to index
        %get3A_52 = arith.constant 16 : index
        %get3A_53 = tpu.vector_load %arg13[%get3A_51, %get3A_52] {strides = array<i32>} : memref<128x128xf32, #tpu.memory_space<vmem>>, vector<16xf32>,
        %get3A_54 = arith.index_cast %scan3A_35 : i32 to index
        %get3A_55 = arith.constant 16 : index
        %get3A_56 = tpu.vector_load %arg14[%get3A_54, %get3A_55] {strides = array<i32>} : memref<128x128xf32, #tpu.memory_space<vmem>>, vector<16xf32>,
        %add3A_57 = arith.addf %get3A_53, %get3A_56 : vector<16xf32>
        %max3A_58 = arith.constant 0.000000e+00 : f32
        %max3A_59 = vector.broadcast %max3A_58 : f32 to vector<16xf32>
        %max3A_60 = arith.maximumf %add3A_57, %max3A_59 : vector<16xf32>
        %mul3A_61 = vector.broadcast %select_n3A : f32 to vector<16xf32>
        %mul3A_62 = arith.mulf %max3A_60, %mul3A_61 : vector<16xf32>
        %swap3A_63 = arith.index_cast %scan3A_35 : i32 to index
        %swap3A_64 = arith.constant 16 : index
        %swap3A_65 = tpu.vector_load %arg13[%swap3A_63, %swap3A_64] {strides = array<i32>} : memref<128x128xf32, #tpu.memory_space<vmem>>, vector<16xf32>,
        tpu.vector_store %arg13[%swap3A_63, %swap3A_64], %mul3A_62 {strides = array<i32>} : memref<128x128xf32, #tpu.memory_space<vmem>>, vector<16xf32>,
        %get3A_66 = arith.index_cast %scan3A_35 : i32 to index
        %get3A_67 = arith.constant 32 : index
        %get3A_68 = tpu.vector_load %arg13[%get3A_66, %get3A_67] {strides = array<i32>} : memref<128x128xf32, #tpu.memory_space<vmem>>, vector<16xf32>,
        %get3A_69 = arith.index_cast %scan3A_35 : i32 to index
        %get3A_70 = arith.constant 32 : index
        %get3A_71 = tpu.vector_load %arg14[%get3A_69, %get3A_70] {strides = array<i32>} : memref<128x128xf32, #tpu.memory_space<vmem>>, vector<16xf32>,
        %add3A_72 = arith.addf %get3A_68, %get3A_71 : vector<16xf32>
        %max3A_73 = arith.constant 0.000000e+00 : f32
        %max3A_74 = vector.broadcast %max3A_73 : f32 to vector<16xf32>
        %max3A_75 = arith.maximumf %add3A_72, %max3A_74 : vector<16xf32>
        %mul3A_76 = vector.broadcast %select_n3A : f32 to vector<16xf32>
        %mul3A_77 = arith.mulf %max3A_75, %mul3A_76 : vector<16xf32>
        %swap3A_78 = arith.index_cast %scan3A_35 : i32 to index
        %swap3A_79 = arith.constant 32 : index
        %swap3A_80 = tpu.vector_load %arg13[%swap3A_78, %swap3A_79] {strides = array<i32>} : memref<128x128xf32, #tpu.memory_space<vmem>>, vector<16xf32>,
        tpu.vector_store %arg13[%swap3A_78, %swap3A_79], %mul3A_77 {strides = array<i32>} : memref<128x128xf32, #tpu.memory_space<vmem>>, vector<16xf32>,
        %get3A_81 = arith.index_cast %scan3A_35 : i32 to index
        %get3A_82 = arith.constant 48 : index
        %get3A_83 = tpu.vector_load %arg13[%get3A_81, %get3A_82] {strides = array<i32>} : memref<128x128xf32, #tpu.memory_space<vmem>>, vector<16xf32>,
        %get3A_84 = arith.index_cast %scan3A_35 : i32 to index
        %get3A_85 = arith.constant 48 : index
        %get3A_86 = tpu.vector_load %arg14[%get3A_84, %get3A_85] {strides = array<i32>} : memref<128x128xf32, #tpu.memory_space<vmem>>, vector<16xf32>,
        %add3A_87 = arith.addf %get3A_83, %get3A_86 : vector<16xf32>
        %max3A_88 = arith.constant 0.000000e+00 : f32
        %max3A_89 = vector.broadcast %max3A_88 : f32 to vector<16xf32>
        %max3A_90 = arith.maximumf %add3A_87, %max3A_89 : vector<16xf32>
        %mul3A_91 = vector.broadcast %select_n3A : f32 to vector<16xf32>
        %mul3A_92 = arith.mulf %max3A_90, %mul3A_91 : vector<16xf32>
        %swap3A_93 = arith.index_cast %scan3A_35 : i32 to index
        %swap3A_94 = arith.constant 48 : index
        %swap3A_95 = tpu.vector_load %arg13[%swap3A_93, %swap3A_94] {strides = array<i32>} : memref<128x128xf32, #tpu.memory_space<vmem>>, vector<16xf32>,
        tpu.vector_store %arg13[%swap3A_93, %swap3A_94], %mul3A_92 {strides = array<i32>} : memref<128x128xf32, #tpu.memory_space<vmem>>, vector<16xf32>,
        %get3A_96 = arith.index_cast %scan3A_35 : i32 to index
        %get3A_97 = arith.constant 64 : index
        %get3A_98 = tpu.vector_load %arg13[%get3A_96, %get3A_97] {strides = array<i32>} : memref<128x128xf32, #tpu.memory_space<vmem>>, vector<16xf32>,
        %get3A_99 = arith.index_cast %scan3A_35 : i32 to index
        %get3A_100 = arith.constant 64 : index
        %get3A_101 = tpu.vector_load %arg14[%get3A_99, %get3A_100] {strides = array<i32>} : memref<128x128xf32, #tpu.memory_space<vmem>>, vector<16xf32>,
        %add3A_102 = arith.addf %get3A_98, %get3A_101 : vector<16xf32>
        %max3A_103 = arith.constant 0.000000e+00 : f32
        %max3A_104 = vector.broadcast %max3A_103 : f32 to vector<16xf32>
        %max3A_105 = arith.maximumf %add3A_102, %max3A_104 : vector<16xf32>
        %mul3A_106 = vector.broadcast %select_n3A : f32 to vector<16xf32>
        %mul3A_107 = arith.mulf %max3A_105, %mul3A_106 : vector<16xf32>
        %swap3A_108 = arith.index_cast %scan3A_35 : i32 to index
        %swap3A_109 = arith.constant 64 : index
        %swap3A_110 = tpu.vector_load %arg13[%swap3A_108, %swap3A_109] {strides = array<i32>} : memref<128x128xf32, #tpu.memory_space<vmem>>, vector<16xf32>,
        tpu.vector_store %arg13[%swap3A_108, %swap3A_109], %mul3A_107 {strides = array<i32>} : memref<128x128xf32, #tpu.memory_space<vmem>>, vector<16xf32>,
        %get3A_111 = arith.index_cast %scan3A_35 : i32 to index
        %get3A_112 = arith.constant 80 : index
        %get3A_113 = tpu.vector_load %arg13[%get3A_111, %get3A_112] {strides = array<i32>} : memref<128x128xf32, #tpu.memory_space<vmem>>, vector<16xf32>,
        %get3A_114 = arith.index_cast %scan3A_35 : i32 to index
        %get3A_115 = arith.constant 80 : index
        %get3A_116 = tpu.vector_load %arg14[%get3A_114, %get3A_115] {strides = array<i32>} : memref<128x128xf32, #tpu.memory_space<vmem>>, vector<16xf32>,
        %add3A_117 = arith.addf %get3A_113, %get3A_116 : vector<16xf32>
        %max3A_118 = arith.constant 0.000000e+00 : f32
        %max3A_119 = vector.broadcast %max3A_118 : f32 to vector<16xf32>
        %max3A_120 = arith.maximumf %add3A_117, %max3A_119 : vector<16xf32>
        %mul3A_121 = vector.broadcast %select_n3A : f32 to vector<16xf32>
        %mul3A_122 = arith.mulf %max3A_120, %mul3A_121 : vector<16xf32>
        %swap3A_123 = arith.index_cast %scan3A_35 : i32 to index
        %swap3A_124 = arith.constant 80 : index
        %swap3A_125 = tpu.vector_load %arg13[%swap3A_123, %swap3A_124] {strides = array<i32>} : memref<128x128xf32, #tpu.memory_space<vmem>>, vector<16xf32>,
        tpu.vector_store %arg13[%swap3A_123, %swap3A_124], %mul3A_122 {strides = array<i32>} : memref<128x128xf32, #tpu.memory_space<vmem>>, vector<16xf32>,
        %get3A_126 = arith.index_cast %scan3A_35 : i32 to index
        %get3A_127 = arith.constant 96 : index
        %get3A_128 = tpu.vector_load %arg13[%get3A_126, %get3A_127] {strides = array<i32>} : memref<128x128xf32, #tpu.memory_space<vmem>>, vector<16xf32>,
        %get3A_129 = arith.index_cast %scan3A_35 : i32 to index
        %get3A_130 = arith.constant 96 : index
        %get3A_131 = tpu.vector_load %arg14[%get3A_129, %get3A_130] {strides = array<i32>} : memref<128x128xf32, #tpu.memory_space<vmem>>, vector<16xf32>,
        %add3A_132 = arith.addf %get3A_128, %get3A_131 : vector<16xf32>
        %max3A_133 = arith.constant 0.000000e+00 : f32
        %max3A_134 = vector.broadcast %max3A_133 : f32 to vector<16xf32>
        %max3A_135 = arith.maximumf %add3A_132, %max3A_134 : vector<16xf32>
        %mul3A_136 = vector.broadcast %select_n3A : f32 to vector<16xf32>
        %mul3A_137 = arith.mulf %max3A_135, %mul3A_136 : vector<16xf32>
        %swap3A_138 = arith.index_cast %scan3A_35 : i32 to index
        %swap3A_139 = arith.constant 96 : index
        %swap3A_140 = tpu.vector_load %arg13[%swap3A_138, %swap3A_139] {strides = array<i32>} : memref<128x128xf32, #tpu.memory_space<vmem>>, vector<16xf32>,
        tpu.vector_store %arg13[%swap3A_138, %swap3A_139], %mul3A_137 {strides = array<i32>} : memref<128x128xf32, #tpu.memory_space<vmem>>, vector<16xf32>,
        %get3A_141 = arith.index_cast %scan3A_35 : i32 to index
        %get3A_142 = arith.constant 112 : index
        %get3A_143 = tpu.vector_load %arg13[%get3A_141, %get3A_142] {strides = array<i32>} : memref<128x128xf32, #tpu.memory_space<vmem>>, vector<16xf32>,
        %get3A_144 = arith.index_cast %scan3A_35 : i32 to index
        %get3A_145 = arith.constant 112 : index
        %get3A_146 = tpu.vector_load %arg14[%get3A_144, %get3A_145] {strides = array<i32>} : memref<128x128xf32, #tpu.memory_space<vmem>>, vector<16xf32>,
        %add3A_147 = arith.addf %get3A_143, %get3A_146 : vector<16xf32>
        %max3A_148 = arith.constant 0.000000e+00 : f32
        %max3A_149 = vector.broadcast %max3A_148 : f32 to vector<16xf32>
        %max3A_150 = arith.maximumf %add3A_147, %max3A_149 : vector<16xf32>
        %mul3A_151 = vector.broadcast %select_n3A : f32 to vector<16xf32>
        %mul3A_152 = arith.mulf %max3A_150, %mul3A_151 : vector<16xf32>
        %swap3A_153 = arith.index_cast %scan3A_35 : i32 to index
        %swap3A_154 = arith.constant 112 : index
        %swap3A_155 = tpu.vector_load %arg13[%swap3A_153, %swap3A_154] {strides = array<i32>} : memref<128x128xf32, #tpu.memory_space<vmem>>, vector<16xf32>,
        tpu.vector_store %arg13[%swap3A_153, %swap3A_154], %mul3A_152 {strides = array<i32>} : memref<128x128xf32, #tpu.memory_space<vmem>>, vector<16xf32>,
      }
      %scan3A_34 = arith.constant 128 : i32
      "tpu.region"() ({
        %run_scoped3A = tpu.sem_alloc : memref<!tpu.dma_semaphore, #tpu.memory_space<semaphore_mem>>
        %dma_start3A_35 = arith.constant 0 : i32
        %dma_start3A_36 = arith.constant 0 : i32
        %dma_start3A_37 = tpu.memref_slice %arg9[%dma_start3A_35, %dma_start3A_36] : memref<10112x128xf32, #tpu.memory_space<vmem_shared>> -> memref<10112x128xf32, #tpu.memory_space<vmem_shared>>
        tpu.enqueue_indirect_dma source(%arg13 : memref<128x128xf32, #tpu.memory_space<vmem>>) target(%dma_start3A_37 : memref<10112x128xf32, #tpu.memory_space<vmem_shared>>) offsets(%arg11 : memref<128xi32, #tpu.memory_space<vmem>>) semaphore(%run_scoped3A : memref<!tpu.dma_semaphore, #tpu.memory_space<semaphore_mem>>) {add = true}
        %dma_wait3A_38 = arith.constant 0 : i32
        %dma_wait3A_39 = arith.constant 0 : i32
        %dma_wait3A_40 = tpu.memref_slice %arg9[%dma_wait3A_38, %dma_wait3A_39] : memref<10112x128xf32, #tpu.memory_space<vmem_shared>> -> memref<10112x128xf32, #tpu.memory_space<vmem_shared>>
        tpu.wait_indirect_dma semaphore(%run_scoped3A : memref<!tpu.dma_semaphore, #tpu.memory_space<semaphore_mem>>) src(%arg13 : memref<128x128xf32, #tpu.memory_space<vmem>>) dst(%dma_wait3A_40 : memref<10112x128xf32, #tpu.memory_space<vmem_shared>>)
        tpu.yield
      }) : () -> ()
    }
    %scan3A_9 = arith.constant 40 : i32
    %barrier3A_10 = arith.constant 0 : index
    tpu.barrier barrier_id(%barrier3A_10)
    %mul3A_11 = arith.constant 632 : i32
    %mul3A_12 = arith.muli %arg1, %mul3A_11 : i32
    %mul3A_13 = arith.constant 632 : i32
    %mul3A_14 = arith.muli %arg1, %mul3A_13 : i32
    "tpu.region"() ({
      %run_scoped3A = tpu.sem_alloc : memref<!tpu.dma_semaphore, #tpu.memory_space<semaphore_mem>>
      %dma_start3A = arith.constant 0 : i32
      %dma_start3A_15 = tpu.memref_slice %arg8[%arg0, %mul3A_14, %dma_start3A] : memref<2x10112x128xf32, #tpu.memory_space<hbm>> -> memref<1x632x128xf32, #tpu.memory_space<hbm>>
      %dma_start3A_16 = tpu.memref_squeeze %dma_start3A_15 : memref<1x632x128xf32, #tpu.memory_space<hbm>> -> memref<632x128xf32, #tpu.memory_space<hbm>>
      %dma_start3A_17 = arith.constant 0 : i32
      %dma_start3A_18 = tpu.memref_slice %arg9[%mul3A_12, %dma_start3A_17] : memref<10112x128xf32, #tpu.memory_space<vmem_shared>> -> memref<632x128xf32, #tpu.memory_space<vmem_shared>>
      tpu.enqueue_dma source(%dma_start3A_18 : memref<632x128xf32, #tpu.memory_space<vmem_shared>>) target(%dma_start3A_16 : memref<632x128xf32, #tpu.memory_space<hbm>>) target_semaphore(%run_scoped3A : memref<!tpu.dma_semaphore, #tpu.memory_space<semaphore_mem>>)
      %dma_wait3A = arith.constant 0 : i32
      %dma_wait3A_19 = tpu.memref_slice %arg8[%arg0, %mul3A_14, %dma_wait3A] : memref<2x10112x128xf32, #tpu.memory_space<hbm>> -> memref<1x632x128xf32, #tpu.memory_space<hbm>>
      %dma_wait3A_20 = tpu.memref_squeeze %dma_wait3A_19 : memref<1x632x128xf32, #tpu.memory_space<hbm>> -> memref<632x128xf32, #tpu.memory_space<hbm>>
      %dma_wait3A_21 = arith.constant 0 : i32
      %dma_wait3A_22 = tpu.memref_slice %arg9[%mul3A_12, %dma_wait3A_21] : memref<10112x128xf32, #tpu.memory_space<vmem_shared>> -> memref<632x128xf32, #tpu.memory_space<vmem_shared>>
      tpu.wait_dma2 semaphore(%run_scoped3A : memref<!tpu.dma_semaphore, #tpu.memory_space<semaphore_mem>>) src(%dma_wait3A_22 : memref<632x128xf32, #tpu.memory_space<vmem_shared>>) dst(%dma_wait3A_20 : memref<632x128xf32, #tpu.memory_space<hbm>>)
      tpu.yield
    }) : () -> ()
    return
  }
}

#map = affine_map<(d0, d1) -> (0, 0)>
#map1 = affine_map<(d0, d1) -> (0)>
#map2 = affine_map<(d0, d1) -> (0, 0, 0)>
module attributes {stable_mosaic.version = 14 : i64} {
  func.func @_sc_edge_body(%arg0: i32, %arg1: i32, %arg2: memref<10000x128xf32, #tpu.memory_space<hbm>>, %arg3: memref<128x128xf32, #tpu.memory_space<hbm>>, %arg4: memref<163840xi32, #tpu.memory_space<hbm>>, %arg5: memref<163840xi32, #tpu.memory_space<hbm>>, %arg6: memref<163840xi32, #tpu.memory_space<hbm>>, %arg7: memref<632x128xf32, #tpu.memory_space<hbm>>, %arg8: memref<2x10112x128xf32, #tpu.memory_space<hbm>>, %arg9: memref<10112x128xf32, #tpu.memory_space<vmem_shared>>, %arg10: memref<128xi32, #tpu.memory_space<vmem>>, %arg11: memref<128xi32, #tpu.memory_space<vmem>>, %arg12: memref<128xi32, #tpu.memory_space<vmem>>, %arg13: memref<128x128xf32, #tpu.memory_space<vmem>>, %arg14: memref<128x128xf32, #tpu.memory_space<vmem>>, %arg15: memref<!tpu.dma_semaphore, #tpu.memory_space<semaphore_mem>>, %arg16: memref<!tpu.dma_semaphore, #tpu.memory_space<semaphore_mem>>) attributes {dimension_semantics = [#tpu.dimension_semantics<core_parallel>, #tpu.dimension_semantics<subcore_parallel>], iteration_bounds = array<i64: 2, 16>, scalar_prefetch = 0 : i64, scratch_operands = 8 : i64, tpu.core_type = #tpu.core_type<sc_vector_subcore>, window_params = [{transform_indices = #map}, {transform_indices = #map}, {transform_indices = #map1}, {transform_indices = #map1}, {transform_indices = #map1}, {transform_indices = #map}, {transform_indices = #map2}]} {
    %mul3A = arith.constant 632 : i32
    %mul3A_0 = arith.muli %arg1, %mul3A : i32
    "tpu.region"() ({
      %run_scoped3A = tpu.sem_alloc : memref<!tpu.dma_semaphore, #tpu.memory_space<semaphore_mem>>
      %dma_start3A = arith.constant 0 : i32
      %dma_start3A_15 = tpu.memref_slice %arg9[%mul3A_0, %dma_start3A] : memref<10112x128xf32, #tpu.memory_space<vmem_shared>> -> memref<632x128xf32, #tpu.memory_space<vmem_shared>>
      tpu.enqueue_dma source(%arg7 : memref<632x128xf32, #tpu.memory_space<hbm>>) target(%dma_start3A_15 : memref<632x128xf32, #tpu.memory_space<vmem_shared>>) target_semaphore(%run_scoped3A : memref<!tpu.dma_semaphore, #tpu.memory_space<semaphore_mem>>)
      %dma_wait3A = arith.constant 0 : i32
      %dma_wait3A_16 = tpu.memref_slice %arg9[%mul3A_0, %dma_wait3A] : memref<10112x128xf32, #tpu.memory_space<vmem_shared>> -> memref<632x128xf32, #tpu.memory_space<vmem_shared>>
      tpu.wait_dma2 semaphore(%run_scoped3A : memref<!tpu.dma_semaphore, #tpu.memory_space<semaphore_mem>>) src(%arg7 : memref<632x128xf32, #tpu.memory_space<hbm>>) dst(%dma_wait3A_16 : memref<632x128xf32, #tpu.memory_space<vmem_shared>>)
      tpu.yield
    }) : () -> ()
    %barrier3A = arith.constant 0 : index
    tpu.barrier barrier_id(%barrier3A)
    %mul3A_1 = arith.constant 16 : i32
    %mul3A_2 = arith.muli %arg0, %mul3A_1 : i32
    %add3A = arith.addi %mul3A_2, %arg1 : i32
    %mul3A_3 = arith.constant 5120 : i32
    %mul3A_4 = arith.muli %add3A, %mul3A_3 : i32
    %scan3A = arith.constant 0 : i32
    %scan3A_5 = arith.constant 0 : i32
    %scan3A_6 = arith.constant 40 : i32
    %scan3A_7 = arith.addi %scan3A_5, %scan3A_6 : i32
    %scan3A_8 = arith.constant 1 : i32
    scf.for %scan3A_15 = %scan3A_5 to %scan3A_7 step %scan3A_8  : i32 {
      %mul3A_16 = arith.constant 128 : i32
      %mul3A_17 = arith.muli %scan3A_15, %mul3A_16 : i32
      %add3A_18 = arith.addi %mul3A_4, %mul3A_17 : i32
      "tpu.region"() ({
        %run_scoped3A = tpu.sem_alloc : memref<!tpu.dma_semaphore, #tpu.memory_space<semaphore_mem>>
        %dma_start3A_35 = tpu.memref_slice %arg4[%add3A_18] : memref<163840xi32, #tpu.memory_space<hbm>> -> memref<128xi32, #tpu.memory_space<hbm>>
        %dma_start3A_36 = tpu.memref_slice %arg4[%add3A_18] : memref<163840xi32, #tpu.memory_space<hbm>> -> memref<128xi32, #tpu.memory_space<hbm>>
        tpu.enqueue_dma source(%dma_start3A_36 : memref<128xi32, #tpu.memory_space<hbm>>) target(%arg10 : memref<128xi32, #tpu.memory_space<vmem>>) target_semaphore(%run_scoped3A : memref<!tpu.dma_semaphore, #tpu.memory_space<semaphore_mem>>)
        %dma_wait3A_37 = tpu.memref_slice %arg4[%add3A_18] : memref<163840xi32, #tpu.memory_space<hbm>> -> memref<128xi32, #tpu.memory_space<hbm>>
        %dma_wait3A_38 = tpu.memref_slice %arg4[%add3A_18] : memref<163840xi32, #tpu.memory_space<hbm>> -> memref<128xi32, #tpu.memory_space<hbm>>
        tpu.wait_dma2 semaphore(%run_scoped3A : memref<!tpu.dma_semaphore, #tpu.memory_space<semaphore_mem>>) src(%dma_wait3A_38 : memref<128xi32, #tpu.memory_space<hbm>>) dst(%arg10 : memref<128xi32, #tpu.memory_space<vmem>>)
        tpu.yield
      }) : () -> ()
      "tpu.region"() ({
        %run_scoped3A = tpu.sem_alloc : memref<!tpu.dma_semaphore, #tpu.memory_space<semaphore_mem>>
        %dma_start3A_35 = tpu.memref_slice %arg5[%add3A_18] : memref<163840xi32, #tpu.memory_space<hbm>> -> memref<128xi32, #tpu.memory_space<hbm>>
        %dma_start3A_36 = tpu.memref_slice %arg5[%add3A_18] : memref<163840xi32, #tpu.memory_space<hbm>> -> memref<128xi32, #tpu.memory_space<hbm>>
        tpu.enqueue_dma source(%dma_start3A_36 : memref<128xi32, #tpu.memory_space<hbm>>) target(%arg11 : memref<128xi32, #tpu.memory_space<vmem>>) target_semaphore(%run_scoped3A : memref<!tpu.dma_semaphore, #tpu.memory_space<semaphore_mem>>)
        %dma_wait3A_37 = tpu.memref_slice %arg5[%add3A_18] : memref<163840xi32, #tpu.memory_space<hbm>> -> memref<128xi32, #tpu.memory_space<hbm>>
        %dma_wait3A_38 = tpu.memref_slice %arg5[%add3A_18] : memref<163840xi32, #tpu.memory_space<hbm>> -> memref<128xi32, #tpu.memory_space<hbm>>
        tpu.wait_dma2 semaphore(%run_scoped3A : memref<!tpu.dma_semaphore, #tpu.memory_space<semaphore_mem>>) src(%dma_wait3A_38 : memref<128xi32, #tpu.memory_space<hbm>>) dst(%arg11 : memref<128xi32, #tpu.memory_space<vmem>>)
        tpu.yield
      }) : () -> ()
      "tpu.region"() ({
        %run_scoped3A = tpu.sem_alloc : memref<!tpu.dma_semaphore, #tpu.memory_space<semaphore_mem>>
        %dma_start3A_35 = tpu.memref_slice %arg6[%add3A_18] : memref<163840xi32, #tpu.memory_space<hbm>> -> memref<128xi32, #tpu.memory_space<hbm>>
        %dma_start3A_36 = tpu.memref_slice %arg6[%add3A_18] : memref<163840xi32, #tpu.memory_space<hbm>> -> memref<128xi32, #tpu.memory_space<hbm>>
        tpu.enqueue_dma source(%dma_start3A_36 : memref<128xi32, #tpu.memory_space<hbm>>) target(%arg12 : memref<128xi32, #tpu.memory_space<vmem>>) target_semaphore(%run_scoped3A : memref<!tpu.dma_semaphore, #tpu.memory_space<semaphore_mem>>)
        %dma_wait3A_37 = tpu.memref_slice %arg6[%add3A_18] : memref<163840xi32, #tpu.memory_space<hbm>> -> memref<128xi32, #tpu.memory_space<hbm>>
        %dma_wait3A_38 = tpu.memref_slice %arg6[%add3A_18] : memref<163840xi32, #tpu.memory_space<hbm>> -> memref<128xi32, #tpu.memory_space<hbm>>
        tpu.wait_dma2 semaphore(%run_scoped3A : memref<!tpu.dma_semaphore, #tpu.memory_space<semaphore_mem>>) src(%dma_wait3A_38 : memref<128xi32, #tpu.memory_space<hbm>>) dst(%arg12 : memref<128xi32, #tpu.memory_space<vmem>>)
        tpu.yield
      }) : () -> ()
      %dma_start3A = arith.constant 0 : i32
      %dma_start3A_19 = arith.constant 0 : i32
      %dma_start3A_20 = tpu.memref_slice %arg2[%dma_start3A, %dma_start3A_19] : memref<10000x128xf32, #tpu.memory_space<hbm>> -> memref<10000x128xf32, #tpu.memory_space<hbm>>
      tpu.enqueue_indirect_dma source(%dma_start3A_20 : memref<10000x128xf32, #tpu.memory_space<hbm>>) target(%arg13 : memref<128x128xf32, #tpu.memory_space<vmem>>) offsets(%arg10 : memref<128xi32, #tpu.memory_space<vmem>>) semaphore(%arg15 : memref<!tpu.dma_semaphore, #tpu.memory_space<semaphore_mem>>)
      %dma_wait3A = arith.constant 0 : i32
      %dma_wait3A_21 = arith.constant 0 : i32
      %dma_wait3A_22 = tpu.memref_slice %arg2[%dma_wait3A, %dma_wait3A_21] : memref<10000x128xf32, #tpu.memory_space<hbm>> -> memref<10000x128xf32, #tpu.memory_space<hbm>>
      tpu.wait_indirect_dma semaphore(%arg15 : memref<!tpu.dma_semaphore, #tpu.memory_space<semaphore_mem>>) src(%dma_wait3A_22 : memref<10000x128xf32, #tpu.memory_space<hbm>>) dst(%arg13 : memref<128x128xf32, #tpu.memory_space<vmem>>)
      %dma_start3A_23 = arith.constant 0 : i32
      %dma_start3A_24 = arith.constant 0 : i32
      %dma_start3A_25 = tpu.memref_slice %arg3[%dma_start3A_23, %dma_start3A_24] : memref<128x128xf32, #tpu.memory_space<hbm>> -> memref<128x128xf32, #tpu.memory_space<hbm>>
      tpu.enqueue_indirect_dma source(%dma_start3A_25 : memref<128x128xf32, #tpu.memory_space<hbm>>) target(%arg14 : memref<128x128xf32, #tpu.memory_space<vmem>>) offsets(%arg12 : memref<128xi32, #tpu.memory_space<vmem>>) semaphore(%arg16 : memref<!tpu.dma_semaphore, #tpu.memory_space<semaphore_mem>>)
      %dma_wait3A_26 = arith.constant 0 : i32
      %dma_wait3A_27 = arith.constant 0 : i32
      %dma_wait3A_28 = tpu.memref_slice %arg3[%dma_wait3A_26, %dma_wait3A_27] : memref<128x128xf32, #tpu.memory_space<hbm>> -> memref<128x128xf32, #tpu.memory_space<hbm>>
      tpu.wait_indirect_dma semaphore(%arg16 : memref<!tpu.dma_semaphore, #tpu.memory_space<semaphore_mem>>) src(%dma_wait3A_28 : memref<128x128xf32, #tpu.memory_space<hbm>>) dst(%arg14 : memref<128x128xf32, #tpu.memory_space<vmem>>)
      %scan3A_29 = arith.constant 0 : i32
      %scan3A_30 = arith.constant 0 : i32
      %scan3A_31 = arith.constant 128 : i32
      %scan3A_32 = arith.addi %scan3A_30, %scan3A_31 : i32
      %scan3A_33 = arith.constant 1 : i32
      scf.for %scan3A_35 = %scan3A_30 to %scan3A_32 step %scan3A_33  : i32 {
        %add3A_36 = arith.addi %add3A_18, %scan3A_35 : i32
        %lt3A = arith.constant 160000 : i32
        %lt3A_37 = arith.cmpi slt, %add3A_36, %lt3A : i32
        %jit3A = arith.constant 1.000000e+00 : f32
        %jit3A_38 = arith.constant 0.000000e+00 : f32
        %select_n3A = arith.select %lt3A_37, %jit3A, %jit3A_38 : f32
        %get3A = arith.index_cast %scan3A_35 : i32 to index
        %get3A_39 = arith.constant 0 : index
        %get3A_40 = tpu.vector_load %arg13[%get3A, %get3A_39] {strides = array<i32>} : memref<128x128xf32, #tpu.memory_space<vmem>>, vector<16xf32>,
        %get3A_41 = arith.index_cast %scan3A_35 : i32 to index
        %get3A_42 = arith.constant 0 : index
        %get3A_43 = tpu.vector_load %arg14[%get3A_41, %get3A_42] {strides = array<i32>} : memref<128x128xf32, #tpu.memory_space<vmem>>, vector<16xf32>,
        %add3A_44 = arith.addf %get3A_40, %get3A_43 : vector<16xf32>
        %max3A = arith.constant 0.000000e+00 : f32
        %max3A_45 = vector.broadcast %max3A : f32 to vector<16xf32>
        %max3A_46 = arith.maximumf %add3A_44, %max3A_45 : vector<16xf32>
        %mul3A_47 = vector.broadcast %select_n3A : f32 to vector<16xf32>
        %mul3A_48 = arith.mulf %max3A_46, %mul3A_47 : vector<16xf32>
        %swap3A = arith.index_cast %scan3A_35 : i32 to index
        %swap3A_49 = arith.constant 0 : index
        %swap3A_50 = tpu.vector_load %arg13[%swap3A, %swap3A_49] {strides = array<i32>} : memref<128x128xf32, #tpu.memory_space<vmem>>, vector<16xf32>,
        tpu.vector_store %arg13[%swap3A, %swap3A_49], %mul3A_48 {strides = array<i32>} : memref<128x128xf32, #tpu.memory_space<vmem>>, vector<16xf32>,
        %get3A_51 = arith.index_cast %scan3A_35 : i32 to index
        %get3A_52 = arith.constant 16 : index
        %get3A_53 = tpu.vector_load %arg13[%get3A_51, %get3A_52] {strides = array<i32>} : memref<128x128xf32, #tpu.memory_space<vmem>>, vector<16xf32>,
        %get3A_54 = arith.index_cast %scan3A_35 : i32 to index
        %get3A_55 = arith.constant 16 : index
        %get3A_56 = tpu.vector_load %arg14[%get3A_54, %get3A_55] {strides = array<i32>} : memref<128x128xf32, #tpu.memory_space<vmem>>, vector<16xf32>,
        %add3A_57 = arith.addf %get3A_53, %get3A_56 : vector<16xf32>
        %max3A_58 = arith.constant 0.000000e+00 : f32
        %max3A_59 = vector.broadcast %max3A_58 : f32 to vector<16xf32>
        %max3A_60 = arith.maximumf %add3A_57, %max3A_59 : vector<16xf32>
        %mul3A_61 = vector.broadcast %select_n3A : f32 to vector<16xf32>
        %mul3A_62 = arith.mulf %max3A_60, %mul3A_61 : vector<16xf32>
        %swap3A_63 = arith.index_cast %scan3A_35 : i32 to index
        %swap3A_64 = arith.constant 16 : index
        %swap3A_65 = tpu.vector_load %arg13[%swap3A_63, %swap3A_64] {strides = array<i32>} : memref<128x128xf32, #tpu.memory_space<vmem>>, vector<16xf32>,
        tpu.vector_store %arg13[%swap3A_63, %swap3A_64], %mul3A_62 {strides = array<i32>} : memref<128x128xf32, #tpu.memory_space<vmem>>, vector<16xf32>,
        %get3A_66 = arith.index_cast %scan3A_35 : i32 to index
        %get3A_67 = arith.constant 32 : index
        %get3A_68 = tpu.vector_load %arg13[%get3A_66, %get3A_67] {strides = array<i32>} : memref<128x128xf32, #tpu.memory_space<vmem>>, vector<16xf32>,
        %get3A_69 = arith.index_cast %scan3A_35 : i32 to index
        %get3A_70 = arith.constant 32 : index
        %get3A_71 = tpu.vector_load %arg14[%get3A_69, %get3A_70] {strides = array<i32>} : memref<128x128xf32, #tpu.memory_space<vmem>>, vector<16xf32>,
        %add3A_72 = arith.addf %get3A_68, %get3A_71 : vector<16xf32>
        %max3A_73 = arith.constant 0.000000e+00 : f32
        %max3A_74 = vector.broadcast %max3A_73 : f32 to vector<16xf32>
        %max3A_75 = arith.maximumf %add3A_72, %max3A_74 : vector<16xf32>
        %mul3A_76 = vector.broadcast %select_n3A : f32 to vector<16xf32>
        %mul3A_77 = arith.mulf %max3A_75, %mul3A_76 : vector<16xf32>
        %swap3A_78 = arith.index_cast %scan3A_35 : i32 to index
        %swap3A_79 = arith.constant 32 : index
        %swap3A_80 = tpu.vector_load %arg13[%swap3A_78, %swap3A_79] {strides = array<i32>} : memref<128x128xf32, #tpu.memory_space<vmem>>, vector<16xf32>,
        tpu.vector_store %arg13[%swap3A_78, %swap3A_79], %mul3A_77 {strides = array<i32>} : memref<128x128xf32, #tpu.memory_space<vmem>>, vector<16xf32>,
        %get3A_81 = arith.index_cast %scan3A_35 : i32 to index
        %get3A_82 = arith.constant 48 : index
        %get3A_83 = tpu.vector_load %arg13[%get3A_81, %get3A_82] {strides = array<i32>} : memref<128x128xf32, #tpu.memory_space<vmem>>, vector<16xf32>,
        %get3A_84 = arith.index_cast %scan3A_35 : i32 to index
        %get3A_85 = arith.constant 48 : index
        %get3A_86 = tpu.vector_load %arg14[%get3A_84, %get3A_85] {strides = array<i32>} : memref<128x128xf32, #tpu.memory_space<vmem>>, vector<16xf32>,
        %add3A_87 = arith.addf %get3A_83, %get3A_86 : vector<16xf32>
        %max3A_88 = arith.constant 0.000000e+00 : f32
        %max3A_89 = vector.broadcast %max3A_88 : f32 to vector<16xf32>
        %max3A_90 = arith.maximumf %add3A_87, %max3A_89 : vector<16xf32>
        %mul3A_91 = vector.broadcast %select_n3A : f32 to vector<16xf32>
        %mul3A_92 = arith.mulf %max3A_90, %mul3A_91 : vector<16xf32>
        %swap3A_93 = arith.index_cast %scan3A_35 : i32 to index
        %swap3A_94 = arith.constant 48 : index
        %swap3A_95 = tpu.vector_load %arg13[%swap3A_93, %swap3A_94] {strides = array<i32>} : memref<128x128xf32, #tpu.memory_space<vmem>>, vector<16xf32>,
        tpu.vector_store %arg13[%swap3A_93, %swap3A_94], %mul3A_92 {strides = array<i32>} : memref<128x128xf32, #tpu.memory_space<vmem>>, vector<16xf32>,
        %get3A_96 = arith.index_cast %scan3A_35 : i32 to index
        %get3A_97 = arith.constant 64 : index
        %get3A_98 = tpu.vector_load %arg13[%get3A_96, %get3A_97] {strides = array<i32>} : memref<128x128xf32, #tpu.memory_space<vmem>>, vector<16xf32>,
        %get3A_99 = arith.index_cast %scan3A_35 : i32 to index
        %get3A_100 = arith.constant 64 : index
        %get3A_101 = tpu.vector_load %arg14[%get3A_99, %get3A_100] {strides = array<i32>} : memref<128x128xf32, #tpu.memory_space<vmem>>, vector<16xf32>,
        %add3A_102 = arith.addf %get3A_98, %get3A_101 : vector<16xf32>
        %max3A_103 = arith.constant 0.000000e+00 : f32
        %max3A_104 = vector.broadcast %max3A_103 : f32 to vector<16xf32>
        %max3A_105 = arith.maximumf %add3A_102, %max3A_104 : vector<16xf32>
        %mul3A_106 = vector.broadcast %select_n3A : f32 to vector<16xf32>
        %mul3A_107 = arith.mulf %max3A_105, %mul3A_106 : vector<16xf32>
        %swap3A_108 = arith.index_cast %scan3A_35 : i32 to index
        %swap3A_109 = arith.constant 64 : index
        %swap3A_110 = tpu.vector_load %arg13[%swap3A_108, %swap3A_109] {strides = array<i32>} : memref<128x128xf32, #tpu.memory_space<vmem>>, vector<16xf32>,
        tpu.vector_store %arg13[%swap3A_108, %swap3A_109], %mul3A_107 {strides = array<i32>} : memref<128x128xf32, #tpu.memory_space<vmem>>, vector<16xf32>,
        %get3A_111 = arith.index_cast %scan3A_35 : i32 to index
        %get3A_112 = arith.constant 80 : index
        %get3A_113 = tpu.vector_load %arg13[%get3A_111, %get3A_112] {strides = array<i32>} : memref<128x128xf32, #tpu.memory_space<vmem>>, vector<16xf32>,
        %get3A_114 = arith.index_cast %scan3A_35 : i32 to index
        %get3A_115 = arith.constant 80 : index
        %get3A_116 = tpu.vector_load %arg14[%get3A_114, %get3A_115] {strides = array<i32>} : memref<128x128xf32, #tpu.memory_space<vmem>>, vector<16xf32>,
        %add3A_117 = arith.addf %get3A_113, %get3A_116 : vector<16xf32>
        %max3A_118 = arith.constant 0.000000e+00 : f32
        %max3A_119 = vector.broadcast %max3A_118 : f32 to vector<16xf32>
        %max3A_120 = arith.maximumf %add3A_117, %max3A_119 : vector<16xf32>
        %mul3A_121 = vector.broadcast %select_n3A : f32 to vector<16xf32>
        %mul3A_122 = arith.mulf %max3A_120, %mul3A_121 : vector<16xf32>
        %swap3A_123 = arith.index_cast %scan3A_35 : i32 to index
        %swap3A_124 = arith.constant 80 : index
        %swap3A_125 = tpu.vector_load %arg13[%swap3A_123, %swap3A_124] {strides = array<i32>} : memref<128x128xf32, #tpu.memory_space<vmem>>, vector<16xf32>,
        tpu.vector_store %arg13[%swap3A_123, %swap3A_124], %mul3A_122 {strides = array<i32>} : memref<128x128xf32, #tpu.memory_space<vmem>>, vector<16xf32>,
        %get3A_126 = arith.index_cast %scan3A_35 : i32 to index
        %get3A_127 = arith.constant 96 : index
        %get3A_128 = tpu.vector_load %arg13[%get3A_126, %get3A_127] {strides = array<i32>} : memref<128x128xf32, #tpu.memory_space<vmem>>, vector<16xf32>,
        %get3A_129 = arith.index_cast %scan3A_35 : i32 to index
        %get3A_130 = arith.constant 96 : index
        %get3A_131 = tpu.vector_load %arg14[%get3A_129, %get3A_130] {strides = array<i32>} : memref<128x128xf32, #tpu.memory_space<vmem>>, vector<16xf32>,
        %add3A_132 = arith.addf %get3A_128, %get3A_131 : vector<16xf32>
        %max3A_133 = arith.constant 0.000000e+00 : f32
        %max3A_134 = vector.broadcast %max3A_133 : f32 to vector<16xf32>
        %max3A_135 = arith.maximumf %add3A_132, %max3A_134 : vector<16xf32>
        %mul3A_136 = vector.broadcast %select_n3A : f32 to vector<16xf32>
        %mul3A_137 = arith.mulf %max3A_135, %mul3A_136 : vector<16xf32>
        %swap3A_138 = arith.index_cast %scan3A_35 : i32 to index
        %swap3A_139 = arith.constant 96 : index
        %swap3A_140 = tpu.vector_load %arg13[%swap3A_138, %swap3A_139] {strides = array<i32>} : memref<128x128xf32, #tpu.memory_space<vmem>>, vector<16xf32>,
        tpu.vector_store %arg13[%swap3A_138, %swap3A_139], %mul3A_137 {strides = array<i32>} : memref<128x128xf32, #tpu.memory_space<vmem>>, vector<16xf32>,
        %get3A_141 = arith.index_cast %scan3A_35 : i32 to index
        %get3A_142 = arith.constant 112 : index
        %get3A_143 = tpu.vector_load %arg13[%get3A_141, %get3A_142] {strides = array<i32>} : memref<128x128xf32, #tpu.memory_space<vmem>>, vector<16xf32>,
        %get3A_144 = arith.index_cast %scan3A_35 : i32 to index
        %get3A_145 = arith.constant 112 : index
        %get3A_146 = tpu.vector_load %arg14[%get3A_144, %get3A_145] {strides = array<i32>} : memref<128x128xf32, #tpu.memory_space<vmem>>, vector<16xf32>,
        %add3A_147 = arith.addf %get3A_143, %get3A_146 : vector<16xf32>
        %max3A_148 = arith.constant 0.000000e+00 : f32
        %max3A_149 = vector.broadcast %max3A_148 : f32 to vector<16xf32>
        %max3A_150 = arith.maximumf %add3A_147, %max3A_149 : vector<16xf32>
        %mul3A_151 = vector.broadcast %select_n3A : f32 to vector<16xf32>
        %mul3A_152 = arith.mulf %max3A_150, %mul3A_151 : vector<16xf32>
        %swap3A_153 = arith.index_cast %scan3A_35 : i32 to index
        %swap3A_154 = arith.constant 112 : index
        %swap3A_155 = tpu.vector_load %arg13[%swap3A_153, %swap3A_154] {strides = array<i32>} : memref<128x128xf32, #tpu.memory_space<vmem>>, vector<16xf32>,
        tpu.vector_store %arg13[%swap3A_153, %swap3A_154], %mul3A_152 {strides = array<i32>} : memref<128x128xf32, #tpu.memory_space<vmem>>, vector<16xf32>,
      }
      %scan3A_34 = arith.constant 128 : i32
      "tpu.region"() ({
        %run_scoped3A = tpu.sem_alloc : memref<!tpu.dma_semaphore, #tpu.memory_space<semaphore_mem>>
        %dma_start3A_35 = arith.constant 0 : i32
        %dma_start3A_36 = arith.constant 0 : i32
        %dma_start3A_37 = tpu.memref_slice %arg9[%dma_start3A_35, %dma_start3A_36] : memref<10112x128xf32, #tpu.memory_space<vmem_shared>> -> memref<10112x128xf32, #tpu.memory_space<vmem_shared>>
        tpu.enqueue_indirect_dma source(%arg13 : memref<128x128xf32, #tpu.memory_space<vmem>>) target(%dma_start3A_37 : memref<10112x128xf32, #tpu.memory_space<vmem_shared>>) offsets(%arg11 : memref<128xi32, #tpu.memory_space<vmem>>) semaphore(%run_scoped3A : memref<!tpu.dma_semaphore, #tpu.memory_space<semaphore_mem>>) {add = true}
        %dma_wait3A_38 = arith.constant 0 : i32
        %dma_wait3A_39 = arith.constant 0 : i32
        %dma_wait3A_40 = tpu.memref_slice %arg9[%dma_wait3A_38, %dma_wait3A_39] : memref<10112x128xf32, #tpu.memory_space<vmem_shared>> -> memref<10112x128xf32, #tpu.memory_space<vmem_shared>>
        tpu.wait_indirect_dma semaphore(%run_scoped3A : memref<!tpu.dma_semaphore, #tpu.memory_space<semaphore_mem>>) src(%arg13 : memref<128x128xf32, #tpu.memory_space<vmem>>) dst(%dma_wait3A_40 : memref<10112x128xf32, #tpu.memory_space<vmem_shared>>)
        tpu.yield
      }) : () -> ()
    }
    %scan3A_9 = arith.constant 40 : i32
    %barrier3A_10 = arith.constant 0 : index
    tpu.barrier barrier_id(%barrier3A_10)
    %mul3A_11 = arith.constant 632 : i32
    %mul3A_12 = arith.muli %arg1, %mul3A_11 : i32
    %mul3A_13 = arith.constant 632 : i32
    %mul3A_14 = arith.muli %arg1, %mul3A_13 : i32
    "tpu.region"() ({
      %run_scoped3A = tpu.sem_alloc : memref<!tpu.dma_semaphore, #tpu.memory_space<semaphore_mem>>
      %dma_start3A = arith.constant 0 : i32
      %dma_start3A_15 = tpu.memref_slice %arg8[%arg0, %mul3A_14, %dma_start3A] : memref<2x10112x128xf32, #tpu.memory_space<hbm>> -> memref<1x632x128xf32, #tpu.memory_space<hbm>>
      %dma_start3A_16 = tpu.memref_squeeze %dma_start3A_15 : memref<1x632x128xf32, #tpu.memory_space<hbm>> -> memref<632x128xf32, #tpu.memory_space<hbm>>
      %dma_start3A_17 = arith.constant 0 : i32
      %dma_start3A_18 = tpu.memref_slice %arg9[%mul3A_12, %dma_start3A_17] : memref<10112x128xf32, #tpu.memory_space<vmem_shared>> -> memref<632x128xf32, #tpu.memory_space<vmem_shared>>
      tpu.enqueue_dma source(%dma_start3A_18 : memref<632x128xf32, #tpu.memory_space<vmem_shared>>) target(%dma_start3A_16 : memref<632x128xf32, #tpu.memory_space<hbm>>) target_semaphore(%run_scoped3A : memref<!tpu.dma_semaphore, #tpu.memory_space<semaphore_mem>>)
      %dma_wait3A = arith.constant 0 : i32
      %dma_wait3A_19 = tpu.memref_slice %arg8[%arg0, %mul3A_14, %dma_wait3A] : memref<2x10112x128xf32, #tpu.memory_space<hbm>> -> memref<1x632x128xf32, #tpu.memory_space<hbm>>
      %dma_wait3A_20 = tpu.memref_squeeze %dma_wait3A_19 : memref<1x632x128xf32, #tpu.memory_space<hbm>> -> memref<632x128xf32, #tpu.memory_space<hbm>>
      %dma_wait3A_21 = arith.constant 0 : i32
      %dma_wait3A_22 = tpu.memref_slice %arg9[%mul3A_12, %dma_wait3A_21] : memref<10112x128xf32, #tpu.memory_space<vmem_shared>> -> memref<632x128xf32, #tpu.memory_space<vmem_shared>>
      tpu.wait_dma2 semaphore(%run_scoped3A : memref<!tpu.dma_semaphore, #tpu.memory_space<semaphore_mem>>) src(%dma_wait3A_22 : memref<632x128xf32, #tpu.memory_space<vmem_shared>>) dst(%dma_wait3A_20 : memref<632x128xf32, #tpu.memory_space<hbm>>)
      tpu.yield
    }) : () -> ()
    return
  }
}

#map = affine_map<(d0, d1) -> (0, 0)>
#map1 = affine_map<(d0, d1) -> (0)>
#map2 = affine_map<(d0, d1) -> (0, 0, 0)>
module attributes {stable_mosaic.version = 14 : i64} {
  func.func @_sc_edge_body(%arg0: i32, %arg1: i32, %arg2: memref<10000x128xf32, #tpu.memory_space<hbm>>, %arg3: memref<128x128xf32, #tpu.memory_space<hbm>>, %arg4: memref<163840xi32, #tpu.memory_space<hbm>>, %arg5: memref<163840xi32, #tpu.memory_space<hbm>>, %arg6: memref<163840xi32, #tpu.memory_space<hbm>>, %arg7: memref<632x128xf32, #tpu.memory_space<hbm>>, %arg8: memref<2x10112x128xf32, #tpu.memory_space<hbm>>, %arg9: memref<10112x128xf32, #tpu.memory_space<vmem_shared>>, %arg10: memref<128xi32, #tpu.memory_space<vmem>>, %arg11: memref<128xi32, #tpu.memory_space<vmem>>, %arg12: memref<128xi32, #tpu.memory_space<vmem>>, %arg13: memref<128x128xf32, #tpu.memory_space<vmem>>, %arg14: memref<128x128xf32, #tpu.memory_space<vmem>>, %arg15: memref<!tpu.dma_semaphore, #tpu.memory_space<semaphore_mem>>, %arg16: memref<!tpu.dma_semaphore, #tpu.memory_space<semaphore_mem>>) attributes {dimension_semantics = [#tpu.dimension_semantics<core_parallel>, #tpu.dimension_semantics<subcore_parallel>], iteration_bounds = array<i64: 2, 16>, scalar_prefetch = 0 : i64, scratch_operands = 8 : i64, tpu.core_type = #tpu.core_type<sc_vector_subcore>, window_params = [{transform_indices = #map}, {transform_indices = #map}, {transform_indices = #map1}, {transform_indices = #map1}, {transform_indices = #map1}, {transform_indices = #map}, {transform_indices = #map2}]} {
    %mul3A = arith.constant 632 : i32
    %mul3A_0 = arith.muli %arg1, %mul3A : i32
    "tpu.region"() ({
      %run_scoped3A = tpu.sem_alloc : memref<!tpu.dma_semaphore, #tpu.memory_space<semaphore_mem>>
      %dma_start3A = arith.constant 0 : i32
      %dma_start3A_15 = tpu.memref_slice %arg9[%mul3A_0, %dma_start3A] : memref<10112x128xf32, #tpu.memory_space<vmem_shared>> -> memref<632x128xf32, #tpu.memory_space<vmem_shared>>
      tpu.enqueue_dma source(%arg7 : memref<632x128xf32, #tpu.memory_space<hbm>>) target(%dma_start3A_15 : memref<632x128xf32, #tpu.memory_space<vmem_shared>>) target_semaphore(%run_scoped3A : memref<!tpu.dma_semaphore, #tpu.memory_space<semaphore_mem>>)
      %dma_wait3A = arith.constant 0 : i32
      %dma_wait3A_16 = tpu.memref_slice %arg9[%mul3A_0, %dma_wait3A] : memref<10112x128xf32, #tpu.memory_space<vmem_shared>> -> memref<632x128xf32, #tpu.memory_space<vmem_shared>>
      tpu.wait_dma2 semaphore(%run_scoped3A : memref<!tpu.dma_semaphore, #tpu.memory_space<semaphore_mem>>) src(%arg7 : memref<632x128xf32, #tpu.memory_space<hbm>>) dst(%dma_wait3A_16 : memref<632x128xf32, #tpu.memory_space<vmem_shared>>)
      tpu.yield
    }) : () -> ()
    %barrier3A = arith.constant 0 : index
    tpu.barrier barrier_id(%barrier3A)
    %mul3A_1 = arith.constant 16 : i32
    %mul3A_2 = arith.muli %arg0, %mul3A_1 : i32
    %add3A = arith.addi %mul3A_2, %arg1 : i32
    %mul3A_3 = arith.constant 5120 : i32
    %mul3A_4 = arith.muli %add3A, %mul3A_3 : i32
    %scan3A = arith.constant 0 : i32
    %scan3A_5 = arith.constant 0 : i32
    %scan3A_6 = arith.constant 40 : i32
    %scan3A_7 = arith.addi %scan3A_5, %scan3A_6 : i32
    %scan3A_8 = arith.constant 1 : i32
    scf.for %scan3A_15 = %scan3A_5 to %scan3A_7 step %scan3A_8  : i32 {
      %mul3A_16 = arith.constant 128 : i32
      %mul3A_17 = arith.muli %scan3A_15, %mul3A_16 : i32
      %add3A_18 = arith.addi %mul3A_4, %mul3A_17 : i32
      "tpu.region"() ({
        %run_scoped3A = tpu.sem_alloc : memref<!tpu.dma_semaphore, #tpu.memory_space<semaphore_mem>>
        %dma_start3A_35 = tpu.memref_slice %arg4[%add3A_18] : memref<163840xi32, #tpu.memory_space<hbm>> -> memref<128xi32, #tpu.memory_space<hbm>>
        %dma_start3A_36 = tpu.memref_slice %arg4[%add3A_18] : memref<163840xi32, #tpu.memory_space<hbm>> -> memref<128xi32, #tpu.memory_space<hbm>>
        tpu.enqueue_dma source(%dma_start3A_36 : memref<128xi32, #tpu.memory_space<hbm>>) target(%arg10 : memref<128xi32, #tpu.memory_space<vmem>>) target_semaphore(%run_scoped3A : memref<!tpu.dma_semaphore, #tpu.memory_space<semaphore_mem>>)
        %dma_wait3A_37 = tpu.memref_slice %arg4[%add3A_18] : memref<163840xi32, #tpu.memory_space<hbm>> -> memref<128xi32, #tpu.memory_space<hbm>>
        %dma_wait3A_38 = tpu.memref_slice %arg4[%add3A_18] : memref<163840xi32, #tpu.memory_space<hbm>> -> memref<128xi32, #tpu.memory_space<hbm>>
        tpu.wait_dma2 semaphore(%run_scoped3A : memref<!tpu.dma_semaphore, #tpu.memory_space<semaphore_mem>>) src(%dma_wait3A_38 : memref<128xi32, #tpu.memory_space<hbm>>) dst(%arg10 : memref<128xi32, #tpu.memory_space<vmem>>)
        tpu.yield
      }) : () -> ()
      "tpu.region"() ({
        %run_scoped3A = tpu.sem_alloc : memref<!tpu.dma_semaphore, #tpu.memory_space<semaphore_mem>>
        %dma_start3A_35 = tpu.memref_slice %arg5[%add3A_18] : memref<163840xi32, #tpu.memory_space<hbm>> -> memref<128xi32, #tpu.memory_space<hbm>>
        %dma_start3A_36 = tpu.memref_slice %arg5[%add3A_18] : memref<163840xi32, #tpu.memory_space<hbm>> -> memref<128xi32, #tpu.memory_space<hbm>>
        tpu.enqueue_dma source(%dma_start3A_36 : memref<128xi32, #tpu.memory_space<hbm>>) target(%arg11 : memref<128xi32, #tpu.memory_space<vmem>>) target_semaphore(%run_scoped3A : memref<!tpu.dma_semaphore, #tpu.memory_space<semaphore_mem>>)
        %dma_wait3A_37 = tpu.memref_slice %arg5[%add3A_18] : memref<163840xi32, #tpu.memory_space<hbm>> -> memref<128xi32, #tpu.memory_space<hbm>>
        %dma_wait3A_38 = tpu.memref_slice %arg5[%add3A_18] : memref<163840xi32, #tpu.memory_space<hbm>> -> memref<128xi32, #tpu.memory_space<hbm>>
        tpu.wait_dma2 semaphore(%run_scoped3A : memref<!tpu.dma_semaphore, #tpu.memory_space<semaphore_mem>>) src(%dma_wait3A_38 : memref<128xi32, #tpu.memory_space<hbm>>) dst(%arg11 : memref<128xi32, #tpu.memory_space<vmem>>)
        tpu.yield
      }) : () -> ()
      "tpu.region"() ({
        %run_scoped3A = tpu.sem_alloc : memref<!tpu.dma_semaphore, #tpu.memory_space<semaphore_mem>>
        %dma_start3A_35 = tpu.memref_slice %arg6[%add3A_18] : memref<163840xi32, #tpu.memory_space<hbm>> -> memref<128xi32, #tpu.memory_space<hbm>>
        %dma_start3A_36 = tpu.memref_slice %arg6[%add3A_18] : memref<163840xi32, #tpu.memory_space<hbm>> -> memref<128xi32, #tpu.memory_space<hbm>>
        tpu.enqueue_dma source(%dma_start3A_36 : memref<128xi32, #tpu.memory_space<hbm>>) target(%arg12 : memref<128xi32, #tpu.memory_space<vmem>>) target_semaphore(%run_scoped3A : memref<!tpu.dma_semaphore, #tpu.memory_space<semaphore_mem>>)
        %dma_wait3A_37 = tpu.memref_slice %arg6[%add3A_18] : memref<163840xi32, #tpu.memory_space<hbm>> -> memref<128xi32, #tpu.memory_space<hbm>>
        %dma_wait3A_38 = tpu.memref_slice %arg6[%add3A_18] : memref<163840xi32, #tpu.memory_space<hbm>> -> memref<128xi32, #tpu.memory_space<hbm>>
        tpu.wait_dma2 semaphore(%run_scoped3A : memref<!tpu.dma_semaphore, #tpu.memory_space<semaphore_mem>>) src(%dma_wait3A_38 : memref<128xi32, #tpu.memory_space<hbm>>) dst(%arg12 : memref<128xi32, #tpu.memory_space<vmem>>)
        tpu.yield
      }) : () -> ()
      %dma_start3A = arith.constant 0 : i32
      %dma_start3A_19 = arith.constant 0 : i32
      %dma_start3A_20 = tpu.memref_slice %arg2[%dma_start3A, %dma_start3A_19] : memref<10000x128xf32, #tpu.memory_space<hbm>> -> memref<10000x128xf32, #tpu.memory_space<hbm>>
      tpu.enqueue_indirect_dma source(%dma_start3A_20 : memref<10000x128xf32, #tpu.memory_space<hbm>>) target(%arg13 : memref<128x128xf32, #tpu.memory_space<vmem>>) offsets(%arg10 : memref<128xi32, #tpu.memory_space<vmem>>) semaphore(%arg15 : memref<!tpu.dma_semaphore, #tpu.memory_space<semaphore_mem>>)
      %dma_wait3A = arith.constant 0 : i32
      %dma_wait3A_21 = arith.constant 0 : i32
      %dma_wait3A_22 = tpu.memref_slice %arg2[%dma_wait3A, %dma_wait3A_21] : memref<10000x128xf32, #tpu.memory_space<hbm>> -> memref<10000x128xf32, #tpu.memory_space<hbm>>
      tpu.wait_indirect_dma semaphore(%arg15 : memref<!tpu.dma_semaphore, #tpu.memory_space<semaphore_mem>>) src(%dma_wait3A_22 : memref<10000x128xf32, #tpu.memory_space<hbm>>) dst(%arg13 : memref<128x128xf32, #tpu.memory_space<vmem>>)
      %dma_start3A_23 = arith.constant 0 : i32
      %dma_start3A_24 = arith.constant 0 : i32
      %dma_start3A_25 = tpu.memref_slice %arg3[%dma_start3A_23, %dma_start3A_24] : memref<128x128xf32, #tpu.memory_space<hbm>> -> memref<128x128xf32, #tpu.memory_space<hbm>>
      tpu.enqueue_indirect_dma source(%dma_start3A_25 : memref<128x128xf32, #tpu.memory_space<hbm>>) target(%arg14 : memref<128x128xf32, #tpu.memory_space<vmem>>) offsets(%arg12 : memref<128xi32, #tpu.memory_space<vmem>>) semaphore(%arg16 : memref<!tpu.dma_semaphore, #tpu.memory_space<semaphore_mem>>)
      %dma_wait3A_26 = arith.constant 0 : i32
      %dma_wait3A_27 = arith.constant 0 : i32
      %dma_wait3A_28 = tpu.memref_slice %arg3[%dma_wait3A_26, %dma_wait3A_27] : memref<128x128xf32, #tpu.memory_space<hbm>> -> memref<128x128xf32, #tpu.memory_space<hbm>>
      tpu.wait_indirect_dma semaphore(%arg16 : memref<!tpu.dma_semaphore, #tpu.memory_space<semaphore_mem>>) src(%dma_wait3A_28 : memref<128x128xf32, #tpu.memory_space<hbm>>) dst(%arg14 : memref<128x128xf32, #tpu.memory_space<vmem>>)
      %scan3A_29 = arith.constant 0 : i32
      %scan3A_30 = arith.constant 0 : i32
      %scan3A_31 = arith.constant 128 : i32
      %scan3A_32 = arith.addi %scan3A_30, %scan3A_31 : i32
      %scan3A_33 = arith.constant 1 : i32
      scf.for %scan3A_35 = %scan3A_30 to %scan3A_32 step %scan3A_33  : i32 {
        %add3A_36 = arith.addi %add3A_18, %scan3A_35 : i32
        %lt3A = arith.constant 160000 : i32
        %lt3A_37 = arith.cmpi slt, %add3A_36, %lt3A : i32
        %jit3A = arith.constant 1.000000e+00 : f32
        %jit3A_38 = arith.constant 0.000000e+00 : f32
        %select_n3A = arith.select %lt3A_37, %jit3A, %jit3A_38 : f32
        %get3A = arith.index_cast %scan3A_35 : i32 to index
        %get3A_39 = arith.constant 0 : index
        %get3A_40 = tpu.vector_load %arg13[%get3A, %get3A_39] {strides = array<i32>} : memref<128x128xf32, #tpu.memory_space<vmem>>, vector<16xf32>,
        %get3A_41 = arith.index_cast %scan3A_35 : i32 to index
        %get3A_42 = arith.constant 0 : index
        %get3A_43 = tpu.vector_load %arg14[%get3A_41, %get3A_42] {strides = array<i32>} : memref<128x128xf32, #tpu.memory_space<vmem>>, vector<16xf32>,
        %add3A_44 = arith.addf %get3A_40, %get3A_43 : vector<16xf32>
        %max3A = arith.constant 0.000000e+00 : f32
        %max3A_45 = vector.broadcast %max3A : f32 to vector<16xf32>
        %max3A_46 = arith.maximumf %add3A_44, %max3A_45 : vector<16xf32>
        %mul3A_47 = vector.broadcast %select_n3A : f32 to vector<16xf32>
        %mul3A_48 = arith.mulf %max3A_46, %mul3A_47 : vector<16xf32>
        %swap3A = arith.index_cast %scan3A_35 : i32 to index
        %swap3A_49 = arith.constant 0 : index
        %swap3A_50 = tpu.vector_load %arg13[%swap3A, %swap3A_49] {strides = array<i32>} : memref<128x128xf32, #tpu.memory_space<vmem>>, vector<16xf32>,
        tpu.vector_store %arg13[%swap3A, %swap3A_49], %mul3A_48 {strides = array<i32>} : memref<128x128xf32, #tpu.memory_space<vmem>>, vector<16xf32>,
        %get3A_51 = arith.index_cast %scan3A_35 : i32 to index
        %get3A_52 = arith.constant 16 : index
        %get3A_53 = tpu.vector_load %arg13[%get3A_51, %get3A_52] {strides = array<i32>} : memref<128x128xf32, #tpu.memory_space<vmem>>, vector<16xf32>,
        %get3A_54 = arith.index_cast %scan3A_35 : i32 to index
        %get3A_55 = arith.constant 16 : index
        %get3A_56 = tpu.vector_load %arg14[%get3A_54, %get3A_55] {strides = array<i32>} : memref<128x128xf32, #tpu.memory_space<vmem>>, vector<16xf32>,
        %add3A_57 = arith.addf %get3A_53, %get3A_56 : vector<16xf32>
        %max3A_58 = arith.constant 0.000000e+00 : f32
        %max3A_59 = vector.broadcast %max3A_58 : f32 to vector<16xf32>
        %max3A_60 = arith.maximumf %add3A_57, %max3A_59 : vector<16xf32>
        %mul3A_61 = vector.broadcast %select_n3A : f32 to vector<16xf32>
        %mul3A_62 = arith.mulf %max3A_60, %mul3A_61 : vector<16xf32>
        %swap3A_63 = arith.index_cast %scan3A_35 : i32 to index
        %swap3A_64 = arith.constant 16 : index
        %swap3A_65 = tpu.vector_load %arg13[%swap3A_63, %swap3A_64] {strides = array<i32>} : memref<128x128xf32, #tpu.memory_space<vmem>>, vector<16xf32>,
        tpu.vector_store %arg13[%swap3A_63, %swap3A_64], %mul3A_62 {strides = array<i32>} : memref<128x128xf32, #tpu.memory_space<vmem>>, vector<16xf32>,
        %get3A_66 = arith.index_cast %scan3A_35 : i32 to index
        %get3A_67 = arith.constant 32 : index
        %get3A_68 = tpu.vector_load %arg13[%get3A_66, %get3A_67] {strides = array<i32>} : memref<128x128xf32, #tpu.memory_space<vmem>>, vector<16xf32>,
        %get3A_69 = arith.index_cast %scan3A_35 : i32 to index
        %get3A_70 = arith.constant 32 : index
        %get3A_71 = tpu.vector_load %arg14[%get3A_69, %get3A_70] {strides = array<i32>} : memref<128x128xf32, #tpu.memory_space<vmem>>, vector<16xf32>,
        %add3A_72 = arith.addf %get3A_68, %get3A_71 : vector<16xf32>
        %max3A_73 = arith.constant 0.000000e+00 : f32
        %max3A_74 = vector.broadcast %max3A_73 : f32 to vector<16xf32>
        %max3A_75 = arith.maximumf %add3A_72, %max3A_74 : vector<16xf32>
        %mul3A_76 = vector.broadcast %select_n3A : f32 to vector<16xf32>
        %mul3A_77 = arith.mulf %max3A_75, %mul3A_76 : vector<16xf32>
        %swap3A_78 = arith.index_cast %scan3A_35 : i32 to index
        %swap3A_79 = arith.constant 32 : index
        %swap3A_80 = tpu.vector_load %arg13[%swap3A_78, %swap3A_79] {strides = array<i32>} : memref<128x128xf32, #tpu.memory_space<vmem>>, vector<16xf32>,
        tpu.vector_store %arg13[%swap3A_78, %swap3A_79], %mul3A_77 {strides = array<i32>} : memref<128x128xf32, #tpu.memory_space<vmem>>, vector<16xf32>,
        %get3A_81 = arith.index_cast %scan3A_35 : i32 to index
        %get3A_82 = arith.constant 48 : index
        %get3A_83 = tpu.vector_load %arg13[%get3A_81, %get3A_82] {strides = array<i32>} : memref<128x128xf32, #tpu.memory_space<vmem>>, vector<16xf32>,
        %get3A_84 = arith.index_cast %scan3A_35 : i32 to index
        %get3A_85 = arith.constant 48 : index
        %get3A_86 = tpu.vector_load %arg14[%get3A_84, %get3A_85] {strides = array<i32>} : memref<128x128xf32, #tpu.memory_space<vmem>>, vector<16xf32>,
        %add3A_87 = arith.addf %get3A_83, %get3A_86 : vector<16xf32>
        %max3A_88 = arith.constant 0.000000e+00 : f32
        %max3A_89 = vector.broadcast %max3A_88 : f32 to vector<16xf32>
        %max3A_90 = arith.maximumf %add3A_87, %max3A_89 : vector<16xf32>
        %mul3A_91 = vector.broadcast %select_n3A : f32 to vector<16xf32>
        %mul3A_92 = arith.mulf %max3A_90, %mul3A_91 : vector<16xf32>
        %swap3A_93 = arith.index_cast %scan3A_35 : i32 to index
        %swap3A_94 = arith.constant 48 : index
        %swap3A_95 = tpu.vector_load %arg13[%swap3A_93, %swap3A_94] {strides = array<i32>} : memref<128x128xf32, #tpu.memory_space<vmem>>, vector<16xf32>,
        tpu.vector_store %arg13[%swap3A_93, %swap3A_94], %mul3A_92 {strides = array<i32>} : memref<128x128xf32, #tpu.memory_space<vmem>>, vector<16xf32>,
        %get3A_96 = arith.index_cast %scan3A_35 : i32 to index
        %get3A_97 = arith.constant 64 : index
        %get3A_98 = tpu.vector_load %arg13[%get3A_96, %get3A_97] {strides = array<i32>} : memref<128x128xf32, #tpu.memory_space<vmem>>, vector<16xf32>,
        %get3A_99 = arith.index_cast %scan3A_35 : i32 to index
        %get3A_100 = arith.constant 64 : index
        %get3A_101 = tpu.vector_load %arg14[%get3A_99, %get3A_100] {strides = array<i32>} : memref<128x128xf32, #tpu.memory_space<vmem>>, vector<16xf32>,
        %add3A_102 = arith.addf %get3A_98, %get3A_101 : vector<16xf32>
        %max3A_103 = arith.constant 0.000000e+00 : f32
        %max3A_104 = vector.broadcast %max3A_103 : f32 to vector<16xf32>
        %max3A_105 = arith.maximumf %add3A_102, %max3A_104 : vector<16xf32>
        %mul3A_106 = vector.broadcast %select_n3A : f32 to vector<16xf32>
        %mul3A_107 = arith.mulf %max3A_105, %mul3A_106 : vector<16xf32>
        %swap3A_108 = arith.index_cast %scan3A_35 : i32 to index
        %swap3A_109 = arith.constant 64 : index
        %swap3A_110 = tpu.vector_load %arg13[%swap3A_108, %swap3A_109] {strides = array<i32>} : memref<128x128xf32, #tpu.memory_space<vmem>>, vector<16xf32>,
        tpu.vector_store %arg13[%swap3A_108, %swap3A_109], %mul3A_107 {strides = array<i32>} : memref<128x128xf32, #tpu.memory_space<vmem>>, vector<16xf32>,
        %get3A_111 = arith.index_cast %scan3A_35 : i32 to index
        %get3A_112 = arith.constant 80 : index
        %get3A_113 = tpu.vector_load %arg13[%get3A_111, %get3A_112] {strides = array<i32>} : memref<128x128xf32, #tpu.memory_space<vmem>>, vector<16xf32>,
        %get3A_114 = arith.index_cast %scan3A_35 : i32 to index
        %get3A_115 = arith.constant 80 : index
        %get3A_116 = tpu.vector_load %arg14[%get3A_114, %get3A_115] {strides = array<i32>} : memref<128x128xf32, #tpu.memory_space<vmem>>, vector<16xf32>,
        %add3A_117 = arith.addf %get3A_113, %get3A_116 : vector<16xf32>
        %max3A_118 = arith.constant 0.000000e+00 : f32
        %max3A_119 = vector.broadcast %max3A_118 : f32 to vector<16xf32>
        %max3A_120 = arith.maximumf %add3A_117, %max3A_119 : vector<16xf32>
        %mul3A_121 = vector.broadcast %select_n3A : f32 to vector<16xf32>
        %mul3A_122 = arith.mulf %max3A_120, %mul3A_121 : vector<16xf32>
        %swap3A_123 = arith.index_cast %scan3A_35 : i32 to index
        %swap3A_124 = arith.constant 80 : index
        %swap3A_125 = tpu.vector_load %arg13[%swap3A_123, %swap3A_124] {strides = array<i32>} : memref<128x128xf32, #tpu.memory_space<vmem>>, vector<16xf32>,
        tpu.vector_store %arg13[%swap3A_123, %swap3A_124], %mul3A_122 {strides = array<i32>} : memref<128x128xf32, #tpu.memory_space<vmem>>, vector<16xf32>,
        %get3A_126 = arith.index_cast %scan3A_35 : i32 to index
        %get3A_127 = arith.constant 96 : index
        %get3A_128 = tpu.vector_load %arg13[%get3A_126, %get3A_127] {strides = array<i32>} : memref<128x128xf32, #tpu.memory_space<vmem>>, vector<16xf32>,
        %get3A_129 = arith.index_cast %scan3A_35 : i32 to index
        %get3A_130 = arith.constant 96 : index
        %get3A_131 = tpu.vector_load %arg14[%get3A_129, %get3A_130] {strides = array<i32>} : memref<128x128xf32, #tpu.memory_space<vmem>>, vector<16xf32>,
        %add3A_132 = arith.addf %get3A_128, %get3A_131 : vector<16xf32>
        %max3A_133 = arith.constant 0.000000e+00 : f32
        %max3A_134 = vector.broadcast %max3A_133 : f32 to vector<16xf32>
        %max3A_135 = arith.maximumf %add3A_132, %max3A_134 : vector<16xf32>
        %mul3A_136 = vector.broadcast %select_n3A : f32 to vector<16xf32>
        %mul3A_137 = arith.mulf %max3A_135, %mul3A_136 : vector<16xf32>
        %swap3A_138 = arith.index_cast %scan3A_35 : i32 to index
        %swap3A_139 = arith.constant 96 : index
        %swap3A_140 = tpu.vector_load %arg13[%swap3A_138, %swap3A_139] {strides = array<i32>} : memref<128x128xf32, #tpu.memory_space<vmem>>, vector<16xf32>,
        tpu.vector_store %arg13[%swap3A_138, %swap3A_139], %mul3A_137 {strides = array<i32>} : memref<128x128xf32, #tpu.memory_space<vmem>>, vector<16xf32>,
        %get3A_141 = arith.index_cast %scan3A_35 : i32 to index
        %get3A_142 = arith.constant 112 : index
        %get3A_143 = tpu.vector_load %arg13[%get3A_141, %get3A_142] {strides = array<i32>} : memref<128x128xf32, #tpu.memory_space<vmem>>, vector<16xf32>,
        %get3A_144 = arith.index_cast %scan3A_35 : i32 to index
        %get3A_145 = arith.constant 112 : index
        %get3A_146 = tpu.vector_load %arg14[%get3A_144, %get3A_145] {strides = array<i32>} : memref<128x128xf32, #tpu.memory_space<vmem>>, vector<16xf32>,
        %add3A_147 = arith.addf %get3A_143, %get3A_146 : vector<16xf32>
        %max3A_148 = arith.constant 0.000000e+00 : f32
        %max3A_149 = vector.broadcast %max3A_148 : f32 to vector<16xf32>
        %max3A_150 = arith.maximumf %add3A_147, %max3A_149 : vector<16xf32>
        %mul3A_151 = vector.broadcast %select_n3A : f32 to vector<16xf32>
        %mul3A_152 = arith.mulf %max3A_150, %mul3A_151 : vector<16xf32>
        %swap3A_153 = arith.index_cast %scan3A_35 : i32 to index
        %swap3A_154 = arith.constant 112 : index
        %swap3A_155 = tpu.vector_load %arg13[%swap3A_153, %swap3A_154] {strides = array<i32>} : memref<128x128xf32, #tpu.memory_space<vmem>>, vector<16xf32>,
        tpu.vector_store %arg13[%swap3A_153, %swap3A_154], %mul3A_152 {strides = array<i32>} : memref<128x128xf32, #tpu.memory_space<vmem>>, vector<16xf32>,
      }
      %scan3A_34 = arith.constant 128 : i32
      "tpu.region"() ({
        %run_scoped3A = tpu.sem_alloc : memref<!tpu.dma_semaphore, #tpu.memory_space<semaphore_mem>>
        %dma_start3A_35 = arith.constant 0 : i32
        %dma_start3A_36 = arith.constant 0 : i32
        %dma_start3A_37 = tpu.memref_slice %arg9[%dma_start3A_35, %dma_start3A_36] : memref<10112x128xf32, #tpu.memory_space<vmem_shared>> -> memref<10112x128xf32, #tpu.memory_space<vmem_shared>>
        tpu.enqueue_indirect_dma source(%arg13 : memref<128x128xf32, #tpu.memory_space<vmem>>) target(%dma_start3A_37 : memref<10112x128xf32, #tpu.memory_space<vmem_shared>>) offsets(%arg11 : memref<128xi32, #tpu.memory_space<vmem>>) semaphore(%run_scoped3A : memref<!tpu.dma_semaphore, #tpu.memory_space<semaphore_mem>>) {add = true}
        %dma_wait3A_38 = arith.constant 0 : i32
        %dma_wait3A_39 = arith.constant 0 : i32
        %dma_wait3A_40 = tpu.memref_slice %arg9[%dma_wait3A_38, %dma_wait3A_39] : memref<10112x128xf32, #tpu.memory_space<vmem_shared>> -> memref<10112x128xf32, #tpu.memory_space<vmem_shared>>
        tpu.wait_indirect_dma semaphore(%run_scoped3A : memref<!tpu.dma_semaphore, #tpu.memory_space<semaphore_mem>>) src(%arg13 : memref<128x128xf32, #tpu.memory_space<vmem>>) dst(%dma_wait3A_40 : memref<10112x128xf32, #tpu.memory_space<vmem_shared>>)
        tpu.yield
      }) : () -> ()
    }
    %scan3A_9 = arith.constant 40 : i32
    %barrier3A_10 = arith.constant 0 : index
    tpu.barrier barrier_id(%barrier3A_10)
    %mul3A_11 = arith.constant 632 : i32
    %mul3A_12 = arith.muli %arg1, %mul3A_11 : i32
    %mul3A_13 = arith.constant 632 : i32
    %mul3A_14 = arith.muli %arg1, %mul3A_13 : i32
    "tpu.region"() ({
      %run_scoped3A = tpu.sem_alloc : memref<!tpu.dma_semaphore, #tpu.memory_space<semaphore_mem>>
      %dma_start3A = arith.constant 0 : i32
      %dma_start3A_15 = tpu.memref_slice %arg8[%arg0, %mul3A_14, %dma_start3A] : memref<2x10112x128xf32, #tpu.memory_space<hbm>> -> memref<1x632x128xf32, #tpu.memory_space<hbm>>
      %dma_start3A_16 = tpu.memref_squeeze %dma_start3A_15 : memref<1x632x128xf32, #tpu.memory_space<hbm>> -> memref<632x128xf32, #tpu.memory_space<hbm>>
      %dma_start3A_17 = arith.constant 0 : i32
      %dma_start3A_18 = tpu.memref_slice %arg9[%mul3A_12, %dma_start3A_17] : memref<10112x128xf32, #tpu.memory_space<vmem_shared>> -> memref<632x128xf32, #tpu.memory_space<vmem_shared>>
      tpu.enqueue_dma source(%dma_start3A_18 : memref<632x128xf32, #tpu.memory_space<vmem_shared>>) target(%dma_start3A_16 : memref<632x128xf32, #tpu.memory_space<hbm>>) target_semaphore(%run_scoped3A : memref<!tpu.dma_semaphore, #tpu.memory_space<semaphore_mem>>)
      %dma_wait3A = arith.constant 0 : i32
      %dma_wait3A_19 = tpu.memref_slice %arg8[%arg0, %mul3A_14, %dma_wait3A] : memref<2x10112x128xf32, #tpu.memory_space<hbm>> -> memref<1x632x128xf32, #tpu.memory_space<hbm>>
      %dma_wait3A_20 = tpu.memref_squeeze %dma_wait3A_19 : memref<1x632x128xf32, #tpu.memory_space<hbm>> -> memref<632x128xf32, #tpu.memory_space<hbm>>
      %dma_wait3A_21 = arith.constant 0 : i32
      %dma_wait3A_22 = tpu.memref_slice %arg9[%mul3A_12, %dma_wait3A_21] : memref<10112x128xf32, #tpu.memory_space<vmem_shared>> -> memref<632x128xf32, #tpu.memory_space<vmem_shared>>
      tpu.wait_dma2 semaphore(%run_scoped3A : memref<!tpu.dma_semaphore, #tpu.memory_space<semaphore_mem>>) src(%dma_wait3A_22 : memref<632x128xf32, #tpu.memory_space<vmem_shared>>) dst(%dma_wait3A_20 : memref<632x128xf32, #tpu.memory_space<hbm>>)
      tpu.yield
    }) : () -> ()
    return
  }
}

module attributes {stable_mosaic.version = 14 : i64} {
  func.func @_tables_body(%arg0: memref<3x5x128xf32, #tpu.memory_space<vmem>>, %arg1: memref<128x1xf32, #tpu.memory_space<vmem>>, %arg2: memref<1xf32, #tpu.memory_space<vmem>>, %arg3: memref<3x3x5x128xf32, #tpu.memory_space<vmem>>, %arg4: memref<128x1xf32, #tpu.memory_space<vmem>>, %arg5: memref<3x128x128xf32, #tpu.memory_space<vmem>>) attributes {dimension_semantics = [], scalar_prefetch = 0 : i64, scratch_operands = 0 : i64, tpu.core_type = #tpu.core_type<tc>} {
    %iota3A = tpu.iota {dimensions = array<i32: 0>} : vector<128x1xi32>
    %iota3A_0 = tpu.iota {dimensions = array<i32: 1>} : vector<128x5xi32>
    %jit3A = arith.constant 25 : i32
    %div3A = vector.broadcast %jit3A : i32 to vector<128x1xi32>
    %div3A_1 = arith.divsi %iota3A, %div3A : vector<128x1xi32>
    %sign3A = arith.constant 0 : i32
    %sign3A_2 = vector.broadcast %sign3A : i32 to vector<128x1xi32>
    %sign3A_3 = arith.cmpi sgt, %iota3A, %sign3A_2 : vector<128x1xi32>
    %sign3A_4 = arith.extui %sign3A_3 : vector<128x1xi1> to vector<128x1xi32>
    %sign3A_5 = arith.constant 0 : i32
    %sign3A_6 = vector.broadcast %sign3A_5 : i32 to vector<128x1xi32>
    %sign3A_7 = arith.cmpi slt, %iota3A, %sign3A_6 : vector<128x1xi32>
    %sign3A_8 = arith.extui %sign3A_7 : vector<128x1xi1> to vector<128x1xi32>
    %sign3A_9 = arith.subi %sign3A_4, %sign3A_8 : vector<128x1xi32>
    %sign3A_10 = arith.constant 0 : i32
    %sign3A_11 = arith.cmpi sgt, %jit3A, %sign3A_10 : i32
    %sign3A_12 = arith.extui %sign3A_11 : i1 to i32
    %sign3A_13 = arith.constant 0 : i32
    %sign3A_14 = arith.cmpi slt, %jit3A, %sign3A_13 : i32
    %sign3A_15 = arith.extui %sign3A_14 : i1 to i32
    %sign3A_16 = arith.subi %sign3A_12, %sign3A_15 : i32
    %ne3A = vector.broadcast %sign3A_16 : i32 to vector<128x1xi32>
    %ne3A_17 = arith.cmpi ne, %sign3A_9, %ne3A : vector<128x1xi32>
    %rem3A = vector.broadcast %jit3A : i32 to vector<128x1xi32>
    %rem3A_18 = arith.remsi %iota3A, %rem3A : vector<128x1xi32>
    %ne3A_19 = arith.constant 0 : i32
    %ne3A_20 = vector.broadcast %ne3A_19 : i32 to vector<128x1xi32>
    %ne3A_21 = arith.cmpi ne, %rem3A_18, %ne3A_20 : vector<128x1xi32>
    %and3A = arith.andi %ne3A_17, %ne3A_21 : vector<128x1xi1>
    %sub3A = arith.constant 1 : i32
    %sub3A_22 = vector.broadcast %sub3A : i32 to vector<128x1xi32>
    %sub3A_23 = arith.subi %div3A_1, %sub3A_22 : vector<128x1xi32>
    %select_n3A = arith.select %and3A, %sub3A_23, %div3A_1 : vector<128x1xi1>, vector<128x1xi32>
    %eq3A = vector.broadcast %select_n3A : vector<128x1xi32> to vector<128x5xi32>
    %eq3A_24 = arith.cmpi eq, %eq3A, %iota3A_0 : vector<128x5xi32>
    %convert_element_type3A = arith.extui %eq3A_24 : vector<128x5xi1> to vector<128x5xi32>
    %convert_element_type3A_25 = arith.sitofp %convert_element_type3A : vector<128x5xi32> to vector<128x5xf32>
    %jit3A_26 = arith.constant 5 : i32
    %div3A_27 = vector.broadcast %jit3A_26 : i32 to vector<128x1xi32>
    %div3A_28 = arith.divsi %iota3A, %div3A_27 : vector<128x1xi32>
    %sign3A_29 = arith.constant 0 : i32
    %sign3A_30 = vector.broadcast %sign3A_29 : i32 to vector<128x1xi32>
    %sign3A_31 = arith.cmpi sgt, %iota3A, %sign3A_30 : vector<128x1xi32>
    %sign3A_32 = arith.extui %sign3A_31 : vector<128x1xi1> to vector<128x1xi32>
    %sign3A_33 = arith.constant 0 : i32
    %sign3A_34 = vector.broadcast %sign3A_33 : i32 to vector<128x1xi32>
    %sign3A_35 = arith.cmpi slt, %iota3A, %sign3A_34 : vector<128x1xi32>
    %sign3A_36 = arith.extui %sign3A_35 : vector<128x1xi1> to vector<128x1xi32>
    %sign3A_37 = arith.subi %sign3A_32, %sign3A_36 : vector<128x1xi32>
    %sign3A_38 = arith.constant 0 : i32
    %sign3A_39 = arith.cmpi sgt, %jit3A_26, %sign3A_38 : i32
    %sign3A_40 = arith.extui %sign3A_39 : i1 to i32
    %sign3A_41 = arith.constant 0 : i32
    %sign3A_42 = arith.cmpi slt, %jit3A_26, %sign3A_41 : i32
    %sign3A_43 = arith.extui %sign3A_42 : i1 to i32
    %sign3A_44 = arith.subi %sign3A_40, %sign3A_43 : i32
    %ne3A_45 = vector.broadcast %sign3A_44 : i32 to vector<128x1xi32>
    %ne3A_46 = arith.cmpi ne, %sign3A_37, %ne3A_45 : vector<128x1xi32>
    %rem3A_47 = vector.broadcast %jit3A_26 : i32 to vector<128x1xi32>
    %rem3A_48 = arith.remsi %iota3A, %rem3A_47 : vector<128x1xi32>
    %ne3A_49 = arith.constant 0 : i32
    %ne3A_50 = vector.broadcast %ne3A_49 : i32 to vector<128x1xi32>
    %ne3A_51 = arith.cmpi ne, %rem3A_48, %ne3A_50 : vector<128x1xi32>
    %and3A_52 = arith.andi %ne3A_46, %ne3A_51 : vector<128x1xi1>
    %sub3A_53 = arith.constant 1 : i32
    %sub3A_54 = vector.broadcast %sub3A_53 : i32 to vector<128x1xi32>
    %sub3A_55 = arith.subi %div3A_28, %sub3A_54 : vector<128x1xi32>
    %select_n3A_56 = arith.select %and3A_52, %sub3A_55, %div3A_28 : vector<128x1xi1>, vector<128x1xi32>
    %jit3A_57 = arith.constant 5 : i32
    %eq3A_58 = arith.constant 0 : i32
    %eq3A_59 = arith.cmpi eq, %jit3A_57, %eq3A_58 : i32
    %jit3A_60 = arith.constant 1 : i32
    %select_n3A_61 = arith.select %eq3A_59, %jit3A_60, %jit3A_57 : i32
    %rem3A_62 = vector.broadcast %select_n3A_61 : i32 to vector<128x1xi32>
    %rem3A_63 = arith.remsi %select_n3A_56, %rem3A_62 : vector<128x1xi32>
    %ne3A_64 = arith.constant 0 : i32
    %ne3A_65 = vector.broadcast %ne3A_64 : i32 to vector<128x1xi32>
    %ne3A_66 = arith.cmpi ne, %rem3A_63, %ne3A_65 : vector<128x1xi32>
    %lt3A = arith.constant 0 : i32
    %lt3A_67 = vector.broadcast %lt3A : i32 to vector<128x1xi32>
    %lt3A_68 = arith.cmpi slt, %rem3A_63, %lt3A_67 : vector<128x1xi32>
    %lt3A_69 = arith.constant 0 : i32
    %lt3A_70 = arith.cmpi slt, %select_n3A_61, %lt3A_69 : i32
    %ne3A_71 = vector.broadcast %lt3A_70 : i1 to vector<128x1xi1>
    %ne3A_72 = vector.broadcast %ne3A_71 : vector<128x1xi1> to vector<128x1xi1>
    %ne3A_73 = arith.xori %lt3A_68, %ne3A_72 : vector<128x1xi1>
    %and3A_74 = arith.andi %ne3A_73, %ne3A_66 : vector<128x1xi1>
    %add3A = vector.broadcast %select_n3A_61 : i32 to vector<128x1xi32>
    %add3A_75 = arith.addi %rem3A_63, %add3A : vector<128x1xi32>
    %select_n3A_76 = arith.select %and3A_74, %add3A_75, %rem3A_63 : vector<128x1xi1>, vector<128x1xi32>
    %eq3A_77 = vector.broadcast %select_n3A_76 : vector<128x1xi32> to vector<128x5xi32>
    %eq3A_78 = arith.cmpi eq, %eq3A_77, %iota3A_0 : vector<128x5xi32>
    %convert_element_type3A_79 = arith.extui %eq3A_78 : vector<128x5xi1> to vector<128x5xi32>
    %convert_element_type3A_80 = arith.sitofp %convert_element_type3A_79 : vector<128x5xi32> to vector<128x5xf32>
    %jit3A_81 = arith.constant 5 : i32
    %eq3A_82 = arith.constant 0 : i32
    %eq3A_83 = arith.cmpi eq, %jit3A_81, %eq3A_82 : i32
    %jit3A_84 = arith.constant 1 : i32
    %select_n3A_85 = arith.select %eq3A_83, %jit3A_84, %jit3A_81 : i32
    %rem3A_86 = vector.broadcast %select_n3A_85 : i32 to vector<128x1xi32>
    %rem3A_87 = arith.remsi %iota3A, %rem3A_86 : vector<128x1xi32>
    %ne3A_88 = arith.constant 0 : i32
    %ne3A_89 = vector.broadcast %ne3A_88 : i32 to vector<128x1xi32>
    %ne3A_90 = arith.cmpi ne, %rem3A_87, %ne3A_89 : vector<128x1xi32>
    %lt3A_91 = arith.constant 0 : i32
    %lt3A_92 = vector.broadcast %lt3A_91 : i32 to vector<128x1xi32>
    %lt3A_93 = arith.cmpi slt, %rem3A_87, %lt3A_92 : vector<128x1xi32>
    %lt3A_94 = arith.constant 0 : i32
    %lt3A_95 = arith.cmpi slt, %select_n3A_85, %lt3A_94 : i32
    %ne3A_96 = vector.broadcast %lt3A_95 : i1 to vector<128x1xi1>
    %ne3A_97 = vector.broadcast %ne3A_96 : vector<128x1xi1> to vector<128x1xi1>
    %ne3A_98 = arith.xori %lt3A_93, %ne3A_97 : vector<128x1xi1>
    %and3A_99 = arith.andi %ne3A_98, %ne3A_90 : vector<128x1xi1>
    %add3A_100 = vector.broadcast %select_n3A_85 : i32 to vector<128x1xi32>
    %add3A_101 = arith.addi %rem3A_87, %add3A_100 : vector<128x1xi32>
    %select_n3A_102 = arith.select %and3A_99, %add3A_101, %rem3A_87 : vector<128x1xi1>, vector<128x1xi32>
    %eq3A_103 = vector.broadcast %select_n3A_102 : vector<128x1xi32> to vector<128x5xi32>
    %eq3A_104 = arith.cmpi eq, %eq3A_103, %iota3A_0 : vector<128x5xi32>
    %convert_element_type3A_105 = arith.extui %eq3A_104 : vector<128x5xi1> to vector<128x5xi32>
    %convert_element_type3A_106 = arith.sitofp %convert_element_type3A_105 : vector<128x5xi32> to vector<128x5xf32>
    %get3A = arith.constant 0 : index
    %get3A_107 = arith.constant 0 : index
    %get3A_108 = arith.constant 0 : index
    %get3A_109 = vector.load %arg0[%get3A, %get3A_107, %get3A_108] : memref<3x5x128xf32, #tpu.memory_space<vmem>>, vector<1x5x128xf32>
    %get3A_110 = vector.shape_cast %get3A_109 : vector<1x5x128xf32> to vector<5x128xf32>
    %dot_general3A = arith.constant dense<0.000000e+00> : vector<128x128xf32>
    %dot_general3A_111 = tpu.matmul %convert_element_type3A_25, %get3A_110, %dot_general3A {dimension_numbers = #tpu.dot_dimension_numbers<[1], [0], [0], [1], [0, 0, 1, 1], [], []>, precision = #tpu.contract_precision<fp32>, transpose_lhs_hint = false} : vector<128x5xf32>, vector<5x128xf32>, vector<128x128xf32> -> vector<128x128xf32>
    %get3A_112 = arith.constant 1 : index
    %get3A_113 = arith.constant 0 : index
    %get3A_114 = arith.constant 0 : index
    %get3A_115 = vector.load %arg0[%get3A_112, %get3A_113, %get3A_114] : memref<3x5x128xf32, #tpu.memory_space<vmem>>, vector<1x5x128xf32>
    %get3A_116 = vector.shape_cast %get3A_115 : vector<1x5x128xf32> to vector<5x128xf32>
    %dot_general3A_117 = arith.constant dense<0.000000e+00> : vector<128x128xf32>
    %dot_general3A_118 = tpu.matmul %convert_element_type3A_80, %get3A_116, %dot_general3A_117 {dimension_numbers = #tpu.dot_dimension_numbers<[1], [0], [0], [1], [0, 0, 1, 1], [], []>, precision = #tpu.contract_precision<fp32>, transpose_lhs_hint = false} : vector<128x5xf32>, vector<5x128xf32>, vector<128x128xf32> -> vector<128x128xf32>
    %add3A_119 = arith.addf %dot_general3A_111, %dot_general3A_118 : vector<128x128xf32>
    %get3A_120 = arith.constant 2 : index
    %get3A_121 = arith.constant 0 : index
    %get3A_122 = arith.constant 0 : index
    %get3A_123 = vector.load %arg0[%get3A_120, %get3A_121, %get3A_122] : memref<3x5x128xf32, #tpu.memory_space<vmem>>, vector<1x5x128xf32>
    %get3A_124 = vector.shape_cast %get3A_123 : vector<1x5x128xf32> to vector<5x128xf32>
    %dot_general3A_125 = arith.constant dense<0.000000e+00> : vector<128x128xf32>
    %dot_general3A_126 = tpu.matmul %convert_element_type3A_106, %get3A_124, %dot_general3A_125 {dimension_numbers = #tpu.dot_dimension_numbers<[1], [0], [0], [1], [0, 0, 1, 1], [], []>, precision = #tpu.contract_precision<fp32>, transpose_lhs_hint = false} : vector<128x5xf32>, vector<5x128xf32>, vector<128x128xf32> -> vector<128x128xf32>
    %add3A_127 = arith.addf %add3A_119, %dot_general3A_126 : vector<128x128xf32>
    %get3A_128 = arith.constant 0 : index
    %get3A_129 = arith.constant 0 : index
    %get3A_130 = vector.load %arg1[%get3A_128, %get3A_129] : memref<128x1xf32, #tpu.memory_space<vmem>>, vector<128x1xf32>
    %dot_general3A_131 = arith.constant dense<0.000000e+00> : vector<128x1xf32>
    %dot_general3A_132 = tpu.matmul %add3A_127, %get3A_130, %dot_general3A_131 {dimension_numbers = #tpu.dot_dimension_numbers<[1], [0], [0], [1], [0, 0, 1, 1], [], []>, precision = #tpu.contract_precision<fp32>, transpose_lhs_hint = false} : vector<128x128xf32>, vector<128x1xf32>, vector<128x1xf32> -> vector<128x1xf32>
    %get3A_133 = arith.constant 0 : index
    %get3A_134 = vector.load %arg2[%get3A_133] : memref<1xf32, #tpu.memory_space<vmem>>, vector<1xf32>
    %get3A_135 = vector.extract %get3A_134[0] : f32 from vector<1xf32>
    %add3A_136 = vector.broadcast %get3A_135 : f32 to vector<128x1xf32>
    %add3A_137 = arith.addf %dot_general3A_132, %add3A_136 : vector<128x1xf32>
    %logistic3A = arith.negf %add3A_137 : vector<128x1xf32>
    %logistic3A_138 = math.exp %logistic3A : vector<128x1xf32>
    %logistic3A_139 = arith.constant 1.000000e+00 : f32
    %logistic3A_140 = vector.broadcast %logistic3A_139 : f32 to vector<128x1xf32>
    %logistic3A_141 = arith.addf %logistic3A_140, %logistic3A_138 : vector<128x1xf32>
    %logistic3A_142 = arith.divf %logistic3A_140, %logistic3A_141 : vector<128x1xf32>
    %swap3A = arith.constant 0 : index
    %swap3A_143 = arith.constant 0 : index
    %swap3A_144 = vector.load %arg4[%swap3A, %swap3A_143] : memref<128x1xf32, #tpu.memory_space<vmem>>, vector<128x1xf32>
    tpu.vector_store %arg4[%swap3A, %swap3A_143], %logistic3A_142 {strides = array<i32>} : memref<128x1xf32, #tpu.memory_space<vmem>>, vector<128x1xf32>,
    %get3A_145 = arith.constant 0 : index
    %get3A_146 = arith.constant 0 : index
    %get3A_147 = arith.constant 0 : index
    %get3A_148 = arith.constant 0 : index
    %get3A_149 = vector.load %arg3[%get3A_145, %get3A_146, %get3A_147, %get3A_148] : memref<3x3x5x128xf32, #tpu.memory_space<vmem>>, vector<1x1x5x128xf32>
    %get3A_150 = vector.shape_cast %get3A_149 : vector<1x1x5x128xf32> to vector<5x128xf32>
    %dot_general3A_151 = arith.constant dense<0.000000e+00> : vector<128x128xf32>
    %dot_general3A_152 = tpu.matmul %convert_element_type3A_25, %get3A_150, %dot_general3A_151 {dimension_numbers = #tpu.dot_dimension_numbers<[1], [0], [0], [1], [0, 0, 1, 1], [], []>, precision = #tpu.contract_precision<fp32>, transpose_lhs_hint = false} : vector<128x5xf32>, vector<5x128xf32>, vector<128x128xf32> -> vector<128x128xf32>
    %get3A_153 = arith.constant 0 : index
    %get3A_154 = arith.constant 1 : index
    %get3A_155 = arith.constant 0 : index
    %get3A_156 = arith.constant 0 : index
    %get3A_157 = vector.load %arg3[%get3A_153, %get3A_154, %get3A_155, %get3A_156] : memref<3x3x5x128xf32, #tpu.memory_space<vmem>>, vector<1x1x5x128xf32>
    %get3A_158 = vector.shape_cast %get3A_157 : vector<1x1x5x128xf32> to vector<5x128xf32>
    %dot_general3A_159 = arith.constant dense<0.000000e+00> : vector<128x128xf32>
    %dot_general3A_160 = tpu.matmul %convert_element_type3A_80, %get3A_158, %dot_general3A_159 {dimension_numbers = #tpu.dot_dimension_numbers<[1], [0], [0], [1], [0, 0, 1, 1], [], []>, precision = #tpu.contract_precision<fp32>, transpose_lhs_hint = false} : vector<128x5xf32>, vector<5x128xf32>, vector<128x128xf32> -> vector<128x128xf32>
    %add3A_161 = arith.addf %dot_general3A_152, %dot_general3A_160 : vector<128x128xf32>
    %get3A_162 = arith.constant 0 : index
    %get3A_163 = arith.constant 2 : index
    %get3A_164 = arith.constant 0 : index
    %get3A_165 = arith.constant 0 : index
    %get3A_166 = vector.load %arg3[%get3A_162, %get3A_163, %get3A_164, %get3A_165] : memref<3x3x5x128xf32, #tpu.memory_space<vmem>>, vector<1x1x5x128xf32>
    %get3A_167 = vector.shape_cast %get3A_166 : vector<1x1x5x128xf32> to vector<5x128xf32>
    %dot_general3A_168 = arith.constant dense<0.000000e+00> : vector<128x128xf32>
    %dot_general3A_169 = tpu.matmul %convert_element_type3A_106, %get3A_167, %dot_general3A_168 {dimension_numbers = #tpu.dot_dimension_numbers<[1], [0], [0], [1], [0, 0, 1, 1], [], []>, precision = #tpu.contract_precision<fp32>, transpose_lhs_hint = false} : vector<128x5xf32>, vector<5x128xf32>, vector<128x128xf32> -> vector<128x128xf32>
    %add3A_170 = arith.addf %add3A_161, %dot_general3A_169 : vector<128x128xf32>
    %swap3A_171 = arith.constant 0 : index
    %swap3A_172 = arith.constant 0 : index
    %swap3A_173 = arith.constant 0 : index
    %swap3A_174 = vector.load %arg5[%swap3A_171, %swap3A_172, %swap3A_173] : memref<3x128x128xf32, #tpu.memory_space<vmem>>, vector<1x128x128xf32>
    %swap3A_175 = vector.shape_cast %swap3A_174 : vector<1x128x128xf32> to vector<128x128xf32>
    %swap3A_176 = vector.shape_cast %add3A_170 : vector<128x128xf32> to vector<1x128x128xf32>
    tpu.vector_store %arg5[%swap3A_171, %swap3A_172, %swap3A_173], %swap3A_176 {strides = array<i32>} : memref<3x128x128xf32, #tpu.memory_space<vmem>>, vector<1x128x128xf32>,
    %get3A_177 = arith.constant 1 : index
    %get3A_178 = arith.constant 0 : index
    %get3A_179 = arith.constant 0 : index
    %get3A_180 = arith.constant 0 : index
    %get3A_181 = vector.load %arg3[%get3A_177, %get3A_178, %get3A_179, %get3A_180] : memref<3x3x5x128xf32, #tpu.memory_space<vmem>>, vector<1x1x5x128xf32>
    %get3A_182 = vector.shape_cast %get3A_181 : vector<1x1x5x128xf32> to vector<5x128xf32>
    %dot_general3A_183 = arith.constant dense<0.000000e+00> : vector<128x128xf32>
    %dot_general3A_184 = tpu.matmul %convert_element_type3A_25, %get3A_182, %dot_general3A_183 {dimension_numbers = #tpu.dot_dimension_numbers<[1], [0], [0], [1], [0, 0, 1, 1], [], []>, precision = #tpu.contract_precision<fp32>, transpose_lhs_hint = false} : vector<128x5xf32>, vector<5x128xf32>, vector<128x128xf32> -> vector<128x128xf32>
    %get3A_185 = arith.constant 1 : index
    %get3A_186 = arith.constant 1 : index
    %get3A_187 = arith.constant 0 : index
    %get3A_188 = arith.constant 0 : index
    %get3A_189 = vector.load %arg3[%get3A_185, %get3A_186, %get3A_187, %get3A_188] : memref<3x3x5x128xf32, #tpu.memory_space<vmem>>, vector<1x1x5x128xf32>
    %get3A_190 = vector.shape_cast %get3A_189 : vector<1x1x5x128xf32> to vector<5x128xf32>
    %dot_general3A_191 = arith.constant dense<0.000000e+00> : vector<128x128xf32>
    %dot_general3A_192 = tpu.matmul %convert_element_type3A_80, %get3A_190, %dot_general3A_191 {dimension_numbers = #tpu.dot_dimension_numbers<[1], [0], [0], [1], [0, 0, 1, 1], [], []>, precision = #tpu.contract_precision<fp32>, transpose_lhs_hint = false} : vector<128x5xf32>, vector<5x128xf32>, vector<128x128xf32> -> vector<128x128xf32>
    %add3A_193 = arith.addf %dot_general3A_184, %dot_general3A_192 : vector<128x128xf32>
    %get3A_194 = arith.constant 1 : index
    %get3A_195 = arith.constant 2 : index
    %get3A_196 = arith.constant 0 : index
    %get3A_197 = arith.constant 0 : index
    %get3A_198 = vector.load %arg3[%get3A_194, %get3A_195, %get3A_196, %get3A_197] : memref<3x3x5x128xf32, #tpu.memory_space<vmem>>, vector<1x1x5x128xf32>
    %get3A_199 = vector.shape_cast %get3A_198 : vector<1x1x5x128xf32> to vector<5x128xf32>
    %dot_general3A_200 = arith.constant dense<0.000000e+00> : vector<128x128xf32>
    %dot_general3A_201 = tpu.matmul %convert_element_type3A_106, %get3A_199, %dot_general3A_200 {dimension_numbers = #tpu.dot_dimension_numbers<[1], [0], [0], [1], [0, 0, 1, 1], [], []>, precision = #tpu.contract_precision<fp32>, transpose_lhs_hint = false} : vector<128x5xf32>, vector<5x128xf32>, vector<128x128xf32> -> vector<128x128xf32>
    %add3A_202 = arith.addf %add3A_193, %dot_general3A_201 : vector<128x128xf32>
    %swap3A_203 = arith.constant 1 : index
    %swap3A_204 = arith.constant 0 : index
    %swap3A_205 = arith.constant 0 : index
    %swap3A_206 = vector.load %arg5[%swap3A_203, %swap3A_204, %swap3A_205] : memref<3x128x128xf32, #tpu.memory_space<vmem>>, vector<1x128x128xf32>
    %swap3A_207 = vector.shape_cast %swap3A_206 : vector<1x128x128xf32> to vector<128x128xf32>
    %swap3A_208 = vector.shape_cast %add3A_202 : vector<128x128xf32> to vector<1x128x128xf32>
    tpu.vector_store %arg5[%swap3A_203, %swap3A_204, %swap3A_205], %swap3A_208 {strides = array<i32>} : memref<3x128x128xf32, #tpu.memory_space<vmem>>, vector<1x128x128xf32>,
    %get3A_209 = arith.constant 2 : index
    %get3A_210 = arith.constant 0 : index
    %get3A_211 = arith.constant 0 : index
    %get3A_212 = arith.constant 0 : index
    %get3A_213 = vector.load %arg3[%get3A_209, %get3A_210, %get3A_211, %get3A_212] : memref<3x3x5x128xf32, #tpu.memory_space<vmem>>, vector<1x1x5x128xf32>
    %get3A_214 = vector.shape_cast %get3A_213 : vector<1x1x5x128xf32> to vector<5x128xf32>
    %dot_general3A_215 = arith.constant dense<0.000000e+00> : vector<128x128xf32>
    %dot_general3A_216 = tpu.matmul %convert_element_type3A_25, %get3A_214, %dot_general3A_215 {dimension_numbers = #tpu.dot_dimension_numbers<[1], [0], [0], [1], [0, 0, 1, 1], [], []>, precision = #tpu.contract_precision<fp32>, transpose_lhs_hint = false} : vector<128x5xf32>, vector<5x128xf32>, vector<128x128xf32> -> vector<128x128xf32>
    %get3A_217 = arith.constant 2 : index
    %get3A_218 = arith.constant 1 : index
    %get3A_219 = arith.constant 0 : index
    %get3A_220 = arith.constant 0 : index
    %get3A_221 = vector.load %arg3[%get3A_217, %get3A_218, %get3A_219, %get3A_220] : memref<3x3x5x128xf32, #tpu.memory_space<vmem>>, vector<1x1x5x128xf32>
    %get3A_222 = vector.shape_cast %get3A_221 : vector<1x1x5x128xf32> to vector<5x128xf32>
    %dot_general3A_223 = arith.constant dense<0.000000e+00> : vector<128x128xf32>
    %dot_general3A_224 = tpu.matmul %convert_element_type3A_80, %get3A_222, %dot_general3A_223 {dimension_numbers = #tpu.dot_dimension_numbers<[1], [0], [0], [1], [0, 0, 1, 1], [], []>, precision = #tpu.contract_precision<fp32>, transpose_lhs_hint = false} : vector<128x5xf32>, vector<5x128xf32>, vector<128x128xf32> -> vector<128x128xf32>
    %add3A_225 = arith.addf %dot_general3A_216, %dot_general3A_224 : vector<128x128xf32>
    %get3A_226 = arith.constant 2 : index
    %get3A_227 = arith.constant 2 : index
    %get3A_228 = arith.constant 0 : index
    %get3A_229 = arith.constant 0 : index
    %get3A_230 = vector.load %arg3[%get3A_226, %get3A_227, %get3A_228, %get3A_229] : memref<3x3x5x128xf32, #tpu.memory_space<vmem>>, vector<1x1x5x128xf32>
    %get3A_231 = vector.shape_cast %get3A_230 : vector<1x1x5x128xf32> to vector<5x128xf32>
    %dot_general3A_232 = arith.constant dense<0.000000e+00> : vector<128x128xf32>
    %dot_general3A_233 = tpu.matmul %convert_element_type3A_106, %get3A_231, %dot_general3A_232 {dimension_numbers = #tpu.dot_dimension_numbers<[1], [0], [0], [1], [0, 0, 1, 1], [], []>, precision = #tpu.contract_precision<fp32>, transpose_lhs_hint = false} : vector<128x5xf32>, vector<5x128xf32>, vector<128x128xf32> -> vector<128x128xf32>
    %add3A_234 = arith.addf %add3A_225, %dot_general3A_233 : vector<128x128xf32>
    %swap3A_235 = arith.constant 2 : index
    %swap3A_236 = arith.constant 0 : index
    %swap3A_237 = arith.constant 0 : index
    %swap3A_238 = vector.load %arg5[%swap3A_235, %swap3A_236, %swap3A_237] : memref<3x128x128xf32, #tpu.memory_space<vmem>>, vector<1x128x128xf32>
    %swap3A_239 = vector.shape_cast %swap3A_238 : vector<1x128x128xf32> to vector<128x128xf32>
    %swap3A_240 = vector.shape_cast %add3A_234 : vector<128x128xf32> to vector<1x128x128xf32>
    tpu.vector_store %arg5[%swap3A_235, %swap3A_236, %swap3A_237], %swap3A_240 {strides = array<i32>} : memref<3x128x128xf32, #tpu.memory_space<vmem>>, vector<1x128x128xf32>,
    return
  }
}

module attributes {stable_mosaic.version = 14 : i64} {
  func.func @_rows_body(%arg0: i32, %arg1: memref<1x1x128xi32, #tpu.memory_space<vmem>>, %arg2: memref<1x1x128xi32, #tpu.memory_space<vmem>>, %arg3: memref<1x1x128xf32, #tpu.memory_space<vmem>>, %arg4: memref<1x128xf32, #tpu.memory_space<vmem>>, %arg5: memref<128x128xf32, #tpu.memory_space<vmem>>) attributes {dimension_semantics = [#tpu.dimension_semantics<arbitrary>], iteration_bounds = array<i64: 1280>, scalar_prefetch = 0 : i64, scratch_operands = 0 : i64, tpu.core_type = #tpu.core_type<tc>, window_params = [{transform_indices = @transform_0, window_bounds = array<i64: 1, 1, 128>}, {transform_indices = @transform_1, window_bounds = array<i64: 1, 1, 128>}, {transform_indices = @transform_2, window_bounds = array<i64: 1, 1, 128>}, {pipeline_mode = #tpu.pipeline_mode<synchronous>, transform_indices = @transform_3, window_bounds = array<i64: 1, 128>}, {transform_indices = @transform_4, window_bounds = array<i64: 128, 128>}]} {
    %iota3A = tpu.iota {dimensions = array<i32: 0>} : vector<128x128xi32>
    %iota3A_0 = tpu.iota {dimensions = array<i32: 1>} : vector<128x128xi32>
    %get3A = arith.constant 0 : index
    %get3A_1 = arith.constant 0 : index
    %get3A_2 = arith.constant 0 : index
    %get3A_3 = vector.load %arg1[%get3A, %get3A_1, %get3A_2] : memref<1x1x128xi32, #tpu.memory_space<vmem>>, vector<1x1x128xi32>
    %get3A_4 = vector.shape_cast %get3A_3 : vector<1x1x128xi32> to vector<1x128xi32>
    %broadcast_in_dim3A = vector.shape_cast %get3A_4 : vector<1x128xi32> to vector<1x128xi32>
    %broadcast_in_dim3A_5 = vector.broadcast %broadcast_in_dim3A : vector<1x128xi32> to vector<128x128xi32>
    %eq3A = arith.cmpi eq, %broadcast_in_dim3A_5, %iota3A : vector<128x128xi32>
    %convert_element_type3A = arith.extui %eq3A : vector<128x128xi1> to vector<128x128xi32>
    %convert_element_type3A_6 = arith.sitofp %convert_element_type3A : vector<128x128xi32> to vector<128x128xf32>
    %get3A_7 = arith.constant 0 : index
    %get3A_8 = arith.constant 0 : index
    %get3A_9 = vector.load %arg4[%get3A_7, %get3A_8] : memref<1x128xf32, #tpu.memory_space<vmem>>, vector<1x128xf32>
    %dot_general3A = arith.constant dense<0.000000e+00> : vector<1x128xf32>
    %dot_general3A_10 = tpu.matmul %get3A_9, %convert_element_type3A_6, %dot_general3A {dimension_numbers = #tpu.dot_dimension_numbers<[1], [0], [0], [1], [0, 0, 1, 1], [], []>, precision = #tpu.contract_precision<fp32>, transpose_lhs_hint = false} : vector<1x128xf32>, vector<128x128xf32>, vector<1x128xf32> -> vector<1x128xf32>
    %get3A_11 = arith.constant 0 : index
    %get3A_12 = arith.constant 0 : index
    %get3A_13 = arith.constant 0 : index
    %get3A_14 = vector.load %arg3[%get3A_11, %get3A_12, %get3A_13] : memref<1x1x128xf32, #tpu.memory_space<vmem>>, vector<1x1x128xf32>
    %get3A_15 = vector.shape_cast %get3A_14 : vector<1x1x128xf32> to vector<1x128xf32>
    %mul3A = arith.mulf %dot_general3A_10, %get3A_15 : vector<1x128xf32>
    %eq3A_16 = arith.cmpi eq, %iota3A, %iota3A_0 : vector<128x128xi32>
    %convert_element_type3A_17 = arith.extui %eq3A_16 : vector<128x128xi1> to vector<128x128xi32>
    %convert_element_type3A_18 = arith.sitofp %convert_element_type3A_17 : vector<128x128xi32> to vector<128x128xf32>
    %broadcast_in_dim3A_19 = vector.shape_cast %mul3A : vector<1x128xf32> to vector<1x128xf32>
    %broadcast_in_dim3A_20 = vector.broadcast %broadcast_in_dim3A_19 : vector<1x128xf32> to vector<128x128xf32>
    %mul3A_21 = arith.mulf %convert_element_type3A_18, %broadcast_in_dim3A_20 : vector<128x128xf32>
    %get3A_22 = arith.constant 0 : index
    %get3A_23 = arith.constant 0 : index
    %get3A_24 = arith.constant 0 : index
    %get3A_25 = vector.load %arg2[%get3A_22, %get3A_23, %get3A_24] : memref<1x1x128xi32, #tpu.memory_space<vmem>>, vector<1x1x128xi32>
    %get3A_26 = vector.shape_cast %get3A_25 : vector<1x1x128xi32> to vector<1x128xi32>
    %broadcast_in_dim3A_27 = vector.shape_cast %get3A_26 : vector<1x128xi32> to vector<1x128xi32>
    %broadcast_in_dim3A_28 = vector.broadcast %broadcast_in_dim3A_27 : vector<1x128xi32> to vector<128x128xi32>
    %eq3A_29 = arith.cmpi eq, %broadcast_in_dim3A_28, %iota3A : vector<128x128xi32>
    %convert_element_type3A_30 = arith.extui %eq3A_29 : vector<128x128xi1> to vector<128x128xi32>
    %convert_element_type3A_31 = arith.sitofp %convert_element_type3A_30 : vector<128x128xi32> to vector<128x128xf32>
    %dot_general3A_32 = arith.constant dense<0.000000e+00> : vector<128x128xf32>
    %dot_general3A_33 = tpu.matmul %mul3A_21, %convert_element_type3A_31, %dot_general3A_32 {dimension_numbers = #tpu.dot_dimension_numbers<[1], [1], [0], [0], [0, 0, 1, 0], [], []>, precision = #tpu.contract_precision<fp32>, transpose_lhs_hint = false} : vector<128x128xf32>, vector<128x128xf32>, vector<128x128xf32> -> vector<128x128xf32>
    %swap3A = arith.constant 0 : index
    %swap3A_34 = arith.constant 0 : index
    %swap3A_35 = vector.load %arg5[%swap3A, %swap3A_34] : memref<128x128xf32, #tpu.memory_space<vmem>>, vector<128x128xf32>
    tpu.vector_store %arg5[%swap3A, %swap3A_34], %dot_general3A_33 {strides = array<i32>} : memref<128x128xf32, #tpu.memory_space<vmem>>, vector<128x128xf32>,
    return
  }
  func.func @transform_0(%arg0: i32) -> (i32, i32, i32) {
    %c0_i32 = arith.constant 0 : i32
    %c0_i32_0 = arith.constant 0 : i32
    %c0_i32_1 = arith.constant 0 : i32
    return %arg0, %c0_i32, %c0_i32_0 : i32, i32, i32
  }
  func.func @transform_1(%arg0: i32) -> (i32, i32, i32) {
    %c0_i32 = arith.constant 0 : i32
    %c0_i32_0 = arith.constant 0 : i32
    %c0_i32_1 = arith.constant 0 : i32
    return %arg0, %c0_i32, %c0_i32_0 : i32, i32, i32
  }
  func.func @transform_2(%arg0: i32) -> (i32, i32, i32) {
    %c0_i32 = arith.constant 0 : i32
    %c0_i32_0 = arith.constant 0 : i32
    %c0_i32_1 = arith.constant 0 : i32
    return %arg0, %c0_i32, %c0_i32_0 : i32, i32, i32
  }
  func.func @transform_3(%arg0: i32) -> (i32, i32) {
    %c0_i32 = arith.constant 0 : i32
    %c0_i32_0 = arith.constant 0 : i32
    %c0_i32_1 = arith.constant 0 : i32
    return %c0_i32, %c0_i32_0 : i32, i32
  }
  func.func @transform_4(%arg0: i32) -> (i32, i32) {
    %c0_i32 = arith.constant 0 : i32
    %c0_i32_0 = arith.constant 0 : i32
    return %arg0, %c0_i32 : i32, i32
  }
}

module attributes {stable_mosaic.version = 14 : i64} {
  func.func @_enc_body(%arg0: i32, %arg1: memref<1000x9xi32, #tpu.memory_space<vmem>>, %arg2: memref<9x10x128xf32, #tpu.memory_space<vmem>>, %arg3: memref<1000x128xf32, #tpu.memory_space<vmem>>) attributes {dimension_semantics = [#tpu.dimension_semantics<arbitrary>], iteration_bounds = array<i64: 10>, scalar_prefetch = 0 : i64, scratch_operands = 0 : i64, tpu.core_type = #tpu.core_type<tc>, window_params = [{transform_indices = @transform_0, window_bounds = array<i64: 1000, 9>}, {pipeline_mode = #tpu.pipeline_mode<synchronous>, transform_indices = @transform_1, window_bounds = array<i64: 9, 10, 128>}, {transform_indices = @transform_2, window_bounds = array<i64: 1000, 128>}]} {
    %get3A = arith.constant 0 : index
    %get3A_0 = arith.constant 0 : index
    %get3A_1 = vector.load %arg1[%get3A, %get3A_0] : memref<1000x9xi32, #tpu.memory_space<vmem>>, vector<1000x9xi32>
    %iota3A = tpu.iota {dimensions = array<i32: 1>} : vector<1000x10xi32>
    %broadcast_in_dim3A = arith.constant 0.000000e+00 : f32
    %broadcast_in_dim3A_2 = vector.broadcast %broadcast_in_dim3A : f32 to vector<1000x128xf32>
    %slice3A = vector.extract_strided_slice %get3A_1 {offsets = [0, 0], sizes = [1000, 1], strides = [1, 1]} : vector<1000x9xi32> to vector<1000x1xi32>
    %eq3A = vector.broadcast %slice3A : vector<1000x1xi32> to vector<1000x10xi32>
    %eq3A_3 = arith.cmpi eq, %eq3A, %iota3A : vector<1000x10xi32>
    %convert_element_type3A = arith.extui %eq3A_3 : vector<1000x10xi1> to vector<1000x10xi32>
    %convert_element_type3A_4 = arith.sitofp %convert_element_type3A : vector<1000x10xi32> to vector<1000x10xf32>
    %get3A_5 = arith.constant 0 : index
    %get3A_6 = arith.constant 0 : index
    %get3A_7 = arith.constant 0 : index
    %get3A_8 = vector.load %arg2[%get3A_5, %get3A_6, %get3A_7] : memref<9x10x128xf32, #tpu.memory_space<vmem>>, vector<1x10x128xf32>
    %get3A_9 = vector.shape_cast %get3A_8 : vector<1x10x128xf32> to vector<10x128xf32>
    %dot_general3A = arith.constant dense<0.000000e+00> : vector<1000x128xf32>
    %dot_general3A_10 = tpu.matmul %convert_element_type3A_4, %get3A_9, %dot_general3A {dimension_numbers = #tpu.dot_dimension_numbers<[1], [0], [0], [1], [0, 0, 1, 1], [], []>, precision = #tpu.contract_precision<fp32>, transpose_lhs_hint = false} : vector<1000x10xf32>, vector<10x128xf32>, vector<1000x128xf32> -> vector<1000x128xf32>
    %add3A = arith.addf %broadcast_in_dim3A_2, %dot_general3A_10 : vector<1000x128xf32>
    %slice3A_11 = vector.extract_strided_slice %get3A_1 {offsets = [0, 1], sizes = [1000, 1], strides = [1, 1]} : vector<1000x9xi32> to vector<1000x1xi32>
    %eq3A_12 = vector.broadcast %slice3A_11 : vector<1000x1xi32> to vector<1000x10xi32>
    %eq3A_13 = arith.cmpi eq, %eq3A_12, %iota3A : vector<1000x10xi32>
    %convert_element_type3A_14 = arith.extui %eq3A_13 : vector<1000x10xi1> to vector<1000x10xi32>
    %convert_element_type3A_15 = arith.sitofp %convert_element_type3A_14 : vector<1000x10xi32> to vector<1000x10xf32>
    %get3A_16 = arith.constant 1 : index
    %get3A_17 = arith.constant 0 : index
    %get3A_18 = arith.constant 0 : index
    %get3A_19 = vector.load %arg2[%get3A_16, %get3A_17, %get3A_18] : memref<9x10x128xf32, #tpu.memory_space<vmem>>, vector<1x10x128xf32>
    %get3A_20 = vector.shape_cast %get3A_19 : vector<1x10x128xf32> to vector<10x128xf32>
    %dot_general3A_21 = arith.constant dense<0.000000e+00> : vector<1000x128xf32>
    %dot_general3A_22 = tpu.matmul %convert_element_type3A_15, %get3A_20, %dot_general3A_21 {dimension_numbers = #tpu.dot_dimension_numbers<[1], [0], [0], [1], [0, 0, 1, 1], [], []>, precision = #tpu.contract_precision<fp32>, transpose_lhs_hint = false} : vector<1000x10xf32>, vector<10x128xf32>, vector<1000x128xf32> -> vector<1000x128xf32>
    %add3A_23 = arith.addf %add3A, %dot_general3A_22 : vector<1000x128xf32>
    %slice3A_24 = vector.extract_strided_slice %get3A_1 {offsets = [0, 2], sizes = [1000, 1], strides = [1, 1]} : vector<1000x9xi32> to vector<1000x1xi32>
    %eq3A_25 = vector.broadcast %slice3A_24 : vector<1000x1xi32> to vector<1000x10xi32>
    %eq3A_26 = arith.cmpi eq, %eq3A_25, %iota3A : vector<1000x10xi32>
    %convert_element_type3A_27 = arith.extui %eq3A_26 : vector<1000x10xi1> to vector<1000x10xi32>
    %convert_element_type3A_28 = arith.sitofp %convert_element_type3A_27 : vector<1000x10xi32> to vector<1000x10xf32>
    %get3A_29 = arith.constant 2 : index
    %get3A_30 = arith.constant 0 : index
    %get3A_31 = arith.constant 0 : index
    %get3A_32 = vector.load %arg2[%get3A_29, %get3A_30, %get3A_31] : memref<9x10x128xf32, #tpu.memory_space<vmem>>, vector<1x10x128xf32>
    %get3A_33 = vector.shape_cast %get3A_32 : vector<1x10x128xf32> to vector<10x128xf32>
    %dot_general3A_34 = arith.constant dense<0.000000e+00> : vector<1000x128xf32>
    %dot_general3A_35 = tpu.matmul %convert_element_type3A_28, %get3A_33, %dot_general3A_34 {dimension_numbers = #tpu.dot_dimension_numbers<[1], [0], [0], [1], [0, 0, 1, 1], [], []>, precision = #tpu.contract_precision<fp32>, transpose_lhs_hint = false} : vector<1000x10xf32>, vector<10x128xf32>, vector<1000x128xf32> -> vector<1000x128xf32>
    %add3A_36 = arith.addf %add3A_23, %dot_general3A_35 : vector<1000x128xf32>
    %slice3A_37 = vector.extract_strided_slice %get3A_1 {offsets = [0, 3], sizes = [1000, 1], strides = [1, 1]} : vector<1000x9xi32> to vector<1000x1xi32>
    %eq3A_38 = vector.broadcast %slice3A_37 : vector<1000x1xi32> to vector<1000x10xi32>
    %eq3A_39 = arith.cmpi eq, %eq3A_38, %iota3A : vector<1000x10xi32>
    %convert_element_type3A_40 = arith.extui %eq3A_39 : vector<1000x10xi1> to vector<1000x10xi32>
    %convert_element_type3A_41 = arith.sitofp %convert_element_type3A_40 : vector<1000x10xi32> to vector<1000x10xf32>
    %get3A_42 = arith.constant 3 : index
    %get3A_43 = arith.constant 0 : index
    %get3A_44 = arith.constant 0 : index
    %get3A_45 = vector.load %arg2[%get3A_42, %get3A_43, %get3A_44] : memref<9x10x128xf32, #tpu.memory_space<vmem>>, vector<1x10x128xf32>
    %get3A_46 = vector.shape_cast %get3A_45 : vector<1x10x128xf32> to vector<10x128xf32>
    %dot_general3A_47 = arith.constant dense<0.000000e+00> : vector<1000x128xf32>
    %dot_general3A_48 = tpu.matmul %convert_element_type3A_41, %get3A_46, %dot_general3A_47 {dimension_numbers = #tpu.dot_dimension_numbers<[1], [0], [0], [1], [0, 0, 1, 1], [], []>, precision = #tpu.contract_precision<fp32>, transpose_lhs_hint = false} : vector<1000x10xf32>, vector<10x128xf32>, vector<1000x128xf32> -> vector<1000x128xf32>
    %add3A_49 = arith.addf %add3A_36, %dot_general3A_48 : vector<1000x128xf32>
    %slice3A_50 = vector.extract_strided_slice %get3A_1 {offsets = [0, 4], sizes = [1000, 1], strides = [1, 1]} : vector<1000x9xi32> to vector<1000x1xi32>
    %eq3A_51 = vector.broadcast %slice3A_50 : vector<1000x1xi32> to vector<1000x10xi32>
    %eq3A_52 = arith.cmpi eq, %eq3A_51, %iota3A : vector<1000x10xi32>
    %convert_element_type3A_53 = arith.extui %eq3A_52 : vector<1000x10xi1> to vector<1000x10xi32>
    %convert_element_type3A_54 = arith.sitofp %convert_element_type3A_53 : vector<1000x10xi32> to vector<1000x10xf32>
    %get3A_55 = arith.constant 4 : index
    %get3A_56 = arith.constant 0 : index
    %get3A_57 = arith.constant 0 : index
    %get3A_58 = vector.load %arg2[%get3A_55, %get3A_56, %get3A_57] : memref<9x10x128xf32, #tpu.memory_space<vmem>>, vector<1x10x128xf32>
    %get3A_59 = vector.shape_cast %get3A_58 : vector<1x10x128xf32> to vector<10x128xf32>
    %dot_general3A_60 = arith.constant dense<0.000000e+00> : vector<1000x128xf32>
    %dot_general3A_61 = tpu.matmul %convert_element_type3A_54, %get3A_59, %dot_general3A_60 {dimension_numbers = #tpu.dot_dimension_numbers<[1], [0], [0], [1], [0, 0, 1, 1], [], []>, precision = #tpu.contract_precision<fp32>, transpose_lhs_hint = false} : vector<1000x10xf32>, vector<10x128xf32>, vector<1000x128xf32> -> vector<1000x128xf32>
    %add3A_62 = arith.addf %add3A_49, %dot_general3A_61 : vector<1000x128xf32>
    %slice3A_63 = vector.extract_strided_slice %get3A_1 {offsets = [0, 5], sizes = [1000, 1], strides = [1, 1]} : vector<1000x9xi32> to vector<1000x1xi32>
    %eq3A_64 = vector.broadcast %slice3A_63 : vector<1000x1xi32> to vector<1000x10xi32>
    %eq3A_65 = arith.cmpi eq, %eq3A_64, %iota3A : vector<1000x10xi32>
    %convert_element_type3A_66 = arith.extui %eq3A_65 : vector<1000x10xi1> to vector<1000x10xi32>
    %convert_element_type3A_67 = arith.sitofp %convert_element_type3A_66 : vector<1000x10xi32> to vector<1000x10xf32>
    %get3A_68 = arith.constant 5 : index
    %get3A_69 = arith.constant 0 : index
    %get3A_70 = arith.constant 0 : index
    %get3A_71 = vector.load %arg2[%get3A_68, %get3A_69, %get3A_70] : memref<9x10x128xf32, #tpu.memory_space<vmem>>, vector<1x10x128xf32>
    %get3A_72 = vector.shape_cast %get3A_71 : vector<1x10x128xf32> to vector<10x128xf32>
    %dot_general3A_73 = arith.constant dense<0.000000e+00> : vector<1000x128xf32>
    %dot_general3A_74 = tpu.matmul %convert_element_type3A_67, %get3A_72, %dot_general3A_73 {dimension_numbers = #tpu.dot_dimension_numbers<[1], [0], [0], [1], [0, 0, 1, 1], [], []>, precision = #tpu.contract_precision<fp32>, transpose_lhs_hint = false} : vector<1000x10xf32>, vector<10x128xf32>, vector<1000x128xf32> -> vector<1000x128xf32>
    %add3A_75 = arith.addf %add3A_62, %dot_general3A_74 : vector<1000x128xf32>
    %slice3A_76 = vector.extract_strided_slice %get3A_1 {offsets = [0, 6], sizes = [1000, 1], strides = [1, 1]} : vector<1000x9xi32> to vector<1000x1xi32>
    %eq3A_77 = vector.broadcast %slice3A_76 : vector<1000x1xi32> to vector<1000x10xi32>
    %eq3A_78 = arith.cmpi eq, %eq3A_77, %iota3A : vector<1000x10xi32>
    %convert_element_type3A_79 = arith.extui %eq3A_78 : vector<1000x10xi1> to vector<1000x10xi32>
    %convert_element_type3A_80 = arith.sitofp %convert_element_type3A_79 : vector<1000x10xi32> to vector<1000x10xf32>
    %get3A_81 = arith.constant 6 : index
    %get3A_82 = arith.constant 0 : index
    %get3A_83 = arith.constant 0 : index
    %get3A_84 = vector.load %arg2[%get3A_81, %get3A_82, %get3A_83] : memref<9x10x128xf32, #tpu.memory_space<vmem>>, vector<1x10x128xf32>
    %get3A_85 = vector.shape_cast %get3A_84 : vector<1x10x128xf32> to vector<10x128xf32>
    %dot_general3A_86 = arith.constant dense<0.000000e+00> : vector<1000x128xf32>
    %dot_general3A_87 = tpu.matmul %convert_element_type3A_80, %get3A_85, %dot_general3A_86 {dimension_numbers = #tpu.dot_dimension_numbers<[1], [0], [0], [1], [0, 0, 1, 1], [], []>, precision = #tpu.contract_precision<fp32>, transpose_lhs_hint = false} : vector<1000x10xf32>, vector<10x128xf32>, vector<1000x128xf32> -> vector<1000x128xf32>
    %add3A_88 = arith.addf %add3A_75, %dot_general3A_87 : vector<1000x128xf32>
    %slice3A_89 = vector.extract_strided_slice %get3A_1 {offsets = [0, 7], sizes = [1000, 1], strides = [1, 1]} : vector<1000x9xi32> to vector<1000x1xi32>
    %eq3A_90 = vector.broadcast %slice3A_89 : vector<1000x1xi32> to vector<1000x10xi32>
    %eq3A_91 = arith.cmpi eq, %eq3A_90, %iota3A : vector<1000x10xi32>
    %convert_element_type3A_92 = arith.extui %eq3A_91 : vector<1000x10xi1> to vector<1000x10xi32>
    %convert_element_type3A_93 = arith.sitofp %convert_element_type3A_92 : vector<1000x10xi32> to vector<1000x10xf32>
    %get3A_94 = arith.constant 7 : index
    %get3A_95 = arith.constant 0 : index
    %get3A_96 = arith.constant 0 : index
    %get3A_97 = vector.load %arg2[%get3A_94, %get3A_95, %get3A_96] : memref<9x10x128xf32, #tpu.memory_space<vmem>>, vector<1x10x128xf32>
    %get3A_98 = vector.shape_cast %get3A_97 : vector<1x10x128xf32> to vector<10x128xf32>
    %dot_general3A_99 = arith.constant dense<0.000000e+00> : vector<1000x128xf32>
    %dot_general3A_100 = tpu.matmul %convert_element_type3A_93, %get3A_98, %dot_general3A_99 {dimension_numbers = #tpu.dot_dimension_numbers<[1], [0], [0], [1], [0, 0, 1, 1], [], []>, precision = #tpu.contract_precision<fp32>, transpose_lhs_hint = false} : vector<1000x10xf32>, vector<10x128xf32>, vector<1000x128xf32> -> vector<1000x128xf32>
    %add3A_101 = arith.addf %add3A_88, %dot_general3A_100 : vector<1000x128xf32>
    %slice3A_102 = vector.extract_strided_slice %get3A_1 {offsets = [0, 8], sizes = [1000, 1], strides = [1, 1]} : vector<1000x9xi32> to vector<1000x1xi32>
    %eq3A_103 = vector.broadcast %slice3A_102 : vector<1000x1xi32> to vector<1000x10xi32>
    %eq3A_104 = arith.cmpi eq, %eq3A_103, %iota3A : vector<1000x10xi32>
    %convert_element_type3A_105 = arith.extui %eq3A_104 : vector<1000x10xi1> to vector<1000x10xi32>
    %convert_element_type3A_106 = arith.sitofp %convert_element_type3A_105 : vector<1000x10xi32> to vector<1000x10xf32>
    %get3A_107 = arith.constant 8 : index
    %get3A_108 = arith.constant 0 : index
    %get3A_109 = arith.constant 0 : index
    %get3A_110 = vector.load %arg2[%get3A_107, %get3A_108, %get3A_109] : memref<9x10x128xf32, #tpu.memory_space<vmem>>, vector<1x10x128xf32>
    %get3A_111 = vector.shape_cast %get3A_110 : vector<1x10x128xf32> to vector<10x128xf32>
    %dot_general3A_112 = arith.constant dense<0.000000e+00> : vector<1000x128xf32>
    %dot_general3A_113 = tpu.matmul %convert_element_type3A_106, %get3A_111, %dot_general3A_112 {dimension_numbers = #tpu.dot_dimension_numbers<[1], [0], [0], [1], [0, 0, 1, 1], [], []>, precision = #tpu.contract_precision<fp32>, transpose_lhs_hint = false} : vector<1000x10xf32>, vector<10x128xf32>, vector<1000x128xf32> -> vector<1000x128xf32>
    %add3A_114 = arith.addf %add3A_101, %dot_general3A_113 : vector<1000x128xf32>
    %swap3A = arith.constant 0 : index
    %swap3A_115 = arith.constant 0 : index
    %swap3A_116 = vector.load %arg3[%swap3A, %swap3A_115] : memref<1000x128xf32, #tpu.memory_space<vmem>>, vector<1000x128xf32>
    tpu.vector_store %arg3[%swap3A, %swap3A_115], %add3A_114 {strides = array<i32>} : memref<1000x128xf32, #tpu.memory_space<vmem>>, vector<1000x128xf32>,
    return
  }
  func.func @transform_0(%arg0: i32) -> (i32, i32) {
    %c0_i32 = arith.constant 0 : i32
    %c0_i32_0 = arith.constant 0 : i32
    return %arg0, %c0_i32 : i32, i32
  }
  func.func @transform_1(%arg0: i32) -> (i32, i32, i32) {
    %c0_i32 = arith.constant 0 : i32
    %c0_i32_0 = arith.constant 0 : i32
    %c0_i32_1 = arith.constant 0 : i32
    %c0_i32_2 = arith.constant 0 : i32
    return %c0_i32, %c0_i32_0, %c0_i32_1 : i32, i32, i32
  }
  func.func @transform_2(%arg0: i32) -> (i32, i32) {
    %c0_i32 = arith.constant 0 : i32
    %c0_i32_0 = arith.constant 0 : i32
    return %arg0, %c0_i32 : i32, i32
  }
}

module attributes {stable_mosaic.version = 14 : i64} {
  func.func @_deg_body(%arg0: i32, %arg1: memref<1x1000x1000xf32, #tpu.memory_space<vmem>>, %arg2: memref<1x1000x1xf32, #tpu.memory_space<vmem>>, %arg3: memref<1x1x1000xf32, #tpu.memory_space<vmem>>) attributes {dimension_semantics = [#tpu.dimension_semantics<arbitrary>], iteration_bounds = array<i64: 10>, scalar_prefetch = 0 : i64, scratch_operands = 0 : i64, tpu.core_type = #tpu.core_type<tc>, window_params = [{transform_indices = @transform_0, window_bounds = array<i64: 1, 1000, 1000>}, {transform_indices = @transform_1, window_bounds = array<i64: 1, 1000, 1>}, {transform_indices = @transform_2, window_bounds = array<i64: 1, 1, 1000>}]} {
    %get3A = arith.constant 0 : index
    %get3A_0 = arith.constant 0 : index
    %get3A_1 = arith.constant 0 : index
    %get3A_2 = vector.load %arg1[%get3A, %get3A_0, %get3A_1] : memref<1x1000x1000xf32, #tpu.memory_space<vmem>>, vector<1x1000x1000xf32>
    %get3A_3 = vector.shape_cast %get3A_2 : vector<1x1000x1000xf32> to vector<1000x1000xf32>
    %iota3A = tpu.iota {dimensions = array<i32: 0>} : vector<1000x1000xi32>
    %iota3A_4 = tpu.iota {dimensions = array<i32: 1>} : vector<1000x1000xi32>
    %eq3A = arith.cmpi eq, %iota3A, %iota3A_4 : vector<1000x1000xi32>
    %convert_element_type3A = arith.extui %eq3A : vector<1000x1000xi1> to vector<1000x1000xi32>
    %convert_element_type3A_5 = arith.sitofp %convert_element_type3A : vector<1000x1000xi32> to vector<1000x1000xf32>
    %add3A = arith.addf %get3A_3, %convert_element_type3A_5 : vector<1000x1000xf32>
    %reduce_sum3A = arith.constant dense<0.000000e+00> : vector<1000xf32>
    %reduce_sum3A_6 = vector.multi_reduction <add>, %add3A, %reduce_sum3A [1] : vector<1000x1000xf32> to vector<1000xf32>
    %broadcast_in_dim3A = vector.shape_cast %reduce_sum3A_6 : vector<1000xf32> to vector<1000x1xf32>
    %swap3A = arith.constant 0 : index
    %swap3A_7 = arith.constant 0 : index
    %swap3A_8 = arith.constant 0 : index
    %swap3A_9 = vector.load %arg2[%swap3A, %swap3A_7, %swap3A_8] : memref<1x1000x1xf32, #tpu.memory_space<vmem>>, vector<1x1000x1xf32>
    %swap3A_10 = vector.shape_cast %swap3A_9 : vector<1x1000x1xf32> to vector<1000x1xf32>
    %swap3A_11 = vector.shape_cast %broadcast_in_dim3A : vector<1000x1xf32> to vector<1x1000x1xf32>
    tpu.vector_store %arg2[%swap3A, %swap3A_7, %swap3A_8], %swap3A_11 {strides = array<i32>} : memref<1x1000x1xf32, #tpu.memory_space<vmem>>, vector<1x1000x1xf32>,
    %reduce_sum3A_12 = arith.constant dense<0.000000e+00> : vector<1000xf32>
    %reduce_sum3A_13 = vector.multi_reduction <add>, %add3A, %reduce_sum3A_12 [0] : vector<1000x1000xf32> to vector<1000xf32>
    %broadcast_in_dim3A_14 = vector.shape_cast %reduce_sum3A_13 : vector<1000xf32> to vector<1x1000xf32>
    %swap3A_15 = arith.constant 0 : index
    %swap3A_16 = arith.constant 0 : index
    %swap3A_17 = arith.constant 0 : index
    %swap3A_18 = vector.load %arg3[%swap3A_15, %swap3A_16, %swap3A_17] : memref<1x1x1000xf32, #tpu.memory_space<vmem>>, vector<1x1x1000xf32>
    %swap3A_19 = vector.shape_cast %swap3A_18 : vector<1x1x1000xf32> to vector<1x1000xf32>
    %swap3A_20 = vector.shape_cast %broadcast_in_dim3A_14 : vector<1x1000xf32> to vector<1x1x1000xf32>
    tpu.vector_store %arg3[%swap3A_15, %swap3A_16, %swap3A_17], %swap3A_20 {strides = array<i32>} : memref<1x1x1000xf32, #tpu.memory_space<vmem>>, vector<1x1x1000xf32>,
    return
  }
  func.func @transform_0(%arg0: i32) -> (i32, i32, i32) {
    %c0_i32 = arith.constant 0 : i32
    %c0_i32_0 = arith.constant 0 : i32
    %c0_i32_1 = arith.constant 0 : i32
    return %arg0, %c0_i32, %c0_i32_0 : i32, i32, i32
  }
  func.func @transform_1(%arg0: i32) -> (i32, i32, i32) {
    %c0_i32 = arith.constant 0 : i32
    %c0_i32_0 = arith.constant 0 : i32
    %c0_i32_1 = arith.constant 0 : i32
    return %arg0, %c0_i32, %c0_i32_0 : i32, i32, i32
  }
  func.func @transform_2(%arg0: i32) -> (i32, i32, i32) {
    %c0_i32 = arith.constant 0 : i32
    %c0_i32_0 = arith.constant 0 : i32
    %c0_i32_1 = arith.constant 0 : i32
    return %arg0, %c0_i32, %c0_i32_0 : i32, i32, i32
  }
}

module attributes {stable_mosaic.version = 14 : i64} {
  func.func @_stage1_body(%arg0: i32, %arg1: memref<1x1000x1000xf32, #tpu.memory_space<vmem>>, %arg2: memref<1000x128xf32, #tpu.memory_space<vmem>>, %arg3: memref<1x1000x1xf32, #tpu.memory_space<vmem>>, %arg4: memref<1x1x1000xf32, #tpu.memory_space<vmem>>, %arg5: memref<1000x128xf32, #tpu.memory_space<vmem>>) attributes {dimension_semantics = [#tpu.dimension_semantics<arbitrary>], iteration_bounds = array<i64: 10>, scalar_prefetch = 0 : i64, scratch_operands = 0 : i64, tpu.core_type = #tpu.core_type<tc>, window_params = [{transform_indices = @transform_0, window_bounds = array<i64: 1, 1000, 1000>}, {transform_indices = @transform_1, window_bounds = array<i64: 1000, 128>}, {transform_indices = @transform_2, window_bounds = array<i64: 1, 1000, 1>}, {transform_indices = @transform_3, window_bounds = array<i64: 1, 1, 1000>}, {transform_indices = @transform_4, window_bounds = array<i64: 1000, 128>}]} {
    %get3A = arith.constant 0 : index
    %get3A_0 = arith.constant 0 : index
    %get3A_1 = arith.constant 0 : index
    %get3A_2 = vector.load %arg1[%get3A, %get3A_0, %get3A_1] : memref<1x1000x1000xf32, #tpu.memory_space<vmem>>, vector<1x1000x1000xf32>
    %get3A_3 = vector.shape_cast %get3A_2 : vector<1x1000x1000xf32> to vector<1000x1000xf32>
    %iota3A = tpu.iota {dimensions = array<i32: 0>} : vector<1000x1000xi32>
    %iota3A_4 = tpu.iota {dimensions = array<i32: 1>} : vector<1000x1000xi32>
    %eq3A = arith.cmpi eq, %iota3A, %iota3A_4 : vector<1000x1000xi32>
    %convert_element_type3A = arith.extui %eq3A : vector<1000x1000xi1> to vector<1000x1000xi32>
    %convert_element_type3A_5 = arith.sitofp %convert_element_type3A : vector<1000x1000xi32> to vector<1000x1000xf32>
    %add3A = arith.addf %get3A_3, %convert_element_type3A_5 : vector<1000x1000xf32>
    %get3A_6 = arith.constant 0 : index
    %get3A_7 = arith.constant 0 : index
    %get3A_8 = arith.constant 0 : index
    %get3A_9 = vector.load %arg3[%get3A_6, %get3A_7, %get3A_8] : memref<1x1000x1xf32, #tpu.memory_space<vmem>>, vector<1x1000x1xf32>
    %get3A_10 = vector.shape_cast %get3A_9 : vector<1x1000x1xf32> to vector<1000x1xf32>
    %mul3A = vector.broadcast %get3A_10 : vector<1000x1xf32> to vector<1000x1000xf32>
    %mul3A_11 = arith.mulf %mul3A, %add3A : vector<1000x1000xf32>
    %get3A_12 = arith.constant 0 : index
    %get3A_13 = arith.constant 0 : index
    %get3A_14 = arith.constant 0 : index
    %get3A_15 = vector.load %arg4[%get3A_12, %get3A_13, %get3A_14] : memref<1x1x1000xf32, #tpu.memory_space<vmem>>, vector<1x1x1000xf32>
    %get3A_16 = vector.shape_cast %get3A_15 : vector<1x1x1000xf32> to vector<1x1000xf32>
    %mul3A_17 = vector.broadcast %get3A_16 : vector<1x1000xf32> to vector<1000x1000xf32>
    %mul3A_18 = arith.mulf %mul3A_11, %mul3A_17 : vector<1000x1000xf32>
    %get3A_19 = arith.constant 0 : index
    %get3A_20 = arith.constant 0 : index
    %get3A_21 = vector.load %arg2[%get3A_19, %get3A_20] : memref<1000x128xf32, #tpu.memory_space<vmem>>, vector<1000x128xf32>
    %convert_element_type3A_22 = arith.truncf %mul3A_18 : vector<1000x1000xf32> to vector<1000x1000xbf16>
    %convert_element_type3A_23 = arith.truncf %get3A_21 : vector<1000x128xf32> to vector<1000x128xbf16>
    %dot_general3A = arith.constant dense<0.000000e+00> : vector<1000x128xf32>
    %dot_general3A_24 = tpu.matmul %convert_element_type3A_22, %convert_element_type3A_23, %dot_general3A {dimension_numbers = #tpu.dot_dimension_numbers<[1], [0], [0], [1], [0, 0, 1, 1], [], []>, transpose_lhs_hint = false} : vector<1000x1000xbf16>, vector<1000x128xbf16>, vector<1000x128xf32> -> vector<1000x128xf32>
    %add3A_25 = arith.addf %get3A_21, %dot_general3A_24 : vector<1000x128xf32>
    %convert_element_type3A_26 = arith.truncf %mul3A_18 : vector<1000x1000xf32> to vector<1000x1000xbf16>
    %convert_element_type3A_27 = arith.truncf %dot_general3A_24 : vector<1000x128xf32> to vector<1000x128xbf16>
    %dot_general3A_28 = arith.constant dense<0.000000e+00> : vector<1000x128xf32>
    %dot_general3A_29 = tpu.matmul %convert_element_type3A_26, %convert_element_type3A_27, %dot_general3A_28 {dimension_numbers = #tpu.dot_dimension_numbers<[1], [0], [0], [1], [0, 0, 1, 1], [], []>, transpose_lhs_hint = false} : vector<1000x1000xbf16>, vector<1000x128xbf16>, vector<1000x128xf32> -> vector<1000x128xf32>
    %add3A_30 = arith.addf %add3A_25, %dot_general3A_29 : vector<1000x128xf32>
    %convert_element_type3A_31 = arith.truncf %mul3A_18 : vector<1000x1000xf32> to vector<1000x1000xbf16>
    %convert_element_type3A_32 = arith.truncf %dot_general3A_29 : vector<1000x128xf32> to vector<1000x128xbf16>
    %dot_general3A_33 = arith.constant dense<0.000000e+00> : vector<1000x128xf32>
    %dot_general3A_34 = tpu.matmul %convert_element_type3A_31, %convert_element_type3A_32, %dot_general3A_33 {dimension_numbers = #tpu.dot_dimension_numbers<[1], [0], [0], [1], [0, 0, 1, 1], [], []>, transpose_lhs_hint = false} : vector<1000x1000xbf16>, vector<1000x128xbf16>, vector<1000x128xf32> -> vector<1000x128xf32>
    %add3A_35 = arith.addf %add3A_30, %dot_general3A_34 : vector<1000x128xf32>
    %swap3A = arith.constant 0 : index
    %swap3A_36 = arith.constant 0 : index
    %swap3A_37 = vector.load %arg5[%swap3A, %swap3A_36] : memref<1000x128xf32, #tpu.memory_space<vmem>>, vector<1000x128xf32>
    tpu.vector_store %arg5[%swap3A, %swap3A_36], %add3A_35 {strides = array<i32>} : memref<1000x128xf32, #tpu.memory_space<vmem>>, vector<1000x128xf32>,
    return
  }
  func.func @transform_0(%arg0: i32) -> (i32, i32, i32) {
    %c0_i32 = arith.constant 0 : i32
    %c0_i32_0 = arith.constant 0 : i32
    %c0_i32_1 = arith.constant 0 : i32
    return %arg0, %c0_i32, %c0_i32_0 : i32, i32, i32
  }
  func.func @transform_1(%arg0: i32) -> (i32, i32) {
    %c0_i32 = arith.constant 0 : i32
    %c0_i32_0 = arith.constant 0 : i32
    return %arg0, %c0_i32 : i32, i32
  }
  func.func @transform_2(%arg0: i32) -> (i32, i32, i32) {
    %c0_i32 = arith.constant 0 : i32
    %c0_i32_0 = arith.constant 0 : i32
    %c0_i32_1 = arith.constant 0 : i32
    return %arg0, %c0_i32, %c0_i32_0 : i32, i32, i32
  }
  func.func @transform_3(%arg0: i32) -> (i32, i32, i32) {
    %c0_i32 = arith.constant 0 : i32
    %c0_i32_0 = arith.constant 0 : i32
    %c0_i32_1 = arith.constant 0 : i32
    return %arg0, %c0_i32, %c0_i32_0 : i32, i32, i32
  }
  func.func @transform_4(%arg0: i32) -> (i32, i32) {
    %c0_i32 = arith.constant 0 : i32
    %c0_i32_0 = arith.constant 0 : i32
    return %arg0, %c0_i32 : i32, i32
  }
}

module attributes {stable_mosaic.version = 14 : i64} {
  func.func @_layer_body(%arg0: memref<10000x128xf32, #tpu.memory_space<vmem>>, %arg1: memref<10000x128xf32, #tpu.memory_space<vmem>>, %arg2: memref<10000x128xf32, #tpu.memory_space<vmem>>, %arg3: memref<1x1xf32, #tpu.memory_space<vmem>>, %arg4: memref<128x256xf32, #tpu.memory_space<vmem>>, %arg5: memref<1x256xf32, #tpu.memory_space<vmem>>, %arg6: memref<1x256xf32, #tpu.memory_space<vmem>>, %arg7: memref<1x256xf32, #tpu.memory_space<vmem>>, %arg8: memref<256x128xf32, #tpu.memory_space<vmem>>, %arg9: memref<1x128xf32, #tpu.memory_space<vmem>>, %arg10: memref<1x128xf32, #tpu.memory_space<vmem>>, %arg11: memref<1x128xf32, #tpu.memory_space<vmem>>, %arg12: memref<10x128xf32, #tpu.memory_space<vmem>>, %arg13: memref<128x256xf32, #tpu.memory_space<vmem>>, %arg14: memref<1x256xf32, #tpu.memory_space<vmem>>, %arg15: memref<256x128xf32, #tpu.memory_space<vmem>>, %arg16: memref<1x128xf32, #tpu.memory_space<vmem>>, %arg17: memref<10000x128xf32, #tpu.memory_space<vmem>>, %arg18: memref<10000x128xf32, #tpu.memory_space<vmem>>, %arg19: memref<10x128xf32, #tpu.memory_space<vmem>>) attributes {dimension_semantics = [], scalar_prefetch = 0 : i64, scratch_operands = 0 : i64, tpu.core_type = #tpu.core_type<tc>} {
    %get3A = arith.constant 0 : index
    %get3A_0 = arith.constant 0 : index
    %get3A_1 = vector.load %arg0[%get3A, %get3A_0] : memref<10000x128xf32, #tpu.memory_space<vmem>>, vector<10000x128xf32>
    %get3A_2 = arith.constant 0 : index
    %get3A_3 = arith.constant 0 : index
    %get3A_4 = vector.load %arg3[%get3A_2, %get3A_3] : memref<1x1xf32, #tpu.memory_space<vmem>>, vector<1x1xf32>
    %get3A_5 = vector.extract %get3A_4[0, 0] : f32 from vector<1x1xf32>
    %add3A = arith.constant 1.000000e+00 : f32
    %add3A_6 = arith.addf %add3A, %get3A_5 : f32
    %mul3A = vector.broadcast %add3A_6 : f32 to vector<10000x128xf32>
    %mul3A_7 = arith.mulf %mul3A, %get3A_1 : vector<10000x128xf32>
    %get3A_8 = arith.constant 0 : index
    %get3A_9 = arith.constant 0 : index
    %get3A_10 = vector.load %arg1[%get3A_8, %get3A_9] : memref<10000x128xf32, #tpu.memory_space<vmem>>, vector<10000x128xf32>
    %add3A_11 = arith.addf %mul3A_7, %get3A_10 : vector<10000x128xf32>
    %get3A_12 = arith.constant 0 : index
    %get3A_13 = arith.constant 0 : index
    %get3A_14 = vector.load %arg2[%get3A_12, %get3A_13] : memref<10000x128xf32, #tpu.memory_space<vmem>>, vector<10000x128xf32>
    %add3A_15 = arith.addf %add3A_11, %get3A_14 : vector<10000x128xf32>
    %convert_element_type3A = arith.truncf %add3A_15 : vector<10000x128xf32> to vector<10000x128xbf16>
    %get3A_16 = arith.constant 0 : index
    %get3A_17 = arith.constant 0 : index
    %get3A_18 = vector.load %arg4[%get3A_16, %get3A_17] : memref<128x256xf32, #tpu.memory_space<vmem>>, vector<128x256xf32>
    %convert_element_type3A_19 = arith.truncf %get3A_18 : vector<128x256xf32> to vector<128x256xbf16>
    %dot_general3A = arith.constant dense<0.000000e+00> : vector<10000x256xf32>
    %dot_general3A_20 = tpu.matmul %convert_element_type3A, %convert_element_type3A_19, %dot_general3A {dimension_numbers = #tpu.dot_dimension_numbers<[1], [0], [0], [1], [0, 0, 1, 1], [], []>, transpose_lhs_hint = false} : vector<10000x128xbf16>, vector<128x256xbf16>, vector<10000x256xf32> -> vector<10000x256xf32>
    %get3A_21 = arith.constant 0 : index
    %get3A_22 = arith.constant 0 : index
    %get3A_23 = vector.load %arg5[%get3A_21, %get3A_22] : memref<1x256xf32, #tpu.memory_space<vmem>>, vector<1x256xf32>
    %add3A_24 = vector.broadcast %get3A_23 : vector<1x256xf32> to vector<10000x256xf32>
    %add3A_25 = arith.addf %dot_general3A_20, %add3A_24 : vector<10000x256xf32>
    %reduce_sum3A = arith.constant dense<0.000000e+00> : vector<256xf32>
    %reduce_sum3A_26 = vector.multi_reduction <add>, %add3A_25, %reduce_sum3A [0] : vector<10000x256xf32> to vector<256xf32>
    %broadcast_in_dim3A = vector.shape_cast %reduce_sum3A_26 : vector<256xf32> to vector<1x256xf32>
    %div3A = arith.constant 1.000000e+04 : f32
    %div3A_27 = vector.broadcast %div3A : f32 to vector<1x256xf32>
    %div3A_28 = arith.divf %broadcast_in_dim3A, %div3A_27 : vector<1x256xf32>
    %sub3A = vector.broadcast %div3A_28 : vector<1x256xf32> to vector<10000x256xf32>
    %sub3A_29 = arith.subf %add3A_25, %sub3A : vector<10000x256xf32>
    %integer_pow3A = arith.mulf %sub3A_29, %sub3A_29 : vector<10000x256xf32>
    %reduce_sum3A_30 = arith.constant dense<0.000000e+00> : vector<256xf32>
    %reduce_sum3A_31 = vector.multi_reduction <add>, %integer_pow3A, %reduce_sum3A_30 [0] : vector<10000x256xf32> to vector<256xf32>
    %broadcast_in_dim3A_32 = vector.shape_cast %reduce_sum3A_31 : vector<256xf32> to vector<1x256xf32>
    %div3A_33 = arith.constant 1.000000e+04 : f32
    %div3A_34 = vector.broadcast %div3A_33 : f32 to vector<1x256xf32>
    %div3A_35 = arith.divf %broadcast_in_dim3A_32, %div3A_34 : vector<1x256xf32>
    %sub3A_36 = vector.broadcast %div3A_28 : vector<1x256xf32> to vector<10000x256xf32>
    %sub3A_37 = arith.subf %add3A_25, %sub3A_36 : vector<10000x256xf32>
    %add3A_38 = arith.constant 9.99999974E-6 : f32
    %add3A_39 = vector.broadcast %add3A_38 : f32 to vector<1x256xf32>
    %add3A_40 = arith.addf %div3A_35, %add3A_39 : vector<1x256xf32>
    %sqrt3A = math.sqrt %add3A_40 : vector<1x256xf32>
    %div3A_41 = vector.broadcast %sqrt3A : vector<1x256xf32> to vector<10000x256xf32>
    %div3A_42 = arith.divf %sub3A_37, %div3A_41 : vector<10000x256xf32>
    %get3A_43 = arith.constant 0 : index
    %get3A_44 = arith.constant 0 : index
    %get3A_45 = vector.load %arg6[%get3A_43, %get3A_44] : memref<1x256xf32, #tpu.memory_space<vmem>>, vector<1x256xf32>
    %mul3A_46 = vector.broadcast %get3A_45 : vector<1x256xf32> to vector<10000x256xf32>
    %mul3A_47 = arith.mulf %div3A_42, %mul3A_46 : vector<10000x256xf32>
    %get3A_48 = arith.constant 0 : index
    %get3A_49 = arith.constant 0 : index
    %get3A_50 = vector.load %arg7[%get3A_48, %get3A_49] : memref<1x256xf32, #tpu.memory_space<vmem>>, vector<1x256xf32>
    %add3A_51 = vector.broadcast %get3A_50 : vector<1x256xf32> to vector<10000x256xf32>
    %add3A_52 = arith.addf %mul3A_47, %add3A_51 : vector<10000x256xf32>
    %max3A = arith.constant 0.000000e+00 : f32
    %max3A_53 = vector.broadcast %max3A : f32 to vector<10000x256xf32>
    %max3A_54 = arith.maximumf %add3A_52, %max3A_53 : vector<10000x256xf32>
    %convert_element_type3A_55 = arith.truncf %max3A_54 : vector<10000x256xf32> to vector<10000x256xbf16>
    %get3A_56 = arith.constant 0 : index
    %get3A_57 = arith.constant 0 : index
    %get3A_58 = vector.load %arg8[%get3A_56, %get3A_57] : memref<256x128xf32, #tpu.memory_space<vmem>>, vector<256x128xf32>
    %convert_element_type3A_59 = arith.truncf %get3A_58 : vector<256x128xf32> to vector<256x128xbf16>
    %dot_general3A_60 = arith.constant dense<0.000000e+00> : vector<10000x128xf32>
    %dot_general3A_61 = tpu.matmul %convert_element_type3A_55, %convert_element_type3A_59, %dot_general3A_60 {dimension_numbers = #tpu.dot_dimension_numbers<[1], [0], [0], [1], [0, 0, 1, 1], [], []>, transpose_lhs_hint = false} : vector<10000x256xbf16>, vector<256x128xbf16>, vector<10000x128xf32> -> vector<10000x128xf32>
    %get3A_62 = arith.constant 0 : index
    %get3A_63 = arith.constant 0 : index
    %get3A_64 = vector.load %arg9[%get3A_62, %get3A_63] : memref<1x128xf32, #tpu.memory_space<vmem>>, vector<1x128xf32>
    %add3A_65 = vector.broadcast %get3A_64 : vector<1x128xf32> to vector<10000x128xf32>
    %add3A_66 = arith.addf %dot_general3A_61, %add3A_65 : vector<10000x128xf32>
    %reduce_sum3A_67 = arith.constant dense<0.000000e+00> : vector<128xf32>
    %reduce_sum3A_68 = vector.multi_reduction <add>, %add3A_66, %reduce_sum3A_67 [0] : vector<10000x128xf32> to vector<128xf32>
    %broadcast_in_dim3A_69 = vector.shape_cast %reduce_sum3A_68 : vector<128xf32> to vector<1x128xf32>
    %div3A_70 = arith.constant 1.000000e+04 : f32
    %div3A_71 = vector.broadcast %div3A_70 : f32 to vector<1x128xf32>
    %div3A_72 = arith.divf %broadcast_in_dim3A_69, %div3A_71 : vector<1x128xf32>
    %sub3A_73 = vector.broadcast %div3A_72 : vector<1x128xf32> to vector<10000x128xf32>
    %sub3A_74 = arith.subf %add3A_66, %sub3A_73 : vector<10000x128xf32>
    %integer_pow3A_75 = arith.mulf %sub3A_74, %sub3A_74 : vector<10000x128xf32>
    %reduce_sum3A_76 = arith.constant dense<0.000000e+00> : vector<128xf32>
    %reduce_sum3A_77 = vector.multi_reduction <add>, %integer_pow3A_75, %reduce_sum3A_76 [0] : vector<10000x128xf32> to vector<128xf32>
    %broadcast_in_dim3A_78 = vector.shape_cast %reduce_sum3A_77 : vector<128xf32> to vector<1x128xf32>
    %div3A_79 = arith.constant 1.000000e+04 : f32
    %div3A_80 = vector.broadcast %div3A_79 : f32 to vector<1x128xf32>
    %div3A_81 = arith.divf %broadcast_in_dim3A_78, %div3A_80 : vector<1x128xf32>
    %sub3A_82 = vector.broadcast %div3A_72 : vector<1x128xf32> to vector<10000x128xf32>
    %sub3A_83 = arith.subf %add3A_66, %sub3A_82 : vector<10000x128xf32>
    %add3A_84 = arith.constant 9.99999974E-6 : f32
    %add3A_85 = vector.broadcast %add3A_84 : f32 to vector<1x128xf32>
    %add3A_86 = arith.addf %div3A_81, %add3A_85 : vector<1x128xf32>
    %sqrt3A_87 = math.sqrt %add3A_86 : vector<1x128xf32>
    %div3A_88 = vector.broadcast %sqrt3A_87 : vector<1x128xf32> to vector<10000x128xf32>
    %div3A_89 = arith.divf %sub3A_83, %div3A_88 : vector<10000x128xf32>
    %get3A_90 = arith.constant 0 : index
    %get3A_91 = arith.constant 0 : index
    %get3A_92 = vector.load %arg10[%get3A_90, %get3A_91] : memref<1x128xf32, #tpu.memory_space<vmem>>, vector<1x128xf32>
    %mul3A_93 = vector.broadcast %get3A_92 : vector<1x128xf32> to vector<10000x128xf32>
    %mul3A_94 = arith.mulf %div3A_89, %mul3A_93 : vector<10000x128xf32>
    %get3A_95 = arith.constant 0 : index
    %get3A_96 = arith.constant 0 : index
    %get3A_97 = vector.load %arg11[%get3A_95, %get3A_96] : memref<1x128xf32, #tpu.memory_space<vmem>>, vector<1x128xf32>
    %add3A_98 = vector.broadcast %get3A_97 : vector<1x128xf32> to vector<10000x128xf32>
    %add3A_99 = arith.addf %mul3A_94, %add3A_98 : vector<10000x128xf32>
    %swap3A = arith.constant 0 : index
    %swap3A_100 = arith.constant 0 : index
    %swap3A_101 = vector.load %arg17[%swap3A, %swap3A_100] : memref<10000x128xf32, #tpu.memory_space<vmem>>, vector<10000x128xf32>
    tpu.vector_store %arg17[%swap3A, %swap3A_100], %add3A_99 {strides = array<i32>} : memref<10000x128xf32, #tpu.memory_space<vmem>>, vector<10000x128xf32>,
    %max3A_102 = arith.constant 0.000000e+00 : f32
    %max3A_103 = vector.broadcast %max3A_102 : f32 to vector<10000x128xf32>
    %max3A_104 = arith.maximumf %add3A_99, %max3A_103 : vector<10000x128xf32>
    %reshape3A = vector.shape_cast %get3A_1 : vector<10000x128xf32> to vector<10x1000x128xf32>
    %reduce_sum3A_105 = arith.constant dense<0.000000e+00> : vector<10x128xf32>
    %reduce_sum3A_106 = vector.multi_reduction <add>, %reshape3A, %reduce_sum3A_105 [1] : vector<10x1000x128xf32> to vector<10x128xf32>
    %get3A_107 = arith.constant 0 : index
    %get3A_108 = arith.constant 0 : index
    %get3A_109 = vector.load %arg12[%get3A_107, %get3A_108] : memref<10x128xf32, #tpu.memory_space<vmem>>, vector<10x128xf32>
    %add3A_110 = arith.addf %reduce_sum3A_106, %get3A_109 : vector<10x128xf32>
    %convert_element_type3A_111 = arith.truncf %add3A_110 : vector<10x128xf32> to vector<10x128xbf16>
    %get3A_112 = arith.constant 0 : index
    %get3A_113 = arith.constant 0 : index
    %get3A_114 = vector.load %arg13[%get3A_112, %get3A_113] : memref<128x256xf32, #tpu.memory_space<vmem>>, vector<128x256xf32>
    %convert_element_type3A_115 = arith.truncf %get3A_114 : vector<128x256xf32> to vector<128x256xbf16>
    %dot_general3A_116 = arith.constant dense<0.000000e+00> : vector<10x256xf32>
    %dot_general3A_117 = tpu.matmul %convert_element_type3A_111, %convert_element_type3A_115, %dot_general3A_116 {dimension_numbers = #tpu.dot_dimension_numbers<[1], [0], [0], [1], [0, 0, 1, 1], [], []>, transpose_lhs_hint = false} : vector<10x128xbf16>, vector<128x256xbf16>, vector<10x256xf32> -> vector<10x256xf32>
    %get3A_118 = arith.constant 0 : index
    %get3A_119 = arith.constant 0 : index
    %get3A_120 = vector.load %arg14[%get3A_118, %get3A_119] : memref<1x256xf32, #tpu.memory_space<vmem>>, vector<1x256xf32>
    %add3A_121 = vector.broadcast %get3A_120 : vector<1x256xf32> to vector<10x256xf32>
    %add3A_122 = arith.addf %dot_general3A_117, %add3A_121 : vector<10x256xf32>
    %max3A_123 = arith.constant 0.000000e+00 : f32
    %max3A_124 = vector.broadcast %max3A_123 : f32 to vector<10x256xf32>
    %max3A_125 = arith.maximumf %add3A_122, %max3A_124 : vector<10x256xf32>
    %convert_element_type3A_126 = arith.truncf %max3A_125 : vector<10x256xf32> to vector<10x256xbf16>
    %get3A_127 = arith.constant 0 : index
    %get3A_128 = arith.constant 0 : index
    %get3A_129 = vector.load %arg15[%get3A_127, %get3A_128] : memref<256x128xf32, #tpu.memory_space<vmem>>, vector<256x128xf32>
    %convert_element_type3A_130 = arith.truncf %get3A_129 : vector<256x128xf32> to vector<256x128xbf16>
    %dot_general3A_131 = arith.constant dense<0.000000e+00> : vector<10x128xf32>
    %dot_general3A_132 = tpu.matmul %convert_element_type3A_126, %convert_element_type3A_130, %dot_general3A_131 {dimension_numbers = #tpu.dot_dimension_numbers<[1], [0], [0], [1], [0, 0, 1, 1], [], []>, transpose_lhs_hint = false} : vector<10x256xbf16>, vector<256x128xbf16>, vector<10x128xf32> -> vector<10x128xf32>
    %get3A_133 = arith.constant 0 : index
    %get3A_134 = arith.constant 0 : index
    %get3A_135 = vector.load %arg16[%get3A_133, %get3A_134] : memref<1x128xf32, #tpu.memory_space<vmem>>, vector<1x128xf32>
    %add3A_136 = vector.broadcast %get3A_135 : vector<1x128xf32> to vector<10x128xf32>
    %add3A_137 = arith.addf %dot_general3A_132, %add3A_136 : vector<10x128xf32>
    %max3A_138 = arith.constant 0.000000e+00 : f32
    %max3A_139 = vector.broadcast %max3A_138 : f32 to vector<10x128xf32>
    %max3A_140 = arith.maximumf %add3A_137, %max3A_139 : vector<10x128xf32>
    %swap3A_141 = arith.constant 0 : index
    %swap3A_142 = arith.constant 0 : index
    %swap3A_143 = vector.load %arg19[%swap3A_141, %swap3A_142] : memref<10x128xf32, #tpu.memory_space<vmem>>, vector<10x128xf32>
    tpu.vector_store %arg19[%swap3A_141, %swap3A_142], %max3A_140 {strides = array<i32>} : memref<10x128xf32, #tpu.memory_space<vmem>>, vector<10x128xf32>,
    %reshape3A_144 = vector.shape_cast %max3A_104 : vector<10000x128xf32> to vector<10x1000x128xf32>
    %broadcast_in_dim3A_145 = vector.shape_cast %max3A_140 : vector<10x128xf32> to vector<10x1x128xf32>
    %add3A_146 = vector.broadcast %broadcast_in_dim3A_145 : vector<10x1x128xf32> to vector<10x1000x128xf32>
    %add3A_147 = arith.addf %reshape3A_144, %add3A_146 : vector<10x1000x128xf32>
    %reshape3A_148 = vector.shape_cast %add3A_147 : vector<10x1000x128xf32> to vector<10000x128xf32>
    %swap3A_149 = arith.constant 0 : index
    %swap3A_150 = arith.constant 0 : index
    %swap3A_151 = vector.load %arg18[%swap3A_149, %swap3A_150] : memref<10000x128xf32, #tpu.memory_space<vmem>>, vector<10000x128xf32>
    tpu.vector_store %arg18[%swap3A_149, %swap3A_150], %reshape3A_148 {strides = array<i32>} : memref<10000x128xf32, #tpu.memory_space<vmem>>, vector<10000x128xf32>,
    return
  }
}

module attributes {stable_mosaic.version = 14 : i64} {
  func.func @_layer_body(%arg0: memref<10000x128xf32, #tpu.memory_space<vmem>>, %arg1: memref<10000x128xf32, #tpu.memory_space<vmem>>, %arg2: memref<10000x128xf32, #tpu.memory_space<vmem>>, %arg3: memref<1x1xf32, #tpu.memory_space<vmem>>, %arg4: memref<128x256xf32, #tpu.memory_space<vmem>>, %arg5: memref<1x256xf32, #tpu.memory_space<vmem>>, %arg6: memref<1x256xf32, #tpu.memory_space<vmem>>, %arg7: memref<1x256xf32, #tpu.memory_space<vmem>>, %arg8: memref<256x128xf32, #tpu.memory_space<vmem>>, %arg9: memref<1x128xf32, #tpu.memory_space<vmem>>, %arg10: memref<1x128xf32, #tpu.memory_space<vmem>>, %arg11: memref<1x128xf32, #tpu.memory_space<vmem>>, %arg12: memref<10x128xf32, #tpu.memory_space<vmem>>, %arg13: memref<128x256xf32, #tpu.memory_space<vmem>>, %arg14: memref<1x256xf32, #tpu.memory_space<vmem>>, %arg15: memref<256x128xf32, #tpu.memory_space<vmem>>, %arg16: memref<1x128xf32, #tpu.memory_space<vmem>>, %arg17: memref<10000x128xf32, #tpu.memory_space<vmem>>, %arg18: memref<10000x128xf32, #tpu.memory_space<vmem>>, %arg19: memref<10x128xf32, #tpu.memory_space<vmem>>) attributes {dimension_semantics = [], scalar_prefetch = 0 : i64, scratch_operands = 0 : i64, tpu.core_type = #tpu.core_type<tc>} {
    %get3A = arith.constant 0 : index
    %get3A_0 = arith.constant 0 : index
    %get3A_1 = vector.load %arg0[%get3A, %get3A_0] : memref<10000x128xf32, #tpu.memory_space<vmem>>, vector<10000x128xf32>
    %get3A_2 = arith.constant 0 : index
    %get3A_3 = arith.constant 0 : index
    %get3A_4 = vector.load %arg3[%get3A_2, %get3A_3] : memref<1x1xf32, #tpu.memory_space<vmem>>, vector<1x1xf32>
    %get3A_5 = vector.extract %get3A_4[0, 0] : f32 from vector<1x1xf32>
    %add3A = arith.constant 1.000000e+00 : f32
    %add3A_6 = arith.addf %add3A, %get3A_5 : f32
    %mul3A = vector.broadcast %add3A_6 : f32 to vector<10000x128xf32>
    %mul3A_7 = arith.mulf %mul3A, %get3A_1 : vector<10000x128xf32>
    %get3A_8 = arith.constant 0 : index
    %get3A_9 = arith.constant 0 : index
    %get3A_10 = vector.load %arg1[%get3A_8, %get3A_9] : memref<10000x128xf32, #tpu.memory_space<vmem>>, vector<10000x128xf32>
    %add3A_11 = arith.addf %mul3A_7, %get3A_10 : vector<10000x128xf32>
    %get3A_12 = arith.constant 0 : index
    %get3A_13 = arith.constant 0 : index
    %get3A_14 = vector.load %arg2[%get3A_12, %get3A_13] : memref<10000x128xf32, #tpu.memory_space<vmem>>, vector<10000x128xf32>
    %add3A_15 = arith.addf %add3A_11, %get3A_14 : vector<10000x128xf32>
    %convert_element_type3A = arith.truncf %add3A_15 : vector<10000x128xf32> to vector<10000x128xbf16>
    %get3A_16 = arith.constant 0 : index
    %get3A_17 = arith.constant 0 : index
    %get3A_18 = vector.load %arg4[%get3A_16, %get3A_17] : memref<128x256xf32, #tpu.memory_space<vmem>>, vector<128x256xf32>
    %convert_element_type3A_19 = arith.truncf %get3A_18 : vector<128x256xf32> to vector<128x256xbf16>
    %dot_general3A = arith.constant dense<0.000000e+00> : vector<10000x256xf32>
    %dot_general3A_20 = tpu.matmul %convert_element_type3A, %convert_element_type3A_19, %dot_general3A {dimension_numbers = #tpu.dot_dimension_numbers<[1], [0], [0], [1], [0, 0, 1, 1], [], []>, transpose_lhs_hint = false} : vector<10000x128xbf16>, vector<128x256xbf16>, vector<10000x256xf32> -> vector<10000x256xf32>
    %get3A_21 = arith.constant 0 : index
    %get3A_22 = arith.constant 0 : index
    %get3A_23 = vector.load %arg5[%get3A_21, %get3A_22] : memref<1x256xf32, #tpu.memory_space<vmem>>, vector<1x256xf32>
    %add3A_24 = vector.broadcast %get3A_23 : vector<1x256xf32> to vector<10000x256xf32>
    %add3A_25 = arith.addf %dot_general3A_20, %add3A_24 : vector<10000x256xf32>
    %reduce_sum3A = arith.constant dense<0.000000e+00> : vector<256xf32>
    %reduce_sum3A_26 = vector.multi_reduction <add>, %add3A_25, %reduce_sum3A [0] : vector<10000x256xf32> to vector<256xf32>
    %broadcast_in_dim3A = vector.shape_cast %reduce_sum3A_26 : vector<256xf32> to vector<1x256xf32>
    %div3A = arith.constant 1.000000e+04 : f32
    %div3A_27 = vector.broadcast %div3A : f32 to vector<1x256xf32>
    %div3A_28 = arith.divf %broadcast_in_dim3A, %div3A_27 : vector<1x256xf32>
    %sub3A = vector.broadcast %div3A_28 : vector<1x256xf32> to vector<10000x256xf32>
    %sub3A_29 = arith.subf %add3A_25, %sub3A : vector<10000x256xf32>
    %integer_pow3A = arith.mulf %sub3A_29, %sub3A_29 : vector<10000x256xf32>
    %reduce_sum3A_30 = arith.constant dense<0.000000e+00> : vector<256xf32>
    %reduce_sum3A_31 = vector.multi_reduction <add>, %integer_pow3A, %reduce_sum3A_30 [0] : vector<10000x256xf32> to vector<256xf32>
    %broadcast_in_dim3A_32 = vector.shape_cast %reduce_sum3A_31 : vector<256xf32> to vector<1x256xf32>
    %div3A_33 = arith.constant 1.000000e+04 : f32
    %div3A_34 = vector.broadcast %div3A_33 : f32 to vector<1x256xf32>
    %div3A_35 = arith.divf %broadcast_in_dim3A_32, %div3A_34 : vector<1x256xf32>
    %sub3A_36 = vector.broadcast %div3A_28 : vector<1x256xf32> to vector<10000x256xf32>
    %sub3A_37 = arith.subf %add3A_25, %sub3A_36 : vector<10000x256xf32>
    %add3A_38 = arith.constant 9.99999974E-6 : f32
    %add3A_39 = vector.broadcast %add3A_38 : f32 to vector<1x256xf32>
    %add3A_40 = arith.addf %div3A_35, %add3A_39 : vector<1x256xf32>
    %sqrt3A = math.sqrt %add3A_40 : vector<1x256xf32>
    %div3A_41 = vector.broadcast %sqrt3A : vector<1x256xf32> to vector<10000x256xf32>
    %div3A_42 = arith.divf %sub3A_37, %div3A_41 : vector<10000x256xf32>
    %get3A_43 = arith.constant 0 : index
    %get3A_44 = arith.constant 0 : index
    %get3A_45 = vector.load %arg6[%get3A_43, %get3A_44] : memref<1x256xf32, #tpu.memory_space<vmem>>, vector<1x256xf32>
    %mul3A_46 = vector.broadcast %get3A_45 : vector<1x256xf32> to vector<10000x256xf32>
    %mul3A_47 = arith.mulf %div3A_42, %mul3A_46 : vector<10000x256xf32>
    %get3A_48 = arith.constant 0 : index
    %get3A_49 = arith.constant 0 : index
    %get3A_50 = vector.load %arg7[%get3A_48, %get3A_49] : memref<1x256xf32, #tpu.memory_space<vmem>>, vector<1x256xf32>
    %add3A_51 = vector.broadcast %get3A_50 : vector<1x256xf32> to vector<10000x256xf32>
    %add3A_52 = arith.addf %mul3A_47, %add3A_51 : vector<10000x256xf32>
    %max3A = arith.constant 0.000000e+00 : f32
    %max3A_53 = vector.broadcast %max3A : f32 to vector<10000x256xf32>
    %max3A_54 = arith.maximumf %add3A_52, %max3A_53 : vector<10000x256xf32>
    %convert_element_type3A_55 = arith.truncf %max3A_54 : vector<10000x256xf32> to vector<10000x256xbf16>
    %get3A_56 = arith.constant 0 : index
    %get3A_57 = arith.constant 0 : index
    %get3A_58 = vector.load %arg8[%get3A_56, %get3A_57] : memref<256x128xf32, #tpu.memory_space<vmem>>, vector<256x128xf32>
    %convert_element_type3A_59 = arith.truncf %get3A_58 : vector<256x128xf32> to vector<256x128xbf16>
    %dot_general3A_60 = arith.constant dense<0.000000e+00> : vector<10000x128xf32>
    %dot_general3A_61 = tpu.matmul %convert_element_type3A_55, %convert_element_type3A_59, %dot_general3A_60 {dimension_numbers = #tpu.dot_dimension_numbers<[1], [0], [0], [1], [0, 0, 1, 1], [], []>, transpose_lhs_hint = false} : vector<10000x256xbf16>, vector<256x128xbf16>, vector<10000x128xf32> -> vector<10000x128xf32>
    %get3A_62 = arith.constant 0 : index
    %get3A_63 = arith.constant 0 : index
    %get3A_64 = vector.load %arg9[%get3A_62, %get3A_63] : memref<1x128xf32, #tpu.memory_space<vmem>>, vector<1x128xf32>
    %add3A_65 = vector.broadcast %get3A_64 : vector<1x128xf32> to vector<10000x128xf32>
    %add3A_66 = arith.addf %dot_general3A_61, %add3A_65 : vector<10000x128xf32>
    %reduce_sum3A_67 = arith.constant dense<0.000000e+00> : vector<128xf32>
    %reduce_sum3A_68 = vector.multi_reduction <add>, %add3A_66, %reduce_sum3A_67 [0] : vector<10000x128xf32> to vector<128xf32>
    %broadcast_in_dim3A_69 = vector.shape_cast %reduce_sum3A_68 : vector<128xf32> to vector<1x128xf32>
    %div3A_70 = arith.constant 1.000000e+04 : f32
    %div3A_71 = vector.broadcast %div3A_70 : f32 to vector<1x128xf32>
    %div3A_72 = arith.divf %broadcast_in_dim3A_69, %div3A_71 : vector<1x128xf32>
    %sub3A_73 = vector.broadcast %div3A_72 : vector<1x128xf32> to vector<10000x128xf32>
    %sub3A_74 = arith.subf %add3A_66, %sub3A_73 : vector<10000x128xf32>
    %integer_pow3A_75 = arith.mulf %sub3A_74, %sub3A_74 : vector<10000x128xf32>
    %reduce_sum3A_76 = arith.constant dense<0.000000e+00> : vector<128xf32>
    %reduce_sum3A_77 = vector.multi_reduction <add>, %integer_pow3A_75, %reduce_sum3A_76 [0] : vector<10000x128xf32> to vector<128xf32>
    %broadcast_in_dim3A_78 = vector.shape_cast %reduce_sum3A_77 : vector<128xf32> to vector<1x128xf32>
    %div3A_79 = arith.constant 1.000000e+04 : f32
    %div3A_80 = vector.broadcast %div3A_79 : f32 to vector<1x128xf32>
    %div3A_81 = arith.divf %broadcast_in_dim3A_78, %div3A_80 : vector<1x128xf32>
    %sub3A_82 = vector.broadcast %div3A_72 : vector<1x128xf32> to vector<10000x128xf32>
    %sub3A_83 = arith.subf %add3A_66, %sub3A_82 : vector<10000x128xf32>
    %add3A_84 = arith.constant 9.99999974E-6 : f32
    %add3A_85 = vector.broadcast %add3A_84 : f32 to vector<1x128xf32>
    %add3A_86 = arith.addf %div3A_81, %add3A_85 : vector<1x128xf32>
    %sqrt3A_87 = math.sqrt %add3A_86 : vector<1x128xf32>
    %div3A_88 = vector.broadcast %sqrt3A_87 : vector<1x128xf32> to vector<10000x128xf32>
    %div3A_89 = arith.divf %sub3A_83, %div3A_88 : vector<10000x128xf32>
    %get3A_90 = arith.constant 0 : index
    %get3A_91 = arith.constant 0 : index
    %get3A_92 = vector.load %arg10[%get3A_90, %get3A_91] : memref<1x128xf32, #tpu.memory_space<vmem>>, vector<1x128xf32>
    %mul3A_93 = vector.broadcast %get3A_92 : vector<1x128xf32> to vector<10000x128xf32>
    %mul3A_94 = arith.mulf %div3A_89, %mul3A_93 : vector<10000x128xf32>
    %get3A_95 = arith.constant 0 : index
    %get3A_96 = arith.constant 0 : index
    %get3A_97 = vector.load %arg11[%get3A_95, %get3A_96] : memref<1x128xf32, #tpu.memory_space<vmem>>, vector<1x128xf32>
    %add3A_98 = vector.broadcast %get3A_97 : vector<1x128xf32> to vector<10000x128xf32>
    %add3A_99 = arith.addf %mul3A_94, %add3A_98 : vector<10000x128xf32>
    %swap3A = arith.constant 0 : index
    %swap3A_100 = arith.constant 0 : index
    %swap3A_101 = vector.load %arg17[%swap3A, %swap3A_100] : memref<10000x128xf32, #tpu.memory_space<vmem>>, vector<10000x128xf32>
    tpu.vector_store %arg17[%swap3A, %swap3A_100], %add3A_99 {strides = array<i32>} : memref<10000x128xf32, #tpu.memory_space<vmem>>, vector<10000x128xf32>,
    %swap3A_102 = arith.constant 0 : index
    %swap3A_103 = arith.constant 0 : index
    %swap3A_104 = vector.load %arg18[%swap3A_102, %swap3A_103] : memref<10000x128xf32, #tpu.memory_space<vmem>>, vector<10000x128xf32>
    tpu.vector_store %arg18[%swap3A_102, %swap3A_103], %add3A_99 {strides = array<i32>} : memref<10000x128xf32, #tpu.memory_space<vmem>>, vector<10000x128xf32>,
    %get3A_105 = arith.constant 0 : index
    %get3A_106 = arith.constant 0 : index
    %get3A_107 = vector.load %arg12[%get3A_105, %get3A_106] : memref<10x128xf32, #tpu.memory_space<vmem>>, vector<10x128xf32>
    %swap3A_108 = arith.constant 0 : index
    %swap3A_109 = arith.constant 0 : index
    %swap3A_110 = vector.load %arg19[%swap3A_108, %swap3A_109] : memref<10x128xf32, #tpu.memory_space<vmem>>, vector<10x128xf32>
    tpu.vector_store %arg19[%swap3A_108, %swap3A_109], %get3A_107 {strides = array<i32>} : memref<10x128xf32, #tpu.memory_space<vmem>>, vector<10x128xf32>,
    return
  }
}

</mosaic_0001>

<sc_bundles>
// kernel: gather_offload_async_start.1
scs
__scs_entry_jumppad:
0x0: {  	(pc) =	sbr.rel $0x88, $3  }
0x1: {  	(tag) =	ssettag $0x0;
	lr =	simm.s32 $0x1  }
0x2: {  	[smem:$0x3F8A] =	sst lr;
	_ =	strace $0xD0000000  }
0x3: {  	_ = 	snop  }
0x4: {  	_ = 	snop  }
0x5: {  	_ = 	snop  }
0x6: {  	_ = 	snop  }
0x7: {  	_ = 	snop  }
__scs_overlays_trampoline_lowered:
0x8: {  	[smem:$0x3F99] =	sst s0  }
0x9: {  	[smem:$0x3F9A] =	sst s1  }
0xa: {  	[smem:$0x3F9B] =	sst s2  }
0xb: {  	[smem:$0x3F9C] =	sst s3  }
0xc: {  	[smem:$0x3F9D] =	sst s4  }
0xd: {  	[smem:$0x3F9E] =	sst s5  }
0xe: {  	[smem:$0x3F9F] =	sst s6  }
0xf: {  	[smem:$0x3FA0] =	sst s7  }
0x10: {  	[smem:$0x3FA1] =	sst s8  }
0x11: {  	[smem:$0x3FA2] =	sst s9;
	s0 =	simm.s32 @!p0 $0x0  }
0x12: {  	s1 =	sld [smem:$0x3F88];
	s0 =	simm.s32 @p0 $0x1  }
0x13: {  	[smem:$0x3FA3] =	sst s0;
	s0 =	simm.s32 @!p1 $0x0  }
0x14: {  	s2 =	sld [smem:$0x3F87];
	s0 =	simm.s32 @p1 $0x1  }
0x15: {  	[smem:$0x3FA4] =	sst s0;
	s0 =	simm.s32 @!p2 $0x0  }
0x16: {  	s3 =	sld [smem:$0x3FDB];
	s0 =	simm.s32 @p2 $0x1  }
0x17: {  	s4 =	simm.s32 $0x1BF5;
	[smem:$0x3FA6] =	sst s0  }
0x18: {  	s0 =	sld [smem:$0x3F89];
	_ =	swait.ge [sflag:s4], $0x0  }
0x19: {  	s7 =	sld [smem:$0x3F8A]  }
0x1a: {  	s8 =	sadd.s32 $0xFFFFE003, lr  }
0x1b: {  	s9 =	sadd.s32 $0xFFFFFEF7, lr;
	s5 =	simm.s32 $0xFFFFFFFF;
	p2 =	slt.u32 s8, $0xFFFFF086  }
0x1c: {  	p1 =	slt.u32 s9, $0xF7A;
	s5 =	simm.s32 @!p2 $0x0  }
0x1d: {  	s5 =	simm.s32 @p1 $0x1;
	p0 =	seq.s32 s7, s2  }
0x1e: {  	s7 =	smul.u32 @!p0 $0xF7A, s2;
	p2 =	seq.s32 @!p0 s5, $0x0  }
0x1f: {  	s9 =	smul.u32 $0xF7A, s1;
	s8 =	simm.s32 @!p0 $0x1BF5;
	p2 =	por !p2, p0  }
0x20: {  	[sflag:s8] =	ssyncset.s32 @!p0 $0xFFFFF086;
	s6 =	sadd.s32 @!p0 s3, s7;
	s7 =	simm.s32 @!p0 $0x108  }
0x21: {  	s3 =	sadd.s32 s3, s9;
	s6 =	sadd.s32 @!p0 $0x88, s6;
	s7 =	simm.s32 @p2 $0x1082  }
0x22: {  	[simem:s7], [sflag:s8] =	dma.local @!p0 [hbm:s6], $0xF7A  }
0x23: {  	s9 =	sor.u32 $0xD0000000, s2;
	s6 =	simm.s32 $0x108;
	_ =	swait.ge @!p0 [sflag:s8], $0x0  }
0x24: {  	s3 =	sadd.s32 $0x88, s3;
	s6 =	simm.s32 @!p1 $0x1082;
	[sflag:s4] =	ssyncset.s32 $0xFFFFF086  }
0x25: {  	[simem:s6], [sflag:s4] =	dma.local [hbm:s3], $0xF7A  }
0x26: {  	[smem:$0x3F8A] =	sst s1;
	(tag) =	ssettag s2;
	_ =	strace s9  }
0x27: {  	s1 =	sld [smem:$0x3F9A]  }
0x28: {  	s2 =	sld [smem:$0x3F9B]  }
0x29: {  	s4 =	sld [smem:$0x3F9D]  }
0x2a: {  	p0 =	seq.s32 s5, $0x0;
	s5 =	sld [smem:$0x3F9E]  }
0x2b: {  	s6 =	sld [smem:$0x3F9F]  }
0x2c: {  	s7 =	sld [smem:$0x3FA0]  }
0x2d: {  	s3 =	simm.s32 $0x108;
	s8 =	sld [smem:$0x3FA1]  }
0x2e: {  	s3 =	simm.s32 @!p0 $0x1082;
	s9 =	sld [smem:$0x3FA2]  }
0x2f: {  	lr =	sadd.s32 s0, s3;
	s0 =	sld [smem:$0x3F99]  }
0x30: {  	s3 =	sld [smem:$0x3F9C]  }
0x31: {  	[smem:$0x3FA5] =	sst s10  }
0x32: {  	s10 =	sld [smem:$0x3FA3];
	_ =	sdelay $0x3  }
0x33: {  	p0 =	seq.s32 s10, $0x1;
	s10 =	sld [smem:$0x3FA5];
	_ =	sdelay $0x3  }
0x34: {  	[smem:$0x3FA5] =	sst s10  }
0x35: {  	s10 =	sld [smem:$0x3FA4];
	_ =	sdelay $0x3  }
0x36: {  	p1 =	seq.s32 s10, $0x1;
	s10 =	sld [smem:$0x3FA5];
	_ =	sdelay $0x3  }
0x37: {  	[smem:$0x3FA5] =	sst s10  }
0x38: {  	s10 =	sld [smem:$0x3FA6]  }
0x39: {  	_ = 	snop;
	(pc) =	sbr.ind lr, $3  }
0x3a: {  	_ = 	snop  }
0x3b: {  	_ = 	snop  }
0x3c: {  	p2 =	seq.s32 s10, $0x1;
	s10 =	sld [smem:$0x3FA5]  }
0x3d: {  	_ =	shalt  }
0x3e: {  	_ =	shalt  }
0x3f: {  	_ =	shalt  }
0x40: {  	_ =	shalt  }
0x41: {  	_ =	shalt  }
0x42: {  	_ =	shalt  }
0x43: {  	_ =	shalt  }
0x44: {  	_ =	shalt  }
0x45: {  	_ =	shalt  }
0x46: {  	_ =	shalt  }
0x47: {  	_ =	shalt  }
0x48: {  	_ =	shalt  }
0x49: {  	_ =	shalt  }
0x4a: {  	_ =	shalt  }
0x4b: {  	_ =	shalt  }
0x4c: {  	_ =	shalt  }
0x4d: {  	_ =	shalt  }
0x4e: {  	_ =	shalt  }
0x4f: {  	_ =	shalt  }
0x50: {  	_ =	shalt  }
0x51: {  	_ =	shalt  }
0x52: {  	_ =	shalt  }
0x53: {  	_ =	shalt  }
0x54: {  	_ =	shalt  }
0x55: {  	_ =	shalt  }
0x56: {  	_ =	shalt  }
0x57: {  	_ =	shalt  }
0x58: {  	_ =	shalt  }
0x59: {  	_ =	shalt  }
0x5a: {  	_ =	shalt  }
0x5b: {  	_ =	shalt  }
0x5c: {  	_ =	shalt  }
0x5d: {  	_ =	shalt  }
0x5e: {  	_ =	shalt  }
0x5f: {  	_ =	shalt  }
0x60: {  	_ =	shalt  }
0x61: {  	_ =	shalt  }
0x62: {  	_ =	shalt  }
0x63: {  	_ =	shalt  }
0x64: {  	_ =	shalt  }
0x65: {  	_ =	shalt  }
0x66: {  	_ =	shalt  }
0x67: {  	_ =	shalt  }
0x68: {  	_ =	shalt  }
0x69: {  	_ =	shalt  }
0x6a: {  	_ =	shalt  }
0x6b: {  	_ =	shalt  }
0x6c: {  	_ =	shalt  }
0x6d: {  	_ =	shalt  }
0x6e: {  	_ =	shalt  }
0x6f: {  	_ =	shalt  }
0x70: {  	_ =	shalt  }
0x71: {  	_ =	shalt  }
0x72: {  	_ =	shalt  }
0x73: {  	_ =	shalt  }
0x74: {  	_ =	shalt  }
0x75: {  	_ =	shalt  }
0x76: {  	_ =	shalt  }
0x77: {  	_ =	shalt  }
0x78: {  	_ =	shalt  }
0x79: {  	_ =	shalt  }
0x7a: {  	_ =	shalt  }
0x7b: {  	_ =	shalt  }
0x7c: {  	_ =	shalt  }
0x7d: {  	_ =	shalt  }
0x7e: {  	_ =	shalt  }
0x7f: {  	_ =	shalt  }
0x80: {  	_ =	shalt  }
0x81: {  	_ =	shalt  }
0x82: {  	_ =	shalt  }
0x83: {  	_ =	shalt  }
0x84: {  	_ =	shalt  }
0x85: {  	_ =	shalt  }
0x86: {  	_ =	shalt  }
0x87: {  	_ =	shalt  }
.Lfunc_end0:
.L_simem_size_0:
called_computation.2_lowered:
.L_overlay_start_0:
0x88: {  	s0 =	sld [smem:$0x3FD9]  }
0x89: {  	s1 =	sld [smem:$0x3FFE];
	_ =	sdelay $0x3  }
0x8a: {  	s0 =	sadd.s32 s1, s0  }
0x8b: {  	[smem:$0x3FB1] =	sst s0  }
0x8c: {  	_ = 	snop  }
0x8d: {  	(tm) =	ssettm $0x1  }
0x8e: {  	s15 =	sld [smem:$0x3FFB];
	_ =	sdelay $0x3  }
0x8f: {  	_ =	strace s15  }
0x90: {  	s0 =	sld [smem:$0x3FFC];
	_ =	sdelay $0x3  }
0x91: {  	_ =	strace s0  }
0x92: {  	s0 =	sld [smem:$0x3FFD];
	_ =	sdelay $0x3  }
0x93: {  	_ =	strace s0  }
0x94: {  	_ =	strace $0x8FFFFFFF  }
0x95: {  	s16 =	sld [smem:$0x3FDB];
	_ =	sdelay $0x1  }
0x96: {  	s17 =	simm.s32 $_scs_section_size  }
0x97: {  	s2 =	simm.s32 $_size__tile_overlayer_lowered;
	s3 =	simm.s32 $_tile_overlayer_lowered  }
0x98: {  	s20 =	simm.s32 $0x1BFF;
	s19 =	sshll.u32 s3, $0x1;
	s0 =	sadd.s32 s17, s16  }
0x99: {  	s4 =	simm.s32 $0x0;
	s18 =	sshll.u32 s2, $0x1;
	s2 =	sadd.s32 s19, s0  }
0x9a: {  	[timem:s4], [sflag:s20] =	dma.local [hbm:s2], s18  }
0x9b: {  	_ =	swait.ge [sflag:s20], s18  }
0x9c: {  	s1 =	ssub.s32 $0x0, s18;
	[sflag:s20] =	ssyncset.done $0x0  }
0x9d: {  	[sflag:s20] =	ssyncadd.s32 s1;
	_ =	sdelay $0x1  }
0x9e: {  	s21 =	simm.s32 $0x1B8B  }
0x9f: {  	_ =	swait.ge [sflag:s21], $0x1  }
0xa0: {  	[sflag:s21] =	ssyncset.done $0x0  }
0xa1: {  	s23 =	simm.s32 $0x1B8E;
	s22 =	sld [smem:$0x3FFE];
	[sflag:s21] =	ssyncadd.s32 $0xFFFFFFFF  }
0xa2: {  	s24 =	simm.s32 $execute0_lowered;
	[smem:$0x3FD2] =	sst s23  }
0xa3: {  	s2 =	sshll.u32 s24, $0x1;
	_ =	strace $0x80000049;
	[dreg:$0x1] =	wrdreg $0xFFFFFFFF  }
0xa4: {  	s25 =	simm.s32 $_size_execute0_lowered;
	s0 =	sadd.s32 s0, s2;
	[dreg:$0x0] =	wrdreg $0x0  }
0xa5: {  	s2 =	sshll.u32 s25, $0x1;
	[dreg:$0x2] =	wrdreg s0  }
0xa6: {  	[dreg:$0x3] =	wrdreg s2  }
0xa7: {  	[dreg:$0x4] =	wrdreg $0xC0  }
0xa8: {  	_ =	task [dreg:s4], $0x5FFFF  }
0xa9: {  	[dreg:$0x1] =	wrdreg $0xFFFFFFFF  }
0xaa: {  	[dreg:$0x0] =	wrdreg $0x60  }
0xab: {  	[dreg:$0x2] =	wrdreg s22  }
0xac: {  	[dreg:$0x3] =	wrdreg $0x9  }
0xad: {  	_ =	task.clear_ibuf [dreg:s4], $0x4FFFF;
	_ =	strace $0x90000049  }
0xae: {  	s26 =	simm.s32 $0x9;
	_ =	strace $0x8000004B  }
0xaf: {  	_ =	swait.ge [sflag:s26], $0x1  }
0xb0: {  	[sflag:s26] =	ssyncadd.s32 $0xFFFFFFFF  }
0xb1: {  	_ =	strace $0x9000004B  }
0xb2: {  	_ =	sfence  }
0xb3: {  	s28 =	sld [smem:$0x0];
	_ =	sdelay $0x1  }
0xb4: {  	s29 =	srdreg.scid  }
0xb5: {  	s30 =	sshll.u32 s29, $0xD;
	s31 =	sshrl.u32 s29, $0x2  }
0xb6: {  	s1 =	sand.u32 $0x1, s29;
	s2 =	sand.u32 $0x4000, s30;
	s0 =	sadd.s32 s31, s28  }
0xb7: {  	s1 =	sor.u32 s2, s1;
	s0 =	sshll.u32 s0, $0x11  }
0xb8: {  	s0 =	sor.u32 s0, s1  }
0xb9: {  	s0 =	sadd.s32 $0x8F2B, s0  }
0xba: {  	[sflag:s0] =	ssyncadd.remote.s32 $0x1  }
0xbb: {  	_ =	sfence.sel $0xFFFF  }
0xbc: {  	[dreg:$0x0] =	wrdreg $0xFFFFFFFF;
	(pc) =	sbr.abs _section_cstart, $3  }
0xbd: {  	[dreg:$0x1] =	wrdreg $0xFFFFFFFF  }
0xbe: {  	_ =	task.clear_ibuf [dreg:s4], $0x2FFFF;
	_ =	strace $0x9FFFFFFF  }
0xbf: {  	(tm) =	ssettm $0x7FFFFFFF  }
tec
execute0_lowered:
.L_overlay_start_1:
0x0: {  	(tag) =	ssettag $0x1  }
0x1: {  	s0 =	stileid.u32;
	s3 =	simm.s32 $0x2800  }
0x2: {  	s7 =	rddreg [dreg:$0x0];
	s6 =	simm.s32 $0x1;
	s1 =	smul.u32 $0x13, s0  }
0x3: {  	s8 =	simm.s32 $0x3;
	s11 =	simm.s32 $0x4;
	s2 =	smin.u32 s0, $0x9  }
0x4: {  	s12 =	simm.s32 $0xFFFFF800;
	p0 =	slt.u32 s0, $0x9;
	s1 =	sadd.s32 s2, s1  }
0x5: {  	s13 =	simm.s32 $0xFFFFFE00;
	s3 =	simm.s32 @!p0 $0x2600;
	s2 =	sshll.u32 s1, $0x9  }
0x6: {  	s14 =	simm.s32 $0xFFFFFFFF;
	s18 =	simm.s32 $0x0;
	s3 =	sadd.s32 s3, s2  }
0x7: {  	s15 =	simm.s32 $0x0;
	s17 =	simm.s32 $0x0;
	s3 =	smin.u32 s3, $0x27100  }
0x8: {  	s4 =	sadd.s32 $0xF400, s7;
	s5 =	sadd.s32 $0x19400, s7;
	s9 =	ssub.s32 s3, s2  }
0x9: {  	s7 =	sadd.s32 $0x10800, s7;
	s1 =	rddreg [dreg:$0x1];
	p0 =	sgt.s32 s9, $0x0  }
.Ltmp0:
0xa: {  	_ =	strace $0x8000004A;
	s9 =	simm.s32 @!p0 $0x0;
	(pc) =	sbr.rel .LBB2_1-.Ltmp0, $4  }
0xb: {  	[sflag:s6] =	ssyncpa.u1 $0x0;
	s6 =	simm.s32 $0x2;
	s10 =	sshrl.u32 s9, $0x8  }
0xc: {  	[sflag:s6] =	ssyncpa.u1 $0x0;
	s9 =	sshrl.u32 s9, $0x9;
	s10 =	sand.u32 $0x1, s10  }
0xd: {  	s16 =	smov.u32 s2;
	[sflag:s8] =	ssyncpa.u1 $0x0;
	s9 =	sadd.s32 s9, s10  }
0xe: {  	v0 =	vlaneseq.u32;
	vm0 =	vmmov $0xffff;
	[sflag:s11] =	ssyncpa.u1 $0x0;
	s11 =	simm.s32 $0x0;
	s10 =	sadd.s32 $0x2, s9  }
.LBB2_7:
0xf: {  	p0 =	slt.u32 s17, $0x3  }
0x10: {  	s18 =	simm.s32 @!p0 $0x4  }
0x11: {  	_ =	swait.ge @!p0 [sflag:s18], $0x80  }
0x12: {  	s19 =	sadd.s32 $0x200, s16;
	[sflag:s18] =	ssyncset.done @!p0 $0x0  }
0x13: {  	s20 =	smov.u32 s2;
	[sflag:s18] =	ssyncadd.s32 @!p0 $0xFFFFFF80;
	p0 =	slt.s32 s19, s3  }
0x14: {  	s20 =	smov.u32 @p0 s19;
	p0 =	sne.s32 s17, s10  }
.Ltmp1:
0x15: {  	_ = 	snop;
	(pc) =	sbr.rel @!p0 .LBB2_8-.Ltmp1, $4  }
0x16: {  	_ = 	snop  }
0x17: {  	s31 =	sadd.s32 $0x1, s17;
	s12 =	sadd.s32 $0x800, s12  }
0x18: {  	s13 =	sadd.s32 $0x200, s13;
	s14 =	sadd.s32 $0x1, s14;
	s18 =	smov.u32 s15  }
0x19: {  	s15 =	smov.u32 s16;
	s17 =	smov.u32 s31;
	s16 =	smov.u32 s20  }
.LBB2_1:
0x1a: {  	p0 =	sge.u32 s17, s9  }
0x1b: {  	s19 =	smulhi.u32 @!p0 $0xAAAAAAAB, s17;
	_ =	sdelay $0x1  }
0x1c: {  	s19 =	sshrl.u32 @!p0 s19, $0x1  }
0x1d: {  	s19 =	smul.u32 @!p0 $0x3, s19;
	_ =	sdelay $0x1  }
0x1e: {  	s31 =	sadd.s32 $0xFFFFFFFF, s17;
	s20 =	sshrl.u32 @!p0 s16, $0x3;
	s19 =	ssub.s32 @!p0 s17, s19  }
0x1f: {  	s21 =	sand.u32 @!p0 $0x7, s16;
	s20 =	sadd.s32 @!p0 s5, s20;
	s19 =	sshll.u32 @!p0 s19, $0x9  }
0x20: {  	[tilespmem:s19], [sflag:$0x2] =	stream.linear.gather @!p0 [hbm4b:s20+s21], $0x200, $0x38;
	[tilespmem:$0xB00] =	vst v63  }
0x21: {  	p0 =	sge.u32 s31, s9  }
.Ltmp2:
0x22: {  	_ = 	snop;
	(pc) =	sbr.rel @p0 .LBB2_5-.Ltmp2, $1  }
0x23: {  	_ =	sdelay $0x3  }
0x24: {  	s19 =	smulhi.u32 $0xAAAAAAAB, s14;
	_ =	sdelay $0x1  }
0x25: {  	s19 =	sshrl.u32 s19, $0x1  }
0x26: {  	s19 =	smul.u32 $0xFFFFE800, s19;
	_ =	sdelay $0x1  }
0x27: {  	_ =	swait.ge [sflag:s6], $0x200;
	s19 =	sshra.s32 s19, $0x2  }
0x28: {  	[sflag:s6] =	ssyncset.done $0x0;
	s20 =	sadd.s32 s19, s13  }
0x29: {  	[sflag:s6] =	ssyncadd.s32 $0xFFFFFE00;
	(ifvalue) =	ssetifvalue $0x7FFFFFFF;
	v1 =	vld.msk [tilespmem:s20+$0x0 ss:$0x1], $0xffff  }
0x2a: {  	s21 =	sadd.s32 $0x10, s20  }
0x2b: {  	v2 =	vld.msk [tilespmem:s21+$0x0 ss:$0x1], $0xffff;
	_ =	sdelay $0x1  }
0x2c: {  	s19 =	ssub.s32 $0x27100, s15  }
0x2d: {  	p0 =	slt.s32 s19, $0x200;
	vm1 =	vgt.s32 v1, $0x0  }
0x2e: {  	s19 =	simm.s32 @!p0 $0x200;
	v1 =	vnsel vm1, $0x0, v1  }
0x2f: {  	p0 =	sgt.s32 s19, $0x0;
	s22 =	smov.u32 s19;
	vm1 =	vgt.s32 v2, $0x0;
	v1 =	vmin.u32 v1, $0x270FF  }
0x30: {  	s22 =	simm.s32 @!p0 $0x0;
	v2 =	vnsel vm1, $0x0, v2;
	v4 =	vshll.u32 v1, $0x2  }
0x31: {  	s22 =	smin.u32 s22, $0x10;
	v3 =	vshrl.u32 v1, $0x7;
	v1 =	vand.u32 $0x3FE00, v1;
	v4 =	vand.u32 $0x1FC, v4  }
0x32: {  	v5 =	vmin.u32 v2, $0x270FF;
	v2 =	vmov s22;
	v1 =	vor.u32 v1, v4  }
0x33: {  	vm1 =	vgt.u32 v2, v0;
	v1 =	vshrl.u32 v1, $0x2  }
0x34: {  	s30 =	sshrl.u32 s12, $0x2;
	s23 =	sadd.s32 $0xFFFFFFF0, s19;
	v1 =	vnsel vm1, $0x7FFFFFFF, v1  }
0x35: {  	s19 =	sadd.s32 $0x10, s21;
	p0 =	sgt.s32 s23, $0x0;
	s25 =	smov.u32 s23;
	v3 =	vand.u32 $0x3, v3  }
0x36: {  	s31 =	sand.u32 $0x200, s30;
	s25 =	simm.s32 @!p0 $0x0;
	v2 =	vld.msk [tilespmem:s19+$0x0 ss:$0x1], $0xffff;
	v4 =	vshrl.u32 v5, $0x7;
	[tilespmem:s20+$0x0] =	vst v3;
	v3 =	vshll.u32 v5, $0x2  }
0x37: {  	s24 =	simm.s32 $0x30;
	s25 =	smin.u32 s25, $0x10;
	s22 =	sadd.s32 $0x600, s31;
	v5 =	vand.u32 $0x3FE00, v5;
	v4 =	vand.u32 $0x3, v4;
	v6 =	vand.u32 $0x1FC, v3  }
0x38: {  	s20 =	sadd.s32 $0x10, s19;
	v3 =	vmov s25;
	[tilespmem:s21+$0x0] =	vst v4;
	v4 =	vor.u32 v5, v6;
	(ifvalue) =	ssetifvalue $0x7FFFFFFF;
	s21 =	sadd.s32 $0x10, s22  }
.LBB2_3:
0x39: {  	[tilespmem:s22], [sflag:$0x3] =	stream.indirect_vreg.gather [hbm4b:s4+s11], $0x1, v1, vm0, $0x4038;
	[tilespmem:$0xB00] =	vst v63  }
0x3a: {  	s24 =	sadd.s32 $0x10, s24  }
0x3b: {  	vm1 =	vgt.s32 v2, $0x0;
	vm2 =	vgt.u32 v3, v0;
	v3 =	vshrl.u32 v4, $0x2;
	v1 =	vmovc v2;
	v2 =	vld.msk [tilespmem:s20+$0x0 ss:$0x1], $0xffff;
	p0 =	slt.u32 s24, $0x1F0  }
.Ltmp3:
0x3c: {  	s23 =	sadd.s32 $0xFFFFFFF0, s23;
	v4 =	vnsel vm1, $0x0, v1;
	v1 =	vnsel vm2, $0x7FFFFFFF, v3;
	(pc) =	sbr.rel @p0 .LBB2_3-.Ltmp3, $4  }
0x3d: {  	s25 =	smov.u32 s19;
	p1 =	sgt.s32 s23, $0x0;
	s26 =	smov.u32 s23;
	v3 =	vmin.u32 v4, $0x270FF  }
0x3e: {  	s19 =	smov.u32 s20;
	s22 =	smov.u32 s21;
	s26 =	simm.s32 @!p1 $0x0;
	v4 =	vshrl.u32 v3, $0x7;
	v5 =	vshll.u32 v3, $0x2  }
0x3f: {  	s26 =	smin.u32 s26, $0x10;
	v6 =	vand.u32 $0x3, v4;
	v4 =	vand.u32 $0x3FE00, v3;
	v5 =	vand.u32 $0x1FC, v5  }
0x40: {  	s20 =	sadd.s32 $0x10, s20;
	s21 =	sadd.s32 $0x10, s21;
	v3 =	vmov s26;
	v4 =	vor.u32 v4, v5;
	[tilespmem:s25+$0x0] =	vst v6;
	(ifvalue) =	ssetifvalue $0x7FFFFFFF  }
0x41: {  	v5 =	vld.msk [tilespmem:s20+$0x0 ss:$0x1], $0xffff;
	_ =	sdelay $0x1  }
0x42: {  	s23 =	sadd.s32 $0xFFFFFFF0, s23;
	vm1 =	vgt.s32 v2, $0x0  }
0x43: {  	p0 =	sgt.s32 s23, $0x0;
	s24 =	smov.u32 s23;
	v2 =	vnsel vm1, $0x0, v2;
	vm1 =	vgt.u32 v3, v0;
	v3 =	vshrl.u32 v4, $0x2  }
0x44: {  	s24 =	simm.s32 @!p0 $0x0;
	v2 =	vmin.u32 v2, $0x270FF;
	v3 =	vnsel vm1, $0x7FFFFFFF, v3  }
0x45: {  	s24 =	smin.u32 s24, $0x10;
	v60 =	vshll.u32 v2, $0x2;
	v7 =	vand.u32 $0x3FE00, v2;
	vm1 =	vgt.s32 v5, $0x0  }
0x46: {  	s23 =	sadd.s32 $0xFFFFFFF0, s23;
	v2 =	vshrl.u32 v2, $0x7;
	v6 =	vmov s24;
	v5 =	vnsel vm1, $0x0, v5  }
0x47: {  	p0 =	sgt.s32 s23, $0x0;
	v4 =	vand.u32 $0x1FC, v60;
	v2 =	vand.u32 $0x3, v2;
	v5 =	vmin.u32 v5, $0x270FF  }
0x48: {  	s23 =	simm.s32 @!p0 $0x0;
	v4 =	vor.u32 v7, v4;
	vm1 =	vgt.u32 v6, v0;
	v61 =	vshll.u32 v5, $0x2  }
0x49: {  	s23 =	smin.u32 s23, $0x10;
	v4 =	vshrl.u32 v4, $0x2;
	v62 =	vand.u32 $0x3FE00, v5;
	v6 =	vand.u32 $0x1FC, v61  }
0x4a: {  	v63 =	vmov s23;
	v4 =	vnsel vm1, $0x7FFFFFFF, v4;
	v6 =	vor.u32 v62, v6  }
0x4b: {  	[tilespmem:s22], [sflag:$0x3] =	stream.indirect_vreg.gather [hbm4b:s4+s11], $0x1, v1, vm0, $0x4038;
	[tilespmem:s19+$0x0] =	vst v2;
	vm1 =	vgt.u32 v63, v0;
	v2 =	vshrl.u32 v6, $0x2  }
0x4c: {  	(ifvalue) =	ssetifvalue $0x7FFFFFFF;
	v1 =	vshrl.u32 v5, $0x7;
	v2 =	vnsel vm1, $0x7FFFFFFF, v2  }
0x4d: {  	[tilespmem:s21], [sflag:$0x3] =	stream.indirect_vreg.gather [hbm4b:s4+s11], $0x1, v3, vm0, $0x4038;
	v1 =	vand.u32 $0x3, v1;
	[tilespmem:$0xB00] =	vst v63  }
0x4e: {  	s31 =	sadd.s32 $0x10, s21;
	[tilespmem:s20+$0x0] =	vst v1;
	(ifvalue) =	ssetifvalue $0x7FFFFFFF  }
0x4f: {  	[tilespmem:s31], [sflag:$0x3] =	stream.indirect_vreg.gather [hbm4b:s4+s11], $0x1, v4, vm0, $0x4038;
	[tilespmem:$0xB00] =	vst v63  }
0x50: {  	s19 =	sadd.s32 $0x10, s31;
	(ifvalue) =	ssetifvalue $0x7FFFFFFF  }
0x51: {  	[tilespmem:s19], [sflag:$0x3] =	stream.indirect_vreg.gather [hbm4b:s4+s11], $0x1, v2, vm0, $0x4038;
	[tilespmem:$0xB00] =	vst v63  }
.LBB2_5:
0x52: {  	p0 =	slt.u32 s17, $0x2  }
0x53: {  	p1 =	sge.u32 @!p0 s17, s10  }
0x54: {  	p0 =	por p0, p1  }
.Ltmp4:
0x55: {  	_ = 	snop;
	(pc) =	sbr.rel @p0 .LBB2_7-.Ltmp4, $1  }
0x56: {  	_ =	sdelay $0x3  }
0x57: {  	s19 =	sadd.s32 $0xFFFFFFFE, s17  }
0x58: {  	s20 =	smulhi.u32 $0xAAAAAAAB, s19  }
0x59: {  	_ =	swait.ge [sflag:s8], $0x200  }
0x5a: {  	s21 =	sand.u32 $0x1, s17;
	[sflag:s8] =	ssyncset.done $0x0;
	s20 =	sshrl.u32 s20, $0x1  }
0x5b: {  	s28 =	sshll.u32 s21, $0x9;
	[sflag:s8] =	ssyncadd.s32 $0xFFFFFE00;
	s20 =	smul.u32 $0x3, s20  }
0x5c: {  	v1 =	vld [tilespmem:s28+$0x600]  }
0x5d: {  	v3 =	vld [tilespmem:s28+$0x680];
	s20 =	ssub.s32 s19, s20  }
0x5e: {  	v6 =	vld [tilespmem:s28+$0x700];
	s20 =	sshll.u32 s20, $0x9  }
0x5f: {  	v2 =	vld [tilespmem:s20+$0x0]  }
0x60: {  	v4 =	vld [tilespmem:s20+$0x80]  }
0x61: {  	v5 =	vld [tilespmem:s20+$0x100]  }
0x62: {  	v7 =	vld [tilespmem:s20+$0x180];
	_ =	sdelay $0x1  }
0x63: {  	v8 =	vld [tilespmem:s28+$0x780]  }
0x64: {  	v2 =	vshll.u32 v2, $0x3;
	v4 =	vshll.u32 v4, $0x3  }
0x65: {  	v1 =	vshrl.u32 v1, v2;
	v2 =	vshrl.u32 v3, v4;
	v3 =	vshll.u32 v5, $0x3  }
0x66: {  	v21 =	vshll.u32 v7, $0x3;
	v2 =	vshll.u32 v2, $0x8;
	v3 =	vshrl.u32 v6, v3  }
0x67: {  	v1 =	vand.u32 $0xFF, v1;
	v2 =	vand.u32 $0xFF00, v2;
	v3 =	vshll.u32 v3, $0x10  }
0x68: {  	v1 =	vor.u32 v1, v2;
	v2 =	vand.u32 $0xFF0000, v3;
	v3 =	vshrl.u32 v8, v21  }
0x69: {  	v1 =	vor.u32 v2, v1;
	v2 =	vshll.u32 v3, $0x18  }
0x6a: {  	s21 =	sshll.u32 s21, $0x7;
	v1 =	vor.u32 v2, v1  }
0x6b: {  	[tilespmem:s21+$0xA00] =	vst v1  }
0x6c: {  	v1 =	vld [tilespmem:s28+$0x610]  }
0x6d: {  	v2 =	vld [tilespmem:s20+$0x10]  }
0x6e: {  	v3 =	vld [tilespmem:s28+$0x690]  }
0x6f: {  	v22 =	vld [tilespmem:s20+$0x90]  }
0x70: {  	v23 =	vld [tilespmem:s20+$0x110]  }
0x71: {  	v24 =	vld [tilespmem:s28+$0x710]  }
0x72: {  	v25 =	vld [tilespmem:s20+$0x190];
	_ =	sdelay $0x1  }
0x73: {  	v26 =	vld [tilespmem:s28+$0x790]  }
0x74: {  	v2 =	vshll.u32 v2, $0x3;
	v4 =	vshll.u32 v22, $0x3  }
0x75: {  	v1 =	vshrl.u32 v1, v2;
	v2 =	vshrl.u32 v3, v4;
	v3 =	vshll.u32 v23, $0x3  }
0x76: {  	v27 =	vshll.u32 v25, $0x3;
	v2 =	vshll.u32 v2, $0x8;
	v3 =	vshrl.u32 v24, v3  }
0x77: {  	v1 =	vand.u32 $0xFF, v1;
	v2 =	vand.u32 $0xFF00, v2;
	v3 =	vshll.u32 v3, $0x10  }
0x78: {  	v1 =	vor.u32 v1, v2;
	v2 =	vand.u32 $0xFF0000, v3;
	v3 =	vshrl.u32 v26, v27  }
0x79: {  	v1 =	vor.u32 v2, v1;
	v2 =	vshll.u32 v3, $0x18  }
0x7a: {  	v1 =	vor.u32 v2, v1  }
0x7b: {  	[tilespmem:s21+$0xA10] =	vst v1  }
0x7c: {  	v1 =	vld [tilespmem:s28+$0x620]  }
0x7d: {  	v2 =	vld [tilespmem:s20+$0x20]  }
0x7e: {  	v3 =	vld [tilespmem:s28+$0x6A0]  }
0x7f: {  	v28 =	vld [tilespmem:s20+$0xA0]  }
0x80: {  	v29 =	vld [tilespmem:s20+$0x120]  }
0x81: {  	v30 =	vld [tilespmem:s28+$0x720]  }
0x82: {  	v31 =	vld [tilespmem:s20+$0x1A0];
	_ =	sdelay $0x1  }
0x83: {  	v32 =	vld [tilespmem:s28+$0x7A0]  }
0x84: {  	v2 =	vshll.u32 v2, $0x3;
	v4 =	vshll.u32 v28, $0x3  }
0x85: {  	v1 =	vshrl.u32 v1, v2;
	v2 =	vshrl.u32 v3, v4;
	v3 =	vshll.u32 v29, $0x3  }
0x86: {  	v33 =	vshll.u32 v31, $0x3;
	v2 =	vshll.u32 v2, $0x8;
	v3 =	vshrl.u32 v30, v3  }
0x87: {  	v1 =	vand.u32 $0xFF, v1;
	v2 =	vand.u32 $0xFF00, v2;
	v3 =	vshll.u32 v3, $0x10  }
0x88: {  	v1 =	vor.u32 v1, v2;
	v2 =	vand.u32 $0xFF0000, v3;
	v3 =	vshrl.u32 v32, v33  }
0x89: {  	v1 =	vor.u32 v2, v1;
	v2 =	vshll.u32 v3, $0x18  }
0x8a: {  	v1 =	vor.u32 v2, v1  }
0x8b: {  	[tilespmem:s21+$0xA20] =	vst v1  }
0x8c: {  	v1 =	vld [tilespmem:s28+$0x630]  }
0x8d: {  	v2 =	vld [tilespmem:s20+$0x30]  }
0x8e: {  	v3 =	vld [tilespmem:s28+$0x6B0]  }
0x8f: {  	v34 =	vld [tilespmem:s20+$0xB0]  }
0x90: {  	v35 =	vld [tilespmem:s20+$0x130]  }
0x91: {  	v36 =	vld [tilespmem:s28+$0x730]  }
0x92: {  	v37 =	vld [tilespmem:s20+$0x1B0];
	_ =	sdelay $0x1  }
0x93: {  	v38 =	vld [tilespmem:s28+$0x7B0]  }
0x94: {  	v2 =	vshll.u32 v2, $0x3;
	v4 =	vshll.u32 v34, $0x3  }
0x95: {  	v1 =	vshrl.u32 v1, v2;
	v2 =	vshrl.u32 v3, v4;
	v3 =	vshll.u32 v35, $0x3  }
0x96: {  	v39 =	vshll.u32 v37, $0x3;
	v2 =	vshll.u32 v2, $0x8;
	v3 =	vshrl.u32 v36, v3  }
0x97: {  	v1 =	vand.u32 $0xFF, v1;
	v2 =	vand.u32 $0xFF00, v2;
	v3 =	vshll.u32 v3, $0x10  }
0x98: {  	v1 =	vor.u32 v1, v2;
	v2 =	vand.u32 $0xFF0000, v3;
	v3 =	vshrl.u32 v38, v39  }
0x99: {  	v1 =	vor.u32 v2, v1;
	v2 =	vshll.u32 v3, $0x18  }
0x9a: {  	v1 =	vor.u32 v2, v1  }
0x9b: {  	[tilespmem:s21+$0xA30] =	vst v1  }
0x9c: {  	v1 =	vld [tilespmem:s28+$0x640]  }
0x9d: {  	v2 =	vld [tilespmem:s20+$0x40]  }
0x9e: {  	v3 =	vld [tilespmem:s28+$0x6C0]  }
0x9f: {  	v40 =	vld [tilespmem:s20+$0xC0]  }
0xa0: {  	v41 =	vld [tilespmem:s20+$0x140]  }
0xa1: {  	v42 =	vld [tilespmem:s28+$0x740]  }
0xa2: {  	v43 =	vld [tilespmem:s20+$0x1C0];
	_ =	sdelay $0x1  }
0xa3: {  	v44 =	vld [tilespmem:s28+$0x7C0]  }
0xa4: {  	v2 =	vshll.u32 v2, $0x3;
	v4 =	vshll.u32 v40, $0x3  }
0xa5: {  	v1 =	vshrl.u32 v1, v2;
	v2 =	vshrl.u32 v3, v4;
	v3 =	vshll.u32 v41, $0x3  }
0xa6: {  	v45 =	vshll.u32 v43, $0x3;
	v2 =	vshll.u32 v2, $0x8;
	v3 =	vshrl.u32 v42, v3  }
0xa7: {  	v1 =	vand.u32 $0xFF, v1;
	v2 =	vand.u32 $0xFF00, v2;
	v3 =	vshll.u32 v3, $0x10  }
0xa8: {  	v1 =	vor.u32 v1, v2;
	v2 =	vand.u32 $0xFF0000, v3;
	v3 =	vshrl.u32 v44, v45  }
0xa9: {  	v1 =	vor.u32 v2, v1;
	v2 =	vshll.u32 v3, $0x18  }
0xaa: {  	v1 =	vor.u32 v2, v1  }
0xab: {  	[tilespmem:s21+$0xA40] =	vst v1  }
0xac: {  	v1 =	vld [tilespmem:s28+$0x650]  }
0xad: {  	v2 =	vld [tilespmem:s20+$0x50]  }
0xae: {  	v3 =	vld [tilespmem:s28+$0x6D0]  }
0xaf: {  	v46 =	vld [tilespmem:s20+$0xD0]  }
0xb0: {  	v47 =	vld [tilespmem:s20+$0x150]  }
0xb1: {  	v48 =	vld [tilespmem:s28+$0x750]  }
0xb2: {  	v49 =	vld [tilespmem:s20+$0x1D0];
	_ =	sdelay $0x1  }
0xb3: {  	v50 =	vld [tilespmem:s28+$0x7D0]  }
0xb4: {  	v2 =	vshll.u32 v2, $0x3;
	v4 =	vshll.u32 v46, $0x3  }
0xb5: {  	v1 =	vshrl.u32 v1, v2;
	v2 =	vshrl.u32 v3, v4;
	v3 =	vshll.u32 v47, $0x3  }
0xb6: {  	v51 =	vshll.u32 v49, $0x3;
	v2 =	vshll.u32 v2, $0x8;
	v3 =	vshrl.u32 v48, v3  }
0xb7: {  	v1 =	vand.u32 $0xFF, v1;
	v2 =	vand.u32 $0xFF00, v2;
	v3 =	vshll.u32 v3, $0x10  }
0xb8: {  	v1 =	vor.u32 v1, v2;
	v2 =	vand.u32 $0xFF0000, v3;
	v3 =	vshrl.u32 v50, v51  }
0xb9: {  	v1 =	vor.u32 v2, v1;
	v2 =	vshll.u32 v3, $0x18  }
0xba: {  	v1 =	vor.u32 v2, v1  }
0xbb: {  	[tilespmem:s21+$0xA50] =	vst v1  }
0xbc: {  	v1 =	vld [tilespmem:s28+$0x660]  }
0xbd: {  	v2 =	vld [tilespmem:s20+$0x60]  }
0xbe: {  	v3 =	vld [tilespmem:s28+$0x6E0]  }
0xbf: {  	v52 =	vld [tilespmem:s20+$0xE0]  }
0xc0: {  	v53 =	vld [tilespmem:s20+$0x160]  }
0xc1: {  	v54 =	vld [tilespmem:s28+$0x760]  }
0xc2: {  	v55 =	vld [tilespmem:s20+$0x1E0];
	_ =	sdelay $0x1  }
0xc3: {  	v56 =	vld [tilespmem:s28+$0x7E0]  }
0xc4: {  	v2 =	vshll.u32 v2, $0x3;
	v4 =	vshll.u32 v52, $0x3  }
0xc5: {  	v1 =	vshrl.u32 v1, v2;
	v2 =	vshrl.u32 v3, v4;
	v3 =	vshll.u32 v53, $0x3  }
0xc6: {  	v57 =	vshll.u32 v55, $0x3;
	v2 =	vshll.u32 v2, $0x8;
	v3 =	vshrl.u32 v54, v3  }
0xc7: {  	v1 =	vand.u32 $0xFF, v1;
	v2 =	vand.u32 $0xFF00, v2;
	v3 =	vshll.u32 v3, $0x10  }
0xc8: {  	v1 =	vor.u32 v1, v2;
	v2 =	vand.u32 $0xFF0000, v3;
	v3 =	vshrl.u32 v56, v57  }
0xc9: {  	v1 =	vor.u32 v2, v1;
	v2 =	vshll.u32 v3, $0x18  }
0xca: {  	v1 =	vor.u32 v2, v1  }
0xcb: {  	[tilespmem:s21+$0xA60] =	vst v1  }
0xcc: {  	v1 =	vld [tilespmem:s28+$0x670]  }
0xcd: {  	v2 =	vld [tilespmem:s20+$0x70]  }
0xce: {  	v3 =	vld [tilespmem:s28+$0x6F0]  }
0xcf: {  	v58 =	vld [tilespmem:s20+$0xF0]  }
0xd0: {  	v59 =	vld [tilespmem:s20+$0x170]  }
0xd1: {  	v60 =	vld [tilespmem:s28+$0x770]  }
0xd2: {  	v61 =	vld [tilespmem:s20+$0x1F0];
	_ =	sdelay $0x1  }
0xd3: {  	v62 =	vld [tilespmem:s28+$0x7F0]  }
0xd4: {  	v2 =	vshll.u32 v2, $0x3;
	v4 =	vshll.u32 v58, $0x3  }
0xd5: {  	v1 =	vshrl.u32 v1, v2;
	v2 =	vshrl.u32 v3, v4;
	v3 =	vshll.u32 v59, $0x3  }
0xd6: {  	v63 =	vshll.u32 v61, $0x3;
	v3 =	vshrl.u32 v60, v3;
	v2 =	vshll.u32 v2, $0x8  }
0xd7: {  	v1 =	vand.u32 $0xFF, v1;
	v2 =	vand.u32 $0xFF00, v2;
	v3 =	vshll.u32 v3, $0x10  }
.Ltmp5:
0xd8: {  	v1 =	vor.u32 v1, v2;
	v2 =	vshrl.u32 v62, v63;
	v3 =	vand.u32 $0xFF0000, v3;
	(pc) =	sbr.rel .LBB2_7-.Ltmp5, $4  }
0xd9: {  	v1 =	vor.u32 v3, v1;
	v2 =	vshll.u32 v2, $0x18  }
0xda: {  	s29 =	sshrl.u32 s18, $0x2;
	s30 =	sshrl.u32 s18, $0x5;
	v1 =	vor.u32 v2, v1  }
0xdb: {  	s18 =	sadd.s32 s30, s7;
	s31 =	sor.u32 $0xA00, s21;
	s19 =	sand.u32 $0x7, s29;
	[tilespmem:s21+$0xA70] =	vst v1  }
0xdc: {  	[hbm4b:s18+s19] =	stream.linear.scatter [tilespmem:s31], [sflag:$0x4], $0x80, $0x38;
	[tilespmem:$0xB00] =	vst v63  }
.LBB2_8:
0xdd: {  	_ =	sfence.sel $0x180000  }
0xde: {  	s2 =	simm.s32 $0x2;
	[bflag:$0x0] =	sbarrier.arrive $0xFFFF  }
0xdf: {  	s29 =	simm.s32 $0x3;
	[sflag:s2] =	ssyncpa.u1 $0x1  }
0xe0: {  	s30 =	simm.s32 $0x4;
	[sflag:s29] =	ssyncpa.u1 $0x1  }
0xe1: {  	s31 =	simm.s32 $0x1;
	[sflag:s30] =	ssyncpa.u1 $0x1  }
0xe2: {  	[sflag:s31] =	ssyncpa.u1 $0x1  }
0xe3: {  	p0 =	sne.s32 s0, $0x0;
	_ =	strace $0x9000004A  }
0xe4: {  	s0 =	sadd.s32 @!p0 $0x100000, s1;
	[bflag:$0x2] =	sbarrier.arrive $0xFFFF  }
0xe5: {  	[sflag:s0] =	ssyncadd.tile.s32 @!p0 $0x1;
	_ =	shalt  }
.Lfunc_end2:
_tile_overlayer_lowered:
.L_overlay_start_2:
0xe6: {  	(tag) =	ssettag $0x2  }
0xe7: {  	s0 =	rddreg [dreg:$0x0];
	s2 =	stileid.u32  }
0xe8: {  	s1 =	rddreg [dreg:$0x1];
	p0 =	sne.s32 s2, $0x0  }
0xe9: {  	s3 =	rddreg [dreg:$0x2];
	[bflag:$0x3] =	sbarrier.arrive $0xFFFF;
	s2 =	simm.s32 @!p0 $0x1C01  }
0xea: {  	[timem:s3], [sflag:s2] =	dma.local @!p0 [hbm:s0], s1  }
0xeb: {  	s0 =	simm.s32 @!p0 $0x1  }
0xec: {  	_ =	swait.ge @!p0 [sflag:s0], s1  }
0xed: {  	s1 =	ssub.s32 @!p0 $0x0, s1;
	[sflag:s0] =	ssyncset.done @!p0 $0x0  }
0xee: {  	[sflag:s0] =	ssyncadd.s32 @!p0 s1  }
0xef: {  	[bflag:$0x3] =	sbarrier.arrive $0xFFFF  }
0xf0: {  	_ =	shalt  }

// kernel: gather_offload_async_start
scs
__scs_entry_jumppad:
0x0: {  	(pc) =	sbr.rel $0x88, $3  }
0x1: {  	(tag) =	ssettag $0x0;
	lr =	simm.s32 $0x1  }
0x2: {  	[smem:$0x3F8A] =	sst lr;
	_ =	strace $0xD0000000  }
0x3: {  	_ = 	snop  }
0x4: {  	_ = 	snop  }
0x5: {  	_ = 	snop  }
0x6: {  	_ = 	snop  }
0x7: {  	_ = 	snop  }
__scs_overlays_trampoline_lowered:
0x8: {  	[smem:$0x3F99] =	sst s0  }
0x9: {  	[smem:$0x3F9A] =	sst s1  }
0xa: {  	[smem:$0x3F9B] =	sst s2  }
0xb: {  	[smem:$0x3F9C] =	sst s3  }
0xc: {  	[smem:$0x3F9D] =	sst s4  }
0xd: {  	[smem:$0x3F9E] =	sst s5  }
0xe: {  	[smem:$0x3F9F] =	sst s6  }
0xf: {  	[smem:$0x3FA0] =	sst s7  }
0x10: {  	[smem:$0x3FA1] =	sst s8  }
0x11: {  	[smem:$0x3FA2] =	sst s9;
	s0 =	simm.s32 @!p0 $0x0  }
0x12: {  	s1 =	sld [smem:$0x3F88];
	s0 =	simm.s32 @p0 $0x1  }
0x13: {  	[smem:$0x3FA3] =	sst s0;
	s0 =	simm.s32 @!p1 $0x0  }
0x14: {  	s2 =	sld [smem:$0x3F87];
	s0 =	simm.s32 @p1 $0x1  }
0x15: {  	[smem:$0x3FA4] =	sst s0;
	s0 =	simm.s32 @!p2 $0x0  }
0x16: {  	s3 =	sld [smem:$0x3FDB];
	s0 =	simm.s32 @p2 $0x1  }
0x17: {  	s4 =	simm.s32 $0x1BF5;
	[smem:$0x3FA6] =	sst s0  }
0x18: {  	s0 =	sld [smem:$0x3F89];
	_ =	swait.ge [sflag:s4], $0x0  }
0x19: {  	s7 =	sld [smem:$0x3F8A]  }
0x1a: {  	s8 =	sadd.s32 $0xFFFFE003, lr  }
0x1b: {  	s9 =	sadd.s32 $0xFFFFFEF7, lr;
	s5 =	simm.s32 $0xFFFFFFFF;
	p2 =	slt.u32 s8, $0xFFFFF086  }
0x1c: {  	p1 =	slt.u32 s9, $0xF7A;
	s5 =	simm.s32 @!p2 $0x0  }
0x1d: {  	s5 =	simm.s32 @p1 $0x1;
	p0 =	seq.s32 s7, s2  }
0x1e: {  	s7 =	smul.u32 @!p0 $0xF7A, s2;
	p2 =	seq.s32 @!p0 s5, $0x0  }
0x1f: {  	s9 =	smul.u32 $0xF7A, s1;
	s8 =	simm.s32 @!p0 $0x1BF5;
	p2 =	por !p2, p0  }
0x20: {  	[sflag:s8] =	ssyncset.s32 @!p0 $0xFFFFF086;
	s6 =	sadd.s32 @!p0 s3, s7;
	s7 =	simm.s32 @!p0 $0x108  }
0x21: {  	s3 =	sadd.s32 s3, s9;
	s6 =	sadd.s32 @!p0 $0x88, s6;
	s7 =	simm.s32 @p2 $0x1082  }
0x22: {  	[simem:s7], [sflag:s8] =	dma.local @!p0 [hbm:s6], $0xF7A  }
0x23: {  	s9 =	sor.u32 $0xD0000000, s2;
	s6 =	simm.s32 $0x108;
	_ =	swait.ge @!p0 [sflag:s8], $0x0  }
0x24: {  	s3 =	sadd.s32 $0x88, s3;
	s6 =	simm.s32 @!p1 $0x1082;
	[sflag:s4] =	ssyncset.s32 $0xFFFFF086  }
0x25: {  	[simem:s6], [sflag:s4] =	dma.local [hbm:s3], $0xF7A  }
0x26: {  	[smem:$0x3F8A] =	sst s1;
	(tag) =	ssettag s2;
	_ =	strace s9  }
0x27: {  	s1 =	sld [smem:$0x3F9A]  }
0x28: {  	s2 =	sld [smem:$0x3F9B]  }
0x29: {  	s4 =	sld [smem:$0x3F9D]  }
0x2a: {  	p0 =	seq.s32 s5, $0x0;
	s5 =	sld [smem:$0x3F9E]  }
0x2b: {  	s6 =	sld [smem:$0x3F9F]  }
0x2c: {  	s7 =	sld [smem:$0x3FA0]  }
0x2d: {  	s3 =	simm.s32 $0x108;
	s8 =	sld [smem:$0x3FA1]  }
0x2e: {  	s3 =	simm.s32 @!p0 $0x1082;
	s9 =	sld [smem:$0x3FA2]  }
0x2f: {  	lr =	sadd.s32 s0, s3;
	s0 =	sld [smem:$0x3F99]  }
0x30: {  	s3 =	sld [smem:$0x3F9C]  }
0x31: {  	[smem:$0x3FA5] =	sst s10  }
0x32: {  	s10 =	sld [smem:$0x3FA3];
	_ =	sdelay $0x3  }
0x33: {  	p0 =	seq.s32 s10, $0x1;
	s10 =	sld [smem:$0x3FA5];
	_ =	sdelay $0x3  }
0x34: {  	[smem:$0x3FA5] =	sst s10  }
0x35: {  	s10 =	sld [smem:$0x3FA4];
	_ =	sdelay $0x3  }
0x36: {  	p1 =	seq.s32 s10, $0x1;
	s10 =	sld [smem:$0x3FA5];
	_ =	sdelay $0x3  }
0x37: {  	[smem:$0x3FA5] =	sst s10  }
0x38: {  	s10 =	sld [smem:$0x3FA6]  }
0x39: {  	_ = 	snop;
	(pc) =	sbr.ind lr, $3  }
0x3a: {  	_ = 	snop  }
0x3b: {  	_ = 	snop  }
0x3c: {  	p2 =	seq.s32 s10, $0x1;
	s10 =	sld [smem:$0x3FA5]  }
0x3d: {  	_ =	shalt  }
0x3e: {  	_ =	shalt  }
0x3f: {  	_ =	shalt  }
0x40: {  	_ =	shalt  }
0x41: {  	_ =	shalt  }
0x42: {  	_ =	shalt  }
0x43: {  	_ =	shalt  }
0x44: {  	_ =	shalt  }
0x45: {  	_ =	shalt  }
0x46: {  	_ =	shalt  }
0x47: {  	_ =	shalt  }
0x48: {  	_ =	shalt  }
0x49: {  	_ =	shalt  }
0x4a: {  	_ =	shalt  }
0x4b: {  	_ =	shalt  }
0x4c: {  	_ =	shalt  }
0x4d: {  	_ =	shalt  }
0x4e: {  	_ =	shalt  }
0x4f: {  	_ =	shalt  }
0x50: {  	_ =	shalt  }
0x51: {  	_ =	shalt  }
0x52: {  	_ =	shalt  }
0x53: {  	_ =	shalt  }
0x54: {  	_ =	shalt  }
0x55: {  	_ =	shalt  }
0x56: {  	_ =	shalt  }
0x57: {  	_ =	shalt  }
0x58: {  	_ =	shalt  }
0x59: {  	_ =	shalt  }
0x5a: {  	_ =	shalt  }
0x5b: {  	_ =	shalt  }
0x5c: {  	_ =	shalt  }
0x5d: {  	_ =	shalt  }
0x5e: {  	_ =	shalt  }
0x5f: {  	_ =	shalt  }
0x60: {  	_ =	shalt  }
0x61: {  	_ =	shalt  }
0x62: {  	_ =	shalt  }
0x63: {  	_ =	shalt  }
0x64: {  	_ =	shalt  }
0x65: {  	_ =	shalt  }
0x66: {  	_ =	shalt  }
0x67: {  	_ =	shalt  }
0x68: {  	_ =	shalt  }
0x69: {  	_ =	shalt  }
0x6a: {  	_ =	shalt  }
0x6b: {  	_ =	shalt  }
0x6c: {  	_ =	shalt  }
0x6d: {  	_ =	shalt  }
0x6e: {  	_ =	shalt  }
0x6f: {  	_ =	shalt  }
0x70: {  	_ =	shalt  }
0x71: {  	_ =	shalt  }
0x72: {  	_ =	shalt  }
0x73: {  	_ =	shalt  }
0x74: {  	_ =	shalt  }
0x75: {  	_ =	shalt  }
0x76: {  	_ =	shalt  }
0x77: {  	_ =	shalt  }
0x78: {  	_ =	shalt  }
0x79: {  	_ =	shalt  }
0x7a: {  	_ =	shalt  }
0x7b: {  	_ =	shalt  }
0x7c: {  	_ =	shalt  }
0x7d: {  	_ =	shalt  }
0x7e: {  	_ =	shalt  }
0x7f: {  	_ =	shalt  }
0x80: {  	_ =	shalt  }
0x81: {  	_ =	shalt  }
0x82: {  	_ =	shalt  }
0x83: {  	_ =	shalt  }
0x84: {  	_ =	shalt  }
0x85: {  	_ =	shalt  }
0x86: {  	_ =	shalt  }
0x87: {  	_ =	shalt  }
.Lfunc_end0:
.L_simem_size_0:
called_computation.1_lowered:
.L_overlay_start_0:
0x88: {  	s2 =	sld [smem:$0x3FD9]  }
0x89: {  	s3 =	sld [smem:$0x3FFE];
	_ =	sdelay $0x1  }
0x8a: {  	s1 =	srdreg.scid  }
0x8b: {  	s0 =	sand.u32 $0x1, s1  }
0x8c: {  	s16 =	sshll.u32 s0, $0xA;
	s2 =	sadd.s32 s3, s2  }
0x8d: {  	s2 =	sadd.s32 s2, s16  }
0x8e: {  	[smem:$0x3FB1] =	sst s2  }
0x8f: {  	_ = 	snop  }
0x90: {  	(tm) =	ssettm $0x1  }
0x91: {  	s17 =	sld [smem:$0x3FFB];
	_ =	sdelay $0x3  }
0x92: {  	_ =	strace s17  }
0x93: {  	s2 =	sld [smem:$0x3FFC];
	_ =	sdelay $0x3  }
0x94: {  	_ =	strace s2  }
0x95: {  	s2 =	sld [smem:$0x3FFD];
	_ =	sdelay $0x3  }
0x96: {  	_ =	strace s2  }
0x97: {  	_ =	strace $0x8FFFFFFF  }
0x98: {  	s18 =	sld [smem:$0x3FDB];
	_ =	sdelay $0x1  }
0x99: {  	s19 =	simm.s32 $_scs_section_size  }
0x9a: {  	s4 =	simm.s32 $_size__tile_overlayer_lowered;
	s5 =	simm.s32 $_tile_overlayer_lowered  }
0x9b: {  	s22 =	simm.s32 $0x1BFF;
	s21 =	sshll.u32 s5, $0x1;
	s2 =	sadd.s32 s19, s18  }
0x9c: {  	s6 =	simm.s32 $0x0;
	s20 =	sshll.u32 s4, $0x1;
	s4 =	sadd.s32 s21, s2  }
0x9d: {  	[timem:s6], [sflag:s22] =	dma.local [hbm:s4], s20  }
0x9e: {  	_ =	swait.ge [sflag:s22], s20  }
0x9f: {  	s3 =	ssub.s32 $0x0, s20;
	[sflag:s22] =	ssyncset.done $0x0  }
0xa0: {  	[sflag:s22] =	ssyncadd.s32 s3;
	_ =	sdelay $0x1  }
0xa1: {  	s23 =	simm.s32 $0x1B8B  }
0xa2: {  	_ =	swait.ge [sflag:s23], $0x1  }
0xa3: {  	[sflag:s23] =	ssyncset.done $0x0  }
0xa4: {  	s25 =	simm.s32 $0x1B8E;
	s24 =	sld [smem:$0x3FFE];
	[sflag:s23] =	ssyncadd.s32 $0xFFFFFFFF  }
0xa5: {  	s26 =	simm.s32 $execute0_lowered;
	[smem:$0x3FD2] =	sst s25  }
0xa6: {  	s4 =	sshll.u32 s26, $0x1;
	_ =	strace $0x80000046;
	[dreg:$0x1] =	wrdreg $0xFFFFFFFF  }
0xa7: {  	s28 =	simm.s32 $_size_execute0_lowered;
	s2 =	sadd.s32 s2, s4;
	[dreg:$0x0] =	wrdreg $0x0  }
0xa8: {  	s4 =	sshll.u32 s28, $0x1;
	[dreg:$0x2] =	wrdreg s2  }
0xa9: {  	[dreg:$0x3] =	wrdreg s4  }
0xaa: {  	[dreg:$0x4] =	wrdreg $0xC0  }
0xab: {  	_ =	task [dreg:s6], $0x5FFFF  }
0xac: {  	[dreg:$0x1] =	wrdreg $0xFFFFFFFF  }
0xad: {  	[dreg:$0x0] =	wrdreg $0x60  }
0xae: {  	[dreg:$0x2] =	wrdreg s24  }
0xaf: {  	[dreg:$0x3] =	wrdreg $0x9  }
0xb0: {  	_ =	task.clear_ibuf [dreg:s6], $0x4FFFF;
	_ =	strace $0x90000046  }
0xb1: {  	s29 =	simm.s32 $0x9;
	_ =	strace $0x80000048  }
0xb2: {  	_ =	swait.ge [sflag:s29], $0x1  }
0xb3: {  	[sflag:s29] =	ssyncadd.s32 $0xFFFFFFFF  }
0xb4: {  	_ =	strace $0x90000048  }
0xb5: {  	_ =	sfence  }
0xb6: {  	s30 =	sld [smem:$0x0];
	_ =	sdelay $0x2  }
0xb7: {  	s31 =	sshll.u32 s1, $0xD;
	s1 =	sshrl.u32 s1, $0x2  }
0xb8: {  	s3 =	sand.u32 $0x4000, s31;
	s1 =	sadd.s32 s1, s30  }
0xb9: {  	s0 =	sor.u32 s3, s0;
	s1 =	sshll.u32 s1, $0x11  }
0xba: {  	s0 =	sor.u32 s1, s0  }
0xbb: {  	s0 =	sadd.s32 $0x8F2B, s0  }
0xbc: {  	[sflag:s0] =	ssyncadd.remote.s32 $0x1  }
0xbd: {  	_ =	sfence.sel $0xFFFF  }
0xbe: {  	[dreg:$0x0] =	wrdreg $0xFFFFFFFF;
	(pc) =	sbr.abs _section_cstart, $3  }
0xbf: {  	[dreg:$0x1] =	wrdreg $0xFFFFFFFF  }
0xc0: {  	_ =	task.clear_ibuf [dreg:s6], $0x2FFFF;
	_ =	strace $0x9FFFFFFF  }
0xc1: {  	(tm) =	ssettm $0x7FFFFFFF  }
tec
execute0_lowered:
.L_overlay_start_1:
0x0: {  	(tag) =	ssettag $0x1  }
0x1: {  	s8 =	rddreg [dreg:$0x0]  }
0x2: {  	s0 =	rddreg [dreg:$0x1];
	_ =	strace $0x80000047;
	s1 =	stileid.u32  }
0x3: {  	s3 =	srdreg.scid;
	s4 =	simm.s32 $0x1;
	s7 =	simm.s32 $0x1  }
0x4: {  	s9 =	simm.s32 $0x1;
	s10 =	simm.s32 $0x3;
	s13 =	simm.s32 $0x0  }
0x5: {  	s12 =	simm.s32 $0x0;
	s5 =	sand.u32 $0x1, s3;
	s6 =	sshll.u32 s1, $0x1  }
0x6: {  	s2 =	sadd.s32 $0xF400, s8;
	s3 =	sadd.s32 $0x14400, s8;
	s5 =	sor.u32 s6, s5  }
.Ltmp0:
0x7: {  	[sflag:s4] =	ssyncpa.u1 $0x0;
	p0 =	slt.u32 s5, $0x9;
	(pc) =	sbr.rel .LBB2_1-.Ltmp0, $4  }
0x8: {  	s6 =	simm.s32 $0x2;
	s7 =	simm.s32 @!p0 $0x0;
	p0 =	sne.s32 s5, $0x8  }
0x9: {  	[sflag:s6] =	ssyncpa.u1 $0x0;
	s5 =	smul.u32 $0xFA0, s5;
	s9 =	simm.s32 @!p0 $0x0  }
0xa: {  	s8 =	sadd.s32 $0x2F400, s8;
	[sflag:s10] =	ssyncpa.u1 $0x0;
	s7 =	sadd.s32 s9, s7  }
0xb: {  	vm0 =	vmmov $0xffff;
	s10 =	simm.s32 $0x0;
	s11 =	smov.u32 s5;
	s9 =	sadd.s32 $0x1, s7  }
.LBB2_4:
0xc: {  	v2 =	vnsel vm1, $0x0, v2  }
0xd: {  	vm1 =	vgt.s32 v0, $0x0;
	v2 =	vmin.u32 v2, $0x270FF  }
0xe: {  	v0 =	vnsel vm1, $0x0, v0  }
0xf: {  	v0 =	vmin.u32 v0, $0x270FF  }
0x10: {  	[tilespmem:s18], [sflag:$0x1] =	stream.indirect_vreg.gather [hbm4b:s2+s10], $0x1, v1, vm0, $0x4038;
	[tilespmem:$0x3E80] =	vst v63  }
0x11: {  	(ifvalue) =	ssetifvalue $0x7FFFFFFF  }
0x12: {  	[tilespmem:s15], [sflag:$0x1] =	stream.indirect_vreg.gather [hbm4b:s2+s10], $0x1, v2, vm0, $0x4038;
	[tilespmem:$0x3E80] =	vst v63  }
0x13: {  	s29 =	sadd.s32 $0x10, s15;
	(ifvalue) =	ssetifvalue $0x7FFFFFFF  }
0x14: {  	[tilespmem:s29], [sflag:$0x1] =	stream.indirect_vreg.gather [hbm4b:s2+s10], $0x1, v0, vm0, $0x4038;
	[tilespmem:$0x3E80] =	vst v63  }
0x15: {  	_ =	swait.ge [sflag:s4], $0xFA0  }
0x16: {  	s30 =	sshrl.u32 s13, $0x3;
	[sflag:s4] =	ssyncset.done $0x0  }
0x17: {  	s31 =	sand.u32 $0x7, s13;
	s15 =	sadd.s32 s8, s30;
	[sflag:s4] =	ssyncadd.s32 $0xFFFFF060  }
0x18: {  	[hbm4b:s15+s31] =	stream.linear.scatter [tilespmem:s14], [sflag:$0x3], $0xFA0, $0x38;
	[tilespmem:$0x3E80] =	vst v63  }
.LBB2_5:
0x19: {  	s15 =	sadd.s32 $0x1F400, s11  }
0x1a: {  	p1 =	sgt.s32 s15, $0x270FF  }
0x1b: {  	s15 =	smov.u32 @p1 s5;
	p1 =	sne.s32 s12, s9  }
.Ltmp1:
0x1c: {  	p0 =	slt.u32 s12, $0x2;
	(pc) =	sbr.rel @!p1 .LBB2_6-.Ltmp1, $4  }
0x1d: {  	s14 =	simm.s32 @!p0 $0x3  }
0x1e: {  	_ =	swait.ge @!p0 [sflag:s14], $0xFA0  }
0x1f: {  	s16 =	sadd.s32 $0x1, s12;
	s13 =	smov.u32 s11;
	[sflag:s14] =	ssyncset.done @!p0 $0x0  }
0x20: {  	s12 =	smov.u32 s16;
	s11 =	smov.u32 s15;
	[sflag:s14] =	ssyncadd.s32 @!p0 $0xFFFFF060  }
.LBB2_1:
0x21: {  	p0 =	sge.u32 s12, s7  }
0x22: {  	s14 =	sxor.u32 @!p0 $0x1, s12  }
0x23: {  	s14 =	smul.u32 @!p0 $0x3E80, s14  }
0x24: {  	s31 =	sadd.s32 $0xFFFFFFFF, s12;
	s15 =	sshrl.u32 @!p0 s11, $0x3  }
0x25: {  	s16 =	sand.u32 @!p0 $0x7, s11;
	s15 =	sadd.s32 @!p0 s3, s15;
	s14 =	sshra.s32 @!p0 s14, $0x2  }
0x26: {  	[tilespmem:s14], [sflag:$0x2] =	stream.linear.gather @!p0 [hbm4b:s15+s16], $0xFA0, $0x38;
	[tilespmem:$0x3E80] =	vst v63  }
0x27: {  	p0 =	sge.u32 s31, s7  }
.Ltmp2:
0x28: {  	_ = 	snop;
	(pc) =	sbr.rel @p0 .LBB2_5-.Ltmp2, $1  }
0x29: {  	_ =	sdelay $0x3  }
0x2a: {  	s14 =	sand.u32 $0x1, s12  }
0x2b: {  	_ =	swait.ge [sflag:s6], $0xFA0;
	p0 =	seq.s32 s14, $0x1;
	s14 =	simm.s32 $0xFA0  }
0x2c: {  	[sflag:s6] =	ssyncset.done $0x0;
	s14 =	simm.s32 @!p0 $0x0  }
0x2d: {  	[sflag:s6] =	ssyncadd.s32 $0xFFFFF060;
	(ifvalue) =	ssetifvalue $0x7FFFFFFF;
	v0 =	vld.msk [tilespmem:s14+$0x0 ss:$0x1], $0xffff;
	_ =	sdelay $0x4  }
0x2e: {  	s15 =	sadd.s32 $0x10, s14;
	vm1 =	vgt.s32 v0, $0x0  }
0x2f: {  	v2 =	vld.msk [tilespmem:s15+$0x0 ss:$0x1], $0xffff;
	v1 =	vnsel vm1, $0x0, v0  }
0x30: {  	v1 =	vmin.u32 v1, $0x270FF;
	_ =	sdelay $0x2  }
0x31: {  	s17 =	simm.s32 $0x20;
	s14 =	sadd.s32 $0x1F40, s14;
	s16 =	sadd.s32 $0x10, s15  }
0x32: {  	s15 =	sadd.s32 $0x10, s14;
	s18 =	smov.u32 s14;
	v0 =	vld.msk [tilespmem:s16+$0x0 ss:$0x1], $0xffff;
	vm1 =	vgt.s32 v2, $0x0;
	(ifvalue) =	ssetifvalue $0x7FFFFFFF  }
.LBB2_3:
0x33: {  	[tilespmem:s18], [sflag:$0x1] =	stream.indirect_vreg.gather [hbm4b:s2+s10], $0x1, v1, vm0, $0x4038;
	[tilespmem:$0x3E80] =	vst v63  }
0x34: {  	s17 =	sadd.s32 $0x10, s17  }
0x35: {  	v2 =	vnsel vm1, $0x0, v2;
	p0 =	slt.u32 s17, $0xF90  }
.Ltmp3:
0x36: {  	s18 =	smov.u32 s15;
	v1 =	vmin.u32 v2, $0x270FF;
	(pc) =	sbr.rel @p0 .LBB2_3-.Ltmp3, $3  }
0x37: {  	_ =	sdelay $0x1  }
0x38: {  	s16 =	sadd.s32 $0x10, s16  }
0x39: {  	vm1 =	vgt.s32 v0, $0x0;
	s15 =	sadd.s32 $0x10, s15;
	v2 =	vmov v0;
	(ifvalue) =	ssetifvalue $0x7FFFFFFF;
	v0 =	vld.msk [tilespmem:s16+$0x0 ss:$0x1], $0xffff  }
.Ltmp4:
0x3a: {  	_ = 	snop;
	(pc) =	sbr.rel .LBB2_4-.Ltmp4, $1  }
0x3b: {  	_ =	sdelay $0x3  }
.LBB2_6:
0x3c: {  	_ =	sfence.sel $0x180000  }
0x3d: {  	s2 =	simm.s32 $0x2;
	[bflag:$0x0] =	sbarrier.arrive $0xFFFF  }
0x3e: {  	s30 =	simm.s32 $0x3;
	[sflag:s2] =	ssyncpa.u1 $0x1  }
0x3f: {  	s31 =	simm.s32 $0x1;
	[sflag:s30] =	ssyncpa.u1 $0x1  }
0x40: {  	[sflag:s31] =	ssyncpa.u1 $0x1  }
0x41: {  	p0 =	sne.s32 s1, $0x0;
	_ =	strace $0x90000047  }
0x42: {  	s0 =	sadd.s32 @!p0 $0x100000, s0;
	[bflag:$0x2] =	sbarrier.arrive $0xFFFF  }
0x43: {  	[sflag:s0] =	ssyncadd.tile.s32 @!p0 $0x1;
	_ =	shalt  }
.Lfunc_end2:
_tile_overlayer_lowered:
.L_overlay_start_2:
0x44: {  	(tag) =	ssettag $0x2  }
0x45: {  	s0 =	rddreg [dreg:$0x0];
	s2 =	stileid.u32  }
0x46: {  	s1 =	rddreg [dreg:$0x1];
	p0 =	sne.s32 s2, $0x0  }
0x47: {  	s3 =	rddreg [dreg:$0x2];
	[bflag:$0x3] =	sbarrier.arrive $0xFFFF;
	s2 =	simm.s32 @!p0 $0x1C01  }
0x48: {  	[timem:s3], [sflag:s2] =	dma.local @!p0 [hbm:s0], s1  }
0x49: {  	s0 =	simm.s32 @!p0 $0x1  }
0x4a: {  	_ =	swait.ge @!p0 [sflag:s0], s1  }
0x4b: {  	s1 =	ssub.s32 @!p0 $0x0, s1;
	[sflag:s0] =	ssyncset.done @!p0 $0x0  }
0x4c: {  	[sflag:s0] =	ssyncadd.s32 @!p0 s1  }
0x4d: {  	[bflag:$0x3] =	sbarrier.arrive $0xFFFF  }
0x4e: {  	_ =	shalt  }

// kernel: kernel.14.cloned.1.call-start
scs
__scs_entry_jumppad:
0x0: {  	(pc) =	sbr.rel $0x88, $3  }
0x1: {  	(tag) =	ssettag $0x0;
	lr =	simm.s32 $0x1  }
0x2: {  	[smem:$0x3F8A] =	sst lr;
	_ =	strace $0xD0000000  }
0x3: {  	_ = 	snop  }
0x4: {  	_ = 	snop  }
0x5: {  	_ = 	snop  }
0x6: {  	_ = 	snop  }
0x7: {  	_ = 	snop  }
__scs_overlays_trampoline_lowered:
0x8: {  	[smem:$0x3F99] =	sst s0  }
0x9: {  	[smem:$0x3F9A] =	sst s1  }
0xa: {  	[smem:$0x3F9B] =	sst s2  }
0xb: {  	[smem:$0x3F9C] =	sst s3  }
0xc: {  	[smem:$0x3F9D] =	sst s4  }
0xd: {  	[smem:$0x3F9E] =	sst s5  }
0xe: {  	[smem:$0x3F9F] =	sst s6  }
0xf: {  	[smem:$0x3FA0] =	sst s7  }
0x10: {  	[smem:$0x3FA1] =	sst s8  }
0x11: {  	[smem:$0x3FA2] =	sst s9;
	s0 =	simm.s32 @!p0 $0x0  }
0x12: {  	s1 =	sld [smem:$0x3F88];
	s0 =	simm.s32 @p0 $0x1  }
0x13: {  	[smem:$0x3FA3] =	sst s0;
	s0 =	simm.s32 @!p1 $0x0  }
0x14: {  	s2 =	sld [smem:$0x3F87];
	s0 =	simm.s32 @p1 $0x1  }
0x15: {  	[smem:$0x3FA4] =	sst s0;
	s0 =	simm.s32 @!p2 $0x0  }
0x16: {  	s3 =	sld [smem:$0x3FDB];
	s0 =	simm.s32 @p2 $0x1  }
0x17: {  	s4 =	simm.s32 $0x1BF5;
	[smem:$0x3FA6] =	sst s0  }
0x18: {  	s0 =	sld [smem:$0x3F89];
	_ =	swait.ge [sflag:s4], $0x0  }
0x19: {  	s7 =	sld [smem:$0x3F8A]  }
0x1a: {  	s8 =	sadd.s32 $0xFFFFE003, lr  }
0x1b: {  	s9 =	sadd.s32 $0xFFFFFEF7, lr;
	s5 =	simm.s32 $0xFFFFFFFF;
	p2 =	slt.u32 s8, $0xFFFFF086  }
0x1c: {  	p1 =	slt.u32 s9, $0xF7A;
	s5 =	simm.s32 @!p2 $0x0  }
0x1d: {  	s5 =	simm.s32 @p1 $0x1;
	p0 =	seq.s32 s7, s2  }
0x1e: {  	s7 =	smul.u32 @!p0 $0xF7A, s2;
	p2 =	seq.s32 @!p0 s5, $0x0  }
0x1f: {  	s9 =	smul.u32 $0xF7A, s1;
	s8 =	simm.s32 @!p0 $0x1BF5;
	p2 =	por !p2, p0  }
0x20: {  	[sflag:s8] =	ssyncset.s32 @!p0 $0xFFFFF086;
	s6 =	sadd.s32 @!p0 s3, s7;
	s7 =	simm.s32 @!p0 $0x108  }
0x21: {  	s3 =	sadd.s32 s3, s9;
	s6 =	sadd.s32 @!p0 $0x88, s6;
	s7 =	simm.s32 @p2 $0x1082  }
0x22: {  	[simem:s7], [sflag:s8] =	dma.local @!p0 [hbm:s6], $0xF7A  }
0x23: {  	s9 =	sor.u32 $0xD0000000, s2;
	s6 =	simm.s32 $0x108;
	_ =	swait.ge @!p0 [sflag:s8], $0x0  }
0x24: {  	s3 =	sadd.s32 $0x88, s3;
	s6 =	simm.s32 @!p1 $0x1082;
	[sflag:s4] =	ssyncset.s32 $0xFFFFF086  }
0x25: {  	[simem:s6], [sflag:s4] =	dma.local [hbm:s3], $0xF7A  }
0x26: {  	[smem:$0x3F8A] =	sst s1;
	(tag) =	ssettag s2;
	_ =	strace s9  }
0x27: {  	s1 =	sld [smem:$0x3F9A]  }
0x28: {  	s2 =	sld [smem:$0x3F9B]  }
0x29: {  	s4 =	sld [smem:$0x3F9D]  }
0x2a: {  	p0 =	seq.s32 s5, $0x0;
	s5 =	sld [smem:$0x3F9E]  }
0x2b: {  	s6 =	sld [smem:$0x3F9F]  }
0x2c: {  	s7 =	sld [smem:$0x3FA0]  }
0x2d: {  	s3 =	simm.s32 $0x108;
	s8 =	sld [smem:$0x3FA1]  }
0x2e: {  	s3 =	simm.s32 @!p0 $0x1082;
	s9 =	sld [smem:$0x3FA2]  }
0x2f: {  	lr =	sadd.s32 s0, s3;
	s0 =	sld [smem:$0x3F99]  }
0x30: {  	s3 =	sld [smem:$0x3F9C]  }
0x31: {  	[smem:$0x3FA5] =	sst s10  }
0x32: {  	s10 =	sld [smem:$0x3FA3];
	_ =	sdelay $0x3  }
0x33: {  	p0 =	seq.s32 s10, $0x1;
	s10 =	sld [smem:$0x3FA5];
	_ =	sdelay $0x3  }
0x34: {  	[smem:$0x3FA5] =	sst s10  }
0x35: {  	s10 =	sld [smem:$0x3FA4];
	_ =	sdelay $0x3  }
0x36: {  	p1 =	seq.s32 s10, $0x1;
	s10 =	sld [smem:$0x3FA5];
	_ =	sdelay $0x3  }
0x37: {  	[smem:$0x3FA5] =	sst s10  }
0x38: {  	s10 =	sld [smem:$0x3FA6]  }
0x39: {  	_ = 	snop;
	(pc) =	sbr.ind lr, $3  }
0x3a: {  	_ = 	snop  }
0x3b: {  	_ = 	snop  }
0x3c: {  	p2 =	seq.s32 s10, $0x1;
	s10 =	sld [smem:$0x3FA5]  }
0x3d: {  	_ =	shalt  }
0x3e: {  	_ =	shalt  }
0x3f: {  	_ =	shalt  }
0x40: {  	_ =	shalt  }
0x41: {  	_ =	shalt  }
0x42: {  	_ =	shalt  }
0x43: {  	_ =	shalt  }
0x44: {  	_ =	shalt  }
0x45: {  	_ =	shalt  }
0x46: {  	_ =	shalt  }
0x47: {  	_ =	shalt  }
0x48: {  	_ =	shalt  }
0x49: {  	_ =	shalt  }
0x4a: {  	_ =	shalt  }
0x4b: {  	_ =	shalt  }
0x4c: {  	_ =	shalt  }
0x4d: {  	_ =	shalt  }
0x4e: {  	_ =	shalt  }
0x4f: {  	_ =	shalt  }
0x50: {  	_ =	shalt  }
0x51: {  	_ =	shalt  }
0x52: {  	_ =	shalt  }
0x53: {  	_ =	shalt  }
0x54: {  	_ =	shalt  }
0x55: {  	_ =	shalt  }
0x56: {  	_ =	shalt  }
0x57: {  	_ =	shalt  }
0x58: {  	_ =	shalt  }
0x59: {  	_ =	shalt  }
0x5a: {  	_ =	shalt  }
0x5b: {  	_ =	shalt  }
0x5c: {  	_ =	shalt  }
0x5d: {  	_ =	shalt  }
0x5e: {  	_ =	shalt  }
0x5f: {  	_ =	shalt  }
0x60: {  	_ =	shalt  }
0x61: {  	_ =	shalt  }
0x62: {  	_ =	shalt  }
0x63: {  	_ =	shalt  }
0x64: {  	_ =	shalt  }
0x65: {  	_ =	shalt  }
0x66: {  	_ =	shalt  }
0x67: {  	_ =	shalt  }
0x68: {  	_ =	shalt  }
0x69: {  	_ =	shalt  }
0x6a: {  	_ =	shalt  }
0x6b: {  	_ =	shalt  }
0x6c: {  	_ =	shalt  }
0x6d: {  	_ =	shalt  }
0x6e: {  	_ =	shalt  }
0x6f: {  	_ =	shalt  }
0x70: {  	_ =	shalt  }
0x71: {  	_ =	shalt  }
0x72: {  	_ =	shalt  }
0x73: {  	_ =	shalt  }
0x74: {  	_ =	shalt  }
0x75: {  	_ =	shalt  }
0x76: {  	_ =	shalt  }
0x77: {  	_ =	shalt  }
0x78: {  	_ =	shalt  }
0x79: {  	_ =	shalt  }
0x7a: {  	_ =	shalt  }
0x7b: {  	_ =	shalt  }
0x7c: {  	_ =	shalt  }
0x7d: {  	_ =	shalt  }
0x7e: {  	_ =	shalt  }
0x7f: {  	_ =	shalt  }
0x80: {  	_ =	shalt  }
0x81: {  	_ =	shalt  }
0x82: {  	_ =	shalt  }
0x83: {  	_ =	shalt  }
0x84: {  	_ =	shalt  }
0x85: {  	_ =	shalt  }
0x86: {  	_ =	shalt  }
0x87: {  	_ =	shalt  }
.Lfunc_end0:
.L_simem_size_0:
called_computation.3_lowered:
.L_overlay_start_0:
0x88: {  	s2 =	sld [smem:$0x3FD9]  }
0x89: {  	s3 =	sld [smem:$0x3FFE];
	_ =	sdelay $0x1  }
0x8a: {  	s1 =	srdreg.scid  }
0x8b: {  	s0 =	sand.u32 $0x1, s1  }
0x8c: {  	s17 =	sshll.u32 s0, $0xA;
	s2 =	sadd.s32 s3, s2  }
0x8d: {  	s2 =	sadd.s32 s2, s17  }
0x8e: {  	[smem:$0x3FB1] =	sst s2  }
0x8f: {  	_ = 	snop  }
0x90: {  	s2 =	sld [smem:$0x3FD0];
	(tm) =	ssettm $0x1  }
0x91: {  	s18 =	sld [smem:$0x3FFB];
	_ =	sdelay $0x3  }
0x92: {  	_ =	strace s18  }
0x93: {  	s3 =	sld [smem:$0x3FFC];
	_ =	sdelay $0x3  }
0x94: {  	_ =	strace s3  }
0x95: {  	s3 =	sld [smem:$0x3FFD];
	_ =	sdelay $0x3  }
0x96: {  	_ =	strace s3  }
0x97: {  	_ =	strace $0x8FFFFFFF  }
0x98: {  	s19 =	sld [smem:$0x3FDB];
	_ =	sdelay $0x1  }
0x99: {  	s4 =	simm.s32 $_scs_section_size  }
0x9a: {  	s5 =	simm.s32 $_size__tile_overlayer_lowered;
	s6 =	simm.s32 $_tile_overlayer_lowered  }
0x9b: {  	s22 =	simm.s32 $0x1BFF;
	s21 =	sshll.u32 s6, $0x1;
	s3 =	sadd.s32 s4, s19  }
0x9c: {  	s7 =	simm.s32 $0x0;
	s20 =	sshll.u32 s5, $0x1;
	s5 =	sadd.s32 s21, s3  }
0x9d: {  	[timem:s7], [sflag:s22] =	dma.local [hbm:s5], s20  }
0x9e: {  	_ =	swait.ge [sflag:s22], s20  }
0x9f: {  	s4 =	ssub.s32 $0x0, s20;
	[sflag:s22] =	ssyncset.done $0x0  }
0xa0: {  	[sflag:s22] =	ssyncadd.s32 s4;
	_ =	sdelay $0x1  }
0xa1: {  	s23 =	simm.s32 $0x1B8B  }
0xa2: {  	_ =	swait.ge [sflag:s23], $0x1  }
0xa3: {  	[sflag:s23] =	ssyncset.done $0x0  }
0xa4: {  	s25 =	simm.s32 $0x1B8E;
	s24 =	sld [smem:$0x3FFE];
	[sflag:s23] =	ssyncadd.s32 $0xFFFFFFFF  }
0xa5: {  	s26 =	simm.s32 $execute0_lowered;
	[smem:$0x3FD2] =	sst s25  }
0xa6: {  	s5 =	sshll.u32 s26, $0x1;
	_ =	strace $0x8000004C;
	[dreg:$0x1] =	wrdreg $0xFFFFFFFF  }
0xa7: {  	s28 =	simm.s32 $_size_execute0_lowered;
	s3 =	sadd.s32 s3, s5;
	[dreg:$0x0] =	wrdreg $0x0  }
0xa8: {  	s5 =	sshll.u32 s28, $0x1;
	[dreg:$0x2] =	wrdreg s3  }
0xa9: {  	[dreg:$0x3] =	wrdreg s5  }
0xaa: {  	[dreg:$0x4] =	wrdreg $0xC0  }
0xab: {  	_ =	task [dreg:s7], $0x5FFFF  }
0xac: {  	[dreg:$0x1] =	wrdreg $0xFFFFFFFF  }
0xad: {  	[dreg:$0x0] =	wrdreg $0x60  }
0xae: {  	[dreg:$0x2] =	wrdreg s2  }
0xaf: {  	[dreg:$0x3] =	wrdreg s24  }
0xb0: {  	[dreg:$0x4] =	wrdreg $0x0  }
0xb1: {  	[dreg:$0x5] =	wrdreg $0x9  }
0xb2: {  	_ =	task.clear_ibuf [dreg:s7], $0x6FFFF;
	_ =	strace $0x9000004C  }
0xb3: {  	s29 =	simm.s32 $0x9;
	_ =	strace $0x8000004E  }
0xb4: {  	_ =	swait.ge [sflag:s29], $0x1  }
0xb5: {  	[sflag:s29] =	ssyncadd.s32 $0xFFFFFFFF  }
0xb6: {  	_ =	strace $0x9000004E  }
0xb7: {  	_ =	sfence  }
0xb8: {  	s30 =	sld [smem:$0x0];
	_ =	sdelay $0x2  }
0xb9: {  	s31 =	sshll.u32 s1, $0xD;
	s1 =	sshrl.u32 s1, $0x2  }
0xba: {  	s3 =	sand.u32 $0x4000, s31;
	s1 =	sadd.s32 s1, s30  }
0xbb: {  	s0 =	sor.u32 s3, s0;
	s1 =	sshll.u32 s1, $0x11  }
0xbc: {  	s0 =	sor.u32 s1, s0  }
0xbd: {  	s0 =	sadd.s32 $0x8F2B, s0  }
0xbe: {  	[sflag:s0] =	ssyncadd.remote.s32 $0x1  }
0xbf: {  	_ =	sfence.sel $0xFFFF  }
0xc0: {  	[dreg:$0x0] =	wrdreg $0xFFFFFFFF;
	(pc) =	sbr.abs _section_cstart, $3  }
0xc1: {  	[dreg:$0x1] =	wrdreg $0xFFFFFFFF  }
0xc2: {  	_ =	task.clear_ibuf [dreg:s7], $0x2FFFF;
	_ =	strace $0x9FFFFFFF  }
0xc3: {  	(tm) =	ssettm $0x7FFFFFFF  }
tec
execute0_lowered:
.L_overlay_start_1:
0x0: {  	(tag) =	ssettag $0x1  }
0x1: {  	s22 =	rddreg [dreg:$0x0]  }
0x2: {  	s0 =	rddreg [dreg:$0x1]  }
0x3: {  	s1 =	rddreg [dreg:$0x2]  }
0x4: {  	s2 =	simm.s32 $0x0;
	s3 =	srdreg.scid;
	s18 =	stileid.u32  }
0x5: {  	s28 =	simm.s32 $0x0;
	[smem:$0x7FF] =	sst s2;
	s5 =	smul.u32 $0x3E000, s18  }
0x6: {  	s7 =	sand.u32 $0x1, s3;
	s8 =	smul.u32 $0xF800, s18;
	s19 =	sshll.u32 s18, $0x6  }
0x7: {  	s15 =	sshll.u32 s18, $0xA;
	s29 =	sshll.u32 s18, $0xE;
	s4 =	smul.u32 $0x140000, s7  }
0x8: {  	_ =	strace $0x8000004D;
	s6 =	ssub.s32 $0x2, s7;
	s10 =	smul.u32 $0x4D8000, s7  }
0x9: {  	s14 =	smul.u32 $0x14000, s7;
	s9 =	sshrl.u32 s6, $0x1;
	s5 =	sshrl.u32 s5, $0x2  }
0xa: {  	s13 =	sadd.s32 s4, s0;
	s4 =	sadd.s32 $0x28400, s0;
	s0 =	sadd.s32 $0x2AEC00, s0  }
0xb: {  	s12 =	ssub.s32 s6, s9;
	s5 =	sadd.s32 s5, s1;
	s20 =	sadd.s32 s8, s10  }
0xc: {  	s6 =	sor.u32 $0x1C01, s19;
	[dreg:$0x4] =	wrdreg s5;
	s21 =	sadd.s32 $0xF8000, s20  }
0xd: {  	s8 =	sshrl.u32 s20, $0x3;
	s24 =	sadd.s32 $0x1F0000, s20;
	s11 =	sadd.s32 $0x2E8000, s20  }
0xe: {  	s16 =	sadd.s32 $0x3E0000, s20;
	s12 =	smax.u32 s12, $0x1;
	s20 =	sor.u32 s15, s14  }
0xf: {  	s23 =	sshrl.u32 s21, $0x3;
	s7 =	sadd.s32 s0, s8;
	s10 =	sshrl.u32 s24, $0x3  }
0x10: {  	s25 =	sshrl.u32 s11, $0x3;
	s26 =	sshrl.u32 s16, $0x3;
	s14 =	sshrl.u32 s20, $0x3  }
0x11: {  	s15 =	sadd.s32 $0x4000, s20;
	s17 =	sadd.s32 $0x8000, s20;
	s21 =	sadd.s32 $0xC000, s20  }
0x12: {  	s24 =	simm.s32 $0xF800;
	s8 =	sadd.s32 s0, s23;
	s9 =	sadd.s32 s0, s10  }
0x13: {  	s10 =	sadd.s32 s0, s25;
	s11 =	sadd.s32 s0, s26;
	s0 =	sadd.s32 s29, s13  }
0x14: {  	s14 =	sadd.s32 s14, s22;
	s30 =	sshrl.u32 s15, $0x3;
	s18 =	sshrl.u32 s17, $0x3  }
0x15: {  	s21 =	sshrl.u32 s21, $0x3;
	s23 =	sadd.s32 $0x10000, s20;
	s25 =	simm.s32 $0xF880  }
0x16: {  	s26 =	simm.s32 $0x80;
	s13 =	sadd.s32 $0x2EC00, s0;
	s15 =	sadd.s32 $0x6EC00, s0  }
0x17: {  	s16 =	sadd.s32 s30, s22;
	s17 =	sadd.s32 $0xAEC00, s0;
	s18 =	sadd.s32 s18, s22  }
0x18: {  	s19 =	sadd.s32 $0xEEC00, s0;
	s20 =	sadd.s32 s21, s22;
	s31 =	sshrl.u32 s23, $0x3  }
0x19: {  	s21 =	sadd.s32 $0x12EC00, s0;
	s23 =	simm.s32 $0x1;
	s22 =	sadd.s32 s31, s22  }
.LBB2_1:
0x1a: {  	s0 =	rddreg [dreg:$0x4]  }
0x1b: {  	s29 =	sshrl.u32 s0, $0x3  }
0x1c: {  	[spmem:s29], [sflag:s6] =	dma.local [hbm:s4], $0x1F00  }
0x1d: {  	_ =	swait.ge [sflag:s23], $0x1F00  }
0x1e: {  	[sflag:s23] =	ssyncset.done $0x0  }
0x1f: {  	[sflag:s23] =	ssyncadd.s32 $0xFFFFE100  }
0x20: {  	s5 =	sadd.s32 $0x0, s14;
	[bflag:$0x0] =	sbarrier.arrive $0xFFFF  }
0x21: {  	[tilespmem:s24], [sflag:$0x1] =	stream.linear.gather [hbm4b:s5+s2], $0x80, $0x38;
	[tilespmem:$0x13880] =	vst v63  }
0x22: {  	_ =	swait.ge [sflag:s23], $0x80  }
0x23: {  	[sflag:s23] =	ssyncset.done $0x0  }
0x24: {  	[sflag:s23] =	ssyncadd.s32 $0xFFFFFF80  }
0x25: {  	[tilespmem:s25], [sflag:$0x1] =	stream.linear.gather [hbm4b:s13+s2], $0x4000, $0x38;
	[tilespmem:$0x13880] =	vst v63  }
0x26: {  	_ =	swait.ge [sflag:s23], $0x4000  }
0x27: {  	[sflag:s23] =	ssyncset.done $0x0  }
0x28: {  	[sflag:s23] =	ssyncadd.s32 $0xFFFFC000  }
0x29: {  	[spmem:s1] =	stream.indirect.scatter.add.f32 [tilespmem:s25], [sflag:$0x1], $0x80, s24, s26, $0xb8;
	[tilespmem:$0x13880] =	vst v63  }
0x2a: {  	s31 =	simm.s32 $0x10;
	_ =	swait.ge [sflag:s23], $0x4000  }
0x2b: {  	s30 =	sadd.s32 $0x800, s13;
	s0 =	simm.s32 $0x20;
	[sflag:s23] =	ssyncset.done $0x0  }
.LBB2_2:
0x2c: {  	s3 =	sadd.s32 s31, s14  }
0x2d: {  	[sflag:s23] =	ssyncadd.s32 $0xFFFFC000;
	s31 =	smov.u32 s0;
	s5 =	sadd.s32 $0x10, s0  }
0x2e: {  	[tilespmem:s24], [sflag:$0x1] =	stream.linear.gather [hbm4b:s3+s2], $0x80, $0x38;
	[tilespmem:$0x13880] =	vst v63  }
0x2f: {  	p0 =	sne.s32 s0, $0x70;
	_ =	swait.ge [sflag:s23], $0x80  }
0x30: {  	[sflag:s23] =	ssyncset.done $0x0  }
0x31: {  	[sflag:s23] =	ssyncadd.s32 $0xFFFFFF80  }
0x32: {  	[tilespmem:s25], [sflag:$0x1] =	stream.linear.gather [hbm4b:s30+s2], $0x4000, $0x38;
	[tilespmem:$0x13880] =	vst v63  }
0x33: {  	_ =	swait.ge [sflag:s23], $0x4000  }
.Ltmp0:
0x34: {  	[sflag:s23] =	ssyncset.done $0x0;
	(pc) =	sbr.rel @p0 .LBB2_2-.Ltmp0, $4  }
0x35: {  	[sflag:s23] =	ssyncadd.s32 $0xFFFFC000  }
0x36: {  	[spmem:s1] =	stream.indirect.scatter.add.f32 [tilespmem:s25], [sflag:$0x1], $0x80, s24, s26, $0xb8;
	[tilespmem:$0x13880] =	vst v63  }
0x37: {  	_ =	swait.ge [sflag:s23], $0x4000  }
0x38: {  	s0 =	smov.u32 s5;
	s30 =	sadd.s32 $0x800, s30;
	[sflag:s23] =	ssyncset.done $0x0  }
0x39: {  	s0 =	sadd.s32 s31, s14;
	[sflag:s23] =	ssyncadd.s32 $0xFFFFC000  }
0x3a: {  	[tilespmem:s24], [sflag:$0x1] =	stream.linear.gather [hbm4b:s0+s2], $0x80, $0x38;
	[tilespmem:$0x13880] =	vst v63  }
0x3b: {  	_ =	swait.ge [sflag:s23], $0x80  }
0x3c: {  	[sflag:s23] =	ssyncset.done $0x0  }
0x3d: {  	[sflag:s23] =	ssyncadd.s32 $0xFFFFFF80  }
0x3e: {  	[tilespmem:s25], [sflag:$0x1] =	stream.linear.gather [hbm4b:s30+s2], $0x4000, $0x38;
	[tilespmem:$0x13880] =	vst v63  }
0x3f: {  	_ =	swait.ge [sflag:s23], $0x4000  }
0x40: {  	[sflag:s23] =	ssyncset.done $0x0  }
0x41: {  	[sflag:s23] =	ssyncadd.s32 $0xFFFFC000  }
0x42: {  	[spmem:s1] =	stream.indirect.scatter.add.f32 [tilespmem:s25], [sflag:$0x1], $0x80, s24, s26, $0xb8;
	[tilespmem:$0x13880] =	vst v63  }
0x43: {  	_ =	swait.ge [sflag:s23], $0x4000  }
0x44: {  	[sflag:s23] =	ssyncset.done $0x0  }
0x45: {  	[sflag:s23] =	ssyncadd.s32 $0xFFFFC000  }
0x46: {  	[bflag:$0x0] =	sbarrier.arrive $0xFFFF  }
0x47: {  	[hbm:s7], [sflag:s6] =	dma.local [spmem:s29], $0x1F00  }
0x48: {  	_ =	swait.ge [sflag:s23], $0x1F00  }
0x49: {  	[sflag:s23] =	ssyncset.done $0x0  }
0x4a: {  	[sflag:s23] =	ssyncadd.s32 $0xFFFFE100  }
0x4b: {  	[bflag:$0x0] =	sbarrier.arrive $0xFFFF  }
0x4c: {  	[spmem:s29], [sflag:s6] =	dma.local [hbm:s4], $0x1F00  }
0x4d: {  	_ =	swait.ge [sflag:s23], $0x1F00  }
0x4e: {  	[sflag:s23] =	ssyncset.done $0x0  }
0x4f: {  	[sflag:s23] =	ssyncadd.s32 $0xFFFFE100  }
0x50: {  	s5 =	sadd.s32 $0x0, s16;
	[bflag:$0x0] =	sbarrier.arrive $0xFFFF  }
0x51: {  	[tilespmem:s24], [sflag:$0x1] =	stream.linear.gather [hbm4b:s5+s2], $0x80, $0x38;
	[tilespmem:$0x13880] =	vst v63  }
0x52: {  	_ =	swait.ge [sflag:s23], $0x80  }
0x53: {  	[sflag:s23] =	ssyncset.done $0x0  }
0x54: {  	[sflag:s23] =	ssyncadd.s32 $0xFFFFFF80  }
0x55: {  	[tilespmem:s25], [sflag:$0x1] =	stream.linear.gather [hbm4b:s15+s2], $0x4000, $0x38;
	[tilespmem:$0x13880] =	vst v63  }
0x56: {  	_ =	swait.ge [sflag:s23], $0x4000  }
0x57: {  	[sflag:s23] =	ssyncset.done $0x0  }
0x58: {  	[sflag:s23] =	ssyncadd.s32 $0xFFFFC000  }
0x59: {  	[spmem:s1] =	stream.indirect.scatter.add.f32 [tilespmem:s25], [sflag:$0x1], $0x80, s24, s26, $0xb8;
	[tilespmem:$0x13880] =	vst v63  }
0x5a: {  	s31 =	simm.s32 $0x10;
	_ =	swait.ge [sflag:s23], $0x4000  }
0x5b: {  	s0 =	simm.s32 $0x20;
	s30 =	sadd.s32 $0x800, s15;
	[sflag:s23] =	ssyncset.done $0x0  }
.LBB2_4:
0x5c: {  	s3 =	sadd.s32 s31, s16  }
0x5d: {  	[sflag:s23] =	ssyncadd.s32 $0xFFFFC000;
	s31 =	smov.u32 s0;
	s5 =	sadd.s32 $0x10, s0  }
0x5e: {  	[tilespmem:s24], [sflag:$0x1] =	stream.linear.gather [hbm4b:s3+s2], $0x80, $0x38;
	[tilespmem:$0x13880] =	vst v63  }
0x5f: {  	p0 =	sne.s32 s0, $0x70;
	_ =	swait.ge [sflag:s23], $0x80  }
0x60: {  	[sflag:s23] =	ssyncset.done $0x0  }
0x61: {  	[sflag:s23] =	ssyncadd.s32 $0xFFFFFF80  }
0x62: {  	[tilespmem:s25], [sflag:$0x1] =	stream.linear.gather [hbm4b:s30+s2], $0x4000, $0x38;
	[tilespmem:$0x13880] =	vst v63  }
0x63: {  	_ =	swait.ge [sflag:s23], $0x4000  }
.Ltmp1:
0x64: {  	[sflag:s23] =	ssyncset.done $0x0;
	(pc) =	sbr.rel @p0 .LBB2_4-.Ltmp1, $4  }
0x65: {  	[sflag:s23] =	ssyncadd.s32 $0xFFFFC000  }
0x66: {  	[spmem:s1] =	stream.indirect.scatter.add.f32 [tilespmem:s25], [sflag:$0x1], $0x80, s24, s26, $0xb8;
	[tilespmem:$0x13880] =	vst v63  }
0x67: {  	_ =	swait.ge [sflag:s23], $0x4000  }
0x68: {  	s0 =	smov.u32 s5;
	s30 =	sadd.s32 $0x800, s30;
	[sflag:s23] =	ssyncset.done $0x0  }
0x69: {  	s0 =	sadd.s32 s31, s16;
	[sflag:s23] =	ssyncadd.s32 $0xFFFFC000  }
0x6a: {  	[tilespmem:s24], [sflag:$0x1] =	stream.linear.gather [hbm4b:s0+s2], $0x80, $0x38;
	[tilespmem:$0x13880] =	vst v63  }
0x6b: {  	_ =	swait.ge [sflag:s23], $0x80  }
0x6c: {  	[sflag:s23] =	ssyncset.done $0x0  }
0x6d: {  	[sflag:s23] =	ssyncadd.s32 $0xFFFFFF80  }
0x6e: {  	[tilespmem:s25], [sflag:$0x1] =	stream.linear.gather [hbm4b:s30+s2], $0x4000, $0x38;
	[tilespmem:$0x13880] =	vst v63  }
0x6f: {  	_ =	swait.ge [sflag:s23], $0x4000  }
0x70: {  	[sflag:s23] =	ssyncset.done $0x0  }
0x71: {  	[sflag:s23] =	ssyncadd.s32 $0xFFFFC000  }
0x72: {  	[spmem:s1] =	stream.indirect.scatter.add.f32 [tilespmem:s25], [sflag:$0x1], $0x80, s24, s26, $0xb8;
	[tilespmem:$0x13880] =	vst v63  }
0x73: {  	_ =	swait.ge [sflag:s23], $0x4000  }
0x74: {  	[sflag:s23] =	ssyncset.done $0x0  }
0x75: {  	[sflag:s23] =	ssyncadd.s32 $0xFFFFC000  }
0x76: {  	[bflag:$0x0] =	sbarrier.arrive $0xFFFF  }
0x77: {  	[hbm:s8], [sflag:s6] =	dma.local [spmem:s29], $0x1F00  }
0x78: {  	_ =	swait.ge [sflag:s23], $0x1F00  }
0x79: {  	[sflag:s23] =	ssyncset.done $0x0  }
0x7a: {  	[sflag:s23] =	ssyncadd.s32 $0xFFFFE100  }
0x7b: {  	[bflag:$0x0] =	sbarrier.arrive $0xFFFF  }
0x7c: {  	[spmem:s29], [sflag:s6] =	dma.local [hbm:s4], $0x1F00  }
0x7d: {  	_ =	swait.ge [sflag:s23], $0x1F00  }
0x7e: {  	[sflag:s23] =	ssyncset.done $0x0  }
0x7f: {  	[sflag:s23] =	ssyncadd.s32 $0xFFFFE100  }
0x80: {  	s5 =	sadd.s32 $0x0, s18;
	[bflag:$0x0] =	sbarrier.arrive $0xFFFF  }
0x81: {  	[tilespmem:s24], [sflag:$0x1] =	stream.linear.gather [hbm4b:s5+s2], $0x80, $0x38;
	[tilespmem:$0x13880] =	vst v63  }
0x82: {  	_ =	swait.ge [sflag:s23], $0x80  }
0x83: {  	[sflag:s23] =	ssyncset.done $0x0  }
0x84: {  	[sflag:s23] =	ssyncadd.s32 $0xFFFFFF80  }
0x85: {  	[tilespmem:s25], [sflag:$0x1] =	stream.linear.gather [hbm4b:s17+s2], $0x4000, $0x38;
	[tilespmem:$0x13880] =	vst v63  }
0x86: {  	_ =	swait.ge [sflag:s23], $0x4000  }
0x87: {  	[sflag:s23] =	ssyncset.done $0x0  }
0x88: {  	[sflag:s23] =	ssyncadd.s32 $0xFFFFC000  }
0x89: {  	[spmem:s1] =	stream.indirect.scatter.add.f32 [tilespmem:s25], [sflag:$0x1], $0x80, s24, s26, $0xb8;
	[tilespmem:$0x13880] =	vst v63  }
0x8a: {  	s31 =	simm.s32 $0x10;
	_ =	swait.ge [sflag:s23], $0x4000  }
0x8b: {  	s0 =	simm.s32 $0x20;
	s30 =	sadd.s32 $0x800, s17;
	[sflag:s23] =	ssyncset.done $0x0  }
.LBB2_6:
0x8c: {  	s3 =	sadd.s32 s31, s18  }
0x8d: {  	[sflag:s23] =	ssyncadd.s32 $0xFFFFC000;
	s31 =	smov.u32 s0;
	s5 =	sadd.s32 $0x10, s0  }
0x8e: {  	[tilespmem:s24], [sflag:$0x1] =	stream.linear.gather [hbm4b:s3+s2], $0x80, $0x38;
	[tilespmem:$0x13880] =	vst v63  }
0x8f: {  	p0 =	sne.s32 s0, $0x70;
	_ =	swait.ge [sflag:s23], $0x80  }
0x90: {  	[sflag:s23] =	ssyncset.done $0x0  }
0x91: {  	[sflag:s23] =	ssyncadd.s32 $0xFFFFFF80  }
0x92: {  	[tilespmem:s25], [sflag:$0x1] =	stream.linear.gather [hbm4b:s30+s2], $0x4000, $0x38;
	[tilespmem:$0x13880] =	vst v63  }
0x93: {  	_ =	swait.ge [sflag:s23], $0x4000  }
.Ltmp2:
0x94: {  	[sflag:s23] =	ssyncset.done $0x0;
	(pc) =	sbr.rel @p0 .LBB2_6-.Ltmp2, $4  }
0x95: {  	[sflag:s23] =	ssyncadd.s32 $0xFFFFC000  }
0x96: {  	[spmem:s1] =	stream.indirect.scatter.add.f32 [tilespmem:s25], [sflag:$0x1], $0x80, s24, s26, $0xb8;
	[tilespmem:$0x13880] =	vst v63  }
0x97: {  	_ =	swait.ge [sflag:s23], $0x4000  }
0x98: {  	s0 =	smov.u32 s5;
	s30 =	sadd.s32 $0x800, s30;
	[sflag:s23] =	ssyncset.done $0x0  }
0x99: {  	s0 =	sadd.s32 s31, s18;
	[sflag:s23] =	ssyncadd.s32 $0xFFFFC000  }
0x9a: {  	[tilespmem:s24], [sflag:$0x1] =	stream.linear.gather [hbm4b:s0+s2], $0x80, $0x38;
	[tilespmem:$0x13880] =	vst v63  }
0x9b: {  	_ =	swait.ge [sflag:s23], $0x80  }
0x9c: {  	[sflag:s23] =	ssyncset.done $0x0  }
0x9d: {  	[sflag:s23] =	ssyncadd.s32 $0xFFFFFF80  }
0x9e: {  	[tilespmem:s25], [sflag:$0x1] =	stream.linear.gather [hbm4b:s30+s2], $0x4000, $0x38;
	[tilespmem:$0x13880] =	vst v63  }
0x9f: {  	_ =	swait.ge [sflag:s23], $0x4000  }
0xa0: {  	[sflag:s23] =	ssyncset.done $0x0  }
0xa1: {  	[sflag:s23] =	ssyncadd.s32 $0xFFFFC000  }
0xa2: {  	[spmem:s1] =	stream.indirect.scatter.add.f32 [tilespmem:s25], [sflag:$0x1], $0x80, s24, s26, $0xb8;
	[tilespmem:$0x13880] =	vst v63  }
0xa3: {  	_ =	swait.ge [sflag:s23], $0x4000  }
0xa4: {  	[sflag:s23] =	ssyncset.done $0x0  }
0xa5: {  	[sflag:s23] =	ssyncadd.s32 $0xFFFFC000  }
0xa6: {  	[bflag:$0x0] =	sbarrier.arrive $0xFFFF  }
0xa7: {  	[hbm:s9], [sflag:s6] =	dma.local [spmem:s29], $0x1F00  }
0xa8: {  	_ =	swait.ge [sflag:s23], $0x1F00  }
0xa9: {  	[sflag:s23] =	ssyncset.done $0x0  }
0xaa: {  	[sflag:s23] =	ssyncadd.s32 $0xFFFFE100  }
0xab: {  	[bflag:$0x0] =	sbarrier.arrive $0xFFFF  }
0xac: {  	[spmem:s29], [sflag:s6] =	dma.local [hbm:s4], $0x1F00  }
0xad: {  	_ =	swait.ge [sflag:s23], $0x1F00  }
0xae: {  	[sflag:s23] =	ssyncset.done $0x0  }
0xaf: {  	[sflag:s23] =	ssyncadd.s32 $0xFFFFE100  }
0xb0: {  	s5 =	sadd.s32 $0x0, s20;
	[bflag:$0x0] =	sbarrier.arrive $0xFFFF  }
0xb1: {  	[tilespmem:s24], [sflag:$0x1] =	stream.linear.gather [hbm4b:s5+s2], $0x80, $0x38;
	[tilespmem:$0x13880] =	vst v63  }
0xb2: {  	_ =	swait.ge [sflag:s23], $0x80  }
0xb3: {  	[sflag:s23] =	ssyncset.done $0x0  }
0xb4: {  	[sflag:s23] =	ssyncadd.s32 $0xFFFFFF80  }
0xb5: {  	[tilespmem:s25], [sflag:$0x1] =	stream.linear.gather [hbm4b:s19+s2], $0x4000, $0x38;
	[tilespmem:$0x13880] =	vst v63  }
0xb6: {  	_ =	swait.ge [sflag:s23], $0x4000  }
0xb7: {  	[sflag:s23] =	ssyncset.done $0x0  }
0xb8: {  	[sflag:s23] =	ssyncadd.s32 $0xFFFFC000  }
0xb9: {  	[spmem:s1] =	stream.indirect.scatter.add.f32 [tilespmem:s25], [sflag:$0x1], $0x80, s24, s26, $0xb8;
	[tilespmem:$0x13880] =	vst v63  }
0xba: {  	s31 =	simm.s32 $0x10;
	_ =	swait.ge [sflag:s23], $0x4000  }
0xbb: {  	s0 =	simm.s32 $0x20;
	s30 =	sadd.s32 $0x800, s19;
	[sflag:s23] =	ssyncset.done $0x0  }
.LBB2_8:
0xbc: {  	s3 =	sadd.s32 s31, s20  }
0xbd: {  	[sflag:s23] =	ssyncadd.s32 $0xFFFFC000;
	s31 =	smov.u32 s0;
	s5 =	sadd.s32 $0x10, s0  }
0xbe: {  	[tilespmem:s24], [sflag:$0x1] =	stream.linear.gather [hbm4b:s3+s2], $0x80, $0x38;
	[tilespmem:$0x13880] =	vst v63  }
0xbf: {  	p0 =	sne.s32 s0, $0x70;
	_ =	swait.ge [sflag:s23], $0x80  }
0xc0: {  	[sflag:s23] =	ssyncset.done $0x0  }
0xc1: {  	[sflag:s23] =	ssyncadd.s32 $0xFFFFFF80  }
0xc2: {  	[tilespmem:s25], [sflag:$0x1] =	stream.linear.gather [hbm4b:s30+s2], $0x4000, $0x38;
	[tilespmem:$0x13880] =	vst v63  }
0xc3: {  	_ =	swait.ge [sflag:s23], $0x4000  }
.Ltmp3:
0xc4: {  	[sflag:s23] =	ssyncset.done $0x0;
	(pc) =	sbr.rel @p0 .LBB2_8-.Ltmp3, $4  }
0xc5: {  	[sflag:s23] =	ssyncadd.s32 $0xFFFFC000  }
0xc6: {  	[spmem:s1] =	stream.indirect.scatter.add.f32 [tilespmem:s25], [sflag:$0x1], $0x80, s24, s26, $0xb8;
	[tilespmem:$0x13880] =	vst v63  }
0xc7: {  	_ =	swait.ge [sflag:s23], $0x4000  }
0xc8: {  	s0 =	smov.u32 s5;
	s30 =	sadd.s32 $0x800, s30;
	[sflag:s23] =	ssyncset.done $0x0  }
0xc9: {  	s0 =	sadd.s32 s31, s20;
	[sflag:s23] =	ssyncadd.s32 $0xFFFFC000  }
0xca: {  	[tilespmem:s24], [sflag:$0x1] =	stream.linear.gather [hbm4b:s0+s2], $0x80, $0x38;
	[tilespmem:$0x13880] =	vst v63  }
0xcb: {  	_ =	swait.ge [sflag:s23], $0x80  }
0xcc: {  	[sflag:s23] =	ssyncset.done $0x0  }
0xcd: {  	[sflag:s23] =	ssyncadd.s32 $0xFFFFFF80  }
0xce: {  	[tilespmem:s25], [sflag:$0x1] =	stream.linear.gather [hbm4b:s30+s2], $0x4000, $0x38;
	[tilespmem:$0x13880] =	vst v63  }
0xcf: {  	_ =	swait.ge [sflag:s23], $0x4000  }
0xd0: {  	[sflag:s23] =	ssyncset.done $0x0  }
0xd1: {  	[sflag:s23] =	ssyncadd.s32 $0xFFFFC000  }
0xd2: {  	[spmem:s1] =	stream.indirect.scatter.add.f32 [tilespmem:s25], [sflag:$0x1], $0x80, s24, s26, $0xb8;
	[tilespmem:$0x13880] =	vst v63  }
0xd3: {  	_ =	swait.ge [sflag:s23], $0x4000  }
0xd4: {  	[sflag:s23] =	ssyncset.done $0x0  }
0xd5: {  	[sflag:s23] =	ssyncadd.s32 $0xFFFFC000  }
0xd6: {  	[bflag:$0x0] =	sbarrier.arrive $0xFFFF  }
0xd7: {  	[hbm:s10], [sflag:s6] =	dma.local [spmem:s29], $0x1F00  }
0xd8: {  	_ =	swait.ge [sflag:s23], $0x1F00  }
0xd9: {  	[sflag:s23] =	ssyncset.done $0x0  }
0xda: {  	[sflag:s23] =	ssyncadd.s32 $0xFFFFE100  }
0xdb: {  	[bflag:$0x0] =	sbarrier.arrive $0xFFFF  }
0xdc: {  	[spmem:s29], [sflag:s6] =	dma.local [hbm:s4], $0x1F00  }
0xdd: {  	_ =	swait.ge [sflag:s23], $0x1F00  }
0xde: {  	[sflag:s23] =	ssyncset.done $0x0  }
0xdf: {  	[sflag:s23] =	ssyncadd.s32 $0xFFFFE100  }
0xe0: {  	s5 =	sadd.s32 $0x0, s22;
	[bflag:$0x0] =	sbarrier.arrive $0xFFFF  }
0xe1: {  	[tilespmem:s24], [sflag:$0x1] =	stream.linear.gather [hbm4b:s5+s2], $0x80, $0x38;
	[tilespmem:$0x13880] =	vst v63  }
0xe2: {  	_ =	swait.ge [sflag:s23], $0x80  }
0xe3: {  	[sflag:s23] =	ssyncset.done $0x0  }
0xe4: {  	[sflag:s23] =	ssyncadd.s32 $0xFFFFFF80  }
0xe5: {  	[tilespmem:s25], [sflag:$0x1] =	stream.linear.gather [hbm4b:s21+s2], $0x4000, $0x38;
	[tilespmem:$0x13880] =	vst v63  }
0xe6: {  	_ =	swait.ge [sflag:s23], $0x4000  }
0xe7: {  	[sflag:s23] =	ssyncset.done $0x0  }
0xe8: {  	[sflag:s23] =	ssyncadd.s32 $0xFFFFC000  }
0xe9: {  	[spmem:s1] =	stream.indirect.scatter.add.f32 [tilespmem:s25], [sflag:$0x1], $0x80, s24, s26, $0xb8;
	[tilespmem:$0x13880] =	vst v63  }
0xea: {  	s31 =	simm.s32 $0x10;
	_ =	swait.ge [sflag:s23], $0x4000  }
0xeb: {  	s0 =	simm.s32 $0x20;
	s30 =	sadd.s32 $0x800, s21;
	[sflag:s23] =	ssyncset.done $0x0  }
.LBB2_10:
0xec: {  	s3 =	sadd.s32 s31, s22  }
0xed: {  	[sflag:s23] =	ssyncadd.s32 $0xFFFFC000;
	s31 =	smov.u32 s0;
	s5 =	sadd.s32 $0x10, s0  }
0xee: {  	[tilespmem:s24], [sflag:$0x1] =	stream.linear.gather [hbm4b:s3+s2], $0x80, $0x38;
	[tilespmem:$0x13880] =	vst v63  }
0xef: {  	p0 =	sne.s32 s0, $0x70;
	_ =	swait.ge [sflag:s23], $0x80  }
0xf0: {  	[sflag:s23] =	ssyncset.done $0x0  }
0xf1: {  	[sflag:s23] =	ssyncadd.s32 $0xFFFFFF80  }
0xf2: {  	[tilespmem:s25], [sflag:$0x1] =	stream.linear.gather [hbm4b:s30+s2], $0x4000, $0x38;
	[tilespmem:$0x13880] =	vst v63  }
0xf3: {  	_ =	swait.ge [sflag:s23], $0x4000  }
.Ltmp4:
0xf4: {  	[sflag:s23] =	ssyncset.done $0x0;
	(pc) =	sbr.rel @p0 .LBB2_10-.Ltmp4, $4  }
0xf5: {  	[sflag:s23] =	ssyncadd.s32 $0xFFFFC000  }
0xf6: {  	[spmem:s1] =	stream.indirect.scatter.add.f32 [tilespmem:s25], [sflag:$0x1], $0x80, s24, s26, $0xb8;
	[tilespmem:$0x13880] =	vst v63  }
0xf7: {  	_ =	swait.ge [sflag:s23], $0x4000  }
0xf8: {  	s0 =	smov.u32 s5;
	s30 =	sadd.s32 $0x800, s30;
	[sflag:s23] =	ssyncset.done $0x0  }
0xf9: {  	s0 =	sadd.s32 s31, s22;
	[sflag:s23] =	ssyncadd.s32 $0xFFFFC000  }
0xfa: {  	[tilespmem:s24], [sflag:$0x1] =	stream.linear.gather [hbm4b:s0+s2], $0x80, $0x38;
	[tilespmem:$0x13880] =	vst v63  }
0xfb: {  	_ =	swait.ge [sflag:s23], $0x80  }
0xfc: {  	[sflag:s23] =	ssyncset.done $0x0  }
0xfd: {  	[sflag:s23] =	ssyncadd.s32 $0xFFFFFF80  }
0xfe: {  	[tilespmem:s25], [sflag:$0x1] =	stream.linear.gather [hbm4b:s30+s2], $0x4000, $0x38;
	[tilespmem:$0x13880] =	vst v63  }
0xff: {  	_ =	swait.ge [sflag:s23], $0x4000  }
0x100: {  	[sflag:s23] =	ssyncset.done $0x0  }
0x101: {  	[sflag:s23] =	ssyncadd.s32 $0xFFFFC000  }
0x102: {  	[spmem:s1] =	stream.indirect.scatter.add.f32 [tilespmem:s25], [sflag:$0x1], $0x80, s24, s26, $0xb8;
	[tilespmem:$0x13880] =	vst v63  }
0x103: {  	_ =	swait.ge [sflag:s23], $0x4000  }
0x104: {  	[sflag:s23] =	ssyncset.done $0x0  }
0x105: {  	s28 =	sadd.s32 $0x1, s28;
	[sflag:s23] =	ssyncadd.s32 $0xFFFFC000  }
0x106: {  	p0 =	sne.s32 s28, s12;
	[bflag:$0x0] =	sbarrier.arrive $0xFFFF  }
0x107: {  	[hbm:s11], [sflag:s6] =	dma.local [spmem:s29], $0x1F00  }
.Ltmp5:
0x108: {  	_ =	swait.ge [sflag:s23], $0x1F00;
	(pc) =	sbr.rel @p0 .LBB2_1-.Ltmp5, $3  }
0x109: {  	[sflag:s23] =	ssyncset.done $0x0  }
0x10a: {  	[sflag:s23] =	ssyncadd.s32 $0xFFFFE100  }
0x10b: {  	[bflag:$0x0] =	sbarrier.arrive $0xFFFF;
	_ =	sdelay $0x1  }
0x10c: {  	_ =	sfence.sel $0x180000  }
0x10d: {  	[bflag:$0x0] =	sbarrier.arrive $0xFFFF  }
0x10e: {  	_ =	strace $0x9000004D  }
0x10f: {  	s0 =	stileid.u32;
	[bflag:$0x2] =	sbarrier.arrive $0xFFFF  }
0x110: {  	p0 =	sne.s32 s0, $0x0;
	s0 =	rddreg [dreg:$0x3]  }
0x111: {  	s0 =	sadd.s32 @!p0 $0x100000, s0  }
0x112: {  	[sflag:s0] =	ssyncadd.tile.s32 @!p0 $0x1;
	_ =	shalt  }
.Lfunc_end2:
_tile_overlayer_lowered:
.L_overlay_start_2:
0x113: {  	(tag) =	ssettag $0x2  }
0x114: {  	s0 =	rddreg [dreg:$0x0];
	s2 =	stileid.u32  }
0x115: {  	s1 =	rddreg [dreg:$0x1];
	p0 =	sne.s32 s2, $0x0  }
0x116: {  	s3 =	rddreg [dreg:$0x2];
	[bflag:$0x3] =	sbarrier.arrive $0xFFFF;
	s2 =	simm.s32 @!p0 $0x1C01  }
0x117: {  	[timem:s3], [sflag:s2] =	dma.local @!p0 [hbm:s0], s1  }
0x118: {  	s0 =	simm.s32 @!p0 $0x1  }
0x119: {  	_ =	swait.ge @!p0 [sflag:s0], s1  }
0x11a: {  	s1 =	ssub.s32 @!p0 $0x0, s1;
	[sflag:s0] =	ssyncset.done @!p0 $0x0  }
0x11b: {  	[sflag:s0] =	ssyncadd.s32 @!p0 s1  }
0x11c: {  	[bflag:$0x3] =	sbarrier.arrive $0xFFFF  }
0x11d: {  	_ =	shalt  }

// kernel: kernel.17.cloned.1.call-start
scs
__scs_entry_jumppad:
0x0: {  	(pc) =	sbr.rel $0x88, $3  }
0x1: {  	(tag) =	ssettag $0x0;
	lr =	simm.s32 $0x1  }
0x2: {  	[smem:$0x3F8A] =	sst lr;
	_ =	strace $0xD0000000  }
0x3: {  	_ = 	snop  }
0x4: {  	_ = 	snop  }
0x5: {  	_ = 	snop  }
0x6: {  	_ = 	snop  }
0x7: {  	_ = 	snop  }
__scs_overlays_trampoline_lowered:
0x8: {  	[smem:$0x3F99] =	sst s0  }
0x9: {  	[smem:$0x3F9A] =	sst s1  }
0xa: {  	[smem:$0x3F9B] =	sst s2  }
0xb: {  	[smem:$0x3F9C] =	sst s3  }
0xc: {  	[smem:$0x3F9D] =	sst s4  }
0xd: {  	[smem:$0x3F9E] =	sst s5  }
0xe: {  	[smem:$0x3F9F] =	sst s6  }
0xf: {  	[smem:$0x3FA0] =	sst s7  }
0x10: {  	[smem:$0x3FA1] =	sst s8  }
0x11: {  	[smem:$0x3FA2] =	sst s9;
	s0 =	simm.s32 @!p0 $0x0  }
0x12: {  	s1 =	sld [smem:$0x3F88];
	s0 =	simm.s32 @p0 $0x1  }
0x13: {  	[smem:$0x3FA3] =	sst s0;
	s0 =	simm.s32 @!p1 $0x0  }
0x14: {  	s2 =	sld [smem:$0x3F87];
	s0 =	simm.s32 @p1 $0x1  }
0x15: {  	[smem:$0x3FA4] =	sst s0;
	s0 =	simm.s32 @!p2 $0x0  }
0x16: {  	s3 =	sld [smem:$0x3FDB];
	s0 =	simm.s32 @p2 $0x1  }
0x17: {  	s4 =	simm.s32 $0x1BF5;
	[smem:$0x3FA6] =	sst s0  }
0x18: {  	s0 =	sld [smem:$0x3F89];
	_ =	swait.ge [sflag:s4], $0x0  }
0x19: {  	s7 =	sld [smem:$0x3F8A]  }
0x1a: {  	s8 =	sadd.s32 $0xFFFFE003, lr  }
0x1b: {  	s9 =	sadd.s32 $0xFFFFFEF7, lr;
	s5 =	simm.s32 $0xFFFFFFFF;
	p2 =	slt.u32 s8, $0xFFFFF086  }
0x1c: {  	p1 =	slt.u32 s9, $0xF7A;
	s5 =	simm.s32 @!p2 $0x0  }
0x1d: {  	s5 =	simm.s32 @p1 $0x1;
	p0 =	seq.s32 s7, s2  }
0x1e: {  	s7 =	smul.u32 @!p0 $0xF7A, s2;
	p2 =	seq.s32 @!p0 s5, $0x0  }
0x1f: {  	s9 =	smul.u32 $0xF7A, s1;
	s8 =	simm.s32 @!p0 $0x1BF5;
	p2 =	por !p2, p0  }
0x20: {  	[sflag:s8] =	ssyncset.s32 @!p0 $0xFFFFF086;
	s6 =	sadd.s32 @!p0 s3, s7;
	s7 =	simm.s32 @!p0 $0x108  }
0x21: {  	s3 =	sadd.s32 s3, s9;
	s6 =	sadd.s32 @!p0 $0x88, s6;
	s7 =	simm.s32 @p2 $0x1082  }
0x22: {  	[simem:s7], [sflag:s8] =	dma.local @!p0 [hbm:s6], $0xF7A  }
0x23: {  	s9 =	sor.u32 $0xD0000000, s2;
	s6 =	simm.s32 $0x108;
	_ =	swait.ge @!p0 [sflag:s8], $0x0  }
0x24: {  	s3 =	sadd.s32 $0x88, s3;
	s6 =	simm.s32 @!p1 $0x1082;
	[sflag:s4] =	ssyncset.s32 $0xFFFFF086  }
0x25: {  	[simem:s6], [sflag:s4] =	dma.local [hbm:s3], $0xF7A  }
0x26: {  	[smem:$0x3F8A] =	sst s1;
	(tag) =	ssettag s2;
	_ =	strace s9  }
0x27: {  	s1 =	sld [smem:$0x3F9A]  }
0x28: {  	s2 =	sld [smem:$0x3F9B]  }
0x29: {  	s4 =	sld [smem:$0x3F9D]  }
0x2a: {  	p0 =	seq.s32 s5, $0x0;
	s5 =	sld [smem:$0x3F9E]  }
0x2b: {  	s6 =	sld [smem:$0x3F9F]  }
0x2c: {  	s7 =	sld [smem:$0x3FA0]  }
0x2d: {  	s3 =	simm.s32 $0x108;
	s8 =	sld [smem:$0x3FA1]  }
0x2e: {  	s3 =	simm.s32 @!p0 $0x1082;
	s9 =	sld [smem:$0x3FA2]  }
0x2f: {  	lr =	sadd.s32 s0, s3;
	s0 =	sld [smem:$0x3F99]  }
0x30: {  	s3 =	sld [smem:$0x3F9C]  }
0x31: {  	[smem:$0x3FA5] =	sst s10  }
0x32: {  	s10 =	sld [smem:$0x3FA3];
	_ =	sdelay $0x3  }
0x33: {  	p0 =	seq.s32 s10, $0x1;
	s10 =	sld [smem:$0x3FA5];
	_ =	sdelay $0x3  }
0x34: {  	[smem:$0x3FA5] =	sst s10  }
0x35: {  	s10 =	sld [smem:$0x3FA4];
	_ =	sdelay $0x3  }
0x36: {  	p1 =	seq.s32 s10, $0x1;
	s10 =	sld [smem:$0x3FA5];
	_ =	sdelay $0x3  }
0x37: {  	[smem:$0x3FA5] =	sst s10  }
0x38: {  	s10 =	sld [smem:$0x3FA6]  }
0x39: {  	_ = 	snop;
	(pc) =	sbr.ind lr, $3  }
0x3a: {  	_ = 	snop  }
0x3b: {  	_ = 	snop  }
0x3c: {  	p2 =	seq.s32 s10, $0x1;
	s10 =	sld [smem:$0x3FA5]  }
0x3d: {  	_ =	shalt  }
0x3e: {  	_ =	shalt  }
0x3f: {  	_ =	shalt  }
0x40: {  	_ =	shalt  }
0x41: {  	_ =	shalt  }
0x42: {  	_ =	shalt  }
0x43: {  	_ =	shalt  }
0x44: {  	_ =	shalt  }
0x45: {  	_ =	shalt  }
0x46: {  	_ =	shalt  }
0x47: {  	_ =	shalt  }
0x48: {  	_ =	shalt  }
0x49: {  	_ =	shalt  }
0x4a: {  	_ =	shalt  }
0x4b: {  	_ =	shalt  }
0x4c: {  	_ =	shalt  }
0x4d: {  	_ =	shalt  }
0x4e: {  	_ =	shalt  }
0x4f: {  	_ =	shalt  }
0x50: {  	_ =	shalt  }
0x51: {  	_ =	shalt  }
0x52: {  	_ =	shalt  }
0x53: {  	_ =	shalt  }
0x54: {  	_ =	shalt  }
0x55: {  	_ =	shalt  }
0x56: {  	_ =	shalt  }
0x57: {  	_ =	shalt  }
0x58: {  	_ =	shalt  }
0x59: {  	_ =	shalt  }
0x5a: {  	_ =	shalt  }
0x5b: {  	_ =	shalt  }
0x5c: {  	_ =	shalt  }
0x5d: {  	_ =	shalt  }
0x5e: {  	_ =	shalt  }
0x5f: {  	_ =	shalt  }
0x60: {  	_ =	shalt  }
0x61: {  	_ =	shalt  }
0x62: {  	_ =	shalt  }
0x63: {  	_ =	shalt  }
0x64: {  	_ =	shalt  }
0x65: {  	_ =	shalt  }
0x66: {  	_ =	shalt  }
0x67: {  	_ =	shalt  }
0x68: {  	_ =	shalt  }
0x69: {  	_ =	shalt  }
0x6a: {  	_ =	shalt  }
0x6b: {  	_ =	shalt  }
0x6c: {  	_ =	shalt  }
0x6d: {  	_ =	shalt  }
0x6e: {  	_ =	shalt  }
0x6f: {  	_ =	shalt  }
0x70: {  	_ =	shalt  }
0x71: {  	_ =	shalt  }
0x72: {  	_ =	shalt  }
0x73: {  	_ =	shalt  }
0x74: {  	_ =	shalt  }
0x75: {  	_ =	shalt  }
0x76: {  	_ =	shalt  }
0x77: {  	_ =	shalt  }
0x78: {  	_ =	shalt  }
0x79: {  	_ =	shalt  }
0x7a: {  	_ =	shalt  }
0x7b: {  	_ =	shalt  }
0x7c: {  	_ =	shalt  }
0x7d: {  	_ =	shalt  }
0x7e: {  	_ =	shalt  }
0x7f: {  	_ =	shalt  }
0x80: {  	_ =	shalt  }
0x81: {  	_ =	shalt  }
0x82: {  	_ =	shalt  }
0x83: {  	_ =	shalt  }
0x84: {  	_ =	shalt  }
0x85: {  	_ =	shalt  }
0x86: {  	_ =	shalt  }
0x87: {  	_ =	shalt  }
.Lfunc_end0:
.L_simem_size_0:
called_computation.4_lowered:
.L_overlay_start_0:
0x88: {  	s2 =	sld [smem:$0x3FD9]  }
0x89: {  	s3 =	sld [smem:$0x3FFE];
	_ =	sdelay $0x1  }
0x8a: {  	s1 =	srdreg.scid  }
0x8b: {  	s0 =	sand.u32 $0x1, s1  }
0x8c: {  	s17 =	sshll.u32 s0, $0xA;
	s2 =	sadd.s32 s3, s2  }
0x8d: {  	s2 =	sadd.s32 s2, s17  }
0x8e: {  	[smem:$0x3FB1] =	sst s2  }
0x8f: {  	_ = 	snop  }
0x90: {  	s2 =	sld [smem:$0x3FD0];
	(tm) =	ssettm $0x1  }
0x91: {  	s18 =	sld [smem:$0x3FFB];
	_ =	sdelay $0x3  }
0x92: {  	_ =	strace s18  }
0x93: {  	s3 =	sld [smem:$0x3FFC];
	_ =	sdelay $0x3  }
0x94: {  	_ =	strace s3  }
0x95: {  	s3 =	sld [smem:$0x3FFD];
	_ =	sdelay $0x3  }
0x96: {  	_ =	strace s3  }
0x97: {  	_ =	strace $0x8FFFFFFF  }
0x98: {  	s19 =	sld [smem:$0x3FDB];
	_ =	sdelay $0x1  }
0x99: {  	s4 =	simm.s32 $_scs_section_size  }
0x9a: {  	s5 =	simm.s32 $_size__tile_overlayer_lowered;
	s6 =	simm.s32 $_tile_overlayer_lowered  }
0x9b: {  	s22 =	simm.s32 $0x1BFF;
	s21 =	sshll.u32 s6, $0x1;
	s3 =	sadd.s32 s4, s19  }
0x9c: {  	s7 =	simm.s32 $0x0;
	s20 =	sshll.u32 s5, $0x1;
	s5 =	sadd.s32 s21, s3  }
0x9d: {  	[timem:s7], [sflag:s22] =	dma.local [hbm:s5], s20  }
0x9e: {  	_ =	swait.ge [sflag:s22], s20  }
0x9f: {  	s4 =	ssub.s32 $0x0, s20;
	[sflag:s22] =	ssyncset.done $0x0  }
0xa0: {  	[sflag:s22] =	ssyncadd.s32 s4;
	_ =	sdelay $0x1  }
0xa1: {  	s23 =	simm.s32 $0x1B8B  }
0xa2: {  	_ =	swait.ge [sflag:s23], $0x1  }
0xa3: {  	[sflag:s23] =	ssyncset.done $0x0  }
0xa4: {  	s25 =	simm.s32 $0x1B8E;
	s24 =	sld [smem:$0x3FFE];
	[sflag:s23] =	ssyncadd.s32 $0xFFFFFFFF  }
0xa5: {  	s26 =	simm.s32 $execute0_lowered;
	[smem:$0x3FD2] =	sst s25  }
0xa6: {  	s5 =	sshll.u32 s26, $0x1;
	_ =	strace $0x80000052;
	[dreg:$0x1] =	wrdreg $0xFFFFFFFF  }
0xa7: {  	s28 =	simm.s32 $_size_execute0_lowered;
	s3 =	sadd.s32 s3, s5;
	[dreg:$0x0] =	wrdreg $0x0  }
0xa8: {  	s5 =	sshll.u32 s28, $0x1;
	[dreg:$0x2] =	wrdreg s3  }
0xa9: {  	[dreg:$0x3] =	wrdreg s5  }
0xaa: {  	[dreg:$0x4] =	wrdreg $0xC0  }
0xab: {  	_ =	task [dreg:s7], $0x5FFFF  }
0xac: {  	[dreg:$0x1] =	wrdreg $0xFFFFFFFF  }
0xad: {  	[dreg:$0x0] =	wrdreg $0x60  }
0xae: {  	[dreg:$0x2] =	wrdreg s2  }
0xaf: {  	[dreg:$0x3] =	wrdreg s24  }
0xb0: {  	[dreg:$0x4] =	wrdreg $0x0  }
0xb1: {  	[dreg:$0x5] =	wrdreg $0x9  }
0xb2: {  	_ =	task.clear_ibuf [dreg:s7], $0x6FFFF;
	_ =	strace $0x90000052  }
0xb3: {  	s29 =	simm.s32 $0x9;
	_ =	strace $0x80000054  }
0xb4: {  	_ =	swait.ge [sflag:s29], $0x1  }
0xb5: {  	[sflag:s29] =	ssyncadd.s32 $0xFFFFFFFF  }
0xb6: {  	_ =	strace $0x90000054  }
0xb7: {  	_ =	sfence  }
0xb8: {  	s30 =	sld [smem:$0x0];
	_ =	sdelay $0x2  }
0xb9: {  	s31 =	sshll.u32 s1, $0xD;
	s1 =	sshrl.u32 s1, $0x2  }
0xba: {  	s3 =	sand.u32 $0x4000, s31;
	s1 =	sadd.s32 s1, s30  }
0xbb: {  	s0 =	sor.u32 s3, s0;
	s1 =	sshll.u32 s1, $0x11  }
0xbc: {  	s0 =	sor.u32 s1, s0  }
0xbd: {  	s0 =	sadd.s32 $0x8F2B, s0  }
0xbe: {  	[sflag:s0] =	ssyncadd.remote.s32 $0x1  }
0xbf: {  	_ =	sfence.sel $0xFFFF  }
0xc0: {  	[dreg:$0x0] =	wrdreg $0xFFFFFFFF;
	(pc) =	sbr.abs _section_cstart, $3  }
0xc1: {  	[dreg:$0x1] =	wrdreg $0xFFFFFFFF  }
0xc2: {  	_ =	task.clear_ibuf [dreg:s7], $0x2FFFF;
	_ =	strace $0x9FFFFFFF  }
0xc3: {  	(tm) =	ssettm $0x7FFFFFFF  }
tec
execute0_lowered:
.L_overlay_start_1:
0x0: {  	(tag) =	ssettag $0x1  }
0x1: {  	s1 =	rddreg [dreg:$0x0]  }
0x2: {  	s10 =	rddreg [dreg:$0x1]  }
0x3: {  	s2 =	rddreg [dreg:$0x2]  }
0x4: {  	s4 =	simm.s32 $0x0;
	s3 =	srdreg.scid;
	s18 =	simm.s32 $0x13C80  }
0x5: {  	s19 =	simm.s32 $0x13D00;
	s20 =	simm.s32 $0x80;
	s21 =	simm.s32 $0x13D80  }
0x6: {  	s22 =	simm.s32 $0x1;
	s23 =	simm.s32 $0x17D80;
	s24 =	simm.s32 $0x2  }
0x7: {  	[smem:$0x7FF] =	sst s4;
	s11 =	sand.u32 $0x1, s3;
	s3 =	stileid.u32  }
0x8: {  	s5 =	sadd.s32 $0x2D400, s10;
	s6 =	sadd.s32 $0x28400, s10;
	s9 =	smul.u32 $0x13C000, s11  }
0x9: {  	s7 =	sadd.s32 $0x5400, s10;
	s8 =	sadd.s32 $0xA400, s10;
	s12 =	smul.u32 $0x13C00, s3  }
0xa: {  	_ =	strace $0x80000053;
	s13 =	ssub.s32 $0x2, s11;
	s14 =	smul.u32 $0x4F000, s3  }
0xb: {  	s29 =	sshll.u32 s11, $0x4;
	s30 =	smul.u32 $0x14000, s11;
	s31 =	sshll.u32 s3, $0x6  }
0xc: {  	s17 =	smul.u32 $0x1400, s3;
	s15 =	sshrl.u32 s13, $0x1;
	s16 =	sor.u32 s3, s29  }
0xd: {  	s12 =	sadd.s32 s12, s9;
	s9 =	sadd.s32 $0xF400, s10;
	s13 =	ssub.s32 s13, s15  }
0xe: {  	s26 =	sshrl.u32 s14, $0x2;
	s11 =	smul.u32 $0x1400, s16;
	s14 =	sadd.s32 s17, s30  }
0xf: {  	s16 =	simm.s32 $0x3;
	s17 =	simm.s32 $0x13C00;
	s12 =	sshrl.u32 s12, $0x3  }
0x10: {  	s28 =	sadd.s32 s26, s2;
	s13 =	smax.u32 s13, $0x1;
	s12 =	sadd.s32 s12, s10  }
0x11: {  	s10 =	sor.u32 $0x1C03, s31;
	s15 =	sshrl.u32 s28, $0x3;
	s12 =	sadd.s32 $0x2EC00, s12  }
.LBB2_1:
0x12: {  	[spmem:s15], [sflag:s10] =	dma.local [hbm:s9], $0x2780  }
0x13: {  	_ =	swait.ge [sflag:s16], $0x2780  }
0x14: {  	[sflag:s16] =	ssyncset.done $0x0  }
0x15: {  	[sflag:s16] =	ssyncadd.s32 $0xFFFFD880  }
0x16: {  	s25 =	smov.u32 s14;
	s26 =	simm.s32 $0x0;
	[bflag:$0x0] =	sbarrier.arrive $0xFFFF  }
.LBB2_2:
0x17: {  	s28 =	sshll.u32 s26, $0x7  }
0x18: {  	s28 =	sadd.s32 s11, s28  }
0x19: {  	s28 =	sshrl.u32 s28, $0x3  }
0x1a: {  	s30 =	simm.s32 $0x0;
	s29 =	sadd.s32 s6, s28  }
0x1b: {  	[tilespmem:s17], [sflag:$0x3] =	stream.linear.gather [hbm4b:s29+s30], $0x80, $0x38;
	[tilespmem:$0x1BD80] =	vst v63  }
0x1c: {  	_ =	swait.ge [sflag:s16], $0x80  }
0x1d: {  	[sflag:s16] =	ssyncset.done $0x0  }
0x1e: {  	s29 =	sadd.s32 s7, s28;
	[sflag:s16] =	ssyncadd.s32 $0xFFFFFF80  }
0x1f: {  	[tilespmem:s18], [sflag:$0x3] =	stream.linear.gather [hbm4b:s29+s30], $0x80, $0x38;
	[tilespmem:$0x1BD80] =	vst v63  }
0x20: {  	_ =	swait.ge [sflag:s16], $0x80  }
0x21: {  	[sflag:s16] =	ssyncset.done $0x0  }
0x22: {  	s28 =	sadd.s32 s8, s28;
	[sflag:s16] =	ssyncadd.s32 $0xFFFFFF80  }
0x23: {  	[tilespmem:s19], [sflag:$0x3] =	stream.linear.gather [hbm4b:s28+s30], $0x80, $0x38;
	[tilespmem:$0x1BD80] =	vst v63  }
0x24: {  	_ =	swait.ge [sflag:s16], $0x80  }
0x25: {  	[sflag:s16] =	ssyncset.done $0x0  }
0x26: {  	[sflag:s16] =	ssyncadd.s32 $0xFFFFFF80  }
0x27: {  	[tilespmem:s21], [sflag:$0x1] =	stream.indirect.gather [hbm4b:s1+s20], $0x80, s17, s20, $0xb8;
	[tilespmem:$0x1BD80] =	vst v63  }
0x28: {  	_ =	swait.ge [sflag:s22], $0x4000  }
0x29: {  	[sflag:s22] =	ssyncset.done $0x0  }
0x2a: {  	[sflag:s22] =	ssyncadd.s32 $0xFFFFC000  }
0x2b: {  	[tilespmem:s23], [sflag:$0x2] =	stream.indirect.gather [hbm4b:s5+s20], $0x80, s19, s20, $0xb8;
	[tilespmem:$0x1BD80] =	vst v63  }
0x2c: {  	_ =	swait.ge [sflag:s24], $0x4000  }
0x2d: {  	[sflag:s24] =	ssyncset.done $0x0  }
0x2e: {  	s28 =	simm.s32 $0x0;
	[sflag:s24] =	ssyncadd.s32 $0xFFFFC000  }
0x2f: {  	v6 =	vld [tilespmem:s28+$0x17D80]  }
0x30: {  	v11 =	vld [tilespmem:s28+$0x17D90]  }
0x31: {  	v5 =	vld [tilespmem:s28+$0x17DA0]  }
0x32: {  	v4 =	vld [tilespmem:s28+$0x17DB0]  }
0x33: {  	v3 =	vld [tilespmem:s28+$0x17DC0]  }
0x34: {  	v2 =	vld [tilespmem:s28+$0x17DD0]  }
0x35: {  	v1 =	vld [tilespmem:s28+$0x17DE0]  }
0x36: {  	v0 =	vld [tilespmem:s28+$0x17DF0]  }
0x37: {  	v12 =	vld [tilespmem:s28+$0x13D80]  }
0x38: {  	v13 =	vld [tilespmem:s28+$0x13D90]  }
0x39: {  	v10 =	vld [tilespmem:s28+$0x13DA0]  }
0x3a: {  	v9 =	vld [tilespmem:s28+$0x13DB0]  }
0x3b: {  	v8 =	vld [tilespmem:s28+$0x13DC0]  }
0x3c: {  	v7 =	vld [tilespmem:s28+$0x13DD0]  }
0x3d: {  	p1 =	slt.u32 s25, $0x27100;
	s29 =	simm.s32 $0x200;
	s30 =	smov.u32 s25;
	v12 =	vadd.f32 v6, v12;
	v11 =	vadd.f32 v11, v13;
	v6 =	vld [tilespmem:s28+$0x13DE0]  }
.LBB2_3:
0x3e: {  	s0 =	simm.f32 $1.000000000e+00  }
0x3f: {  	s31 =	sshra.s32 s29, $0x2;
	p0 =	sne.s32 s29, $0xFE00;
	v12 =	vmax.f32 v12, $0.0e+00;
	v5 =	vadd.f32 v5, v10;
	v10 =	vld [tilespmem:s28+$0x13DF0];
	s0 =	simm.s32 @!p1 $0x0  }
0x40: {  	v11 =	vmax.f32 v11, $0.0e+00;
	v4 =	vadd.f32 v4, v9;
	v13 =	vld [tilespmem:s31+$0x17D80];
	v12 =	vmul.f32 s0, v12  }
0x41: {  	v9 =	vmul.f32 s0, v11;
	v11 =	vmax.f32 v5, $0.0e+00;
	v3 =	vadd.f32 v3, v8;
	v14 =	vld [tilespmem:s31+$0x17D90]  }
0x42: {  	v8 =	vmul.f32 s0, v11;
	v11 =	vmax.f32 v4, $0.0e+00;
	v2 =	vadd.f32 v2, v7;
	v5 =	vld [tilespmem:s31+$0x17DA0];
	[tilespmem:s28+$0x13D80] =	vst v12  }
0x43: {  	v7 =	vmul.f32 s0, v11;
	v1 =	vadd.f32 v1, v6;
	v4 =	vld [tilespmem:s31+$0x17DB0];
	[tilespmem:s28+$0x13D90] =	vst v9;
	v9 =	vmax.f32 v3, $0.0e+00  }
0x44: {  	v0 =	vadd.f32 v0, v10;
	v3 =	vld [tilespmem:s31+$0x17DC0];
	[tilespmem:s28+$0x13DA0] =	vst v8;
	v6 =	vmul.f32 s0, v9;
	v8 =	vmax.f32 v2, $0.0e+00  }
0x45: {  	v2 =	vld [tilespmem:s31+$0x17DD0];
	[tilespmem:s28+$0x13DB0] =	vst v7;
	v7 =	vmul.f32 s0, v8;
	v8 =	vmax.f32 v1, $0.0e+00  }
0x46: {  	v1 =	vld [tilespmem:s31+$0x17DE0];
	[tilespmem:s28+$0x13DC0] =	vst v6;
	v6 =	vmul.f32 s0, v8;
	v8 =	vmax.f32 v0, $0.0e+00  }
0x47: {  	v0 =	vld [tilespmem:s31+$0x17DF0];
	[tilespmem:s28+$0x13DD0] =	vst v7;
	v7 =	vmul.f32 s0, v8  }
0x48: {  	v11 =	vld [tilespmem:s31+$0x13D80];
	[tilespmem:s28+$0x13DE0] =	vst v6  }
0x49: {  	v6 =	vld [tilespmem:s31+$0x13D90];
	[tilespmem:s28+$0x13DF0] =	vst v7;
	s28 =	smov.u32 s31  }
.Ltmp0:
0x4a: {  	v10 =	vld [tilespmem:s28+$0x13DA0];
	(pc) =	sbr.rel @p0 .LBB2_3-.Ltmp0, $4  }
0x4b: {  	v9 =	vld [tilespmem:s28+$0x13DB0]  }
0x4c: {  	v8 =	vld [tilespmem:s28+$0x13DC0]  }
0x4d: {  	s30 =	sadd.s32 $0x1, s30;
	v12 =	vadd.f32 v13, v11;
	v7 =	vld [tilespmem:s28+$0x13DD0]  }
0x4e: {  	s29 =	sadd.s32 $0x200, s29;
	p1 =	slt.u32 s30, $0x27100;
	v11 =	vadd.f32 v14, v6;
	v6 =	vld [tilespmem:s28+$0x13DE0]  }
0x4f: {  	s0 =	simm.f32 $1.000000000e+00  }
0x50: {  	v12 =	vmax.f32 v12, $0.0e+00;
	v5 =	vadd.f32 v5, v10;
	v62 =	vld [tilespmem:s28+$0x13DF0];
	s0 =	simm.s32 @!p1 $0x0  }
0x51: {  	v11 =	vmax.f32 v11, $0.0e+00;
	v4 =	vadd.f32 v4, v9;
	v12 =	vmul.f32 s0, v12  }
0x52: {  	v63 =	vmul.f32 s0, v11;
	v5 =	vmax.f32 v5, $0.0e+00;
	v3 =	vadd.f32 v3, v8  }
0x53: {  	v5 =	vmul.f32 s0, v5;
	v4 =	vmax.f32 v4, $0.0e+00;
	v2 =	vadd.f32 v2, v7;
	[tilespmem:s28+$0x13D80] =	vst v12  }
0x54: {  	[tilespmem:s28+$0x13D90] =	vst v63;
	v4 =	vmul.f32 s0, v4;
	v3 =	vmax.f32 v3, $0.0e+00;
	v1 =	vadd.f32 v1, v6  }
0x55: {  	[tilespmem:s28+$0x13DA0] =	vst v5;
	v3 =	vmul.f32 s0, v3;
	v2 =	vmax.f32 v2, $0.0e+00;
	v0 =	vadd.f32 v0, v62  }
0x56: {  	[tilespmem:s28+$0x13DB0] =	vst v4;
	v2 =	vmul.f32 s0, v2;
	v1 =	vmax.f32 v1, $0.0e+00  }
0x57: {  	[tilespmem:s28+$0x13DC0] =	vst v3;
	v1 =	vmul.f32 s0, v1;
	v0 =	vmax.f32 v0, $0.0e+00  }
0x58: {  	s26 =	sadd.s32 $0x1, s26;
	[tilespmem:s28+$0x13DD0] =	vst v2;
	v0 =	vmul.f32 s0, v0  }
0x59: {  	p0 =	sne.s32 s26, $0x28;
	[tilespmem:s28+$0x13DE0] =	vst v1  }
.Ltmp1:
0x5a: {  	[tilespmem:s28+$0x13DF0] =	vst v0;
	(pc) =	sbr.rel @p0 .LBB2_2-.Ltmp1, $4  }
0x5b: {  	[spmem:s2] =	stream.indirect.scatter.add.f32 [tilespmem:s21], [sflag:$0x3], $0x80, s18, s20, $0xb8;
	[tilespmem:$0x1BD80] =	vst v63  }
0x5c: {  	_ =	swait.ge [sflag:s16], $0x4000  }
0x5d: {  	[sflag:s16] =	ssyncset.done $0x0  }
0x5e: {  	s25 =	sadd.s32 $0x80, s25;
	[sflag:s16] =	ssyncadd.s32 $0xFFFFC000  }
0x5f: {  	s4 =	sadd.s32 $0x1, s4  }
0x60: {  	p0 =	sne.s32 s4, s13  }
.Ltmp2:
0x61: {  	[bflag:$0x0] =	sbarrier.arrive $0xFFFF;
	(pc) =	sbr.rel @p0 .LBB2_1-.Ltmp2, $4  }
0x62: {  	[hbm:s12], [sflag:s10] =	dma.local [spmem:s15], $0x2780  }
0x63: {  	_ =	swait.ge [sflag:s16], $0x2780  }
0x64: {  	[sflag:s16] =	ssyncset.done $0x0  }
0x65: {  	[sflag:s16] =	ssyncadd.s32 $0xFFFFD880  }
0x66: {  	_ =	sfence.sel $0x180000  }
0x67: {  	[bflag:$0x0] =	sbarrier.arrive $0xFFFF  }
0x68: {  	_ =	strace $0x90000053  }
0x69: {  	[bflag:$0x2] =	sbarrier.arrive $0xFFFF  }
0x6a: {  	p0 =	sne.s32 s3, $0x0;
	s0 =	rddreg [dreg:$0x3]  }
0x6b: {  	s0 =	sadd.s32 @!p0 $0x100000, s0  }
0x6c: {  	[sflag:s0] =	ssyncadd.tile.s32 @!p0 $0x1;
	_ =	shalt  }
.Lfunc_end2:
_tile_overlayer_lowered:
.L_overlay_start_2:
0x6d: {  	(tag) =	ssettag $0x2  }
0x6e: {  	s0 =	rddreg [dreg:$0x0];
	s2 =	stileid.u32  }
0x6f: {  	s1 =	rddreg [dreg:$0x1];
	p0 =	sne.s32 s2, $0x0  }
0x70: {  	s3 =	rddreg [dreg:$0x2];
	[bflag:$0x3] =	sbarrier.arrive $0xFFFF;
	s2 =	simm.s32 @!p0 $0x1C03  }
0x71: {  	[timem:s3], [sflag:s2] =	dma.local @!p0 [hbm:s0], s1  }
0x72: {  	s0 =	simm.s32 @!p0 $0x3  }
0x73: {  	_ =	swait.ge @!p0 [sflag:s0], s1  }
0x74: {  	s1 =	ssub.s32 @!p0 $0x0, s1;
	[sflag:s0] =	ssyncset.done @!p0 $0x0  }
0x75: {  	[sflag:s0] =	ssyncadd.s32 @!p0 s1  }
0x76: {  	[bflag:$0x3] =	sbarrier.arrive $0xFFFF  }
0x77: {  	_ =	shalt  }

// kernel: kernel.20.cloned.1.call-start
scs
__scs_entry_jumppad:
0x0: {  	(pc) =	sbr.rel $0x88, $3  }
0x1: {  	(tag) =	ssettag $0x0;
	lr =	simm.s32 $0x1  }
0x2: {  	[smem:$0x3F8A] =	sst lr;
	_ =	strace $0xD0000000  }
0x3: {  	_ = 	snop  }
0x4: {  	_ = 	snop  }
0x5: {  	_ = 	snop  }
0x6: {  	_ = 	snop  }
0x7: {  	_ = 	snop  }
__scs_overlays_trampoline_lowered:
0x8: {  	[smem:$0x3F99] =	sst s0  }
0x9: {  	[smem:$0x3F9A] =	sst s1  }
0xa: {  	[smem:$0x3F9B] =	sst s2  }
0xb: {  	[smem:$0x3F9C] =	sst s3  }
0xc: {  	[smem:$0x3F9D] =	sst s4  }
0xd: {  	[smem:$0x3F9E] =	sst s5  }
0xe: {  	[smem:$0x3F9F] =	sst s6  }
0xf: {  	[smem:$0x3FA0] =	sst s7  }
0x10: {  	[smem:$0x3FA1] =	sst s8  }
0x11: {  	[smem:$0x3FA2] =	sst s9;
	s0 =	simm.s32 @!p0 $0x0  }
0x12: {  	s1 =	sld [smem:$0x3F88];
	s0 =	simm.s32 @p0 $0x1  }
0x13: {  	[smem:$0x3FA3] =	sst s0;
	s0 =	simm.s32 @!p1 $0x0  }
0x14: {  	s2 =	sld [smem:$0x3F87];
	s0 =	simm.s32 @p1 $0x1  }
0x15: {  	[smem:$0x3FA4] =	sst s0;
	s0 =	simm.s32 @!p2 $0x0  }
0x16: {  	s3 =	sld [smem:$0x3FDB];
	s0 =	simm.s32 @p2 $0x1  }
0x17: {  	s4 =	simm.s32 $0x1BF5;
	[smem:$0x3FA6] =	sst s0  }
0x18: {  	s0 =	sld [smem:$0x3F89];
	_ =	swait.ge [sflag:s4], $0x0  }
0x19: {  	s7 =	sld [smem:$0x3F8A]  }
0x1a: {  	s8 =	sadd.s32 $0xFFFFE003, lr  }
0x1b: {  	s9 =	sadd.s32 $0xFFFFFEF7, lr;
	s5 =	simm.s32 $0xFFFFFFFF;
	p2 =	slt.u32 s8, $0xFFFFF086  }
0x1c: {  	p1 =	slt.u32 s9, $0xF7A;
	s5 =	simm.s32 @!p2 $0x0  }
0x1d: {  	s5 =	simm.s32 @p1 $0x1;
	p0 =	seq.s32 s7, s2  }
0x1e: {  	s7 =	smul.u32 @!p0 $0xF7A, s2;
	p2 =	seq.s32 @!p0 s5, $0x0  }
0x1f: {  	s9 =	smul.u32 $0xF7A, s1;
	s8 =	simm.s32 @!p0 $0x1BF5;
	p2 =	por !p2, p0  }
0x20: {  	[sflag:s8] =	ssyncset.s32 @!p0 $0xFFFFF086;
	s6 =	sadd.s32 @!p0 s3, s7;
	s7 =	simm.s32 @!p0 $0x108  }
0x21: {  	s3 =	sadd.s32 s3, s9;
	s6 =	sadd.s32 @!p0 $0x88, s6;
	s7 =	simm.s32 @p2 $0x1082  }
0x22: {  	[simem:s7], [sflag:s8] =	dma.local @!p0 [hbm:s6], $0xF7A  }
0x23: {  	s9 =	sor.u32 $0xD0000000, s2;
	s6 =	simm.s32 $0x108;
	_ =	swait.ge @!p0 [sflag:s8], $0x0  }
0x24: {  	s3 =	sadd.s32 $0x88, s3;
	s6 =	simm.s32 @!p1 $0x1082;
	[sflag:s4] =	ssyncset.s32 $0xFFFFF086  }
0x25: {  	[simem:s6], [sflag:s4] =	dma.local [hbm:s3], $0xF7A  }
0x26: {  	[smem:$0x3F8A] =	sst s1;
	(tag) =	ssettag s2;
	_ =	strace s9  }
0x27: {  	s1 =	sld [smem:$0x3F9A]  }
0x28: {  	s2 =	sld [smem:$0x3F9B]  }
0x29: {  	s4 =	sld [smem:$0x3F9D]  }
0x2a: {  	p0 =	seq.s32 s5, $0x0;
	s5 =	sld [smem:$0x3F9E]  }
0x2b: {  	s6 =	sld [smem:$0x3F9F]  }
0x2c: {  	s7 =	sld [smem:$0x3FA0]  }
0x2d: {  	s3 =	simm.s32 $0x108;
	s8 =	sld [smem:$0x3FA1]  }
0x2e: {  	s3 =	simm.s32 @!p0 $0x1082;
	s9 =	sld [smem:$0x3FA2]  }
0x2f: {  	lr =	sadd.s32 s0, s3;
	s0 =	sld [smem:$0x3F99]  }
0x30: {  	s3 =	sld [smem:$0x3F9C]  }
0x31: {  	[smem:$0x3FA5] =	sst s10  }
0x32: {  	s10 =	sld [smem:$0x3FA3];
	_ =	sdelay $0x3  }
0x33: {  	p0 =	seq.s32 s10, $0x1;
	s10 =	sld [smem:$0x3FA5];
	_ =	sdelay $0x3  }
0x34: {  	[smem:$0x3FA5] =	sst s10  }
0x35: {  	s10 =	sld [smem:$0x3FA4];
	_ =	sdelay $0x3  }
0x36: {  	p1 =	seq.s32 s10, $0x1;
	s10 =	sld [smem:$0x3FA5];
	_ =	sdelay $0x3  }
0x37: {  	[smem:$0x3FA5] =	sst s10  }
0x38: {  	s10 =	sld [smem:$0x3FA6]  }
0x39: {  	_ = 	snop;
	(pc) =	sbr.ind lr, $3  }
0x3a: {  	_ = 	snop  }
0x3b: {  	_ = 	snop  }
0x3c: {  	p2 =	seq.s32 s10, $0x1;
	s10 =	sld [smem:$0x3FA5]  }
0x3d: {  	_ =	shalt  }
0x3e: {  	_ =	shalt  }
0x3f: {  	_ =	shalt  }
0x40: {  	_ =	shalt  }
0x41: {  	_ =	shalt  }
0x42: {  	_ =	shalt  }
0x43: {  	_ =	shalt  }
0x44: {  	_ =	shalt  }
0x45: {  	_ =	shalt  }
0x46: {  	_ =	shalt  }
0x47: {  	_ =	shalt  }
0x48: {  	_ =	shalt  }
0x49: {  	_ =	shalt  }
0x4a: {  	_ =	shalt  }
0x4b: {  	_ =	shalt  }
0x4c: {  	_ =	shalt  }
0x4d: {  	_ =	shalt  }
0x4e: {  	_ =	shalt  }
0x4f: {  	_ =	shalt  }
0x50: {  	_ =	shalt  }
0x51: {  	_ =	shalt  }
0x52: {  	_ =	shalt  }
0x53: {  	_ =	shalt  }
0x54: {  	_ =	shalt  }
0x55: {  	_ =	shalt  }
0x56: {  	_ =	shalt  }
0x57: {  	_ =	shalt  }
0x58: {  	_ =	shalt  }
0x59: {  	_ =	shalt  }
0x5a: {  	_ =	shalt  }
0x5b: {  	_ =	shalt  }
0x5c: {  	_ =	shalt  }
0x5d: {  	_ =	shalt  }
0x5e: {  	_ =	shalt  }
0x5f: {  	_ =	shalt  }
0x60: {  	_ =	shalt  }
0x61: {  	_ =	shalt  }
0x62: {  	_ =	shalt  }
0x63: {  	_ =	shalt  }
0x64: {  	_ =	shalt  }
0x65: {  	_ =	shalt  }
0x66: {  	_ =	shalt  }
0x67: {  	_ =	shalt  }
0x68: {  	_ =	shalt  }
0x69: {  	_ =	shalt  }
0x6a: {  	_ =	shalt  }
0x6b: {  	_ =	shalt  }
0x6c: {  	_ =	shalt  }
0x6d: {  	_ =	shalt  }
0x6e: {  	_ =	shalt  }
0x6f: {  	_ =	shalt  }
0x70: {  	_ =	shalt  }
0x71: {  	_ =	shalt  }
0x72: {  	_ =	shalt  }
0x73: {  	_ =	shalt  }
0x74: {  	_ =	shalt  }
0x75: {  	_ =	shalt  }
0x76: {  	_ =	shalt  }
0x77: {  	_ =	shalt  }
0x78: {  	_ =	shalt  }
0x79: {  	_ =	shalt  }
0x7a: {  	_ =	shalt  }
0x7b: {  	_ =	shalt  }
0x7c: {  	_ =	shalt  }
0x7d: {  	_ =	shalt  }
0x7e: {  	_ =	shalt  }
0x7f: {  	_ =	shalt  }
0x80: {  	_ =	shalt  }
0x81: {  	_ =	shalt  }
0x82: {  	_ =	shalt  }
0x83: {  	_ =	shalt  }
0x84: {  	_ =	shalt  }
0x85: {  	_ =	shalt  }
0x86: {  	_ =	shalt  }
0x87: {  	_ =	shalt  }
.Lfunc_end0:
.L_simem_size_0:
called_computation.5_lowered:
.L_overlay_start_0:
0x88: {  	s2 =	sld [smem:$0x3FD9]  }
0x89: {  	s3 =	sld [smem:$0x3FFE];
	_ =	sdelay $0x1  }
0x8a: {  	s1 =	srdreg.scid  }
0x8b: {  	s0 =	sand.u32 $0x1, s1  }
0x8c: {  	s17 =	sshll.u32 s0, $0xA;
	s2 =	sadd.s32 s3, s2  }
0x8d: {  	s2 =	sadd.s32 s2, s17  }
0x8e: {  	[smem:$0x3FB1] =	sst s2  }
0x8f: {  	_ = 	snop  }
0x90: {  	s2 =	sld [smem:$0x3FD0];
	(tm) =	ssettm $0x1  }
0x91: {  	s18 =	sld [smem:$0x3FFB];
	_ =	sdelay $0x3  }
0x92: {  	_ =	strace s18  }
0x93: {  	s3 =	sld [smem:$0x3FFC];
	_ =	sdelay $0x3  }
0x94: {  	_ =	strace s3  }
0x95: {  	s3 =	sld [smem:$0x3FFD];
	_ =	sdelay $0x3  }
0x96: {  	_ =	strace s3  }
0x97: {  	_ =	strace $0x8FFFFFFF  }
0x98: {  	s19 =	sld [smem:$0x3FDB];
	_ =	sdelay $0x1  }
0x99: {  	s4 =	simm.s32 $_scs_section_size  }
0x9a: {  	s5 =	simm.s32 $_size__tile_overlayer_lowered;
	s6 =	simm.s32 $_tile_overlayer_lowered  }
0x9b: {  	s22 =	simm.s32 $0x1BFF;
	s21 =	sshll.u32 s6, $0x1;
	s3 =	sadd.s32 s4, s19  }
0x9c: {  	s7 =	simm.s32 $0x0;
	s20 =	sshll.u32 s5, $0x1;
	s5 =	sadd.s32 s21, s3  }
0x9d: {  	[timem:s7], [sflag:s22] =	dma.local [hbm:s5], s20  }
0x9e: {  	_ =	swait.ge [sflag:s22], s20  }
0x9f: {  	s4 =	ssub.s32 $0x0, s20;
	[sflag:s22] =	ssyncset.done $0x0  }
0xa0: {  	[sflag:s22] =	ssyncadd.s32 s4;
	_ =	sdelay $0x1  }
0xa1: {  	s23 =	simm.s32 $0x1B8B  }
0xa2: {  	_ =	swait.ge [sflag:s23], $0x1  }
0xa3: {  	[sflag:s23] =	ssyncset.done $0x0  }
0xa4: {  	s25 =	simm.s32 $0x1B8E;
	s24 =	sld [smem:$0x3FFE];
	[sflag:s23] =	ssyncadd.s32 $0xFFFFFFFF  }
0xa5: {  	s26 =	simm.s32 $execute0_lowered;
	[smem:$0x3FD2] =	sst s25  }
0xa6: {  	s5 =	sshll.u32 s26, $0x1;
	_ =	strace $0x80000055;
	[dreg:$0x1] =	wrdreg $0xFFFFFFFF  }
0xa7: {  	s28 =	simm.s32 $_size_execute0_lowered;
	s3 =	sadd.s32 s3, s5;
	[dreg:$0x0] =	wrdreg $0x0  }
0xa8: {  	s5 =	sshll.u32 s28, $0x1;
	[dreg:$0x2] =	wrdreg s3  }
0xa9: {  	[dreg:$0x3] =	wrdreg s5  }
0xaa: {  	[dreg:$0x4] =	wrdreg $0xC0  }
0xab: {  	_ =	task [dreg:s7], $0x5FFFF  }
0xac: {  	[dreg:$0x1] =	wrdreg $0xFFFFFFFF  }
0xad: {  	[dreg:$0x0] =	wrdreg $0x60  }
0xae: {  	[dreg:$0x2] =	wrdreg s2  }
0xaf: {  	[dreg:$0x3] =	wrdreg s24  }
0xb0: {  	[dreg:$0x4] =	wrdreg $0x0  }
0xb1: {  	[dreg:$0x5] =	wrdreg $0x9  }
0xb2: {  	_ =	task.clear_ibuf [dreg:s7], $0x6FFFF;
	_ =	strace $0x90000055  }
0xb3: {  	s29 =	simm.s32 $0x9;
	_ =	strace $0x80000057  }
0xb4: {  	_ =	swait.ge [sflag:s29], $0x1  }
0xb5: {  	[sflag:s29] =	ssyncadd.s32 $0xFFFFFFFF  }
0xb6: {  	_ =	strace $0x90000057  }
0xb7: {  	_ =	sfence  }
0xb8: {  	s30 =	sld [smem:$0x0];
	_ =	sdelay $0x2  }
0xb9: {  	s31 =	sshll.u32 s1, $0xD;
	s1 =	sshrl.u32 s1, $0x2  }
0xba: {  	s3 =	sand.u32 $0x4000, s31;
	s1 =	sadd.s32 s1, s30  }
0xbb: {  	s0 =	sor.u32 s3, s0;
	s1 =	sshll.u32 s1, $0x11  }
0xbc: {  	s0 =	sor.u32 s1, s0  }
0xbd: {  	s0 =	sadd.s32 $0x8F2B, s0  }
0xbe: {  	[sflag:s0] =	ssyncadd.remote.s32 $0x1  }
0xbf: {  	_ =	sfence.sel $0xFFFF  }
0xc0: {  	[dreg:$0x0] =	wrdreg $0xFFFFFFFF;
	(pc) =	sbr.abs _section_cstart, $3  }
0xc1: {  	[dreg:$0x1] =	wrdreg $0xFFFFFFFF  }
0xc2: {  	_ =	task.clear_ibuf [dreg:s7], $0x2FFFF;
	_ =	strace $0x9FFFFFFF  }
0xc3: {  	(tm) =	ssettm $0x7FFFFFFF  }
tec
execute0_lowered:
.L_overlay_start_1:
0x0: {  	(tag) =	ssettag $0x1  }
0x1: {  	s1 =	rddreg [dreg:$0x0]  }
0x2: {  	s10 =	rddreg [dreg:$0x1]  }
0x3: {  	s2 =	rddreg [dreg:$0x2]  }
0x4: {  	s4 =	simm.s32 $0x0;
	s3 =	srdreg.scid;
	s18 =	simm.s32 $0x13C80  }
0x5: {  	s19 =	simm.s32 $0x13D00;
	s20 =	simm.s32 $0x80;
	s21 =	simm.s32 $0x13D80  }
0x6: {  	s22 =	simm.s32 $0x1;
	s23 =	simm.s32 $0x17D80;
	s24 =	simm.s32 $0x2  }
0x7: {  	[smem:$0x7FF] =	sst s4;
	s11 =	sand.u32 $0x1, s3;
	s3 =	stileid.u32  }
0x8: {  	s5 =	sadd.s32 $0x2DC00, s10;
	s6 =	sadd.s32 $0x28400, s10;
	s9 =	smul.u32 $0x13C000, s11  }
0x9: {  	s7 =	sadd.s32 $0x5400, s10;
	s8 =	sadd.s32 $0xA400, s10;
	s12 =	smul.u32 $0x13C00, s3  }
0xa: {  	_ =	strace $0x80000056;
	s13 =	ssub.s32 $0x2, s11;
	s14 =	smul.u32 $0x4F000, s3  }
0xb: {  	s29 =	sshll.u32 s11, $0x4;
	s30 =	smul.u32 $0x14000, s11;
	s31 =	sshll.u32 s3, $0x6  }
0xc: {  	s17 =	smul.u32 $0x1400, s3;
	s15 =	sshrl.u32 s13, $0x1;
	s16 =	sor.u32 s3, s29  }
0xd: {  	s12 =	sadd.s32 s12, s9;
	s9 =	sadd.s32 $0xF400, s10;
	s13 =	ssub.s32 s13, s15  }
0xe: {  	s26 =	sshrl.u32 s14, $0x2;
	s11 =	smul.u32 $0x1400, s16;
	s14 =	sadd.s32 s17, s30  }
0xf: {  	s16 =	simm.s32 $0x3;
	s17 =	simm.s32 $0x13C00;
	s12 =	sshrl.u32 s12, $0x3  }
0x10: {  	s28 =	sadd.s32 s26, s2;
	s13 =	smax.u32 s13, $0x1;
	s12 =	sadd.s32 s12, s10  }
0x11: {  	s10 =	sor.u32 $0x1C03, s31;
	s15 =	sshrl.u32 s28, $0x3;
	s12 =	sadd.s32 $0x2EC00, s12  }
.LBB2_1:
0x12: {  	[spmem:s15], [sflag:s10] =	dma.local [hbm:s9], $0x2780  }
0x13: {  	_ =	swait.ge [sflag:s16], $0x2780  }
0x14: {  	[sflag:s16] =	ssyncset.done $0x0  }
0x15: {  	[sflag:s16] =	ssyncadd.s32 $0xFFFFD880  }
0x16: {  	s25 =	smov.u32 s14;
	s26 =	simm.s32 $0x0;
	[bflag:$0x0] =	sbarrier.arrive $0xFFFF  }
.LBB2_2:
0x17: {  	s28 =	sshll.u32 s26, $0x7  }
0x18: {  	s28 =	sadd.s32 s11, s28  }
0x19: {  	s28 =	sshrl.u32 s28, $0x3  }
0x1a: {  	s30 =	simm.s32 $0x0;
	s29 =	sadd.s32 s6, s28  }
0x1b: {  	[tilespmem:s17], [sflag:$0x3] =	stream.linear.gather [hbm4b:s29+s30], $0x80, $0x38;
	[tilespmem:$0x1BD80] =	vst v63  }
0x1c: {  	_ =	swait.ge [sflag:s16], $0x80  }
0x1d: {  	[sflag:s16] =	ssyncset.done $0x0  }
0x1e: {  	s29 =	sadd.s32 s7, s28;
	[sflag:s16] =	ssyncadd.s32 $0xFFFFFF80  }
0x1f: {  	[tilespmem:s18], [sflag:$0x3] =	stream.linear.gather [hbm4b:s29+s30], $0x80, $0x38;
	[tilespmem:$0x1BD80] =	vst v63  }
0x20: {  	_ =	swait.ge [sflag:s16], $0x80  }
0x21: {  	[sflag:s16] =	ssyncset.done $0x0  }
0x22: {  	s28 =	sadd.s32 s8, s28;
	[sflag:s16] =	ssyncadd.s32 $0xFFFFFF80  }
0x23: {  	[tilespmem:s19], [sflag:$0x3] =	stream.linear.gather [hbm4b:s28+s30], $0x80, $0x38;
	[tilespmem:$0x1BD80] =	vst v63  }
0x24: {  	_ =	swait.ge [sflag:s16], $0x80  }
0x25: {  	[sflag:s16] =	ssyncset.done $0x0  }
0x26: {  	[sflag:s16] =	ssyncadd.s32 $0xFFFFFF80  }
0x27: {  	[tilespmem:s21], [sflag:$0x1] =	stream.indirect.gather [hbm4b:s1+s20], $0x80, s17, s20, $0xb8;
	[tilespmem:$0x1BD80] =	vst v63  }
0x28: {  	_ =	swait.ge [sflag:s22], $0x4000  }
0x29: {  	[sflag:s22] =	ssyncset.done $0x0  }
0x2a: {  	[sflag:s22] =	ssyncadd.s32 $0xFFFFC000  }
0x2b: {  	[tilespmem:s23], [sflag:$0x2] =	stream.indirect.gather [hbm4b:s5+s20], $0x80, s19, s20, $0xb8;
	[tilespmem:$0x1BD80] =	vst v63  }
0x2c: {  	_ =	swait.ge [sflag:s24], $0x4000  }
0x2d: {  	[sflag:s24] =	ssyncset.done $0x0  }
0x2e: {  	s28 =	simm.s32 $0x0;
	[sflag:s24] =	ssyncadd.s32 $0xFFFFC000  }
0x2f: {  	v6 =	vld [tilespmem:s28+$0x17D80]  }
0x30: {  	v11 =	vld [tilespmem:s28+$0x17D90]  }
0x31: {  	v5 =	vld [tilespmem:s28+$0x17DA0]  }
0x32: {  	v4 =	vld [tilespmem:s28+$0x17DB0]  }
0x33: {  	v3 =	vld [tilespmem:s28+$0x17DC0]  }
0x34: {  	v2 =	vld [tilespmem:s28+$0x17DD0]  }
0x35: {  	v1 =	vld [tilespmem:s28+$0x17DE0]  }
0x36: {  	v0 =	vld [tilespmem:s28+$0x17DF0]  }
0x37: {  	v12 =	vld [tilespmem:s28+$0x13D80]  }
0x38: {  	v13 =	vld [tilespmem:s28+$0x13D90]  }
0x39: {  	v10 =	vld [tilespmem:s28+$0x13DA0]  }
0x3a: {  	v9 =	vld [tilespmem:s28+$0x13DB0]  }
0x3b: {  	v8 =	vld [tilespmem:s28+$0x13DC0]  }
0x3c: {  	v7 =	vld [tilespmem:s28+$0x13DD0]  }
0x3d: {  	p1 =	slt.u32 s25, $0x27100;
	s29 =	simm.s32 $0x200;
	s30 =	smov.u32 s25;
	v12 =	vadd.f32 v6, v12;
	v11 =	vadd.f32 v11, v13;
	v6 =	vld [tilespmem:s28+$0x13DE0]  }
.LBB2_3:
0x3e: {  	s0 =	simm.f32 $1.000000000e+00  }
0x3f: {  	s31 =	sshra.s32 s29, $0x2;
	p0 =	sne.s32 s29, $0xFE00;
	v12 =	vmax.f32 v12, $0.0e+00;
	v5 =	vadd.f32 v5, v10;
	v10 =	vld [tilespmem:s28+$0x13DF0];
	s0 =	simm.s32 @!p1 $0x0  }
0x40: {  	v11 =	vmax.f32 v11, $0.0e+00;
	v4 =	vadd.f32 v4, v9;
	v13 =	vld [tilespmem:s31+$0x17D80];
	v12 =	vmul.f32 s0, v12  }
0x41: {  	v9 =	vmul.f32 s0, v11;
	v11 =	vmax.f32 v5, $0.0e+00;
	v3 =	vadd.f32 v3, v8;
	v14 =	vld [tilespmem:s31+$0x17D90]  }
0x42: {  	v8 =	vmul.f32 s0, v11;
	v11 =	vmax.f32 v4, $0.0e+00;
	v2 =	vadd.f32 v2, v7;
	v5 =	vld [tilespmem:s31+$0x17DA0];
	[tilespmem:s28+$0x13D80] =	vst v12  }
0x43: {  	v7 =	vmul.f32 s0, v11;
	v1 =	vadd.f32 v1, v6;
	v4 =	vld [tilespmem:s31+$0x17DB0];
	[tilespmem:s28+$0x13D90] =	vst v9;
	v9 =	vmax.f32 v3, $0.0e+00  }
0x44: {  	v0 =	vadd.f32 v0, v10;
	v3 =	vld [tilespmem:s31+$0x17DC0];
	[tilespmem:s28+$0x13DA0] =	vst v8;
	v6 =	vmul.f32 s0, v9;
	v8 =	vmax.f32 v2, $0.0e+00  }
0x45: {  	v2 =	vld [tilespmem:s31+$0x17DD0];
	[tilespmem:s28+$0x13DB0] =	vst v7;
	v7 =	vmul.f32 s0, v8;
	v8 =	vmax.f32 v1, $0.0e+00  }
0x46: {  	v1 =	vld [tilespmem:s31+$0x17DE0];
	[tilespmem:s28+$0x13DC0] =	vst v6;
	v6 =	vmul.f32 s0, v8;
	v8 =	vmax.f32 v0, $0.0e+00  }
0x47: {  	v0 =	vld [tilespmem:s31+$0x17DF0];
	[tilespmem:s28+$0x13DD0] =	vst v7;
	v7 =	vmul.f32 s0, v8  }
0x48: {  	v11 =	vld [tilespmem:s31+$0x13D80];
	[tilespmem:s28+$0x13DE0] =	vst v6  }
0x49: {  	v6 =	vld [tilespmem:s31+$0x13D90];
	[tilespmem:s28+$0x13DF0] =	vst v7;
	s28 =	smov.u32 s31  }
.Ltmp0:
0x4a: {  	v10 =	vld [tilespmem:s28+$0x13DA0];
	(pc) =	sbr.rel @p0 .LBB2_3-.Ltmp0, $4  }
0x4b: {  	v9 =	vld [tilespmem:s28+$0x13DB0]  }
0x4c: {  	v8 =	vld [tilespmem:s28+$0x13DC0]  }
0x4d: {  	s30 =	sadd.s32 $0x1, s30;
	v12 =	vadd.f32 v13, v11;
	v7 =	vld [tilespmem:s28+$0x13DD0]  }
0x4e: {  	s29 =	sadd.s32 $0x200, s29;
	p1 =	slt.u32 s30, $0x27100;
	v11 =	vadd.f32 v14, v6;
	v6 =	vld [tilespmem:s28+$0x13DE0]  }
0x4f: {  	s0 =	simm.f32 $1.000000000e+00  }
0x50: {  	v12 =	vmax.f32 v12, $0.0e+00;
	v5 =	vadd.f32 v5, v10;
	v62 =	vld [tilespmem:s28+$0x13DF0];
	s0 =	simm.s32 @!p1 $0x0  }
0x51: {  	v11 =	vmax.f32 v11, $0.0e+00;
	v4 =	vadd.f32 v4, v9;
	v12 =	vmul.f32 s0, v12  }
0x52: {  	v63 =	vmul.f32 s0, v11;
	v5 =	vmax.f32 v5, $0.0e+00;
	v3 =	vadd.f32 v3, v8  }
0x53: {  	v5 =	vmul.f32 s0, v5;
	v4 =	vmax.f32 v4, $0.0e+00;
	v2 =	vadd.f32 v2, v7;
	[tilespmem:s28+$0x13D80] =	vst v12  }
0x54: {  	[tilespmem:s28+$0x13D90] =	vst v63;
	v4 =	vmul.f32 s0, v4;
	v3 =	vmax.f32 v3, $0.0e+00;
	v1 =	vadd.f32 v1, v6  }
0x55: {  	[tilespmem:s28+$0x13DA0] =	vst v5;
	v3 =	vmul.f32 s0, v3;
	v2 =	vmax.f32 v2, $0.0e+00;
	v0 =	vadd.f32 v0, v62  }
0x56: {  	[tilespmem:s28+$0x13DB0] =	vst v4;
	v2 =	vmul.f32 s0, v2;
	v1 =	vmax.f32 v1, $0.0e+00  }
0x57: {  	[tilespmem:s28+$0x13DC0] =	vst v3;
	v1 =	vmul.f32 s0, v1;
	v0 =	vmax.f32 v0, $0.0e+00  }
0x58: {  	s26 =	sadd.s32 $0x1, s26;
	[tilespmem:s28+$0x13DD0] =	vst v2;
	v0 =	vmul.f32 s0, v0  }
0x59: {  	p0 =	sne.s32 s26, $0x28;
	[tilespmem:s28+$0x13DE0] =	vst v1  }
.Ltmp1:
0x5a: {  	[tilespmem:s28+$0x13DF0] =	vst v0;
	(pc) =	sbr.rel @p0 .LBB2_2-.Ltmp1, $4  }
0x5b: {  	[spmem:s2] =	stream.indirect.scatter.add.f32 [tilespmem:s21], [sflag:$0x3], $0x80, s18, s20, $0xb8;
	[tilespmem:$0x1BD80] =	vst v63  }
0x5c: {  	_ =	swait.ge [sflag:s16], $0x4000  }
0x5d: {  	[sflag:s16] =	ssyncset.done $0x0  }
0x5e: {  	s25 =	sadd.s32 $0x80, s25;
	[sflag:s16] =	ssyncadd.s32 $0xFFFFC000  }
0x5f: {  	s4 =	sadd.s32 $0x1, s4  }
0x60: {  	p0 =	sne.s32 s4, s13  }
.Ltmp2:
0x61: {  	[bflag:$0x0] =	sbarrier.arrive $0xFFFF;
	(pc) =	sbr.rel @p0 .LBB2_1-.Ltmp2, $4  }
0x62: {  	[hbm:s12], [sflag:s10] =	dma.local [spmem:s15], $0x2780  }
0x63: {  	_ =	swait.ge [sflag:s16], $0x2780  }
0x64: {  	[sflag:s16] =	ssyncset.done $0x0  }
0x65: {  	[sflag:s16] =	ssyncadd.s32 $0xFFFFD880  }
0x66: {  	_ =	sfence.sel $0x180000  }
0x67: {  	[bflag:$0x0] =	sbarrier.arrive $0xFFFF  }
0x68: {  	_ =	strace $0x90000056  }
0x69: {  	[bflag:$0x2] =	sbarrier.arrive $0xFFFF  }
0x6a: {  	p0 =	sne.s32 s3, $0x0;
	s0 =	rddreg [dreg:$0x3]  }
0x6b: {  	s0 =	sadd.s32 @!p0 $0x100000, s0  }
0x6c: {  	[sflag:s0] =	ssyncadd.tile.s32 @!p0 $0x1;
	_ =	shalt  }
.Lfunc_end2:
_tile_overlayer_lowered:
.L_overlay_start_2:
0x6d: {  	(tag) =	ssettag $0x2  }
0x6e: {  	s0 =	rddreg [dreg:$0x0];
	s2 =	stileid.u32  }
0x6f: {  	s1 =	rddreg [dreg:$0x1];
	p0 =	sne.s32 s2, $0x0  }
0x70: {  	s3 =	rddreg [dreg:$0x2];
	[bflag:$0x3] =	sbarrier.arrive $0xFFFF;
	s2 =	simm.s32 @!p0 $0x1C03  }
0x71: {  	[timem:s3], [sflag:s2] =	dma.local @!p0 [hbm:s0], s1  }
0x72: {  	s0 =	simm.s32 @!p0 $0x3  }
0x73: {  	_ =	swait.ge @!p0 [sflag:s0], s1  }
0x74: {  	s1 =	ssub.s32 @!p0 $0x0, s1;
	[sflag:s0] =	ssyncset.done @!p0 $0x0  }
0x75: {  	[sflag:s0] =	ssyncadd.s32 @!p0 s1  }
0x76: {  	[bflag:$0x3] =	sbarrier.arrive $0xFFFF  }
0x77: {  	_ =	shalt  }

// kernel: kernel.23.cloned.1.call-start
scs
__scs_entry_jumppad:
0x0: {  	(pc) =	sbr.rel $0x88, $3  }
0x1: {  	(tag) =	ssettag $0x0;
	lr =	simm.s32 $0x1  }
0x2: {  	[smem:$0x3F8A] =	sst lr;
	_ =	strace $0xD0000000  }
0x3: {  	_ = 	snop  }
0x4: {  	_ = 	snop  }
0x5: {  	_ = 	snop  }
0x6: {  	_ = 	snop  }
0x7: {  	_ = 	snop  }
__scs_overlays_trampoline_lowered:
0x8: {  	[smem:$0x3F99] =	sst s0  }
0x9: {  	[smem:$0x3F9A] =	sst s1  }
0xa: {  	[smem:$0x3F9B] =	sst s2  }
0xb: {  	[smem:$0x3F9C] =	sst s3  }
0xc: {  	[smem:$0x3F9D] =	sst s4  }
0xd: {  	[smem:$0x3F9E] =	sst s5  }
0xe: {  	[smem:$0x3F9F] =	sst s6  }
0xf: {  	[smem:$0x3FA0] =	sst s7  }
0x10: {  	[smem:$0x3FA1] =	sst s8  }
0x11: {  	[smem:$0x3FA2] =	sst s9;
	s0 =	simm.s32 @!p0 $0x0  }
0x12: {  	s1 =	sld [smem:$0x3F88];
	s0 =	simm.s32 @p0 $0x1  }
0x13: {  	[smem:$0x3FA3] =	sst s0;
	s0 =	simm.s32 @!p1 $0x0  }
0x14: {  	s2 =	sld [smem:$0x3F87];
	s0 =	simm.s32 @p1 $0x1  }
0x15: {  	[smem:$0x3FA4] =	sst s0;
	s0 =	simm.s32 @!p2 $0x0  }
0x16: {  	s3 =	sld [smem:$0x3FDB];
	s0 =	simm.s32 @p2 $0x1  }
0x17: {  	s4 =	simm.s32 $0x1BF5;
	[smem:$0x3FA6] =	sst s0  }
0x18: {  	s0 =	sld [smem:$0x3F89];
	_ =	swait.ge [sflag:s4], $0x0  }
0x19: {  	s7 =	sld [smem:$0x3F8A]  }
0x1a: {  	s8 =	sadd.s32 $0xFFFFE003, lr  }
0x1b: {  	s9 =	sadd.s32 $0xFFFFFEF7, lr;
	s5 =	simm.s32 $0xFFFFFFFF;
	p2 =	slt.u32 s8, $0xFFFFF086  }
0x1c: {  	p1 =	slt.u32 s9, $0xF7A;
	s5 =	simm.s32 @!p2 $0x0  }
0x1d: {  	s5 =	simm.s32 @p1 $0x1;
	p0 =	seq.s32 s7, s2  }
0x1e: {  	s7 =	smul.u32 @!p0 $0xF7A, s2;
	p2 =	seq.s32 @!p0 s5, $0x0  }
0x1f: {  	s9 =	smul.u32 $0xF7A, s1;
	s8 =	simm.s32 @!p0 $0x1BF5;
	p2 =	por !p2, p0  }
0x20: {  	[sflag:s8] =	ssyncset.s32 @!p0 $0xFFFFF086;
	s6 =	sadd.s32 @!p0 s3, s7;
	s7 =	simm.s32 @!p0 $0x108  }
0x21: {  	s3 =	sadd.s32 s3, s9;
	s6 =	sadd.s32 @!p0 $0x88, s6;
	s7 =	simm.s32 @p2 $0x1082  }
0x22: {  	[simem:s7], [sflag:s8] =	dma.local @!p0 [hbm:s6], $0xF7A  }
0x23: {  	s9 =	sor.u32 $0xD0000000, s2;
	s6 =	simm.s32 $0x108;
	_ =	swait.ge @!p0 [sflag:s8], $0x0  }
0x24: {  	s3 =	sadd.s32 $0x88, s3;
	s6 =	simm.s32 @!p1 $0x1082;
	[sflag:s4] =	ssyncset.s32 $0xFFFFF086  }
0x25: {  	[simem:s6], [sflag:s4] =	dma.local [hbm:s3], $0xF7A  }
0x26: {  	[smem:$0x3F8A] =	sst s1;
	(tag) =	ssettag s2;
	_ =	strace s9  }
0x27: {  	s1 =	sld [smem:$0x3F9A]  }
0x28: {  	s2 =	sld [smem:$0x3F9B]  }
0x29: {  	s4 =	sld [smem:$0x3F9D]  }
0x2a: {  	p0 =	seq.s32 s5, $0x0;
	s5 =	sld [smem:$0x3F9E]  }
0x2b: {  	s6 =	sld [smem:$0x3F9F]  }
0x2c: {  	s7 =	sld [smem:$0x3FA0]  }
0x2d: {  	s3 =	simm.s32 $0x108;
	s8 =	sld [smem:$0x3FA1]  }
0x2e: {  	s3 =	simm.s32 @!p0 $0x1082;
	s9 =	sld [smem:$0x3FA2]  }
0x2f: {  	lr =	sadd.s32 s0, s3;
	s0 =	sld [smem:$0x3F99]  }
0x30: {  	s3 =	sld [smem:$0x3F9C]  }
0x31: {  	[smem:$0x3FA5] =	sst s10  }
0x32: {  	s10 =	sld [smem:$0x3FA3];
	_ =	sdelay $0x3  }
0x33: {  	p0 =	seq.s32 s10, $0x1;
	s10 =	sld [smem:$0x3FA5];
	_ =	sdelay $0x3  }
0x34: {  	[smem:$0x3FA5] =	sst s10  }
0x35: {  	s10 =	sld [smem:$0x3FA4];
	_ =	sdelay $0x3  }
0x36: {  	p1 =	seq.s32 s10, $0x1;
	s10 =	sld [smem:$0x3FA5];
	_ =	sdelay $0x3  }
0x37: {  	[smem:$0x3FA5] =	sst s10  }
0x38: {  	s10 =	sld [smem:$0x3FA6]  }
0x39: {  	_ = 	snop;
	(pc) =	sbr.ind lr, $3  }
0x3a: {  	_ = 	snop  }
0x3b: {  	_ = 	snop  }
0x3c: {  	p2 =	seq.s32 s10, $0x1;
	s10 =	sld [smem:$0x3FA5]  }
0x3d: {  	_ =	shalt  }
0x3e: {  	_ =	shalt  }
0x3f: {  	_ =	shalt  }
0x40: {  	_ =	shalt  }
0x41: {  	_ =	shalt  }
0x42: {  	_ =	shalt  }
0x43: {  	_ =	shalt  }
0x44: {  	_ =	shalt  }
0x45: {  	_ =	shalt  }
0x46: {  	_ =	shalt  }
0x47: {  	_ =	shalt  }
0x48: {  	_ =	shalt  }
0x49: {  	_ =	shalt  }
0x4a: {  	_ =	shalt  }
0x4b: {  	_ =	shalt  }
0x4c: {  	_ =	shalt  }
0x4d: {  	_ =	shalt  }
0x4e: {  	_ =	shalt  }
0x4f: {  	_ =	shalt  }
0x50: {  	_ =	shalt  }
0x51: {  	_ =	shalt  }
0x52: {  	_ =	shalt  }
0x53: {  	_ =	shalt  }
0x54: {  	_ =	shalt  }
0x55: {  	_ =	shalt  }
0x56: {  	_ =	shalt  }
0x57: {  	_ =	shalt  }
0x58: {  	_ =	shalt  }
0x59: {  	_ =	shalt  }
0x5a: {  	_ =	shalt  }
0x5b: {  	_ =	shalt  }
0x5c: {  	_ =	shalt  }
0x5d: {  	_ =	shalt  }
0x5e: {  	_ =	shalt  }
0x5f: {  	_ =	shalt  }
0x60: {  	_ =	shalt  }
0x61: {  	_ =	shalt  }
0x62: {  	_ =	shalt  }
0x63: {  	_ =	shalt  }
0x64: {  	_ =	shalt  }
0x65: {  	_ =	shalt  }
0x66: {  	_ =	shalt  }
0x67: {  	_ =	shalt  }
0x68: {  	_ =	shalt  }
0x69: {  	_ =	shalt  }
0x6a: {  	_ =	shalt  }
0x6b: {  	_ =	shalt  }
0x6c: {  	_ =	shalt  }
0x6d: {  	_ =	shalt  }
0x6e: {  	_ =	shalt  }
0x6f: {  	_ =	shalt  }
0x70: {  	_ =	shalt  }
0x71: {  	_ =	shalt  }
0x72: {  	_ =	shalt  }
0x73: {  	_ =	shalt  }
0x74: {  	_ =	shalt  }
0x75: {  	_ =	shalt  }
0x76: {  	_ =	shalt  }
0x77: {  	_ =	shalt  }
0x78: {  	_ =	shalt  }
0x79: {  	_ =	shalt  }
0x7a: {  	_ =	shalt  }
0x7b: {  	_ =	shalt  }
0x7c: {  	_ =	shalt  }
0x7d: {  	_ =	shalt  }
0x7e: {  	_ =	shalt  }
0x7f: {  	_ =	shalt  }
0x80: {  	_ =	shalt  }
0x81: {  	_ =	shalt  }
0x82: {  	_ =	shalt  }
0x83: {  	_ =	shalt  }
0x84: {  	_ =	shalt  }
0x85: {  	_ =	shalt  }
0x86: {  	_ =	shalt  }
0x87: {  	_ =	shalt  }
.Lfunc_end0:
.L_simem_size_0:
called_computation.6_lowered:
.L_overlay_start_0:
0x88: {  	s2 =	sld [smem:$0x3FD9]  }
0x89: {  	s3 =	sld [smem:$0x3FFE];
	_ =	sdelay $0x1  }
0x8a: {  	s1 =	srdreg.scid  }
0x8b: {  	s0 =	sand.u32 $0x1, s1  }
0x8c: {  	s17 =	sshll.u32 s0, $0xA;
	s2 =	sadd.s32 s3, s2  }
0x8d: {  	s2 =	sadd.s32 s2, s17  }
0x8e: {  	[smem:$0x3FB1] =	sst s2  }
0x8f: {  	_ = 	snop  }
0x90: {  	s2 =	sld [smem:$0x3FD0];
	(tm) =	ssettm $0x1  }
0x91: {  	s18 =	sld [smem:$0x3FFB];
	_ =	sdelay $0x3  }
0x92: {  	_ =	strace s18  }
0x93: {  	s3 =	sld [smem:$0x3FFC];
	_ =	sdelay $0x3  }
0x94: {  	_ =	strace s3  }
0x95: {  	s3 =	sld [smem:$0x3FFD];
	_ =	sdelay $0x3  }
0x96: {  	_ =	strace s3  }
0x97: {  	_ =	strace $0x8FFFFFFF  }
0x98: {  	s19 =	sld [smem:$0x3FDB];
	_ =	sdelay $0x1  }
0x99: {  	s4 =	simm.s32 $_scs_section_size  }
0x9a: {  	s5 =	simm.s32 $_size__tile_overlayer_lowered;
	s6 =	simm.s32 $_tile_overlayer_lowered  }
0x9b: {  	s22 =	simm.s32 $0x1BFF;
	s21 =	sshll.u32 s6, $0x1;
	s3 =	sadd.s32 s4, s19  }
0x9c: {  	s7 =	simm.s32 $0x0;
	s20 =	sshll.u32 s5, $0x1;
	s5 =	sadd.s32 s21, s3  }
0x9d: {  	[timem:s7], [sflag:s22] =	dma.local [hbm:s5], s20  }
0x9e: {  	_ =	swait.ge [sflag:s22], s20  }
0x9f: {  	s4 =	ssub.s32 $0x0, s20;
	[sflag:s22] =	ssyncset.done $0x0  }
0xa0: {  	[sflag:s22] =	ssyncadd.s32 s4;
	_ =	sdelay $0x1  }
0xa1: {  	s23 =	simm.s32 $0x1B8B  }
0xa2: {  	_ =	swait.ge [sflag:s23], $0x1  }
0xa3: {  	[sflag:s23] =	ssyncset.done $0x0  }
0xa4: {  	s25 =	simm.s32 $0x1B8E;
	s24 =	sld [smem:$0x3FFE];
	[sflag:s23] =	ssyncadd.s32 $0xFFFFFFFF  }
0xa5: {  	s26 =	simm.s32 $execute0_lowered;
	[smem:$0x3FD2] =	sst s25  }
0xa6: {  	s5 =	sshll.u32 s26, $0x1;
	_ =	strace $0x80000058;
	[dreg:$0x1] =	wrdreg $0xFFFFFFFF  }
0xa7: {  	s28 =	simm.s32 $_size_execute0_lowered;
	s3 =	sadd.s32 s3, s5;
	[dreg:$0x0] =	wrdreg $0x0  }
0xa8: {  	s5 =	sshll.u32 s28, $0x1;
	[dreg:$0x2] =	wrdreg s3  }
0xa9: {  	[dreg:$0x3] =	wrdreg s5  }
0xaa: {  	[dreg:$0x4] =	wrdreg $0xC0  }
0xab: {  	_ =	task [dreg:s7], $0x5FFFF  }
0xac: {  	[dreg:$0x1] =	wrdreg $0xFFFFFFFF  }
0xad: {  	[dreg:$0x0] =	wrdreg $0x60  }
0xae: {  	[dreg:$0x2] =	wrdreg s2  }
0xaf: {  	[dreg:$0x3] =	wrdreg s24  }
0xb0: {  	[dreg:$0x4] =	wrdreg $0x0  }
0xb1: {  	[dreg:$0x5] =	wrdreg $0x9  }
0xb2: {  	_ =	task.clear_ibuf [dreg:s7], $0x6FFFF;
	_ =	strace $0x90000058  }
0xb3: {  	s29 =	simm.s32 $0x9;
	_ =	strace $0x8000005A  }
0xb4: {  	_ =	swait.ge [sflag:s29], $0x1  }
0xb5: {  	[sflag:s29] =	ssyncadd.s32 $0xFFFFFFFF  }
0xb6: {  	_ =	strace $0x9000005A  }
0xb7: {  	_ =	sfence  }
0xb8: {  	s30 =	sld [smem:$0x0];
	_ =	sdelay $0x2  }
0xb9: {  	s31 =	sshll.u32 s1, $0xD;
	s1 =	sshrl.u32 s1, $0x2  }
0xba: {  	s3 =	sand.u32 $0x4000, s31;
	s1 =	sadd.s32 s1, s30  }
0xbb: {  	s0 =	sor.u32 s3, s0;
	s1 =	sshll.u32 s1, $0x11  }
0xbc: {  	s0 =	sor.u32 s1, s0  }
0xbd: {  	s0 =	sadd.s32 $0x8F2B, s0  }
0xbe: {  	[sflag:s0] =	ssyncadd.remote.s32 $0x1  }
0xbf: {  	_ =	sfence.sel $0xFFFF  }
0xc0: {  	[dreg:$0x0] =	wrdreg $0xFFFFFFFF;
	(pc) =	sbr.abs _section_cstart, $3  }
0xc1: {  	[dreg:$0x1] =	wrdreg $0xFFFFFFFF  }
0xc2: {  	_ =	task.clear_ibuf [dreg:s7], $0x2FFFF;
	_ =	strace $0x9FFFFFFF  }
0xc3: {  	(tm) =	ssettm $0x7FFFFFFF  }
tec
execute0_lowered:
.L_overlay_start_1:
0x0: {  	(tag) =	ssettag $0x1  }
0x1: {  	s1 =	rddreg [dreg:$0x0]  }
0x2: {  	s10 =	rddreg [dreg:$0x1]  }
0x3: {  	s2 =	rddreg [dreg:$0x2]  }
0x4: {  	s4 =	simm.s32 $0x0;
	s3 =	srdreg.scid;
	s18 =	simm.s32 $0x13C80  }
0x5: {  	s19 =	simm.s32 $0x13D00;
	s20 =	simm.s32 $0x80;
	s21 =	simm.s32 $0x13D80  }
0x6: {  	s22 =	simm.s32 $0x1;
	s23 =	simm.s32 $0x17D80;
	s24 =	simm.s32 $0x2  }
0x7: {  	[smem:$0x7FF] =	sst s4;
	s11 =	sand.u32 $0x1, s3;
	s3 =	stileid.u32  }
0x8: {  	s5 =	sadd.s32 $0x2E400, s10;
	s6 =	sadd.s32 $0x28400, s10;
	s9 =	smul.u32 $0x13C000, s11  }
0x9: {  	s7 =	sadd.s32 $0x5400, s10;
	s8 =	sadd.s32 $0xA400, s10;
	s12 =	smul.u32 $0x13C00, s3  }
0xa: {  	_ =	strace $0x80000059;
	s13 =	ssub.s32 $0x2, s11;
	s14 =	smul.u32 $0x4F000, s3  }
0xb: {  	s29 =	sshll.u32 s11, $0x4;
	s30 =	smul.u32 $0x14000, s11;
	s31 =	sshll.u32 s3, $0x6  }
0xc: {  	s17 =	smul.u32 $0x1400, s3;
	s15 =	sshrl.u32 s13, $0x1;
	s16 =	sor.u32 s3, s29  }
0xd: {  	s12 =	sadd.s32 s12, s9;
	s9 =	sadd.s32 $0xF400, s10;
	s13 =	ssub.s32 s13, s15  }
0xe: {  	s26 =	sshrl.u32 s14, $0x2;
	s11 =	smul.u32 $0x1400, s16;
	s14 =	sadd.s32 s17, s30  }
0xf: {  	s16 =	simm.s32 $0x3;
	s17 =	simm.s32 $0x13C00;
	s12 =	sshrl.u32 s12, $0x3  }
0x10: {  	s28 =	sadd.s32 s26, s2;
	s13 =	smax.u32 s13, $0x1;
	s12 =	sadd.s32 s12, s10  }
0x11: {  	s10 =	sor.u32 $0x1C03, s31;
	s15 =	sshrl.u32 s28, $0x3;
	s12 =	sadd.s32 $0x2EC00, s12  }
.LBB2_1:
0x12: {  	[spmem:s15], [sflag:s10] =	dma.local [hbm:s9], $0x2780  }
0x13: {  	_ =	swait.ge [sflag:s16], $0x2780  }
0x14: {  	[sflag:s16] =	ssyncset.done $0x0  }
0x15: {  	[sflag:s16] =	ssyncadd.s32 $0xFFFFD880  }
0x16: {  	s25 =	smov.u32 s14;
	s26 =	simm.s32 $0x0;
	[bflag:$0x0] =	sbarrier.arrive $0xFFFF  }
.LBB2_2:
0x17: {  	s28 =	sshll.u32 s26, $0x7  }
0x18: {  	s28 =	sadd.s32 s11, s28  }
0x19: {  	s28 =	sshrl.u32 s28, $0x3  }
0x1a: {  	s30 =	simm.s32 $0x0;
	s29 =	sadd.s32 s6, s28  }
0x1b: {  	[tilespmem:s17], [sflag:$0x3] =	stream.linear.gather [hbm4b:s29+s30], $0x80, $0x38;
	[tilespmem:$0x1BD80] =	vst v63  }
0x1c: {  	_ =	swait.ge [sflag:s16], $0x80  }
0x1d: {  	[sflag:s16] =	ssyncset.done $0x0  }
0x1e: {  	s29 =	sadd.s32 s7, s28;
	[sflag:s16] =	ssyncadd.s32 $0xFFFFFF80  }
0x1f: {  	[tilespmem:s18], [sflag:$0x3] =	stream.linear.gather [hbm4b:s29+s30], $0x80, $0x38;
	[tilespmem:$0x1BD80] =	vst v63  }
0x20: {  	_ =	swait.ge [sflag:s16], $0x80  }
0x21: {  	[sflag:s16] =	ssyncset.done $0x0  }
0x22: {  	s28 =	sadd.s32 s8, s28;
	[sflag:s16] =	ssyncadd.s32 $0xFFFFFF80  }
0x23: {  	[tilespmem:s19], [sflag:$0x3] =	stream.linear.gather [hbm4b:s28+s30], $0x80, $0x38;
	[tilespmem:$0x1BD80] =	vst v63  }
0x24: {  	_ =	swait.ge [sflag:s16], $0x80  }
0x25: {  	[sflag:s16] =	ssyncset.done $0x0  }
0x26: {  	[sflag:s16] =	ssyncadd.s32 $0xFFFFFF80  }
0x27: {  	[tilespmem:s21], [sflag:$0x1] =	stream.indirect.gather [hbm4b:s1+s20], $0x80, s17, s20, $0xb8;
	[tilespmem:$0x1BD80] =	vst v63  }
0x28: {  	_ =	swait.ge [sflag:s22], $0x4000  }
0x29: {  	[sflag:s22] =	ssyncset.done $0x0  }
0x2a: {  	[sflag:s22] =	ssyncadd.s32 $0xFFFFC000  }
0x2b: {  	[tilespmem:s23], [sflag:$0x2] =	stream.indirect.gather [hbm4b:s5+s20], $0x80, s19, s20, $0xb8;
	[tilespmem:$0x1BD80] =	vst v63  }
0x2c: {  	_ =	swait.ge [sflag:s24], $0x4000  }
0x2d: {  	[sflag:s24] =	ssyncset.done $0x0  }
0x2e: {  	s28 =	simm.s32 $0x0;
	[sflag:s24] =	ssyncadd.s32 $0xFFFFC000  }
0x2f: {  	v6 =	vld [tilespmem:s28+$0x17D80]  }
0x30: {  	v11 =	vld [tilespmem:s28+$0x17D90]  }
0x31: {  	v5 =	vld [tilespmem:s28+$0x17DA0]  }
0x32: {  	v4 =	vld [tilespmem:s28+$0x17DB0]  }
0x33: {  	v3 =	vld [tilespmem:s28+$0x17DC0]  }
0x34: {  	v2 =	vld [tilespmem:s28+$0x17DD0]  }
0x35: {  	v1 =	vld [tilespmem:s28+$0x17DE0]  }
0x36: {  	v0 =	vld [tilespmem:s28+$0x17DF0]  }
0x37: {  	v12 =	vld [tilespmem:s28+$0x13D80]  }
0x38: {  	v13 =	vld [tilespmem:s28+$0x13D90]  }
0x39: {  	v10 =	vld [tilespmem:s28+$0x13DA0]  }
0x3a: {  	v9 =	vld [tilespmem:s28+$0x13DB0]  }
0x3b: {  	v8 =	vld [tilespmem:s28+$0x13DC0]  }
0x3c: {  	v7 =	vld [tilespmem:s28+$0x13DD0]  }
0x3d: {  	p1 =	slt.u32 s25, $0x27100;
	s29 =	simm.s32 $0x200;
	s30 =	smov.u32 s25;
	v12 =	vadd.f32 v6, v12;
	v11 =	vadd.f32 v11, v13;
	v6 =	vld [tilespmem:s28+$0x13DE0]  }
.LBB2_3:
0x3e: {  	s0 =	simm.f32 $1.000000000e+00  }
0x3f: {  	s31 =	sshra.s32 s29, $0x2;
	p0 =	sne.s32 s29, $0xFE00;
	v12 =	vmax.f32 v12, $0.0e+00;
	v5 =	vadd.f32 v5, v10;
	v10 =	vld [tilespmem:s28+$0x13DF0];
	s0 =	simm.s32 @!p1 $0x0  }
0x40: {  	v11 =	vmax.f32 v11, $0.0e+00;
	v4 =	vadd.f32 v4, v9;
	v13 =	vld [tilespmem:s31+$0x17D80];
	v12 =	vmul.f32 s0, v12  }
0x41: {  	v9 =	vmul.f32 s0, v11;
	v11 =	vmax.f32 v5, $0.0e+00;
	v3 =	vadd.f32 v3, v8;
	v14 =	vld [tilespmem:s31+$0x17D90]  }
0x42: {  	v8 =	vmul.f32 s0, v11;
	v11 =	vmax.f32 v4, $0.0e+00;
	v2 =	vadd.f32 v2, v7;
	v5 =	vld [tilespmem:s31+$0x17DA0];
	[tilespmem:s28+$0x13D80] =	vst v12  }
0x43: {  	v7 =	vmul.f32 s0, v11;
	v1 =	vadd.f32 v1, v6;
	v4 =	vld [tilespmem:s31+$0x17DB0];
	[tilespmem:s28+$0x13D90] =	vst v9;
	v9 =	vmax.f32 v3, $0.0e+00  }
0x44: {  	v0 =	vadd.f32 v0, v10;
	v3 =	vld [tilespmem:s31+$0x17DC0];
	[tilespmem:s28+$0x13DA0] =	vst v8;
	v6 =	vmul.f32 s0, v9;
	v8 =	vmax.f32 v2, $0.0e+00  }
0x45: {  	v2 =	vld [tilespmem:s31+$0x17DD0];
	[tilespmem:s28+$0x13DB0] =	vst v7;
	v7 =	vmul.f32 s0, v8;
	v8 =	vmax.f32 v1, $0.0e+00  }
0x46: {  	v1 =	vld [tilespmem:s31+$0x17DE0];
	[tilespmem:s28+$0x13DC0] =	vst v6;
	v6 =	vmul.f32 s0, v8;
	v8 =	vmax.f32 v0, $0.0e+00  }
0x47: {  	v0 =	vld [tilespmem:s31+$0x17DF0];
	[tilespmem:s28+$0x13DD0] =	vst v7;
	v7 =	vmul.f32 s0, v8  }
0x48: {  	v11 =	vld [tilespmem:s31+$0x13D80];
	[tilespmem:s28+$0x13DE0] =	vst v6  }
0x49: {  	v6 =	vld [tilespmem:s31+$0x13D90];
	[tilespmem:s28+$0x13DF0] =	vst v7;
	s28 =	smov.u32 s31  }
.Ltmp0:
0x4a: {  	v10 =	vld [tilespmem:s28+$0x13DA0];
	(pc) =	sbr.rel @p0 .LBB2_3-.Ltmp0, $4  }
0x4b: {  	v9 =	vld [tilespmem:s28+$0x13DB0]  }
0x4c: {  	v8 =	vld [tilespmem:s28+$0x13DC0]  }
0x4d: {  	s30 =	sadd.s32 $0x1, s30;
	v12 =	vadd.f32 v13, v11;
	v7 =	vld [tilespmem:s28+$0x13DD0]  }
0x4e: {  	s29 =	sadd.s32 $0x200, s29;
	p1 =	slt.u32 s30, $0x27100;
	v11 =	vadd.f32 v14, v6;
	v6 =	vld [tilespmem:s28+$0x13DE0]  }
0x4f: {  	s0 =	simm.f32 $1.000000000e+00  }
0x50: {  	v12 =	vmax.f32 v12, $0.0e+00;
	v5 =	vadd.f32 v5, v10;
	v62 =	vld [tilespmem:s28+$0x13DF0];
	s0 =	simm.s32 @!p1 $0x0  }
0x51: {  	v11 =	vmax.f32 v11, $0.0e+00;
	v4 =	vadd.f32 v4, v9;
	v12 =	vmul.f32 s0, v12  }
0x52: {  	v63 =	vmul.f32 s0, v11;
	v5 =	vmax.f32 v5, $0.0e+00;
	v3 =	vadd.f32 v3, v8  }
0x53: {  	v5 =	vmul.f32 s0, v5;
	v4 =	vmax.f32 v4, $0.0e+00;
	v2 =	vadd.f32 v2, v7;
	[tilespmem:s28+$0x13D80] =	vst v12  }
0x54: {  	[tilespmem:s28+$0x13D90] =	vst v63;
	v4 =	vmul.f32 s0, v4;
	v3 =	vmax.f32 v3, $0.0e+00;
	v1 =	vadd.f32 v1, v6  }
0x55: {  	[tilespmem:s28+$0x13DA0] =	vst v5;
	v3 =	vmul.f32 s0, v3;
	v2 =	vmax.f32 v2, $0.0e+00;
	v0 =	vadd.f32 v0, v62  }
0x56: {  	[tilespmem:s28+$0x13DB0] =	vst v4;
	v2 =	vmul.f32 s0, v2;
	v1 =	vmax.f32 v1, $0.0e+00  }
0x57: {  	[tilespmem:s28+$0x13DC0] =	vst v3;
	v1 =	vmul.f32 s0, v1;
	v0 =	vmax.f32 v0, $0.0e+00  }
0x58: {  	s26 =	sadd.s32 $0x1, s26;
	[tilespmem:s28+$0x13DD0] =	vst v2;
	v0 =	vmul.f32 s0, v0  }
0x59: {  	p0 =	sne.s32 s26, $0x28;
	[tilespmem:s28+$0x13DE0] =	vst v1  }
.Ltmp1:
0x5a: {  	[tilespmem:s28+$0x13DF0] =	vst v0;
	(pc) =	sbr.rel @p0 .LBB2_2-.Ltmp1, $4  }
0x5b: {  	[spmem:s2] =	stream.indirect.scatter.add.f32 [tilespmem:s21], [sflag:$0x3], $0x80, s18, s20, $0xb8;
	[tilespmem:$0x1BD80] =	vst v63  }
0x5c: {  	_ =	swait.ge [sflag:s16], $0x4000  }
0x5d: {  	[sflag:s16] =	ssyncset.done $0x0  }
0x5e: {  	s25 =	sadd.s32 $0x80, s25;
	[sflag:s16] =	ssyncadd.s32 $0xFFFFC000  }
0x5f: {  	s4 =	sadd.s32 $0x1, s4  }
0x60: {  	p0 =	sne.s32 s4, s13  }
.Ltmp2:
0x61: {  	[bflag:$0x0] =	sbarrier.arrive $0xFFFF;
	(pc) =	sbr.rel @p0 .LBB2_1-.Ltmp2, $4  }
0x62: {  	[hbm:s12], [sflag:s10] =	dma.local [spmem:s15], $0x2780  }
0x63: {  	_ =	swait.ge [sflag:s16], $0x2780  }
0x64: {  	[sflag:s16] =	ssyncset.done $0x0  }
0x65: {  	[sflag:s16] =	ssyncadd.s32 $0xFFFFD880  }
0x66: {  	_ =	sfence.sel $0x180000  }
0x67: {  	[bflag:$0x0] =	sbarrier.arrive $0xFFFF  }
0x68: {  	_ =	strace $0x90000059  }
0x69: {  	[bflag:$0x2] =	sbarrier.arrive $0xFFFF  }
0x6a: {  	p0 =	sne.s32 s3, $0x0;
	s0 =	rddreg [dreg:$0x3]  }
0x6b: {  	s0 =	sadd.s32 @!p0 $0x100000, s0  }
0x6c: {  	[sflag:s0] =	ssyncadd.tile.s32 @!p0 $0x1;
	_ =	shalt  }
.Lfunc_end2:
_tile_overlayer_lowered:
.L_overlay_start_2:
0x6d: {  	(tag) =	ssettag $0x2  }
0x6e: {  	s0 =	rddreg [dreg:$0x0];
	s2 =	stileid.u32  }
0x6f: {  	s1 =	rddreg [dreg:$0x1];
	p0 =	sne.s32 s2, $0x0  }
0x70: {  	s3 =	rddreg [dreg:$0x2];
	[bflag:$0x3] =	sbarrier.arrive $0xFFFF;
	s2 =	simm.s32 @!p0 $0x1C03  }
0x71: {  	[timem:s3], [sflag:s2] =	dma.local @!p0 [hbm:s0], s1  }
0x72: {  	s0 =	simm.s32 @!p0 $0x3  }
0x73: {  	_ =	swait.ge @!p0 [sflag:s0], s1  }
0x74: {  	s1 =	ssub.s32 @!p0 $0x0, s1;
	[sflag:s0] =	ssyncset.done @!p0 $0x0  }
0x75: {  	[sflag:s0] =	ssyncadd.s32 @!p0 s1  }
0x76: {  	[bflag:$0x3] =	sbarrier.arrive $0xFFFF  }
0x77: {  	_ =	shalt  }

// kernel: sparse-core-data-format-call.cloned.1.call-start
scs
called_computation_lowered:
.L_overlay_start_0:
0x0: {  	s1 =	sld [smem:$0x3FD9]  }
0x1: {  	s2 =	sld [smem:$0x3FFE];
	_ =	sdelay $0x1  }
0x2: {  	s3 =	srdreg.scid  }
0x3: {  	s0 =	sand.u32 $0x1, s3  }
0x4: {  	s17 =	sshll.u32 s0, $0xA;
	s1 =	sadd.s32 s2, s1  }
0x5: {  	s1 =	sadd.s32 s1, s17  }
0x6: {  	[smem:$0x3FB1] =	sst s1  }
0x7: {  	_ = 	snop  }
0x8: {  	(tm) =	ssettm $0x1  }
0x9: {  	s18 =	sld [smem:$0x3FFB];
	_ =	sdelay $0x3  }
0xa: {  	_ =	strace s18  }
0xb: {  	s1 =	sld [smem:$0x3FFC];
	_ =	sdelay $0x3  }
0xc: {  	_ =	strace s1  }
0xd: {  	s1 =	sld [smem:$0x3FFD];
	_ =	sdelay $0x3  }
0xe: {  	_ =	strace s1  }
0xf: {  	_ =	strace $0x8FFFFFFF  }
0x10: {  	s19 =	sld [smem:$0x3FDB];
	_ =	sdelay $0x1  }
0x11: {  	s20 =	simm.s32 $_scs_section_size  }
0x12: {  	s4 =	simm.s32 $_size__tile_overlayer_lowered;
	s5 =	simm.s32 $_tile_overlayer_lowered  }
0x13: {  	s23 =	simm.s32 $0x1BFF;
	s22 =	sshll.u32 s5, $0x1;
	s1 =	sadd.s32 s20, s19  }
0x14: {  	s6 =	simm.s32 $0x0;
	s21 =	sshll.u32 s4, $0x1;
	s4 =	sadd.s32 s22, s1  }
0x15: {  	[timem:s6], [sflag:s23] =	dma.local [hbm:s4], s21  }
0x16: {  	_ =	swait.ge [sflag:s23], s21  }
0x17: {  	s2 =	ssub.s32 $0x0, s21;
	[sflag:s23] =	ssyncset.done $0x0  }
0x18: {  	[sflag:s23] =	ssyncadd.s32 s2;
	_ =	sdelay $0x1  }
0x19: {  	s24 =	simm.s32 $0x1B8B  }
0x1a: {  	_ =	swait.ge [sflag:s24], $0x1  }
0x1b: {  	[sflag:s24] =	ssyncset.done $0x0  }
0x1c: {  	s26 =	simm.s32 $0x1B8E;
	s25 =	sld [smem:$0x3FFE];
	[sflag:s24] =	ssyncadd.s32 $0xFFFFFFFF  }
0x1d: {  	s27 =	simm.s32 $execute0_lowered;
	[smem:$0x3FD2] =	sst s26  }
0x1e: {  	s4 =	sshll.u32 s27, $0x1;
	_ =	strace $0x8000004F;
	[dreg:$0x1] =	wrdreg $0xFFFFFFFF  }
0x1f: {  	s28 =	simm.s32 $_size_execute0_lowered;
	s1 =	sadd.s32 s1, s4;
	[dreg:$0x0] =	wrdreg $0x0  }
0x20: {  	s4 =	sshll.u32 s28, $0x1;
	[dreg:$0x2] =	wrdreg s1  }
0x21: {  	[dreg:$0x3] =	wrdreg s4  }
0x22: {  	[dreg:$0x4] =	wrdreg $0xC0  }
0x23: {  	_ =	task [dreg:s6], $0x5FFFF  }
0x24: {  	[dreg:$0x1] =	wrdreg $0xFFFFFFFF  }
0x25: {  	[dreg:$0x0] =	wrdreg $0x60  }
0x26: {  	[dreg:$0x2] =	wrdreg s25  }
0x27: {  	[dreg:$0x3] =	wrdreg $0x9  }
0x28: {  	_ =	task.clear_ibuf [dreg:s6], $0x4FFFF;
	_ =	strace $0x9000004F  }
0x29: {  	s29 =	simm.s32 $0x9;
	_ =	strace $0x80000051  }
0x2a: {  	_ =	swait.ge [sflag:s29], $0x1  }
0x2b: {  	[sflag:s29] =	ssyncadd.s32 $0xFFFFFFFF  }
0x2c: {  	_ =	strace $0x90000051  }
0x2d: {  	_ =	sfence  }
0x2e: {  	s30 =	sld [smem:$0x0];
	_ =	sdelay $0x2  }
0x2f: {  	s31 =	sshll.u32 s3, $0xD;
	s3 =	sshrl.u32 s3, $0x2  }
0x30: {  	s2 =	sand.u32 $0x4000, s31;
	s1 =	sadd.s32 s3, s30  }
0x31: {  	s0 =	sor.u32 s2, s0;
	s1 =	sshll.u32 s1, $0x11  }
0x32: {  	s0 =	sor.u32 s1, s0  }
0x33: {  	s0 =	sadd.s32 $0x8F2B, s0  }
0x34: {  	[sflag:s0] =	ssyncadd.remote.s32 $0x1  }
0x35: {  	_ =	sfence.sel $0xFFFF  }
0x36: {  	[dreg:$0x0] =	wrdreg $0xFFFFFFFF;
	(pc) =	sbr.abs _section_cstart, $3  }
0x37: {  	[dreg:$0x1] =	wrdreg $0xFFFFFFFF  }
0x38: {  	_ =	task.clear_ibuf [dreg:s6], $0x2FFFF;
	_ =	strace $0x9FFFFFFF  }
0x39: {  	(tm) =	ssettm $0x7FFFFFFF  }
tec
execute0_lowered:
.L_overlay_start_1:
0x0: {  	(tag) =	ssettag $0x1  }
0x1: {  	s1 =	srdreg.scid  }
0x2: {  	s0 =	stileid.u32;
	s5 =	rddreg [dreg:$0x0];
	s31 =	simm.s32 $0x2  }
0x3: {  	s17 =	simm.s32 $0x0;
	s10 =	simm.s32 $0x80;
	s11 =	simm.s32 $0x400  }
0x4: {  	s12 =	simm.s32 $0x0;
	s18 =	simm.s32 $0x0;
	s19 =	simm.s32 $0x0  }
0x5: {  	s16 =	simm.s32 $0x0;
	s1 =	sshll.u32 s1, $0x7;
	s2 =	sand.u32 $0x1, s0  }
0x6: {  	s3 =	sand.u32 $0x80, s1;
	s1 =	rddreg [dreg:$0x1];
	s4 =	ssub.s32 $0x2, s2  }
0x7: {  	_ =	strace $0x80000050;
	s15 =	smov.u32 s2;
	s6 =	ssub.s32 $0x1F00, s3  }
0x8: {  	s7 =	sshrl.u32 s4, $0x1;
	s9 =	sand.u32 $0x1, s4;
	s8 =	sshrl.u32 s6, $0x7  }
.Ltmp0:
0x9: {  	s6 =	sshrl.u32 s6, $0x8;
	s8 =	sand.u32 $0x1, s8;
	(pc) =	sbr.rel .LBB1_1-.Ltmp0, $4  }
0xa: {  	s4 =	sadd.s32 $0x2EC00, s5;
	s7 =	sadd.s32 s9, s7;
	s8 =	sadd.s32 s6, s8  }
0xb: {  	s5 =	sadd.s32 $0x21EC00, s5;
	s6 =	simm.s32 $0x1;
	s7 =	smul.u32 s7, s8  }
0xc: {  	s13 =	smov.u32 s3;
	s8 =	sshrl.u32 s0, $0x1;
	[sflag:s6] =	ssyncpa.u1 $0x0  }
0xd: {  	[sflag:s31] =	ssyncpa.u1 $0x0;
	s14 =	smov.u32 s8;
	s9 =	sadd.s32 $0x1, s7  }
.LBB1_4:
0xe: {  	_ =	sdelay $0x3  }
0xf: {  	[tilespmem:v0+s21+$0xFFFFFFA0 ss:$0x1] =	vst.idx.msk $0xffff, v6  }
0x10: {  	v56 =	vld.idx.msk [tilespmem:v1+s22+$0x30 ss:$0x1], $0xffff;
	[tilespmem:v0+s21+$0xFFFFFFB0 ss:$0x1] =	vst.idx.msk $0xffff, v4  }
0x11: {  	v57 =	vld.idx.msk [tilespmem:v1+s22+$0xFFFFFFC0 ss:$0x1], $0xffff;
	[tilespmem:v0+s21+$0xFFFFFFC0 ss:$0x1] =	vst.idx.msk $0xffff, v2  }
0x12: {  	v58 =	vld.idx.msk [tilespmem:v1+s22+$0xFFFFFFD0 ss:$0x1], $0xffff;
	[tilespmem:v0+s21+$0xFFFFFFD0 ss:$0x1] =	vst.idx.msk $0xffff, v3  }
0x13: {  	v59 =	vld.idx.msk [tilespmem:v1+s22+$0xFFFFFFE0 ss:$0x1], $0xffff;
	[tilespmem:v0+s21+$0xFFFFFFE0 ss:$0x1] =	vst.idx.msk $0xffff, v5  }
0x14: {  	v60 =	vld.idx.msk [tilespmem:v1+s22+$0xFFFFFFF0 ss:$0x1], $0xffff;
	[tilespmem:v0+s21+$0xFFFFFFF0 ss:$0x1] =	vst.idx.msk $0xffff, v7  }
0x15: {  	v61 =	vld.idx.msk [tilespmem:v1+s22+$0x0 ss:$0x1], $0xffff;
	[tilespmem:v0+s22+$0x0 ss:$0x1] =	vst.idx.msk $0xffff, v56  }
0x16: {  	v62 =	vld.idx.msk [tilespmem:v1+s22+$0x10 ss:$0x1], $0xffff;
	[tilespmem:v0+s22+$0xFFFFFF90 ss:$0x1] =	vst.idx.msk $0xffff, v57  }
0x17: {  	v63 =	vld.idx.msk [tilespmem:v1+s22+$0x20 ss:$0x1], $0xffff;
	[tilespmem:v0+s22+$0xFFFFFFA0 ss:$0x1] =	vst.idx.msk $0xffff, v58  }
0x18: {  	s19 =	smul.u32 $0xF8000, s19;
	[tilespmem:v0+s22+$0xFFFFFFB0 ss:$0x1] =	vst.idx.msk $0xffff, v59  }
0x19: {  	[tilespmem:v0+s22+$0xFFFFFFC0 ss:$0x1] =	vst.idx.msk $0xffff, v60  }
0x1a: {  	s17 =	sshll.u32 s17, $0x7;
	s18 =	sshll.u32 s18, $0x4;
	s19 =	sadd.s32 s5, s19;
	[tilespmem:v0+s22+$0xFFFFFFD0 ss:$0x1] =	vst.idx.msk $0xffff, v61  }
0x1b: {  	s18 =	sand.u32 $0x70, s18;
	s17 =	sadd.s32 s17, s19;
	[tilespmem:v0+s22+$0xFFFFFFE0 ss:$0x1] =	vst.idx.msk $0xffff, v62  }
0x1c: {  	s17 =	sadd.s32 s18, s17;
	[tilespmem:v0+s22+$0xFFFFFFF0 ss:$0x1] =	vst.idx.msk $0xffff, v63  }
0x1d: {  	[hbm4b:s17+s10] =	stream.strided.scatter [tilespmem:s20], [sflag:$0x2], $0x4000, s11, s10, $0x38;
	[tilespmem:$0x10000] =	vst v63  }
.LBB1_5:
0x1e: {  	s20 =	sadd.s32 $0x100, s13  }
0x1f: {  	s17 =	sadd.s32 $0x8, s14;
	s21 =	smov.u32 s14;
	p1 =	sgt.s32 s20, $0x1EFF  }
0x20: {  	s21 =	smov.u32 @p1 s17  }
0x21: {  	s23 =	smov.u32 s15;
	s17 =	sadd.s32 $0x2, s15;
	p2 =	sgt.s32 s21, $0x7  }
0x22: {  	s23 =	smov.u32 @p2 s17  }
0x23: {  	s20 =	smov.u32 @p1 s3;
	p1 =	sgt.s32 s23, $0x1  }
0x24: {  	p0 =	slt.u32 s16, $0x2;
	s23 =	smov.u32 @p1 s2;
	p1 =	sne.s32 s16, s9  }
.Ltmp1:
0x25: {  	s22 =	simm.s32 @!p0 $0x2;
	(pc) =	sbr.rel @!p1 .LBB1_6-.Ltmp1, $4  }
0x26: {  	s18 =	smov.u32 s14;
	s19 =	smov.u32 s15;
	_ =	swait.ge @!p0 [sflag:s22], $0x4000  }
0x27: {  	s12 =	sadd.s32 $0x4000, s12;
	[sflag:s22] =	ssyncset.done @!p0 $0x0;
	s21 =	smov.u32 @p2 s8  }
0x28: {  	s17 =	smov.u32 s13;
	[sflag:s22] =	ssyncadd.s32 @!p0 $0xFFFFC000;
	s13 =	smov.u32 s20  }
0x29: {  	s14 =	smov.u32 s21;
	s16 =	sadd.s32 $0x1, s16;
	s15 =	smov.u32 s23  }
.LBB1_1:
0x2a: {  	p0 =	sge.u32 s16, s7  }
0x2b: {  	s20 =	sand.u32 @!p0 $0x1FFFFFF, s13  }
0x2c: {  	s21 =	smulhi.u32 @!p0 $0x1084211, s20;
	_ =	sdelay $0x1  }
0x2d: {  	s22 =	smul.u32 @!p0 $0xF8000, s15;
	s21 =	sshrl.u32 @!p0 s21, $0x5  }
0x2e: {  	s21 =	smul.u32 @!p0 $0x1F00, s21  }
0x2f: {  	s31 =	sadd.s32 $0xFFFFFFFF, s16;
	s23 =	smul.u32 @!p0 $0x1F000, s14  }
0x30: {  	s22 =	sadd.s32 @!p0 s4, s22;
	s20 =	ssub.s32 @!p0 s20, s21;
	s21 =	sxor.u32 @!p0 $0xFFFFFFFF, s16  }
0x31: {  	s22 =	sadd.s32 @!p0 s23, s22;
	s21 =	sshll.u32 @!p0 s21, $0xE;
	s20 =	sshll.u32 @!p0 s20, $0x4  }
0x32: {  	s21 =	sand.u32 @!p0 $0x4000, s21;
	s20 =	sadd.s32 @!p0 s20, s22;
	s22 =	simm.s32 @!p0 $0x0  }
0x33: {  	[tilespmem:s21], [sflag:$0x1] =	stream.linear.gather @!p0 [hbm4b:s20+s22], $0x4000, $0x38;
	[tilespmem:$0x10000] =	vst v63  }
0x34: {  	p0 =	sge.u32 s31, s7  }
.Ltmp2:
0x35: {  	_ = 	snop;
	(pc) =	sbr.rel @p0 .LBB1_5-.Ltmp2, $1  }
0x36: {  	_ =	sdelay $0x3  }
0x37: {  	s20 =	sand.u32 $0x4000, s12  }
0x38: {  	s21 =	sor.u32 $0x40, s20  }
0x39: {  	v1 =	vmov s21;
	_ =	sdelay $0x1  }
0x3a: {  	_ =	swait.ge [sflag:s6], $0x4000  }
0x3b: {  	[sflag:s6] =	ssyncset.done $0x0  }
0x3c: {  	[sflag:s6] =	ssyncadd.s32 $0xFFFFC000;
	s21 =	simm.s32 $0x0  }
0x3d: {  	s20 =	sor.u32 $0x8070, s20;
	v7 =	vld.idx.msk [tilespmem:v1+s21+$0x30 ss:$0x1], $0xffff  }
0x3e: {  	v0 =	vmov s20;
	v8 =	vld.idx.msk [tilespmem:v1+s21+$0xFFFFFFC0 ss:$0x1], $0xffff  }
0x3f: {  	v6 =	vld.idx.msk [tilespmem:v1+s21+$0xFFFFFFD0 ss:$0x1], $0xffff  }
0x40: {  	v4 =	vld.idx.msk [tilespmem:v1+s21+$0xFFFFFFE0 ss:$0x1], $0xffff  }
0x41: {  	v2 =	vld.idx.msk [tilespmem:v1+s21+$0xFFFFFFF0 ss:$0x1], $0xffff  }
0x42: {  	s31 =	sshll.u32 s16, $0xE;
	v3 =	vld.idx.msk [tilespmem:v1+s21+$0x0 ss:$0x1], $0xffff  }
0x43: {  	s20 =	sand.u32 $0x4000, s31;
	v5 =	vld.idx.msk [tilespmem:v1+s21+$0x10 ss:$0x1], $0xffff;
	[tilespmem:v0+s21+$0x0 ss:$0x1] =	vst.idx.msk $0xffff, v7  }
0x44: {  	s22 =	simm.s32 $0x80;
	s23 =	simm.s32 $0x400;
	s20 =	sor.u32 $0x8000, s20;
	[tilespmem:v0+s21+$0xFFFFFF90 ss:$0x1] =	vst.idx.msk $0xffff, v8;
	v7 =	vld.idx.msk [tilespmem:v1+s21+$0x20 ss:$0x1], $0xffff  }
.LBB1_3:
0x45: {  	p0 =	sne.s32 s23, $0xFE00;
	v8 =	vld.idx.msk [tilespmem:v1+s22+$0x30 ss:$0x1], $0xffff;
	[tilespmem:v0+s21+$0xFFFFFFA0 ss:$0x1] =	vst.idx.msk $0xffff, v6  }
0x46: {  	v9 =	vld.idx.msk [tilespmem:v1+s22+$0xFFFFFFC0 ss:$0x1], $0xffff;
	[tilespmem:v0+s21+$0xFFFFFFB0 ss:$0x1] =	vst.idx.msk $0xffff, v4  }
0x47: {  	v6 =	vld.idx.msk [tilespmem:v1+s22+$0xFFFFFFD0 ss:$0x1], $0xffff;
	[tilespmem:v0+s21+$0xFFFFFFC0 ss:$0x1] =	vst.idx.msk $0xffff, v2  }
.Ltmp3:
0x48: {  	v4 =	vld.idx.msk [tilespmem:v1+s22+$0xFFFFFFE0 ss:$0x1], $0xffff;
	[tilespmem:v0+s21+$0xFFFFFFD0 ss:$0x1] =	vst.idx.msk $0xffff, v3;
	(pc) =	sbr.rel @p0 .LBB1_3-.Ltmp3, $4  }
0x49: {  	v2 =	vld.idx.msk [tilespmem:v1+s22+$0xFFFFFFF0 ss:$0x1], $0xffff;
	[tilespmem:v0+s21+$0xFFFFFFE0 ss:$0x1] =	vst.idx.msk $0xffff, v5  }
0x4a: {  	v3 =	vld.idx.msk [tilespmem:v1+s22+$0x0 ss:$0x1], $0xffff;
	[tilespmem:v0+s21+$0xFFFFFFF0 ss:$0x1] =	vst.idx.msk $0xffff, v7;
	s21 =	smov.u32 s22  }
0x4b: {  	v5 =	vld.idx.msk [tilespmem:v1+s21+$0x10 ss:$0x1], $0xffff;
	[tilespmem:v0+s21+$0x0 ss:$0x1] =	vst.idx.msk $0xffff, v8  }
0x4c: {  	s22 =	sshra.s32 s23, $0x2;
	s23 =	sadd.s32 $0x200, s23;
	[tilespmem:v0+s21+$0xFFFFFF90 ss:$0x1] =	vst.idx.msk $0xffff, v9;
	v7 =	vld.idx.msk [tilespmem:v1+s21+$0x20 ss:$0x1], $0xffff  }
.Ltmp4:
0x4d: {  	_ = 	snop;
	(pc) =	sbr.rel .LBB1_4-.Ltmp4, $1  }
0x4e: {  	_ =	sdelay $0x3  }
.LBB1_6:
0x4f: {  	_ =	sfence.sel $0x180000  }
0x50: {  	s2 =	simm.s32 $0x1;
	[bflag:$0x0] =	sbarrier.arrive $0xFFFF  }
0x51: {  	s31 =	simm.s32 $0x2;
	[sflag:s2] =	ssyncpa.u1 $0x1  }
0x52: {  	[sflag:s31] =	ssyncpa.u1 $0x1  }
0x53: {  	p0 =	sne.s32 s0, $0x0;
	_ =	strace $0x90000050  }
0x54: {  	s0 =	sadd.s32 @!p0 $0x100000, s1;
	[bflag:$0x2] =	sbarrier.arrive $0xFFFF  }
0x55: {  	[sflag:s0] =	ssyncadd.tile.s32 @!p0 $0x1;
	_ =	shalt  }
.Lfunc_end1:
_tile_overlayer_lowered:
.L_overlay_start_2:
0x56: {  	(tag) =	ssettag $0x2  }
0x57: {  	s0 =	rddreg [dreg:$0x0];
	s2 =	stileid.u32  }
0x58: {  	s1 =	rddreg [dreg:$0x1];
	p0 =	sne.s32 s2, $0x0  }
0x59: {  	s3 =	rddreg [dreg:$0x2];
	[bflag:$0x3] =	sbarrier.arrive $0xFFFF;
	s2 =	simm.s32 @!p0 $0x1C01  }
0x5a: {  	[timem:s3], [sflag:s2] =	dma.local @!p0 [hbm:s0], s1  }
0x5b: {  	s0 =	simm.s32 @!p0 $0x1  }
0x5c: {  	_ =	swait.ge @!p0 [sflag:s0], s1  }
0x5d: {  	s1 =	ssub.s32 @!p0 $0x0, s1;
	[sflag:s0] =	ssyncset.done @!p0 $0x0  }
0x5e: {  	[sflag:s0] =	ssyncadd.s32 @!p0 s1  }
0x5f: {  	[bflag:$0x3] =	sbarrier.arrive $0xFFFF  }
0x60: {  	_ =	shalt  }

</sc_bundles>
